<compile_context>
chip_gen: v7x
topology: tpu7x:2x2x1
jax: 0.10.2.dev20260603
libtpu: 0.0.44.dev20260713+nightly
codegen_flags: <defaults>
</compile_context>

<pallas_src>
import functools

import jax
import jax.numpy as jnp
from jax import lax
from jax.experimental import pallas as pl
from jax.experimental.pallas import tpu as pltpu
from jax.experimental.pallas import tpu_sc as plsc

B, L, C = 8, 512, 52
V, E, D = 128, 64, 256

NC, NS, LANES = 2, 16, 16
NW = NC * NS
NTOK = B * L
TPW = NTOK // NW
GRP = 2
RPG = GRP * C
NGRP = TPW // GRP
NCHUNK = D // LANES



def _prep_body(order_ref, slen_ref, ids_ref, idx_ref):
    m = pl.program_id(0)
    sl = slen_ref[m]
    ids = ids_ref[0]
    pos = jax.lax.broadcasted_iota(jnp.int32, (L, C), 0)
    coff = jax.lax.broadcasted_iota(jnp.int32, (L, C), 1) * V
    idx_ref[0] = jnp.where(pos < sl, ids, 0) + coff


def _prep(x_ids, order, slen):
    grid_spec = pltpu.PrefetchScalarGridSpec(
        num_scalar_prefetch=2,
        grid=(B,),
        in_specs=[
            pl.BlockSpec((1, L, C), lambda m, order_ref, slen_ref: (order_ref[m], 0, 0)),
        ],
        out_specs=pl.BlockSpec((1, L, C), lambda m, *_: (m, 0, 0)),
    )
    return pl.pallas_call(
        _prep_body,
        grid_spec=grid_spec,
        out_shape=jax.ShapeDtypeStruct((B, L, C), jnp.int32),
    )(order, slen, x_ids)



def _table_body(emb_ref, w_ref, b_ref, t_ref):
    c = pl.program_id(0)
    t = jax.lax.dot(emb_ref[...], w_ref[0], preferred_element_type=jnp.float32)
    bias = jnp.where(c == 0, b_ref[...], 0.0)
    t = t + bias
    lo = t[:, : D // 2].astype(jnp.bfloat16).astype(jnp.float32)
    hi = t[:, D // 2 :].astype(jnp.bfloat16).astype(jnp.float32)
    lo_bits = jax.lax.shift_right_logical(
        jax.lax.bitcast_convert_type(lo, jnp.int32), 16
    )
    hi_bits = jax.lax.bitwise_and(
        jax.lax.bitcast_convert_type(hi, jnp.int32), jnp.int32(-65536)
    )
    t_ref[0] = jax.lax.bitwise_or(lo_bits, hi_bits)


def _build_table(emb, w3, b2):
    return pl.pallas_call(
        _table_body,
        grid=(C,),
        in_specs=[
            pl.BlockSpec((V, E), lambda c: (0, 0)),
            pl.BlockSpec((1, E, D), lambda c: (c, 0, 0)),
            pl.BlockSpec((1, D), lambda c: (0, 0)),
        ],
        out_specs=pl.BlockSpec((1, V, D // 2), lambda c: (c, 0, 0)),
        out_shape=jax.ShapeDtypeStruct((C, V, D // 2), jnp.int32),
    )(emb, w3, b2)



NBUF = 4
HCHUNK = (D // 2) // LANES


def _sc_body(t_ref, idx_ref, out_ref, idx_v, rows_v, out_v, *sems):
    w = lax.axis_index("s") * NC + lax.axis_index("c")
    pltpu.sync_copy(idx_ref.at[w], idx_v)

    def start(gg, buf):
        pltpu.make_async_copy(t_ref.at[idx_v.at[gg]], rows_v.at[buf], sems[buf]).start()

    def process(gg, buf):
        pltpu.make_async_copy(t_ref.at[idx_v.at[gg]], rows_v.at[buf], sems[buf]).wait()
        for tok in range(GRP):
            base = tok * C

            def acc_body(r, carry):
                out = []
                for v in range(HCHUNK):
                    word = rows_v[buf, base + r, pl.ds(v * LANES, LANES)]
                    lo = jax.lax.bitcast_convert_type(
                        jax.lax.shift_left(word, 16), jnp.float32
                    )
                    hi = jax.lax.bitcast_convert_type(
                        jax.lax.bitwise_and(word, jnp.int32(-65536)), jnp.float32
                    )
                    out.append(carry[2 * v] + lo)
                    out.append(carry[2 * v + 1] + hi)
                return tuple(out)

            acc = tuple(jnp.zeros((LANES,), jnp.float32) for _ in range(2 * HCHUNK))
            row = gg * GRP + tok
            for v in range(HCHUNK):
                out_v[row, pl.ds(v * LANES, LANES)] = jnp.maximum(acc[2 * v], 0.0)
                out_v[row, pl.ds((HCHUNK + v) * LANES, LANES)] = jnp.maximum(
                    acc[2 * v + 1], 0.0
                )

    for buf in range(NBUF):
        start(buf, buf)

    def loop_body(g, _):
        for buf in range(NBUF):
            process(g + buf, buf)
            start(g + buf + NBUF, buf)
        return 0

    lax.fori_loop(0, (NGRP - NBUF) // NBUF, lambda i, c: loop_body(NBUF * i, c), 0)
    for buf in range(NBUF):
        process(NGRP - NBUF + buf, buf)
    pltpu.sync_copy(out_v, out_ref.at[pl.ds(w * TPW, TPW)])


def _sc_gather_sum(t_packed, idx3):
    mesh = plsc.VectorSubcoreMesh(core_axis_name="c", subcore_axis_name="s")
    f = functools.partial(
        pl.kernel,
        out_type=jax.ShapeDtypeStruct((NTOK, D), jnp.float32),
        mesh=mesh,
        scratch_types=[
            pltpu.VMEM((NGRP, RPG), jnp.int32),
            pltpu.VMEM((NBUF, RPG, D // 2), jnp.int32),
            pltpu.VMEM((TPW, D), jnp.float32),
        ]
        + [pltpu.SemaphoreType.DMA] * NBUF,
    )(_sc_body)
    return f(t_packed, idx3)


def kernel(x_ids, lengths, emb, W, b):
    order = jnp.argsort(-lengths, stable=True).astype(jnp.int32)
    sorted_len = lengths[order]
    reversed_indices = jnp.argsort(order, stable=True)

    idx = _prep(x_ids.astype(jnp.int32), order, sorted_len.astype(jnp.int32))
    t = _build_table(emb, W.reshape(C, E, D), b.reshape(1, D))
    y = _sc_gather_sum(t.reshape(C * V, D // 2), idx.reshape(NW, NGRP, RPG))
    return (y.reshape(B, L, D), sorted_len, reversed_indices)

# --- scband reference (transcript-rebuilt; emitter-appended) ---
"""Pipeline reference for scband-time-distributed-28630251995398 (READ-ONLY COPY).

The authoritative reference and input builder live on the scoring server;
editing this copy changes nothing except your own understanding.
"""

import jax, jax.numpy as jnp
import numpy as np

B, L, C = 8, 512, 52
V, E, D = 128, 64, 256


def setup_inputs(seed: int = 0) -> dict:
    key = jax.random.key(seed)
    k1, k2, k3, k4 = jax.random.split(key, 4)
    x_ids = jax.random.randint(k1, (B, L, C), 0, V)
    lengths = jax.random.randint(k2, (B,), 1, L + 1)
    emb = jax.random.normal(k3, (V, E), dtype=jnp.float32) * 0.02
    W = jax.random.normal(k4, (C * E, D), dtype=jnp.float32) * 0.02
    b = jnp.zeros((D,), dtype=jnp.float32)
    return {"x_ids": x_ids, "lengths": lengths, "emb": emb, "W": W, "b": b}


def reference(x_ids, lengths, emb, W, b):
    # embedding_with_padding: pad positions beyond each sequence length with
    # char2Idx['PADDING'] (= 0), then sort sequences by length descending.
    PAD = 0
    t, n, c = x_ids.shape
    pos = jnp.arange(n)
    valid = pos[None, :] < lengths[:, None]
    ids = jnp.where(valid[:, :, None], x_ids, PAD)
    order = jnp.argsort(-lengths, stable=True)          # descending sort indices
    sortedLen = lengths[order]
    reversedIndices = jnp.argsort(order, stable=True)   # inverse permutation
    ids = ids[order]
    # TimeDistributed: flatten (t, n, 52) -> (t*n, 52), apply inner module, reshape back
    flat = ids.reshape(t * n, c)
    e = jnp.take(emb, flat, axis=0)                     # gather: (t*n, 52, 64)
    h = e.reshape(t * n, c * emb.shape[1])              # (t*n, 3328)
    y = jax.nn.relu(h @ W + b)                          # (t*n, 256)
    y = y.reshape(t, n, -1)
    return (y, sortedLen, reversedIndices)

if __name__ == "__main__":
    import jax
    _d = setup_inputs()
    print(jax.jit(kernel)(*tuple(_d.values())))

</pallas_src>

<mosaic_0001>
#map = affine_map<(d0, d1) -> (0, 0)>
#map1 = affine_map<(d0, d1) -> (0, 0, 0)>
module attributes {stable_mosaic.version = 14 : i64} {
  func.func @_sc_body(%arg0: i32, %arg1: i32, %arg2: memref<6656x128xi32, #tpu.memory_space<hbm>>, %arg3: memref<32x64x104xi32, #tpu.memory_space<hbm>>, %arg4: memref<4096x256xf32, #tpu.memory_space<hbm>>, %arg5: memref<64x104xi32, #tpu.memory_space<vmem>>, %arg6: memref<4x104x128xi32, #tpu.memory_space<vmem>>, %arg7: memref<128x256xf32, #tpu.memory_space<vmem>>, %arg8: memref<!tpu.dma_semaphore, #tpu.memory_space<semaphore_mem>>, %arg9: memref<!tpu.dma_semaphore, #tpu.memory_space<semaphore_mem>>, %arg10: memref<!tpu.dma_semaphore, #tpu.memory_space<semaphore_mem>>, %arg11: memref<!tpu.dma_semaphore, #tpu.memory_space<semaphore_mem>>) attributes {dimension_semantics = [#tpu.dimension_semantics<core_parallel>, #tpu.dimension_semantics<subcore_parallel>], iteration_bounds = array<i64: 2, 16>, scalar_prefetch = 0 : i64, scratch_operands = 7 : i64, tpu.core_type = #tpu.core_type<sc_vector_subcore>, window_params = [{transform_indices = #map}, {transform_indices = #map1}, {transform_indices = #map}]} {
    %mul3A = arith.constant 2 : i32
    %mul3A_0 = arith.muli %arg1, %mul3A : i32
    %add3A = arith.addi %mul3A_0, %arg0 : i32
    "tpu.region"() ({
      %run_scoped3A = tpu.sem_alloc : memref<!tpu.dma_semaphore, #tpu.memory_space<semaphore_mem>>
      %dma_start3A_1508 = arith.constant 0 : i32
      %dma_start3A_1509 = arith.constant 0 : i32
      %dma_start3A_1510 = tpu.memref_slice %arg3[%add3A, %dma_start3A_1508, %dma_start3A_1509] : memref<32x64x104xi32, #tpu.memory_space<hbm>> -> memref<1x64x104xi32, #tpu.memory_space<hbm>>
      %dma_start3A_1511 = tpu.memref_squeeze %dma_start3A_1510 : memref<1x64x104xi32, #tpu.memory_space<hbm>> -> memref<64x104xi32, #tpu.memory_space<hbm>>
      %dma_start3A_1512 = arith.constant 0 : i32
      %dma_start3A_1513 = arith.constant 0 : i32
      %dma_start3A_1514 = tpu.memref_slice %arg3[%add3A, %dma_start3A_1512, %dma_start3A_1513] : memref<32x64x104xi32, #tpu.memory_space<hbm>> -> memref<1x64x104xi32, #tpu.memory_space<hbm>>
      %dma_start3A_1515 = tpu.memref_squeeze %dma_start3A_1514 : memref<1x64x104xi32, #tpu.memory_space<hbm>> -> memref<64x104xi32, #tpu.memory_space<hbm>>
      tpu.enqueue_dma source(%dma_start3A_1515 : memref<64x104xi32, #tpu.memory_space<hbm>>) target(%arg5 : memref<64x104xi32, #tpu.memory_space<vmem>>) target_semaphore(%run_scoped3A : memref<!tpu.dma_semaphore, #tpu.memory_space<semaphore_mem>>)
      %dma_wait3A_1516 = arith.constant 0 : i32
      %dma_wait3A_1517 = arith.constant 0 : i32
      %dma_wait3A_1518 = tpu.memref_slice %arg3[%add3A, %dma_wait3A_1516, %dma_wait3A_1517] : memref<32x64x104xi32, #tpu.memory_space<hbm>> -> memref<1x64x104xi32, #tpu.memory_space<hbm>>
      %dma_wait3A_1519 = tpu.memref_squeeze %dma_wait3A_1518 : memref<1x64x104xi32, #tpu.memory_space<hbm>> -> memref<64x104xi32, #tpu.memory_space<hbm>>
      %dma_wait3A_1520 = arith.constant 0 : i32
      %dma_wait3A_1521 = arith.constant 0 : i32
      %dma_wait3A_1522 = tpu.memref_slice %arg3[%add3A, %dma_wait3A_1520, %dma_wait3A_1521] : memref<32x64x104xi32, #tpu.memory_space<hbm>> -> memref<1x64x104xi32, #tpu.memory_space<hbm>>
      %dma_wait3A_1523 = tpu.memref_squeeze %dma_wait3A_1522 : memref<1x64x104xi32, #tpu.memory_space<hbm>> -> memref<64x104xi32, #tpu.memory_space<hbm>>
      tpu.wait_dma2 semaphore(%run_scoped3A : memref<!tpu.dma_semaphore, #tpu.memory_space<semaphore_mem>>) src(%dma_wait3A_1523 : memref<64x104xi32, #tpu.memory_space<hbm>>) dst(%arg5 : memref<64x104xi32, #tpu.memory_space<vmem>>)
      tpu.yield
    }) : () -> ()
    %dma_start3A = arith.constant 0 : i32
    %dma_start3A_1 = arith.constant 0 : i32
    %dma_start3A_2 = arith.constant 0 : i32
    %dma_start3A_3 = arith.constant 0 : i32
    %dma_start3A_4 = tpu.memref_slice %arg6[%dma_start3A_1, %dma_start3A_2, %dma_start3A_3] : memref<4x104x128xi32, #tpu.memory_space<vmem>> -> memref<1x104x128xi32, #tpu.memory_space<vmem>>
    %dma_start3A_5 = tpu.memref_squeeze %dma_start3A_4 : memref<1x104x128xi32, #tpu.memory_space<vmem>> -> memref<104x128xi32, #tpu.memory_space<vmem>>
    %dma_start3A_6 = arith.constant 0 : i32
    %dma_start3A_7 = tpu.memref_slice %arg5[%dma_start3A, %dma_start3A_6] : memref<64x104xi32, #tpu.memory_space<vmem>> -> memref<1x104xi32, #tpu.memory_space<vmem>>
    %dma_start3A_8 = tpu.memref_squeeze %dma_start3A_7 : memref<1x104xi32, #tpu.memory_space<vmem>> -> memref<104xi32, #tpu.memory_space<vmem>>
    %dma_start3A_9 = arith.constant 0 : i32
    %dma_start3A_10 = arith.constant 0 : i32
    %dma_start3A_11 = tpu.memref_slice %arg2[%dma_start3A_9, %dma_start3A_10] : memref<6656x128xi32, #tpu.memory_space<hbm>> -> memref<6656x128xi32, #tpu.memory_space<hbm>>
    tpu.enqueue_indirect_dma source(%dma_start3A_11 : memref<6656x128xi32, #tpu.memory_space<hbm>>) target(%dma_start3A_5 : memref<104x128xi32, #tpu.memory_space<vmem>>) offsets(%dma_start3A_8 : memref<104xi32, #tpu.memory_space<vmem>>) semaphore(%arg8 : memref<!tpu.dma_semaphore, #tpu.memory_space<semaphore_mem>>)
    %dma_start3A_12 = arith.constant 1 : i32
    %dma_start3A_13 = arith.constant 1 : i32
    %dma_start3A_14 = arith.constant 0 : i32
    %dma_start3A_15 = arith.constant 0 : i32
    %dma_start3A_16 = tpu.memref_slice %arg6[%dma_start3A_13, %dma_start3A_14, %dma_start3A_15] : memref<4x104x128xi32, #tpu.memory_space<vmem>> -> memref<1x104x128xi32, #tpu.memory_space<vmem>>
    %dma_start3A_17 = tpu.memref_squeeze %dma_start3A_16 : memref<1x104x128xi32, #tpu.memory_space<vmem>> -> memref<104x128xi32, #tpu.memory_space<vmem>>
    %dma_start3A_18 = arith.constant 0 : i32
    %dma_start3A_19 = tpu.memref_slice %arg5[%dma_start3A_12, %dma_start3A_18] : memref<64x104xi32, #tpu.memory_space<vmem>> -> memref<1x104xi32, #tpu.memory_space<vmem>>
    %dma_start3A_20 = tpu.memref_squeeze %dma_start3A_19 : memref<1x104xi32, #tpu.memory_space<vmem>> -> memref<104xi32, #tpu.memory_space<vmem>>
    %dma_start3A_21 = arith.constant 0 : i32
    %dma_start3A_22 = arith.constant 0 : i32
    %dma_start3A_23 = tpu.memref_slice %arg2[%dma_start3A_21, %dma_start3A_22] : memref<6656x128xi32, #tpu.memory_space<hbm>> -> memref<6656x128xi32, #tpu.memory_space<hbm>>
    tpu.enqueue_indirect_dma source(%dma_start3A_23 : memref<6656x128xi32, #tpu.memory_space<hbm>>) target(%dma_start3A_17 : memref<104x128xi32, #tpu.memory_space<vmem>>) offsets(%dma_start3A_20 : memref<104xi32, #tpu.memory_space<vmem>>) semaphore(%arg9 : memref<!tpu.dma_semaphore, #tpu.memory_space<semaphore_mem>>)
    %dma_start3A_24 = arith.constant 2 : i32
    %dma_start3A_25 = arith.constant 2 : i32
    %dma_start3A_26 = arith.constant 0 : i32
    %dma_start3A_27 = arith.constant 0 : i32
    %dma_start3A_28 = tpu.memref_slice %arg6[%dma_start3A_25, %dma_start3A_26, %dma_start3A_27] : memref<4x104x128xi32, #tpu.memory_space<vmem>> -> memref<1x104x128xi32, #tpu.memory_space<vmem>>
    %dma_start3A_29 = tpu.memref_squeeze %dma_start3A_28 : memref<1x104x128xi32, #tpu.memory_space<vmem>> -> memref<104x128xi32, #tpu.memory_space<vmem>>
    %dma_start3A_30 = arith.constant 0 : i32
    %dma_start3A_31 = tpu.memref_slice %arg5[%dma_start3A_24, %dma_start3A_30] : memref<64x104xi32, #tpu.memory_space<vmem>> -> memref<1x104xi32, #tpu.memory_space<vmem>>
    %dma_start3A_32 = tpu.memref_squeeze %dma_start3A_31 : memref<1x104xi32, #tpu.memory_space<vmem>> -> memref<104xi32, #tpu.memory_space<vmem>>
    %dma_start3A_33 = arith.constant 0 : i32
    %dma_start3A_34 = arith.constant 0 : i32
    %dma_start3A_35 = tpu.memref_slice %arg2[%dma_start3A_33, %dma_start3A_34] : memref<6656x128xi32, #tpu.memory_space<hbm>> -> memref<6656x128xi32, #tpu.memory_space<hbm>>
    tpu.enqueue_indirect_dma source(%dma_start3A_35 : memref<6656x128xi32, #tpu.memory_space<hbm>>) target(%dma_start3A_29 : memref<104x128xi32, #tpu.memory_space<vmem>>) offsets(%dma_start3A_32 : memref<104xi32, #tpu.memory_space<vmem>>) semaphore(%arg10 : memref<!tpu.dma_semaphore, #tpu.memory_space<semaphore_mem>>)
    %dma_start3A_36 = arith.constant 3 : i32
    %dma_start3A_37 = arith.constant 3 : i32
    %dma_start3A_38 = arith.constant 0 : i32
    %dma_start3A_39 = arith.constant 0 : i32
    %dma_start3A_40 = tpu.memref_slice %arg6[%dma_start3A_37, %dma_start3A_38, %dma_start3A_39] : memref<4x104x128xi32, #tpu.memory_space<vmem>> -> memref<1x104x128xi32, #tpu.memory_space<vmem>>
    %dma_start3A_41 = tpu.memref_squeeze %dma_start3A_40 : memref<1x104x128xi32, #tpu.memory_space<vmem>> -> memref<104x128xi32, #tpu.memory_space<vmem>>
    %dma_start3A_42 = arith.constant 0 : i32
    %dma_start3A_43 = tpu.memref_slice %arg5[%dma_start3A_36, %dma_start3A_42] : memref<64x104xi32, #tpu.memory_space<vmem>> -> memref<1x104xi32, #tpu.memory_space<vmem>>
    %dma_start3A_44 = tpu.memref_squeeze %dma_start3A_43 : memref<1x104xi32, #tpu.memory_space<vmem>> -> memref<104xi32, #tpu.memory_space<vmem>>
    %dma_start3A_45 = arith.constant 0 : i32
    %dma_start3A_46 = arith.constant 0 : i32
    %dma_start3A_47 = tpu.memref_slice %arg2[%dma_start3A_45, %dma_start3A_46] : memref<6656x128xi32, #tpu.memory_space<hbm>> -> memref<6656x128xi32, #tpu.memory_space<hbm>>
    tpu.enqueue_indirect_dma source(%dma_start3A_47 : memref<6656x128xi32, #tpu.memory_space<hbm>>) target(%dma_start3A_41 : memref<104x128xi32, #tpu.memory_space<vmem>>) offsets(%dma_start3A_44 : memref<104xi32, #tpu.memory_space<vmem>>) semaphore(%arg11 : memref<!tpu.dma_semaphore, #tpu.memory_space<semaphore_mem>>)
    %scan3A = arith.constant 0 : i32
    %scan3A_48 = arith.constant 0 : i32
    %scan3A_49 = arith.constant 15 : i32
    %scan3A_50 = arith.addi %scan3A_48, %scan3A_49 : i32
    %scan3A_51 = arith.constant 1 : i32
    %scan3A_52 = scf.for %scan3A_1508 = %scan3A_48 to %scan3A_50 step %scan3A_51 iter_args(%scan3A_1509 = %scan3A) -> (i32)  : i32 {
      %mul3A_1510 = arith.constant 4 : i32
      %mul3A_1511 = arith.muli %mul3A_1510, %scan3A_1508 : i32
      %add3A_1512 = arith.constant 0 : i32
      %add3A_1513 = arith.addi %mul3A_1511, %add3A_1512 : i32
      %dma_wait3A_1514 = arith.constant 0 : i32
      %dma_wait3A_1515 = arith.constant 0 : i32
      %dma_wait3A_1516 = arith.constant 0 : i32
      %dma_wait3A_1517 = tpu.memref_slice %arg6[%dma_wait3A_1514, %dma_wait3A_1515, %dma_wait3A_1516] : memref<4x104x128xi32, #tpu.memory_space<vmem>> -> memref<1x104x128xi32, #tpu.memory_space<vmem>>
      %dma_wait3A_1518 = tpu.memref_squeeze %dma_wait3A_1517 : memref<1x104x128xi32, #tpu.memory_space<vmem>> -> memref<104x128xi32, #tpu.memory_space<vmem>>
      %dma_wait3A_1519 = arith.constant 0 : i32
      %dma_wait3A_1520 = tpu.memref_slice %arg5[%add3A_1513, %dma_wait3A_1519] : memref<64x104xi32, #tpu.memory_space<vmem>> -> memref<1x104xi32, #tpu.memory_space<vmem>>
      %dma_wait3A_1521 = tpu.memref_squeeze %dma_wait3A_1520 : memref<1x104xi32, #tpu.memory_space<vmem>> -> memref<104xi32, #tpu.memory_space<vmem>>
      %dma_wait3A_1522 = arith.constant 0 : i32
      %dma_wait3A_1523 = arith.constant 0 : i32
      %dma_wait3A_1524 = tpu.memref_slice %arg2[%dma_wait3A_1522, %dma_wait3A_1523] : memref<6656x128xi32, #tpu.memory_space<hbm>> -> memref<6656x128xi32, #tpu.memory_space<hbm>>
      tpu.wait_indirect_dma semaphore(%arg8 : memref<!tpu.dma_semaphore, #tpu.memory_space<semaphore_mem>>) src(%dma_wait3A_1524 : memref<6656x128xi32, #tpu.memory_space<hbm>>) dst(%dma_wait3A_1518 : memref<104x128xi32, #tpu.memory_space<vmem>>)
      %broadcast_in_dim3A_1525 = arith.constant 0.000000e+00 : f32
      %broadcast_in_dim3A_1526 = vector.broadcast %broadcast_in_dim3A_1525 : f32 to vector<16xf32>
      %broadcast_in_dim3A_1527 = arith.constant 0.000000e+00 : f32
      %broadcast_in_dim3A_1528 = vector.broadcast %broadcast_in_dim3A_1527 : f32 to vector<16xf32>
      %broadcast_in_dim3A_1529 = arith.constant 0.000000e+00 : f32
      %broadcast_in_dim3A_1530 = vector.broadcast %broadcast_in_dim3A_1529 : f32 to vector<16xf32>
      %broadcast_in_dim3A_1531 = arith.constant 0.000000e+00 : f32
      %broadcast_in_dim3A_1532 = vector.broadcast %broadcast_in_dim3A_1531 : f32 to vector<16xf32>
      %broadcast_in_dim3A_1533 = arith.constant 0.000000e+00 : f32
      %broadcast_in_dim3A_1534 = vector.broadcast %broadcast_in_dim3A_1533 : f32 to vector<16xf32>
      %broadcast_in_dim3A_1535 = arith.constant 0.000000e+00 : f32
      %broadcast_in_dim3A_1536 = vector.broadcast %broadcast_in_dim3A_1535 : f32 to vector<16xf32>
      %broadcast_in_dim3A_1537 = arith.constant 0.000000e+00 : f32
      %broadcast_in_dim3A_1538 = vector.broadcast %broadcast_in_dim3A_1537 : f32 to vector<16xf32>
      %broadcast_in_dim3A_1539 = arith.constant 0.000000e+00 : f32
      %broadcast_in_dim3A_1540 = vector.broadcast %broadcast_in_dim3A_1539 : f32 to vector<16xf32>
      %broadcast_in_dim3A_1541 = arith.constant 0.000000e+00 : f32
      %broadcast_in_dim3A_1542 = vector.broadcast %broadcast_in_dim3A_1541 : f32 to vector<16xf32>
      %broadcast_in_dim3A_1543 = arith.constant 0.000000e+00 : f32
      %broadcast_in_dim3A_1544 = vector.broadcast %broadcast_in_dim3A_1543 : f32 to vector<16xf32>
      %broadcast_in_dim3A_1545 = arith.constant 0.000000e+00 : f32
      %broadcast_in_dim3A_1546 = vector.broadcast %broadcast_in_dim3A_1545 : f32 to vector<16xf32>
      %broadcast_in_dim3A_1547 = arith.constant 0.000000e+00 : f32
      %broadcast_in_dim3A_1548 = vector.broadcast %broadcast_in_dim3A_1547 : f32 to vector<16xf32>
      %broadcast_in_dim3A_1549 = arith.constant 0.000000e+00 : f32
      %broadcast_in_dim3A_1550 = vector.broadcast %broadcast_in_dim3A_1549 : f32 to vector<16xf32>
      %broadcast_in_dim3A_1551 = arith.constant 0.000000e+00 : f32
      %broadcast_in_dim3A_1552 = vector.broadcast %broadcast_in_dim3A_1551 : f32 to vector<16xf32>
      %broadcast_in_dim3A_1553 = arith.constant 0.000000e+00 : f32
      %broadcast_in_dim3A_1554 = vector.broadcast %broadcast_in_dim3A_1553 : f32 to vector<16xf32>
      %broadcast_in_dim3A_1555 = arith.constant 0.000000e+00 : f32
      %broadcast_in_dim3A_1556 = vector.broadcast %broadcast_in_dim3A_1555 : f32 to vector<16xf32>
      %mul3A_1557 = arith.constant 2 : i32
      %mul3A_1558 = arith.muli %add3A_1513, %mul3A_1557 : i32
      %add3A_1559 = arith.constant 0 : i32
      %add3A_1560 = arith.addi %mul3A_1558, %add3A_1559 : i32
      %max3A_1561 = arith.constant 0.000000e+00 : f32
      %max3A_1562 = vector.broadcast %max3A_1561 : f32 to vector<16xf32>
      %max3A_1563 = arith.maximumf %broadcast_in_dim3A_1526, %max3A_1562 : vector<16xf32>
      %swap3A_1564 = arith.index_cast %add3A_1560 : i32 to index
      %swap3A_1565 = arith.constant 0 : index
      %swap3A_1566 = tpu.vector_load %arg7[%swap3A_1564, %swap3A_1565] {strides = array<i32>} : memref<128x256xf32, #tpu.memory_space<vmem>>, vector<1x16xf32>,
      %swap3A_1567 = vector.shape_cast %swap3A_1566 : vector<1x16xf32> to vector<16xf32>
      %swap3A_1568 = vector.shape_cast %max3A_1563 : vector<16xf32> to vector<1x16xf32>
      tpu.vector_store %arg7[%swap3A_1564, %swap3A_1565], %swap3A_1568 {strides = array<i32>} : memref<128x256xf32, #tpu.memory_space<vmem>>, vector<1x16xf32>,
      %max3A_1569 = arith.constant 0.000000e+00 : f32
      %max3A_1570 = vector.broadcast %max3A_1569 : f32 to vector<16xf32>
      %max3A_1571 = arith.maximumf %broadcast_in_dim3A_1528, %max3A_1570 : vector<16xf32>
      %swap3A_1572 = arith.index_cast %add3A_1560 : i32 to index
      %swap3A_1573 = arith.constant 128 : index
      %swap3A_1574 = tpu.vector_load %arg7[%swap3A_1572, %swap3A_1573] {strides = array<i32>} : memref<128x256xf32, #tpu.memory_space<vmem>>, vector<1x16xf32>,
      %swap3A_1575 = vector.shape_cast %swap3A_1574 : vector<1x16xf32> to vector<16xf32>
      %swap3A_1576 = vector.shape_cast %max3A_1571 : vector<16xf32> to vector<1x16xf32>
      tpu.vector_store %arg7[%swap3A_1572, %swap3A_1573], %swap3A_1576 {strides = array<i32>} : memref<128x256xf32, #tpu.memory_space<vmem>>, vector<1x16xf32>,
      %max3A_1577 = arith.constant 0.000000e+00 : f32
      %max3A_1578 = vector.broadcast %max3A_1577 : f32 to vector<16xf32>
      %max3A_1579 = arith.maximumf %broadcast_in_dim3A_1530, %max3A_1578 : vector<16xf32>
      %swap3A_1580 = arith.index_cast %add3A_1560 : i32 to index
      %swap3A_1581 = arith.constant 16 : index
      %swap3A_1582 = tpu.vector_load %arg7[%swap3A_1580, %swap3A_1581] {strides = array<i32>} : memref<128x256xf32, #tpu.memory_space<vmem>>, vector<1x16xf32>,
      %swap3A_1583 = vector.shape_cast %swap3A_1582 : vector<1x16xf32> to vector<16xf32>
      %swap3A_1584 = vector.shape_cast %max3A_1579 : vector<16xf32> to vector<1x16xf32>
      tpu.vector_store %arg7[%swap3A_1580, %swap3A_1581], %swap3A_1584 {strides = array<i32>} : memref<128x256xf32, #tpu.memory_space<vmem>>, vector<1x16xf32>,
      %max3A_1585 = arith.constant 0.000000e+00 : f32
      %max3A_1586 = vector.broadcast %max3A_1585 : f32 to vector<16xf32>
      %max3A_1587 = arith.maximumf %broadcast_in_dim3A_1532, %max3A_1586 : vector<16xf32>
      %swap3A_1588 = arith.index_cast %add3A_1560 : i32 to index
      %swap3A_1589 = arith.constant 144 : index
      %swap3A_1590 = tpu.vector_load %arg7[%swap3A_1588, %swap3A_1589] {strides = array<i32>} : memref<128x256xf32, #tpu.memory_space<vmem>>, vector<1x16xf32>,
      %swap3A_1591 = vector.shape_cast %swap3A_1590 : vector<1x16xf32> to vector<16xf32>
      %swap3A_1592 = vector.shape_cast %max3A_1587 : vector<16xf32> to vector<1x16xf32>
      tpu.vector_store %arg7[%swap3A_1588, %swap3A_1589], %swap3A_1592 {strides = array<i32>} : memref<128x256xf32, #tpu.memory_space<vmem>>, vector<1x16xf32>,
      %max3A_1593 = arith.constant 0.000000e+00 : f32
      %max3A_1594 = vector.broadcast %max3A_1593 : f32 to vector<16xf32>
      %max3A_1595 = arith.maximumf %broadcast_in_dim3A_1534, %max3A_1594 : vector<16xf32>
      %swap3A_1596 = arith.index_cast %add3A_1560 : i32 to index
      %swap3A_1597 = arith.constant 32 : index
      %swap3A_1598 = tpu.vector_load %arg7[%swap3A_1596, %swap3A_1597] {strides = array<i32>} : memref<128x256xf32, #tpu.memory_space<vmem>>, vector<1x16xf32>,
      %swap3A_1599 = vector.shape_cast %swap3A_1598 : vector<1x16xf32> to vector<16xf32>
      %swap3A_1600 = vector.shape_cast %max3A_1595 : vector<16xf32> to vector<1x16xf32>
      tpu.vector_store %arg7[%swap3A_1596, %swap3A_1597], %swap3A_1600 {strides = array<i32>} : memref<128x256xf32, #tpu.memory_space<vmem>>, vector<1x16xf32>,
      %max3A_1601 = arith.constant 0.000000e+00 : f32
      %max3A_1602 = vector.broadcast %max3A_1601 : f32 to vector<16xf32>
      %max3A_1603 = arith.maximumf %broadcast_in_dim3A_1536, %max3A_1602 : vector<16xf32>
      %swap3A_1604 = arith.index_cast %add3A_1560 : i32 to index
      %swap3A_1605 = arith.constant 160 : index
      %swap3A_1606 = tpu.vector_load %arg7[%swap3A_1604, %swap3A_1605] {strides = array<i32>} : memref<128x256xf32, #tpu.memory_space<vmem>>, vector<1x16xf32>,
      %swap3A_1607 = vector.shape_cast %swap3A_1606 : vector<1x16xf32> to vector<16xf32>
      %swap3A_1608 = vector.shape_cast %max3A_1603 : vector<16xf32> to vector<1x16xf32>
      tpu.vector_store %arg7[%swap3A_1604, %swap3A_1605], %swap3A_1608 {strides = array<i32>} : memref<128x256xf32, #tpu.memory_space<vmem>>, vector<1x16xf32>,
      %max3A_1609 = arith.constant 0.000000e+00 : f32
      %max3A_1610 = vector.broadcast %max3A_1609 : f32 to vector<16xf32>
      %max3A_1611 = arith.maximumf %broadcast_in_dim3A_1538, %max3A_1610 : vector<16xf32>
      %swap3A_1612 = arith.index_cast %add3A_1560 : i32 to index
      %swap3A_1613 = arith.constant 48 : index
      %swap3A_1614 = tpu.vector_load %arg7[%swap3A_1612, %swap3A_1613] {strides = array<i32>} : memref<128x256xf32, #tpu.memory_space<vmem>>, vector<1x16xf32>,
      %swap3A_1615 = vector.shape_cast %swap3A_1614 : vector<1x16xf32> to vector<16xf32>
      %swap3A_1616 = vector.shape_cast %max3A_1611 : vector<16xf32> to vector<1x16xf32>
      tpu.vector_store %arg7[%swap3A_1612, %swap3A_1613], %swap3A_1616 {strides = array<i32>} : memref<128x256xf32, #tpu.memory_space<vmem>>, vector<1x16xf32>,
      %max3A_1617 = arith.constant 0.000000e+00 : f32
      %max3A_1618 = vector.broadcast %max3A_1617 : f32 to vector<16xf32>
      %max3A_1619 = arith.maximumf %broadcast_in_dim3A_1540, %max3A_1618 : vector<16xf32>
      %swap3A_1620 = arith.index_cast %add3A_1560 : i32 to index
      %swap3A_1621 = arith.constant 176 : index
      %swap3A_1622 = tpu.vector_load %arg7[%swap3A_1620, %swap3A_1621] {strides = array<i32>} : memref<128x256xf32, #tpu.memory_space<vmem>>, vector<1x16xf32>,
      %swap3A_1623 = vector.shape_cast %swap3A_1622 : vector<1x16xf32> to vector<16xf32>
      %swap3A_1624 = vector.shape_cast %max3A_1619 : vector<16xf32> to vector<1x16xf32>
      tpu.vector_store %arg7[%swap3A_1620, %swap3A_1621], %swap3A_1624 {strides = array<i32>} : memref<128x256xf32, #tpu.memory_space<vmem>>, vector<1x16xf32>,
      %max3A_1625 = arith.constant 0.000000e+00 : f32
      %max3A_1626 = vector.broadcast %max3A_1625 : f32 to vector<16xf32>
      %max3A_1627 = arith.maximumf %broadcast_in_dim3A_1542, %max3A_1626 : vector<16xf32>
      %swap3A_1628 = arith.index_cast %add3A_1560 : i32 to index
      %swap3A_1629 = arith.constant 64 : index
      %swap3A_1630 = tpu.vector_load %arg7[%swap3A_1628, %swap3A_1629] {strides = array<i32>} : memref<128x256xf32, #tpu.memory_space<vmem>>, vector<1x16xf32>,
      %swap3A_1631 = vector.shape_cast %swap3A_1630 : vector<1x16xf32> to vector<16xf32>
      %swap3A_1632 = vector.shape_cast %max3A_1627 : vector<16xf32> to vector<1x16xf32>
      tpu.vector_store %arg7[%swap3A_1628, %swap3A_1629], %swap3A_1632 {strides = array<i32>} : memref<128x256xf32, #tpu.memory_space<vmem>>, vector<1x16xf32>,
      %max3A_1633 = arith.constant 0.000000e+00 : f32
      %max3A_1634 = vector.broadcast %max3A_1633 : f32 to vector<16xf32>
      %max3A_1635 = arith.maximumf %broadcast_in_dim3A_1544, %max3A_1634 : vector<16xf32>
      %swap3A_1636 = arith.index_cast %add3A_1560 : i32 to index
      %swap3A_1637 = arith.constant 192 : index
      %swap3A_1638 = tpu.vector_load %arg7[%swap3A_1636, %swap3A_1637] {strides = array<i32>} : memref<128x256xf32, #tpu.memory_space<vmem>>, vector<1x16xf32>,
      %swap3A_1639 = vector.shape_cast %swap3A_1638 : vector<1x16xf32> to vector<16xf32>
      %swap3A_1640 = vector.shape_cast %max3A_1635 : vector<16xf32> to vector<1x16xf32>
      tpu.vector_store %arg7[%swap3A_1636, %swap3A_1637], %swap3A_1640 {strides = array<i32>} : memref<128x256xf32, #tpu.memory_space<vmem>>, vector<1x16xf32>,
      %max3A_1641 = arith.constant 0.000000e+00 : f32
      %max3A_1642 = vector.broadcast %max3A_1641 : f32 to vector<16xf32>
      %max3A_1643 = arith.maximumf %broadcast_in_dim3A_1546, %max3A_1642 : vector<16xf32>
      %swap3A_1644 = arith.index_cast %add3A_1560 : i32 to index
      %swap3A_1645 = arith.constant 80 : index
      %swap3A_1646 = tpu.vector_load %arg7[%swap3A_1644, %swap3A_1645] {strides = array<i32>} : memref<128x256xf32, #tpu.memory_space<vmem>>, vector<1x16xf32>,
      %swap3A_1647 = vector.shape_cast %swap3A_1646 : vector<1x16xf32> to vector<16xf32>
      %swap3A_1648 = vector.shape_cast %max3A_1643 : vector<16xf32> to vector<1x16xf32>
      tpu.vector_store %arg7[%swap3A_1644, %swap3A_1645], %swap3A_1648 {strides = array<i32>} : memref<128x256xf32, #tpu.memory_space<vmem>>, vector<1x16xf32>,
      %max3A_1649 = arith.constant 0.000000e+00 : f32
      %max3A_1650 = vector.broadcast %max3A_1649 : f32 to vector<16xf32>
      %max3A_1651 = arith.maximumf %broadcast_in_dim3A_1548, %max3A_1650 : vector<16xf32>
      %swap3A_1652 = arith.index_cast %add3A_1560 : i32 to index
      %swap3A_1653 = arith.constant 208 : index
      %swap3A_1654 = tpu.vector_load %arg7[%swap3A_1652, %swap3A_1653] {strides = array<i32>} : memref<128x256xf32, #tpu.memory_space<vmem>>, vector<1x16xf32>,
      %swap3A_1655 = vector.shape_cast %swap3A_1654 : vector<1x16xf32> to vector<16xf32>
      %swap3A_1656 = vector.shape_cast %max3A_1651 : vector<16xf32> to vector<1x16xf32>
      tpu.vector_store %arg7[%swap3A_1652, %swap3A_1653], %swap3A_1656 {strides = array<i32>} : memref<128x256xf32, #tpu.memory_space<vmem>>, vector<1x16xf32>,
      %max3A_1657 = arith.constant 0.000000e+00 : f32
      %max3A_1658 = vector.broadcast %max3A_1657 : f32 to vector<16xf32>
      %max3A_1659 = arith.maximumf %broadcast_in_dim3A_1550, %max3A_1658 : vector<16xf32>
      %swap3A_1660 = arith.index_cast %add3A_1560 : i32 to index
      %swap3A_1661 = arith.constant 96 : index
      %swap3A_1662 = tpu.vector_load %arg7[%swap3A_1660, %swap3A_1661] {strides = array<i32>} : memref<128x256xf32, #tpu.memory_space<vmem>>, vector<1x16xf32>,
      %swap3A_1663 = vector.shape_cast %swap3A_1662 : vector<1x16xf32> to vector<16xf32>
      %swap3A_1664 = vector.shape_cast %max3A_1659 : vector<16xf32> to vector<1x16xf32>
      tpu.vector_store %arg7[%swap3A_1660, %swap3A_1661], %swap3A_1664 {strides = array<i32>} : memref<128x256xf32, #tpu.memory_space<vmem>>, vector<1x16xf32>,
      %max3A_1665 = arith.constant 0.000000e+00 : f32
      %max3A_1666 = vector.broadcast %max3A_1665 : f32 to vector<16xf32>
      %max3A_1667 = arith.maximumf %broadcast_in_dim3A_1552, %max3A_1666 : vector<16xf32>
      %swap3A_1668 = arith.index_cast %add3A_1560 : i32 to index
      %swap3A_1669 = arith.constant 224 : index
      %swap3A_1670 = tpu.vector_load %arg7[%swap3A_1668, %swap3A_1669] {strides = array<i32>} : memref<128x256xf32, #tpu.memory_space<vmem>>, vector<1x16xf32>,
      %swap3A_1671 = vector.shape_cast %swap3A_1670 : vector<1x16xf32> to vector<16xf32>
      %swap3A_1672 = vector.shape_cast %max3A_1667 : vector<16xf32> to vector<1x16xf32>
      tpu.vector_store %arg7[%swap3A_1668, %swap3A_1669], %swap3A_1672 {strides = array<i32>} : memref<128x256xf32, #tpu.memory_space<vmem>>, vector<1x16xf32>,
      %max3A_1673 = arith.constant 0.000000e+00 : f32
      %max3A_1674 = vector.broadcast %max3A_1673 : f32 to vector<16xf32>
      %max3A_1675 = arith.maximumf %broadcast_in_dim3A_1554, %max3A_1674 : vector<16xf32>
      %swap3A_1676 = arith.index_cast %add3A_1560 : i32 to index
      %swap3A_1677 = arith.constant 112 : index
      %swap3A_1678 = tpu.vector_load %arg7[%swap3A_1676, %swap3A_1677] {strides = array<i32>} : memref<128x256xf32, #tpu.memory_space<vmem>>, vector<1x16xf32>,
      %swap3A_1679 = vector.shape_cast %swap3A_1678 : vector<1x16xf32> to vector<16xf32>
      %swap3A_1680 = vector.shape_cast %max3A_1675 : vector<16xf32> to vector<1x16xf32>
      tpu.vector_store %arg7[%swap3A_1676, %swap3A_1677], %swap3A_1680 {strides = array<i32>} : memref<128x256xf32, #tpu.memory_space<vmem>>, vector<1x16xf32>,
      %max3A_1681 = arith.constant 0.000000e+00 : f32
      %max3A_1682 = vector.broadcast %max3A_1681 : f32 to vector<16xf32>
      %max3A_1683 = arith.maximumf %broadcast_in_dim3A_1556, %max3A_1682 : vector<16xf32>
      %swap3A_1684 = arith.index_cast %add3A_1560 : i32 to index
      %swap3A_1685 = arith.constant 240 : index
      %swap3A_1686 = tpu.vector_load %arg7[%swap3A_1684, %swap3A_1685] {strides = array<i32>} : memref<128x256xf32, #tpu.memory_space<vmem>>, vector<1x16xf32>,
      %swap3A_1687 = vector.shape_cast %swap3A_1686 : vector<1x16xf32> to vector<16xf32>
      %swap3A_1688 = vector.shape_cast %max3A_1683 : vector<16xf32> to vector<1x16xf32>
      tpu.vector_store %arg7[%swap3A_1684, %swap3A_1685], %swap3A_1688 {strides = array<i32>} : memref<128x256xf32, #tpu.memory_space<vmem>>, vector<1x16xf32>,
      %broadcast_in_dim3A_1689 = arith.constant 0.000000e+00 : f32
      %broadcast_in_dim3A_1690 = vector.broadcast %broadcast_in_dim3A_1689 : f32 to vector<16xf32>
      %broadcast_in_dim3A_1691 = arith.constant 0.000000e+00 : f32
      %broadcast_in_dim3A_1692 = vector.broadcast %broadcast_in_dim3A_1691 : f32 to vector<16xf32>
      %broadcast_in_dim3A_1693 = arith.constant 0.000000e+00 : f32
      %broadcast_in_dim3A_1694 = vector.broadcast %broadcast_in_dim3A_1693 : f32 to vector<16xf32>
      %broadcast_in_dim3A_1695 = arith.constant 0.000000e+00 : f32
      %broadcast_in_dim3A_1696 = vector.broadcast %broadcast_in_dim3A_1695 : f32 to vector<16xf32>
      %broadcast_in_dim3A_1697 = arith.constant 0.000000e+00 : f32
      %broadcast_in_dim3A_1698 = vector.broadcast %broadcast_in_dim3A_1697 : f32 to vector<16xf32>
      %broadcast_in_dim3A_1699 = arith.constant 0.000000e+00 : f32
      %broadcast_in_dim3A_1700 = vector.broadcast %broadcast_in_dim3A_1699 : f32 to vector<16xf32>
      %broadcast_in_dim3A_1701 = arith.constant 0.000000e+00 : f32
      %broadcast_in_dim3A_1702 = vector.broadcast %broadcast_in_dim3A_1701 : f32 to vector<16xf32>
      %broadcast_in_dim3A_1703 = arith.constant 0.000000e+00 : f32
      %broadcast_in_dim3A_1704 = vector.broadcast %broadcast_in_dim3A_1703 : f32 to vector<16xf32>
      %broadcast_in_dim3A_1705 = arith.constant 0.000000e+00 : f32
      %broadcast_in_dim3A_1706 = vector.broadcast %broadcast_in_dim3A_1705 : f32 to vector<16xf32>
      %broadcast_in_dim3A_1707 = arith.constant 0.000000e+00 : f32
      %broadcast_in_dim3A_1708 = vector.broadcast %broadcast_in_dim3A_1707 : f32 to vector<16xf32>
      %broadcast_in_dim3A_1709 = arith.constant 0.000000e+00 : f32
      %broadcast_in_dim3A_1710 = vector.broadcast %broadcast_in_dim3A_1709 : f32 to vector<16xf32>
      %broadcast_in_dim3A_1711 = arith.constant 0.000000e+00 : f32
      %broadcast_in_dim3A_1712 = vector.broadcast %broadcast_in_dim3A_1711 : f32 to vector<16xf32>
      %broadcast_in_dim3A_1713 = arith.constant 0.000000e+00 : f32
      %broadcast_in_dim3A_1714 = vector.broadcast %broadcast_in_dim3A_1713 : f32 to vector<16xf32>
      %broadcast_in_dim3A_1715 = arith.constant 0.000000e+00 : f32
      %broadcast_in_dim3A_1716 = vector.broadcast %broadcast_in_dim3A_1715 : f32 to vector<16xf32>
      %broadcast_in_dim3A_1717 = arith.constant 0.000000e+00 : f32
      %broadcast_in_dim3A_1718 = vector.broadcast %broadcast_in_dim3A_1717 : f32 to vector<16xf32>
      %broadcast_in_dim3A_1719 = arith.constant 0.000000e+00 : f32
      %broadcast_in_dim3A_1720 = vector.broadcast %broadcast_in_dim3A_1719 : f32 to vector<16xf32>
      %mul3A_1721 = arith.constant 2 : i32
      %mul3A_1722 = arith.muli %add3A_1513, %mul3A_1721 : i32
      %add3A_1723 = arith.constant 1 : i32
      %add3A_1724 = arith.addi %mul3A_1722, %add3A_1723 : i32
      %max3A_1725 = arith.constant 0.000000e+00 : f32
      %max3A_1726 = vector.broadcast %max3A_1725 : f32 to vector<16xf32>
      %max3A_1727 = arith.maximumf %broadcast_in_dim3A_1690, %max3A_1726 : vector<16xf32>
      %swap3A_1728 = arith.index_cast %add3A_1724 : i32 to index
      %swap3A_1729 = arith.constant 0 : index
      %swap3A_1730 = tpu.vector_load %arg7[%swap3A_1728, %swap3A_1729] {strides = array<i32>} : memref<128x256xf32, #tpu.memory_space<vmem>>, vector<1x16xf32>,
      %swap3A_1731 = vector.shape_cast %swap3A_1730 : vector<1x16xf32> to vector<16xf32>
      %swap3A_1732 = vector.shape_cast %max3A_1727 : vector<16xf32> to vector<1x16xf32>
      tpu.vector_store %arg7[%swap3A_1728, %swap3A_1729], %swap3A_1732 {strides = array<i32>} : memref<128x256xf32, #tpu.memory_space<vmem>>, vector<1x16xf32>,
      %max3A_1733 = arith.constant 0.000000e+00 : f32
      %max3A_1734 = vector.broadcast %max3A_1733 : f32 to vector<16xf32>
      %max3A_1735 = arith.maximumf %broadcast_in_dim3A_1692, %max3A_1734 : vector<16xf32>
      %swap3A_1736 = arith.index_cast %add3A_1724 : i32 to index
      %swap3A_1737 = arith.constant 128 : index
      %swap3A_1738 = tpu.vector_load %arg7[%swap3A_1736, %swap3A_1737] {strides = array<i32>} : memref<128x256xf32, #tpu.memory_space<vmem>>, vector<1x16xf32>,
      %swap3A_1739 = vector.shape_cast %swap3A_1738 : vector<1x16xf32> to vector<16xf32>
      %swap3A_1740 = vector.shape_cast %max3A_1735 : vector<16xf32> to vector<1x16xf32>
      tpu.vector_store %arg7[%swap3A_1736, %swap3A_1737], %swap3A_1740 {strides = array<i32>} : memref<128x256xf32, #tpu.memory_space<vmem>>, vector<1x16xf32>,
      %max3A_1741 = arith.constant 0.000000e+00 : f32
      %max3A_1742 = vector.broadcast %max3A_1741 : f32 to vector<16xf32>
      %max3A_1743 = arith.maximumf %broadcast_in_dim3A_1694, %max3A_1742 : vector<16xf32>
      %swap3A_1744 = arith.index_cast %add3A_1724 : i32 to index
      %swap3A_1745 = arith.constant 16 : index
      %swap3A_1746 = tpu.vector_load %arg7[%swap3A_1744, %swap3A_1745] {strides = array<i32>} : memref<128x256xf32, #tpu.memory_space<vmem>>, vector<1x16xf32>,
      %swap3A_1747 = vector.shape_cast %swap3A_1746 : vector<1x16xf32> to vector<16xf32>
      %swap3A_1748 = vector.shape_cast %max3A_1743 : vector<16xf32> to vector<1x16xf32>
      tpu.vector_store %arg7[%swap3A_1744, %swap3A_1745], %swap3A_1748 {strides = array<i32>} : memref<128x256xf32, #tpu.memory_space<vmem>>, vector<1x16xf32>,
      %max3A_1749 = arith.constant 0.000000e+00 : f32
      %max3A_1750 = vector.broadcast %max3A_1749 : f32 to vector<16xf32>
      %max3A_1751 = arith.maximumf %broadcast_in_dim3A_1696, %max3A_1750 : vector<16xf32>
      %swap3A_1752 = arith.index_cast %add3A_1724 : i32 to index
      %swap3A_1753 = arith.constant 144 : index
      %swap3A_1754 = tpu.vector_load %arg7[%swap3A_1752, %swap3A_1753] {strides = array<i32>} : memref<128x256xf32, #tpu.memory_space<vmem>>, vector<1x16xf32>,
      %swap3A_1755 = vector.shape_cast %swap3A_1754 : vector<1x16xf32> to vector<16xf32>
      %swap3A_1756 = vector.shape_cast %max3A_1751 : vector<16xf32> to vector<1x16xf32>
      tpu.vector_store %arg7[%swap3A_1752, %swap3A_1753], %swap3A_1756 {strides = array<i32>} : memref<128x256xf32, #tpu.memory_space<vmem>>, vector<1x16xf32>,
      %max3A_1757 = arith.constant 0.000000e+00 : f32
      %max3A_1758 = vector.broadcast %max3A_1757 : f32 to vector<16xf32>
      %max3A_1759 = arith.maximumf %broadcast_in_dim3A_1698, %max3A_1758 : vector<16xf32>
      %swap3A_1760 = arith.index_cast %add3A_1724 : i32 to index
      %swap3A_1761 = arith.constant 32 : index
      %swap3A_1762 = tpu.vector_load %arg7[%swap3A_1760, %swap3A_1761] {strides = array<i32>} : memref<128x256xf32, #tpu.memory_space<vmem>>, vector<1x16xf32>,
      %swap3A_1763 = vector.shape_cast %swap3A_1762 : vector<1x16xf32> to vector<16xf32>
      %swap3A_1764 = vector.shape_cast %max3A_1759 : vector<16xf32> to vector<1x16xf32>
      tpu.vector_store %arg7[%swap3A_1760, %swap3A_1761], %swap3A_1764 {strides = array<i32>} : memref<128x256xf32, #tpu.memory_space<vmem>>, vector<1x16xf32>,
      %max3A_1765 = arith.constant 0.000000e+00 : f32
      %max3A_1766 = vector.broadcast %max3A_1765 : f32 to vector<16xf32>
      %max3A_1767 = arith.maximumf %broadcast_in_dim3A_1700, %max3A_1766 : vector<16xf32>
      %swap3A_1768 = arith.index_cast %add3A_1724 : i32 to index
      %swap3A_1769 = arith.constant 160 : index
      %swap3A_1770 = tpu.vector_load %arg7[%swap3A_1768, %swap3A_1769] {strides = array<i32>} : memref<128x256xf32, #tpu.memory_space<vmem>>, vector<1x16xf32>,
      %swap3A_1771 = vector.shape_cast %swap3A_1770 : vector<1x16xf32> to vector<16xf32>
      %swap3A_1772 = vector.shape_cast %max3A_1767 : vector<16xf32> to vector<1x16xf32>
      tpu.vector_store %arg7[%swap3A_1768, %swap3A_1769], %swap3A_1772 {strides = array<i32>} : memref<128x256xf32, #tpu.memory_space<vmem>>, vector<1x16xf32>,
      %max3A_1773 = arith.constant 0.000000e+00 : f32
      %max3A_1774 = vector.broadcast %max3A_1773 : f32 to vector<16xf32>
      %max3A_1775 = arith.maximumf %broadcast_in_dim3A_1702, %max3A_1774 : vector<16xf32>
      %swap3A_1776 = arith.index_cast %add3A_1724 : i32 to index
      %swap3A_1777 = arith.constant 48 : index
      %swap3A_1778 = tpu.vector_load %arg7[%swap3A_1776, %swap3A_1777] {strides = array<i32>} : memref<128x256xf32, #tpu.memory_space<vmem>>, vector<1x16xf32>,
      %swap3A_1779 = vector.shape_cast %swap3A_1778 : vector<1x16xf32> to vector<16xf32>
      %swap3A_1780 = vector.shape_cast %max3A_1775 : vector<16xf32> to vector<1x16xf32>
      tpu.vector_store %arg7[%swap3A_1776, %swap3A_1777], %swap3A_1780 {strides = array<i32>} : memref<128x256xf32, #tpu.memory_space<vmem>>, vector<1x16xf32>,
      %max3A_1781 = arith.constant 0.000000e+00 : f32
      %max3A_1782 = vector.broadcast %max3A_1781 : f32 to vector<16xf32>
      %max3A_1783 = arith.maximumf %broadcast_in_dim3A_1704, %max3A_1782 : vector<16xf32>
      %swap3A_1784 = arith.index_cast %add3A_1724 : i32 to index
      %swap3A_1785 = arith.constant 176 : index
      %swap3A_1786 = tpu.vector_load %arg7[%swap3A_1784, %swap3A_1785] {strides = array<i32>} : memref<128x256xf32, #tpu.memory_space<vmem>>, vector<1x16xf32>,
      %swap3A_1787 = vector.shape_cast %swap3A_1786 : vector<1x16xf32> to vector<16xf32>
      %swap3A_1788 = vector.shape_cast %max3A_1783 : vector<16xf32> to vector<1x16xf32>
      tpu.vector_store %arg7[%swap3A_1784, %swap3A_1785], %swap3A_1788 {strides = array<i32>} : memref<128x256xf32, #tpu.memory_space<vmem>>, vector<1x16xf32>,
      %max3A_1789 = arith.constant 0.000000e+00 : f32
      %max3A_1790 = vector.broadcast %max3A_1789 : f32 to vector<16xf32>
      %max3A_1791 = arith.maximumf %broadcast_in_dim3A_1706, %max3A_1790 : vector<16xf32>
      %swap3A_1792 = arith.index_cast %add3A_1724 : i32 to index
      %swap3A_1793 = arith.constant 64 : index
      %swap3A_1794 = tpu.vector_load %arg7[%swap3A_1792, %swap3A_1793] {strides = array<i32>} : memref<128x256xf32, #tpu.memory_space<vmem>>, vector<1x16xf32>,
      %swap3A_1795 = vector.shape_cast %swap3A_1794 : vector<1x16xf32> to vector<16xf32>
      %swap3A_1796 = vector.shape_cast %max3A_1791 : vector<16xf32> to vector<1x16xf32>
      tpu.vector_store %arg7[%swap3A_1792, %swap3A_1793], %swap3A_1796 {strides = array<i32>} : memref<128x256xf32, #tpu.memory_space<vmem>>, vector<1x16xf32>,
      %max3A_1797 = arith.constant 0.000000e+00 : f32
      %max3A_1798 = vector.broadcast %max3A_1797 : f32 to vector<16xf32>
      %max3A_1799 = arith.maximumf %broadcast_in_dim3A_1708, %max3A_1798 : vector<16xf32>
      %swap3A_1800 = arith.index_cast %add3A_1724 : i32 to index
      %swap3A_1801 = arith.constant 192 : index
      %swap3A_1802 = tpu.vector_load %arg7[%swap3A_1800, %swap3A_1801] {strides = array<i32>} : memref<128x256xf32, #tpu.memory_space<vmem>>, vector<1x16xf32>,
      %swap3A_1803 = vector.shape_cast %swap3A_1802 : vector<1x16xf32> to vector<16xf32>
      %swap3A_1804 = vector.shape_cast %max3A_1799 : vector<16xf32> to vector<1x16xf32>
      tpu.vector_store %arg7[%swap3A_1800, %swap3A_1801], %swap3A_1804 {strides = array<i32>} : memref<128x256xf32, #tpu.memory_space<vmem>>, vector<1x16xf32>,
      %max3A_1805 = arith.constant 0.000000e+00 : f32
      %max3A_1806 = vector.broadcast %max3A_1805 : f32 to vector<16xf32>
      %max3A_1807 = arith.maximumf %broadcast_in_dim3A_1710, %max3A_1806 : vector<16xf32>
      %swap3A_1808 = arith.index_cast %add3A_1724 : i32 to index
      %swap3A_1809 = arith.constant 80 : index
      %swap3A_1810 = tpu.vector_load %arg7[%swap3A_1808, %swap3A_1809] {strides = array<i32>} : memref<128x256xf32, #tpu.memory_space<vmem>>, vector<1x16xf32>,
      %swap3A_1811 = vector.shape_cast %swap3A_1810 : vector<1x16xf32> to vector<16xf32>
      %swap3A_1812 = vector.shape_cast %max3A_1807 : vector<16xf32> to vector<1x16xf32>
      tpu.vector_store %arg7[%swap3A_1808, %swap3A_1809], %swap3A_1812 {strides = array<i32>} : memref<128x256xf32, #tpu.memory_space<vmem>>, vector<1x16xf32>,
      %max3A_1813 = arith.constant 0.000000e+00 : f32
      %max3A_1814 = vector.broadcast %max3A_1813 : f32 to vector<16xf32>
      %max3A_1815 = arith.maximumf %broadcast_in_dim3A_1712, %max3A_1814 : vector<16xf32>
      %swap3A_1816 = arith.index_cast %add3A_1724 : i32 to index
      %swap3A_1817 = arith.constant 208 : index
      %swap3A_1818 = tpu.vector_load %arg7[%swap3A_1816, %swap3A_1817] {strides = array<i32>} : memref<128x256xf32, #tpu.memory_space<vmem>>, vector<1x16xf32>,
      %swap3A_1819 = vector.shape_cast %swap3A_1818 : vector<1x16xf32> to vector<16xf32>
      %swap3A_1820 = vector.shape_cast %max3A_1815 : vector<16xf32> to vector<1x16xf32>
      tpu.vector_store %arg7[%swap3A_1816, %swap3A_1817], %swap3A_1820 {strides = array<i32>} : memref<128x256xf32, #tpu.memory_space<vmem>>, vector<1x16xf32>,
      %max3A_1821 = arith.constant 0.000000e+00 : f32
      %max3A_1822 = vector.broadcast %max3A_1821 : f32 to vector<16xf32>
      %max3A_1823 = arith.maximumf %broadcast_in_dim3A_1714, %max3A_1822 : vector<16xf32>
      %swap3A_1824 = arith.index_cast %add3A_1724 : i32 to index
      %swap3A_1825 = arith.constant 96 : index
      %swap3A_1826 = tpu.vector_load %arg7[%swap3A_1824, %swap3A_1825] {strides = array<i32>} : memref<128x256xf32, #tpu.memory_space<vmem>>, vector<1x16xf32>,
      %swap3A_1827 = vector.shape_cast %swap3A_1826 : vector<1x16xf32> to vector<16xf32>
      %swap3A_1828 = vector.shape_cast %max3A_1823 : vector<16xf32> to vector<1x16xf32>
      tpu.vector_store %arg7[%swap3A_1824, %swap3A_1825], %swap3A_1828 {strides = array<i32>} : memref<128x256xf32, #tpu.memory_space<vmem>>, vector<1x16xf32>,
      %max3A_1829 = arith.constant 0.000000e+00 : f32
      %max3A_1830 = vector.broadcast %max3A_1829 : f32 to vector<16xf32>
      %max3A_1831 = arith.maximumf %broadcast_in_dim3A_1716, %max3A_1830 : vector<16xf32>
      %swap3A_1832 = arith.index_cast %add3A_1724 : i32 to index
      %swap3A_1833 = arith.constant 224 : index
      %swap3A_1834 = tpu.vector_load %arg7[%swap3A_1832, %swap3A_1833] {strides = array<i32>} : memref<128x256xf32, #tpu.memory_space<vmem>>, vector<1x16xf32>,
      %swap3A_1835 = vector.shape_cast %swap3A_1834 : vector<1x16xf32> to vector<16xf32>
      %swap3A_1836 = vector.shape_cast %max3A_1831 : vector<16xf32> to vector<1x16xf32>
      tpu.vector_store %arg7[%swap3A_1832, %swap3A_1833], %swap3A_1836 {strides = array<i32>} : memref<128x256xf32, #tpu.memory_space<vmem>>, vector<1x16xf32>,
      %max3A_1837 = arith.constant 0.000000e+00 : f32
      %max3A_1838 = vector.broadcast %max3A_1837 : f32 to vector<16xf32>
      %max3A_1839 = arith.maximumf %broadcast_in_dim3A_1718, %max3A_1838 : vector<16xf32>
      %swap3A_1840 = arith.index_cast %add3A_1724 : i32 to index
      %swap3A_1841 = arith.constant 112 : index
      %swap3A_1842 = tpu.vector_load %arg7[%swap3A_1840, %swap3A_1841] {strides = array<i32>} : memref<128x256xf32, #tpu.memory_space<vmem>>, vector<1x16xf32>,
      %swap3A_1843 = vector.shape_cast %swap3A_1842 : vector<1x16xf32> to vector<16xf32>
      %swap3A_1844 = vector.shape_cast %max3A_1839 : vector<16xf32> to vector<1x16xf32>
      tpu.vector_store %arg7[%swap3A_1840, %swap3A_1841], %swap3A_1844 {strides = array<i32>} : memref<128x256xf32, #tpu.memory_space<vmem>>, vector<1x16xf32>,
      %max3A_1845 = arith.constant 0.000000e+00 : f32
      %max3A_1846 = vector.broadcast %max3A_1845 : f32 to vector<16xf32>
      %max3A_1847 = arith.maximumf %broadcast_in_dim3A_1720, %max3A_1846 : vector<16xf32>
      %swap3A_1848 = arith.index_cast %add3A_1724 : i32 to index
      %swap3A_1849 = arith.constant 240 : index
      %swap3A_1850 = tpu.vector_load %arg7[%swap3A_1848, %swap3A_1849] {strides = array<i32>} : memref<128x256xf32, #tpu.memory_space<vmem>>, vector<1x16xf32>,
      %swap3A_1851 = vector.shape_cast %swap3A_1850 : vector<1x16xf32> to vector<16xf32>
      %swap3A_1852 = vector.shape_cast %max3A_1847 : vector<16xf32> to vector<1x16xf32>
      tpu.vector_store %arg7[%swap3A_1848, %swap3A_1849], %swap3A_1852 {strides = array<i32>} : memref<128x256xf32, #tpu.memory_space<vmem>>, vector<1x16xf32>,
      %add3A_1853 = arith.constant 0 : i32
      %add3A_1854 = arith.addi %mul3A_1511, %add3A_1853 : i32
      %add3A_1855 = arith.constant 4 : i32
      %add3A_1856 = arith.addi %add3A_1854, %add3A_1855 : i32
      %dma_start3A_1857 = arith.constant 0 : i32
      %dma_start3A_1858 = arith.constant 0 : i32
      %dma_start3A_1859 = arith.constant 0 : i32
      %dma_start3A_1860 = tpu.memref_slice %arg6[%dma_start3A_1857, %dma_start3A_1858, %dma_start3A_1859] : memref<4x104x128xi32, #tpu.memory_space<vmem>> -> memref<1x104x128xi32, #tpu.memory_space<vmem>>
      %dma_start3A_1861 = tpu.memref_squeeze %dma_start3A_1860 : memref<1x104x128xi32, #tpu.memory_space<vmem>> -> memref<104x128xi32, #tpu.memory_space<vmem>>
      %dma_start3A_1862 = arith.constant 0 : i32
      %dma_start3A_1863 = tpu.memref_slice %arg5[%add3A_1856, %dma_start3A_1862] : memref<64x104xi32, #tpu.memory_space<vmem>> -> memref<1x104xi32, #tpu.memory_space<vmem>>
      %dma_start3A_1864 = tpu.memref_squeeze %dma_start3A_1863 : memref<1x104xi32, #tpu.memory_space<vmem>> -> memref<104xi32, #tpu.memory_space<vmem>>
      %dma_start3A_1865 = arith.constant 0 : i32
      %dma_start3A_1866 = arith.constant 0 : i32
      %dma_start3A_1867 = tpu.memref_slice %arg2[%dma_start3A_1865, %dma_start3A_1866] : memref<6656x128xi32, #tpu.memory_space<hbm>> -> memref<6656x128xi32, #tpu.memory_space<hbm>>
      tpu.enqueue_indirect_dma source(%dma_start3A_1867 : memref<6656x128xi32, #tpu.memory_space<hbm>>) target(%dma_start3A_1861 : memref<104x128xi32, #tpu.memory_space<vmem>>) offsets(%dma_start3A_1864 : memref<104xi32, #tpu.memory_space<vmem>>) semaphore(%arg8 : memref<!tpu.dma_semaphore, #tpu.memory_space<semaphore_mem>>)
      %add3A_1868 = arith.constant 1 : i32
      %add3A_1869 = arith.addi %mul3A_1511, %add3A_1868 : i32
      %dma_wait3A_1870 = arith.constant 1 : i32
      %dma_wait3A_1871 = arith.constant 0 : i32
      %dma_wait3A_1872 = arith.constant 0 : i32
      %dma_wait3A_1873 = tpu.memref_slice %arg6[%dma_wait3A_1870, %dma_wait3A_1871, %dma_wait3A_1872] : memref<4x104x128xi32, #tpu.memory_space<vmem>> -> memref<1x104x128xi32, #tpu.memory_space<vmem>>
      %dma_wait3A_1874 = tpu.memref_squeeze %dma_wait3A_1873 : memref<1x104x128xi32, #tpu.memory_space<vmem>> -> memref<104x128xi32, #tpu.memory_space<vmem>>
      %dma_wait3A_1875 = arith.constant 0 : i32
      %dma_wait3A_1876 = tpu.memref_slice %arg5[%add3A_1869, %dma_wait3A_1875] : memref<64x104xi32, #tpu.memory_space<vmem>> -> memref<1x104xi32, #tpu.memory_space<vmem>>
      %dma_wait3A_1877 = tpu.memref_squeeze %dma_wait3A_1876 : memref<1x104xi32, #tpu.memory_space<vmem>> -> memref<104xi32, #tpu.memory_space<vmem>>
      %dma_wait3A_1878 = arith.constant 0 : i32
      %dma_wait3A_1879 = arith.constant 0 : i32
      %dma_wait3A_1880 = tpu.memref_slice %arg2[%dma_wait3A_1878, %dma_wait3A_1879] : memref<6656x128xi32, #tpu.memory_space<hbm>> -> memref<6656x128xi32, #tpu.memory_space<hbm>>
      tpu.wait_indirect_dma semaphore(%arg9 : memref<!tpu.dma_semaphore, #tpu.memory_space<semaphore_mem>>) src(%dma_wait3A_1880 : memref<6656x128xi32, #tpu.memory_space<hbm>>) dst(%dma_wait3A_1874 : memref<104x128xi32, #tpu.memory_space<vmem>>)
      %broadcast_in_dim3A_1881 = arith.constant 0.000000e+00 : f32
      %broadcast_in_dim3A_1882 = vector.broadcast %broadcast_in_dim3A_1881 : f32 to vector<16xf32>
      %broadcast_in_dim3A_1883 = arith.constant 0.000000e+00 : f32
      %broadcast_in_dim3A_1884 = vector.broadcast %broadcast_in_dim3A_1883 : f32 to vector<16xf32>
      %broadcast_in_dim3A_1885 = arith.constant 0.000000e+00 : f32
      %broadcast_in_dim3A_1886 = vector.broadcast %broadcast_in_dim3A_1885 : f32 to vector<16xf32>
      %broadcast_in_dim3A_1887 = arith.constant 0.000000e+00 : f32
      %broadcast_in_dim3A_1888 = vector.broadcast %broadcast_in_dim3A_1887 : f32 to vector<16xf32>
      %broadcast_in_dim3A_1889 = arith.constant 0.000000e+00 : f32
      %broadcast_in_dim3A_1890 = vector.broadcast %broadcast_in_dim3A_1889 : f32 to vector<16xf32>
      %broadcast_in_dim3A_1891 = arith.constant 0.000000e+00 : f32
      %broadcast_in_dim3A_1892 = vector.broadcast %broadcast_in_dim3A_1891 : f32 to vector<16xf32>
      %broadcast_in_dim3A_1893 = arith.constant 0.000000e+00 : f32
      %broadcast_in_dim3A_1894 = vector.broadcast %broadcast_in_dim3A_1893 : f32 to vector<16xf32>
      %broadcast_in_dim3A_1895 = arith.constant 0.000000e+00 : f32
      %broadcast_in_dim3A_1896 = vector.broadcast %broadcast_in_dim3A_1895 : f32 to vector<16xf32>
      %broadcast_in_dim3A_1897 = arith.constant 0.000000e+00 : f32
      %broadcast_in_dim3A_1898 = vector.broadcast %broadcast_in_dim3A_1897 : f32 to vector<16xf32>
      %broadcast_in_dim3A_1899 = arith.constant 0.000000e+00 : f32
      %broadcast_in_dim3A_1900 = vector.broadcast %broadcast_in_dim3A_1899 : f32 to vector<16xf32>
      %broadcast_in_dim3A_1901 = arith.constant 0.000000e+00 : f32
      %broadcast_in_dim3A_1902 = vector.broadcast %broadcast_in_dim3A_1901 : f32 to vector<16xf32>
      %broadcast_in_dim3A_1903 = arith.constant 0.000000e+00 : f32
      %broadcast_in_dim3A_1904 = vector.broadcast %broadcast_in_dim3A_1903 : f32 to vector<16xf32>
      %broadcast_in_dim3A_1905 = arith.constant 0.000000e+00 : f32
      %broadcast_in_dim3A_1906 = vector.broadcast %broadcast_in_dim3A_1905 : f32 to vector<16xf32>
      %broadcast_in_dim3A_1907 = arith.constant 0.000000e+00 : f32
      %broadcast_in_dim3A_1908 = vector.broadcast %broadcast_in_dim3A_1907 : f32 to vector<16xf32>
      %broadcast_in_dim3A_1909 = arith.constant 0.000000e+00 : f32
      %broadcast_in_dim3A_1910 = vector.broadcast %broadcast_in_dim3A_1909 : f32 to vector<16xf32>
      %broadcast_in_dim3A_1911 = arith.constant 0.000000e+00 : f32
      %broadcast_in_dim3A_1912 = vector.broadcast %broadcast_in_dim3A_1911 : f32 to vector<16xf32>
      %mul3A_1913 = arith.constant 2 : i32
      %mul3A_1914 = arith.muli %add3A_1869, %mul3A_1913 : i32
      %add3A_1915 = arith.constant 0 : i32
      %add3A_1916 = arith.addi %mul3A_1914, %add3A_1915 : i32
      %max3A_1917 = arith.constant 0.000000e+00 : f32
      %max3A_1918 = vector.broadcast %max3A_1917 : f32 to vector<16xf32>
      %max3A_1919 = arith.maximumf %broadcast_in_dim3A_1882, %max3A_1918 : vector<16xf32>
      %swap3A_1920 = arith.index_cast %add3A_1916 : i32 to index
      %swap3A_1921 = arith.constant 0 : index
      %swap3A_1922 = tpu.vector_load %arg7[%swap3A_1920, %swap3A_1921] {strides = array<i32>} : memref<128x256xf32, #tpu.memory_space<vmem>>, vector<1x16xf32>,
      %swap3A_1923 = vector.shape_cast %swap3A_1922 : vector<1x16xf32> to vector<16xf32>
      %swap3A_1924 = vector.shape_cast %max3A_1919 : vector<16xf32> to vector<1x16xf32>
      tpu.vector_store %arg7[%swap3A_1920, %swap3A_1921], %swap3A_1924 {strides = array<i32>} : memref<128x256xf32, #tpu.memory_space<vmem>>, vector<1x16xf32>,
      %max3A_1925 = arith.constant 0.000000e+00 : f32
      %max3A_1926 = vector.broadcast %max3A_1925 : f32 to vector<16xf32>
      %max3A_1927 = arith.maximumf %broadcast_in_dim3A_1884, %max3A_1926 : vector<16xf32>
      %swap3A_1928 = arith.index_cast %add3A_1916 : i32 to index
      %swap3A_1929 = arith.constant 128 : index
      %swap3A_1930 = tpu.vector_load %arg7[%swap3A_1928, %swap3A_1929] {strides = array<i32>} : memref<128x256xf32, #tpu.memory_space<vmem>>, vector<1x16xf32>,
      %swap3A_1931 = vector.shape_cast %swap3A_1930 : vector<1x16xf32> to vector<16xf32>
      %swap3A_1932 = vector.shape_cast %max3A_1927 : vector<16xf32> to vector<1x16xf32>
      tpu.vector_store %arg7[%swap3A_1928, %swap3A_1929], %swap3A_1932 {strides = array<i32>} : memref<128x256xf32, #tpu.memory_space<vmem>>, vector<1x16xf32>,
      %max3A_1933 = arith.constant 0.000000e+00 : f32
      %max3A_1934 = vector.broadcast %max3A_1933 : f32 to vector<16xf32>
      %max3A_1935 = arith.maximumf %broadcast_in_dim3A_1886, %max3A_1934 : vector<16xf32>
      %swap3A_1936 = arith.index_cast %add3A_1916 : i32 to index
      %swap3A_1937 = arith.constant 16 : index
      %swap3A_1938 = tpu.vector_load %arg7[%swap3A_1936, %swap3A_1937] {strides = array<i32>} : memref<128x256xf32, #tpu.memory_space<vmem>>, vector<1x16xf32>,
      %swap3A_1939 = vector.shape_cast %swap3A_1938 : vector<1x16xf32> to vector<16xf32>
      %swap3A_1940 = vector.shape_cast %max3A_1935 : vector<16xf32> to vector<1x16xf32>
      tpu.vector_store %arg7[%swap3A_1936, %swap3A_1937], %swap3A_1940 {strides = array<i32>} : memref<128x256xf32, #tpu.memory_space<vmem>>, vector<1x16xf32>,
      %max3A_1941 = arith.constant 0.000000e+00 : f32
      %max3A_1942 = vector.broadcast %max3A_1941 : f32 to vector<16xf32>
      %max3A_1943 = arith.maximumf %broadcast_in_dim3A_1888, %max3A_1942 : vector<16xf32>
      %swap3A_1944 = arith.index_cast %add3A_1916 : i32 to index
      %swap3A_1945 = arith.constant 144 : index
      %swap3A_1946 = tpu.vector_load %arg7[%swap3A_1944, %swap3A_1945] {strides = array<i32>} : memref<128x256xf32, #tpu.memory_space<vmem>>, vector<1x16xf32>,
      %swap3A_1947 = vector.shape_cast %swap3A_1946 : vector<1x16xf32> to vector<16xf32>
      %swap3A_1948 = vector.shape_cast %max3A_1943 : vector<16xf32> to vector<1x16xf32>
      tpu.vector_store %arg7[%swap3A_1944, %swap3A_1945], %swap3A_1948 {strides = array<i32>} : memref<128x256xf32, #tpu.memory_space<vmem>>, vector<1x16xf32>,
      %max3A_1949 = arith.constant 0.000000e+00 : f32
      %max3A_1950 = vector.broadcast %max3A_1949 : f32 to vector<16xf32>
      %max3A_1951 = arith.maximumf %broadcast_in_dim3A_1890, %max3A_1950 : vector<16xf32>
      %swap3A_1952 = arith.index_cast %add3A_1916 : i32 to index
      %swap3A_1953 = arith.constant 32 : index
      %swap3A_1954 = tpu.vector_load %arg7[%swap3A_1952, %swap3A_1953] {strides = array<i32>} : memref<128x256xf32, #tpu.memory_space<vmem>>, vector<1x16xf32>,
      %swap3A_1955 = vector.shape_cast %swap3A_1954 : vector<1x16xf32> to vector<16xf32>
      %swap3A_1956 = vector.shape_cast %max3A_1951 : vector<16xf32> to vector<1x16xf32>
      tpu.vector_store %arg7[%swap3A_1952, %swap3A_1953], %swap3A_1956 {strides = array<i32>} : memref<128x256xf32, #tpu.memory_space<vmem>>, vector<1x16xf32>,
      %max3A_1957 = arith.constant 0.000000e+00 : f32
      %max3A_1958 = vector.broadcast %max3A_1957 : f32 to vector<16xf32>
      %max3A_1959 = arith.maximumf %broadcast_in_dim3A_1892, %max3A_1958 : vector<16xf32>
      %swap3A_1960 = arith.index_cast %add3A_1916 : i32 to index
      %swap3A_1961 = arith.constant 160 : index
      %swap3A_1962 = tpu.vector_load %arg7[%swap3A_1960, %swap3A_1961] {strides = array<i32>} : memref<128x256xf32, #tpu.memory_space<vmem>>, vector<1x16xf32>,
      %swap3A_1963 = vector.shape_cast %swap3A_1962 : vector<1x16xf32> to vector<16xf32>
      %swap3A_1964 = vector.shape_cast %max3A_1959 : vector<16xf32> to vector<1x16xf32>
      tpu.vector_store %arg7[%swap3A_1960, %swap3A_1961], %swap3A_1964 {strides = array<i32>} : memref<128x256xf32, #tpu.memory_space<vmem>>, vector<1x16xf32>,
      %max3A_1965 = arith.constant 0.000000e+00 : f32
      %max3A_1966 = vector.broadcast %max3A_1965 : f32 to vector<16xf32>
      %max3A_1967 = arith.maximumf %broadcast_in_dim3A_1894, %max3A_1966 : vector<16xf32>
      %swap3A_1968 = arith.index_cast %add3A_1916 : i32 to index
      %swap3A_1969 = arith.constant 48 : index
      %swap3A_1970 = tpu.vector_load %arg7[%swap3A_1968, %swap3A_1969] {strides = array<i32>} : memref<128x256xf32, #tpu.memory_space<vmem>>, vector<1x16xf32>,
      %swap3A_1971 = vector.shape_cast %swap3A_1970 : vector<1x16xf32> to vector<16xf32>
      %swap3A_1972 = vector.shape_cast %max3A_1967 : vector<16xf32> to vector<1x16xf32>
      tpu.vector_store %arg7[%swap3A_1968, %swap3A_1969], %swap3A_1972 {strides = array<i32>} : memref<128x256xf32, #tpu.memory_space<vmem>>, vector<1x16xf32>,
      %max3A_1973 = arith.constant 0.000000e+00 : f32
      %max3A_1974 = vector.broadcast %max3A_1973 : f32 to vector<16xf32>
      %max3A_1975 = arith.maximumf %broadcast_in_dim3A_1896, %max3A_1974 : vector<16xf32>
      %swap3A_1976 = arith.index_cast %add3A_1916 : i32 to index
      %swap3A_1977 = arith.constant 176 : index
      %swap3A_1978 = tpu.vector_load %arg7[%swap3A_1976, %swap3A_1977] {strides = array<i32>} : memref<128x256xf32, #tpu.memory_space<vmem>>, vector<1x16xf32>,
      %swap3A_1979 = vector.shape_cast %swap3A_1978 : vector<1x16xf32> to vector<16xf32>
      %swap3A_1980 = vector.shape_cast %max3A_1975 : vector<16xf32> to vector<1x16xf32>
      tpu.vector_store %arg7[%swap3A_1976, %swap3A_1977], %swap3A_1980 {strides = array<i32>} : memref<128x256xf32, #tpu.memory_space<vmem>>, vector<1x16xf32>,
      %max3A_1981 = arith.constant 0.000000e+00 : f32
      %max3A_1982 = vector.broadcast %max3A_1981 : f32 to vector<16xf32>
      %max3A_1983 = arith.maximumf %broadcast_in_dim3A_1898, %max3A_1982 : vector<16xf32>
      %swap3A_1984 = arith.index_cast %add3A_1916 : i32 to index
      %swap3A_1985 = arith.constant 64 : index
      %swap3A_1986 = tpu.vector_load %arg7[%swap3A_1984, %swap3A_1985] {strides = array<i32>} : memref<128x256xf32, #tpu.memory_space<vmem>>, vector<1x16xf32>,
      %swap3A_1987 = vector.shape_cast %swap3A_1986 : vector<1x16xf32> to vector<16xf32>
      %swap3A_1988 = vector.shape_cast %max3A_1983 : vector<16xf32> to vector<1x16xf32>
      tpu.vector_store %arg7[%swap3A_1984, %swap3A_1985], %swap3A_1988 {strides = array<i32>} : memref<128x256xf32, #tpu.memory_space<vmem>>, vector<1x16xf32>,
      %max3A_1989 = arith.constant 0.000000e+00 : f32
      %max3A_1990 = vector.broadcast %max3A_1989 : f32 to vector<16xf32>
      %max3A_1991 = arith.maximumf %broadcast_in_dim3A_1900, %max3A_1990 : vector<16xf32>
      %swap3A_1992 = arith.index_cast %add3A_1916 : i32 to index
      %swap3A_1993 = arith.constant 192 : index
      %swap3A_1994 = tpu.vector_load %arg7[%swap3A_1992, %swap3A_1993] {strides = array<i32>} : memref<128x256xf32, #tpu.memory_space<vmem>>, vector<1x16xf32>,
      %swap3A_1995 = vector.shape_cast %swap3A_1994 : vector<1x16xf32> to vector<16xf32>
      %swap3A_1996 = vector.shape_cast %max3A_1991 : vector<16xf32> to vector<1x16xf32>
      tpu.vector_store %arg7[%swap3A_1992, %swap3A_1993], %swap3A_1996 {strides = array<i32>} : memref<128x256xf32, #tpu.memory_space<vmem>>, vector<1x16xf32>,
      %max3A_1997 = arith.constant 0.000000e+00 : f32
      %max3A_1998 = vector.broadcast %max3A_1997 : f32 to vector<16xf32>
      %max3A_1999 = arith.maximumf %broadcast_in_dim3A_1902, %max3A_1998 : vector<16xf32>
      %swap3A_2000 = arith.index_cast %add3A_1916 : i32 to index
      %swap3A_2001 = arith.constant 80 : index
      %swap3A_2002 = tpu.vector_load %arg7[%swap3A_2000, %swap3A_2001] {strides = array<i32>} : memref<128x256xf32, #tpu.memory_space<vmem>>, vector<1x16xf32>,
      %swap3A_2003 = vector.shape_cast %swap3A_2002 : vector<1x16xf32> to vector<16xf32>
      %swap3A_2004 = vector.shape_cast %max3A_1999 : vector<16xf32> to vector<1x16xf32>
      tpu.vector_store %arg7[%swap3A_2000, %swap3A_2001], %swap3A_2004 {strides = array<i32>} : memref<128x256xf32, #tpu.memory_space<vmem>>, vector<1x16xf32>,
      %max3A_2005 = arith.constant 0.000000e+00 : f32
      %max3A_2006 = vector.broadcast %max3A_2005 : f32 to vector<16xf32>
      %max3A_2007 = arith.maximumf %broadcast_in_dim3A_1904, %max3A_2006 : vector<16xf32>
      %swap3A_2008 = arith.index_cast %add3A_1916 : i32 to index
      %swap3A_2009 = arith.constant 208 : index
      %swap3A_2010 = tpu.vector_load %arg7[%swap3A_2008, %swap3A_2009] {strides = array<i32>} : memref<128x256xf32, #tpu.memory_space<vmem>>, vector<1x16xf32>,
      %swap3A_2011 = vector.shape_cast %swap3A_2010 : vector<1x16xf32> to vector<16xf32>
      %swap3A_2012 = vector.shape_cast %max3A_2007 : vector<16xf32> to vector<1x16xf32>
      tpu.vector_store %arg7[%swap3A_2008, %swap3A_2009], %swap3A_2012 {strides = array<i32>} : memref<128x256xf32, #tpu.memory_space<vmem>>, vector<1x16xf32>,
      %max3A_2013 = arith.constant 0.000000e+00 : f32
      %max3A_2014 = vector.broadcast %max3A_2013 : f32 to vector<16xf32>
      %max3A_2015 = arith.maximumf %broadcast_in_dim3A_1906, %max3A_2014 : vector<16xf32>
      %swap3A_2016 = arith.index_cast %add3A_1916 : i32 to index
      %swap3A_2017 = arith.constant 96 : index
      %swap3A_2018 = tpu.vector_load %arg7[%swap3A_2016, %swap3A_2017] {strides = array<i32>} : memref<128x256xf32, #tpu.memory_space<vmem>>, vector<1x16xf32>,
      %swap3A_2019 = vector.shape_cast %swap3A_2018 : vector<1x16xf32> to vector<16xf32>
      %swap3A_2020 = vector.shape_cast %max3A_2015 : vector<16xf32> to vector<1x16xf32>
      tpu.vector_store %arg7[%swap3A_2016, %swap3A_2017], %swap3A_2020 {strides = array<i32>} : memref<128x256xf32, #tpu.memory_space<vmem>>, vector<1x16xf32>,
      %max3A_2021 = arith.constant 0.000000e+00 : f32
      %max3A_2022 = vector.broadcast %max3A_2021 : f32 to vector<16xf32>
      %max3A_2023 = arith.maximumf %broadcast_in_dim3A_1908, %max3A_2022 : vector<16xf32>
      %swap3A_2024 = arith.index_cast %add3A_1916 : i32 to index
      %swap3A_2025 = arith.constant 224 : index
      %swap3A_2026 = tpu.vector_load %arg7[%swap3A_2024, %swap3A_2025] {strides = array<i32>} : memref<128x256xf32, #tpu.memory_space<vmem>>, vector<1x16xf32>,
      %swap3A_2027 = vector.shape_cast %swap3A_2026 : vector<1x16xf32> to vector<16xf32>
      %swap3A_2028 = vector.shape_cast %max3A_2023 : vector<16xf32> to vector<1x16xf32>
      tpu.vector_store %arg7[%swap3A_2024, %swap3A_2025], %swap3A_2028 {strides = array<i32>} : memref<128x256xf32, #tpu.memory_space<vmem>>, vector<1x16xf32>,
      %max3A_2029 = arith.constant 0.000000e+00 : f32
      %max3A_2030 = vector.broadcast %max3A_2029 : f32 to vector<16xf32>
      %max3A_2031 = arith.maximumf %broadcast_in_dim3A_1910, %max3A_2030 : vector<16xf32>
      %swap3A_2032 = arith.index_cast %add3A_1916 : i32 to index
      %swap3A_2033 = arith.constant 112 : index
      %swap3A_2034 = tpu.vector_load %arg7[%swap3A_2032, %swap3A_2033] {strides = array<i32>} : memref<128x256xf32, #tpu.memory_space<vmem>>, vector<1x16xf32>,
      %swap3A_2035 = vector.shape_cast %swap3A_2034 : vector<1x16xf32> to vector<16xf32>
      %swap3A_2036 = vector.shape_cast %max3A_2031 : vector<16xf32> to vector<1x16xf32>
      tpu.vector_store %arg7[%swap3A_2032, %swap3A_2033], %swap3A_2036 {strides = array<i32>} : memref<128x256xf32, #tpu.memory_space<vmem>>, vector<1x16xf32>,
      %max3A_2037 = arith.constant 0.000000e+00 : f32
      %max3A_2038 = vector.broadcast %max3A_2037 : f32 to vector<16xf32>
      %max3A_2039 = arith.maximumf %broadcast_in_dim3A_1912, %max3A_2038 : vector<16xf32>
      %swap3A_2040 = arith.index_cast %add3A_1916 : i32 to index
      %swap3A_2041 = arith.constant 240 : index
      %swap3A_2042 = tpu.vector_load %arg7[%swap3A_2040, %swap3A_2041] {strides = array<i32>} : memref<128x256xf32, #tpu.memory_space<vmem>>, vector<1x16xf32>,
      %swap3A_2043 = vector.shape_cast %swap3A_2042 : vector<1x16xf32> to vector<16xf32>
      %swap3A_2044 = vector.shape_cast %max3A_2039 : vector<16xf32> to vector<1x16xf32>
      tpu.vector_store %arg7[%swap3A_2040, %swap3A_2041], %swap3A_2044 {strides = array<i32>} : memref<128x256xf32, #tpu.memory_space<vmem>>, vector<1x16xf32>,
      %broadcast_in_dim3A_2045 = arith.constant 0.000000e+00 : f32
      %broadcast_in_dim3A_2046 = vector.broadcast %broadcast_in_dim3A_2045 : f32 to vector<16xf32>
      %broadcast_in_dim3A_2047 = arith.constant 0.000000e+00 : f32
      %broadcast_in_dim3A_2048 = vector.broadcast %broadcast_in_dim3A_2047 : f32 to vector<16xf32>
      %broadcast_in_dim3A_2049 = arith.constant 0.000000e+00 : f32
      %broadcast_in_dim3A_2050 = vector.broadcast %broadcast_in_dim3A_2049 : f32 to vector<16xf32>
      %broadcast_in_dim3A_2051 = arith.constant 0.000000e+00 : f32
      %broadcast_in_dim3A_2052 = vector.broadcast %broadcast_in_dim3A_2051 : f32 to vector<16xf32>
      %broadcast_in_dim3A_2053 = arith.constant 0.000000e+00 : f32
      %broadcast_in_dim3A_2054 = vector.broadcast %broadcast_in_dim3A_2053 : f32 to vector<16xf32>
      %broadcast_in_dim3A_2055 = arith.constant 0.000000e+00 : f32
      %broadcast_in_dim3A_2056 = vector.broadcast %broadcast_in_dim3A_2055 : f32 to vector<16xf32>
      %broadcast_in_dim3A_2057 = arith.constant 0.000000e+00 : f32
      %broadcast_in_dim3A_2058 = vector.broadcast %broadcast_in_dim3A_2057 : f32 to vector<16xf32>
      %broadcast_in_dim3A_2059 = arith.constant 0.000000e+00 : f32
      %broadcast_in_dim3A_2060 = vector.broadcast %broadcast_in_dim3A_2059 : f32 to vector<16xf32>
      %broadcast_in_dim3A_2061 = arith.constant 0.000000e+00 : f32
      %broadcast_in_dim3A_2062 = vector.broadcast %broadcast_in_dim3A_2061 : f32 to vector<16xf32>
      %broadcast_in_dim3A_2063 = arith.constant 0.000000e+00 : f32
      %broadcast_in_dim3A_2064 = vector.broadcast %broadcast_in_dim3A_2063 : f32 to vector<16xf32>
      %broadcast_in_dim3A_2065 = arith.constant 0.000000e+00 : f32
      %broadcast_in_dim3A_2066 = vector.broadcast %broadcast_in_dim3A_2065 : f32 to vector<16xf32>
      %broadcast_in_dim3A_2067 = arith.constant 0.000000e+00 : f32
      %broadcast_in_dim3A_2068 = vector.broadcast %broadcast_in_dim3A_2067 : f32 to vector<16xf32>
      %broadcast_in_dim3A_2069 = arith.constant 0.000000e+00 : f32
      %broadcast_in_dim3A_2070 = vector.broadcast %broadcast_in_dim3A_2069 : f32 to vector<16xf32>
      %broadcast_in_dim3A_2071 = arith.constant 0.000000e+00 : f32
      %broadcast_in_dim3A_2072 = vector.broadcast %broadcast_in_dim3A_2071 : f32 to vector<16xf32>
      %broadcast_in_dim3A_2073 = arith.constant 0.000000e+00 : f32
      %broadcast_in_dim3A_2074 = vector.broadcast %broadcast_in_dim3A_2073 : f32 to vector<16xf32>
      %broadcast_in_dim3A_2075 = arith.constant 0.000000e+00 : f32
      %broadcast_in_dim3A_2076 = vector.broadcast %broadcast_in_dim3A_2075 : f32 to vector<16xf32>
      %mul3A_2077 = arith.constant 2 : i32
      %mul3A_2078 = arith.muli %add3A_1869, %mul3A_2077 : i32
      %add3A_2079 = arith.constant 1 : i32
      %add3A_2080 = arith.addi %mul3A_2078, %add3A_2079 : i32
      %max3A_2081 = arith.constant 0.000000e+00 : f32
      %max3A_2082 = vector.broadcast %max3A_2081 : f32 to vector<16xf32>
      %max3A_2083 = arith.maximumf %broadcast_in_dim3A_2046, %max3A_2082 : vector<16xf32>
      %swap3A_2084 = arith.index_cast %add3A_2080 : i32 to index
      %swap3A_2085 = arith.constant 0 : index
      %swap3A_2086 = tpu.vector_load %arg7[%swap3A_2084, %swap3A_2085] {strides = array<i32>} : memref<128x256xf32, #tpu.memory_space<vmem>>, vector<1x16xf32>,
      %swap3A_2087 = vector.shape_cast %swap3A_2086 : vector<1x16xf32> to vector<16xf32>
      %swap3A_2088 = vector.shape_cast %max3A_2083 : vector<16xf32> to vector<1x16xf32>
      tpu.vector_store %arg7[%swap3A_2084, %swap3A_2085], %swap3A_2088 {strides = array<i32>} : memref<128x256xf32, #tpu.memory_space<vmem>>, vector<1x16xf32>,
      %max3A_2089 = arith.constant 0.000000e+00 : f32
      %max3A_2090 = vector.broadcast %max3A_2089 : f32 to vector<16xf32>
      %max3A_2091 = arith.maximumf %broadcast_in_dim3A_2048, %max3A_2090 : vector<16xf32>
      %swap3A_2092 = arith.index_cast %add3A_2080 : i32 to index
      %swap3A_2093 = arith.constant 128 : index
      %swap3A_2094 = tpu.vector_load %arg7[%swap3A_2092, %swap3A_2093] {strides = array<i32>} : memref<128x256xf32, #tpu.memory_space<vmem>>, vector<1x16xf32>,
      %swap3A_2095 = vector.shape_cast %swap3A_2094 : vector<1x16xf32> to vector<16xf32>
      %swap3A_2096 = vector.shape_cast %max3A_2091 : vector<16xf32> to vector<1x16xf32>
      tpu.vector_store %arg7[%swap3A_2092, %swap3A_2093], %swap3A_2096 {strides = array<i32>} : memref<128x256xf32, #tpu.memory_space<vmem>>, vector<1x16xf32>,
      %max3A_2097 = arith.constant 0.000000e+00 : f32
      %max3A_2098 = vector.broadcast %max3A_2097 : f32 to vector<16xf32>
      %max3A_2099 = arith.maximumf %broadcast_in_dim3A_2050, %max3A_2098 : vector<16xf32>
      %swap3A_2100 = arith.index_cast %add3A_2080 : i32 to index
      %swap3A_2101 = arith.constant 16 : index
      %swap3A_2102 = tpu.vector_load %arg7[%swap3A_2100, %swap3A_2101] {strides = array<i32>} : memref<128x256xf32, #tpu.memory_space<vmem>>, vector<1x16xf32>,
      %swap3A_2103 = vector.shape_cast %swap3A_2102 : vector<1x16xf32> to vector<16xf32>
      %swap3A_2104 = vector.shape_cast %max3A_2099 : vector<16xf32> to vector<1x16xf32>
      tpu.vector_store %arg7[%swap3A_2100, %swap3A_2101], %swap3A_2104 {strides = array<i32>} : memref<128x256xf32, #tpu.memory_space<vmem>>, vector<1x16xf32>,
      %max3A_2105 = arith.constant 0.000000e+00 : f32
      %max3A_2106 = vector.broadcast %max3A_2105 : f32 to vector<16xf32>
      %max3A_2107 = arith.maximumf %broadcast_in_dim3A_2052, %max3A_2106 : vector<16xf32>
      %swap3A_2108 = arith.index_cast %add3A_2080 : i32 to index
      %swap3A_2109 = arith.constant 144 : index
      %swap3A_2110 = tpu.vector_load %arg7[%swap3A_2108, %swap3A_2109] {strides = array<i32>} : memref<128x256xf32, #tpu.memory_space<vmem>>, vector<1x16xf32>,
      %swap3A_2111 = vector.shape_cast %swap3A_2110 : vector<1x16xf32> to vector<16xf32>
      %swap3A_2112 = vector.shape_cast %max3A_2107 : vector<16xf32> to vector<1x16xf32>
      tpu.vector_store %arg7[%swap3A_2108, %swap3A_2109], %swap3A_2112 {strides = array<i32>} : memref<128x256xf32, #tpu.memory_space<vmem>>, vector<1x16xf32>,
      %max3A_2113 = arith.constant 0.000000e+00 : f32
      %max3A_2114 = vector.broadcast %max3A_2113 : f32 to vector<16xf32>
      %max3A_2115 = arith.maximumf %broadcast_in_dim3A_2054, %max3A_2114 : vector<16xf32>
      %swap3A_2116 = arith.index_cast %add3A_2080 : i32 to index
      %swap3A_2117 = arith.constant 32 : index
      %swap3A_2118 = tpu.vector_load %arg7[%swap3A_2116, %swap3A_2117] {strides = array<i32>} : memref<128x256xf32, #tpu.memory_space<vmem>>, vector<1x16xf32>,
      %swap3A_2119 = vector.shape_cast %swap3A_2118 : vector<1x16xf32> to vector<16xf32>
      %swap3A_2120 = vector.shape_cast %max3A_2115 : vector<16xf32> to vector<1x16xf32>
      tpu.vector_store %arg7[%swap3A_2116, %swap3A_2117], %swap3A_2120 {strides = array<i32>} : memref<128x256xf32, #tpu.memory_space<vmem>>, vector<1x16xf32>,
      %max3A_2121 = arith.constant 0.000000e+00 : f32
      %max3A_2122 = vector.broadcast %max3A_2121 : f32 to vector<16xf32>
      %max3A_2123 = arith.maximumf %broadcast_in_dim3A_2056, %max3A_2122 : vector<16xf32>
      %swap3A_2124 = arith.index_cast %add3A_2080 : i32 to index
      %swap3A_2125 = arith.constant 160 : index
      %swap3A_2126 = tpu.vector_load %arg7[%swap3A_2124, %swap3A_2125] {strides = array<i32>} : memref<128x256xf32, #tpu.memory_space<vmem>>, vector<1x16xf32>,
      %swap3A_2127 = vector.shape_cast %swap3A_2126 : vector<1x16xf32> to vector<16xf32>
      %swap3A_2128 = vector.shape_cast %max3A_2123 : vector<16xf32> to vector<1x16xf32>
      tpu.vector_store %arg7[%swap3A_2124, %swap3A_2125], %swap3A_2128 {strides = array<i32>} : memref<128x256xf32, #tpu.memory_space<vmem>>, vector<1x16xf32>,
      %max3A_2129 = arith.constant 0.000000e+00 : f32
      %max3A_2130 = vector.broadcast %max3A_2129 : f32 to vector<16xf32>
      %max3A_2131 = arith.maximumf %broadcast_in_dim3A_2058, %max3A_2130 : vector<16xf32>
      %swap3A_2132 = arith.index_cast %add3A_2080 : i32 to index
      %swap3A_2133 = arith.constant 48 : index
      %swap3A_2134 = tpu.vector_load %arg7[%swap3A_2132, %swap3A_2133] {strides = array<i32>} : memref<128x256xf32, #tpu.memory_space<vmem>>, vector<1x16xf32>,
      %swap3A_2135 = vector.shape_cast %swap3A_2134 : vector<1x16xf32> to vector<16xf32>
      %swap3A_2136 = vector.shape_cast %max3A_2131 : vector<16xf32> to vector<1x16xf32>
      tpu.vector_store %arg7[%swap3A_2132, %swap3A_2133], %swap3A_2136 {strides = array<i32>} : memref<128x256xf32, #tpu.memory_space<vmem>>, vector<1x16xf32>,
      %max3A_2137 = arith.constant 0.000000e+00 : f32
      %max3A_2138 = vector.broadcast %max3A_2137 : f32 to vector<16xf32>
      %max3A_2139 = arith.maximumf %broadcast_in_dim3A_2060, %max3A_2138 : vector<16xf32>
      %swap3A_2140 = arith.index_cast %add3A_2080 : i32 to index
      %swap3A_2141 = arith.constant 176 : index
      %swap3A_2142 = tpu.vector_load %arg7[%swap3A_2140, %swap3A_2141] {strides = array<i32>} : memref<128x256xf32, #tpu.memory_space<vmem>>, vector<1x16xf32>,
      %swap3A_2143 = vector.shape_cast %swap3A_2142 : vector<1x16xf32> to vector<16xf32>
      %swap3A_2144 = vector.shape_cast %max3A_2139 : vector<16xf32> to vector<1x16xf32>
      tpu.vector_store %arg7[%swap3A_2140, %swap3A_2141], %swap3A_2144 {strides = array<i32>} : memref<128x256xf32, #tpu.memory_space<vmem>>, vector<1x16xf32>,
      %max3A_2145 = arith.constant 0.000000e+00 : f32
      %max3A_2146 = vector.broadcast %max3A_2145 : f32 to vector<16xf32>
      %max3A_2147 = arith.maximumf %broadcast_in_dim3A_2062, %max3A_2146 : vector<16xf32>
      %swap3A_2148 = arith.index_cast %add3A_2080 : i32 to index
      %swap3A_2149 = arith.constant 64 : index
      %swap3A_2150 = tpu.vector_load %arg7[%swap3A_2148, %swap3A_2149] {strides = array<i32>} : memref<128x256xf32, #tpu.memory_space<vmem>>, vector<1x16xf32>,
      %swap3A_2151 = vector.shape_cast %swap3A_2150 : vector<1x16xf32> to vector<16xf32>
      %swap3A_2152 = vector.shape_cast %max3A_2147 : vector<16xf32> to vector<1x16xf32>
      tpu.vector_store %arg7[%swap3A_2148, %swap3A_2149], %swap3A_2152 {strides = array<i32>} : memref<128x256xf32, #tpu.memory_space<vmem>>, vector<1x16xf32>,
      %max3A_2153 = arith.constant 0.000000e+00 : f32
      %max3A_2154 = vector.broadcast %max3A_2153 : f32 to vector<16xf32>
      %max3A_2155 = arith.maximumf %broadcast_in_dim3A_2064, %max3A_2154 : vector<16xf32>
      %swap3A_2156 = arith.index_cast %add3A_2080 : i32 to index
      %swap3A_2157 = arith.constant 192 : index
      %swap3A_2158 = tpu.vector_load %arg7[%swap3A_2156, %swap3A_2157] {strides = array<i32>} : memref<128x256xf32, #tpu.memory_space<vmem>>, vector<1x16xf32>,
      %swap3A_2159 = vector.shape_cast %swap3A_2158 : vector<1x16xf32> to vector<16xf32>
      %swap3A_2160 = vector.shape_cast %max3A_2155 : vector<16xf32> to vector<1x16xf32>
      tpu.vector_store %arg7[%swap3A_2156, %swap3A_2157], %swap3A_2160 {strides = array<i32>} : memref<128x256xf32, #tpu.memory_space<vmem>>, vector<1x16xf32>,
      %max3A_2161 = arith.constant 0.000000e+00 : f32
      %max3A_2162 = vector.broadcast %max3A_2161 : f32 to vector<16xf32>
      %max3A_2163 = arith.maximumf %broadcast_in_dim3A_2066, %max3A_2162 : vector<16xf32>
      %swap3A_2164 = arith.index_cast %add3A_2080 : i32 to index
      %swap3A_2165 = arith.constant 80 : index
      %swap3A_2166 = tpu.vector_load %arg7[%swap3A_2164, %swap3A_2165] {strides = array<i32>} : memref<128x256xf32, #tpu.memory_space<vmem>>, vector<1x16xf32>,
      %swap3A_2167 = vector.shape_cast %swap3A_2166 : vector<1x16xf32> to vector<16xf32>
      %swap3A_2168 = vector.shape_cast %max3A_2163 : vector<16xf32> to vector<1x16xf32>
      tpu.vector_store %arg7[%swap3A_2164, %swap3A_2165], %swap3A_2168 {strides = array<i32>} : memref<128x256xf32, #tpu.memory_space<vmem>>, vector<1x16xf32>,
      %max3A_2169 = arith.constant 0.000000e+00 : f32
      %max3A_2170 = vector.broadcast %max3A_2169 : f32 to vector<16xf32>
      %max3A_2171 = arith.maximumf %broadcast_in_dim3A_2068, %max3A_2170 : vector<16xf32>
      %swap3A_2172 = arith.index_cast %add3A_2080 : i32 to index
      %swap3A_2173 = arith.constant 208 : index
      %swap3A_2174 = tpu.vector_load %arg7[%swap3A_2172, %swap3A_2173] {strides = array<i32>} : memref<128x256xf32, #tpu.memory_space<vmem>>, vector<1x16xf32>,
      %swap3A_2175 = vector.shape_cast %swap3A_2174 : vector<1x16xf32> to vector<16xf32>
      %swap3A_2176 = vector.shape_cast %max3A_2171 : vector<16xf32> to vector<1x16xf32>
      tpu.vector_store %arg7[%swap3A_2172, %swap3A_2173], %swap3A_2176 {strides = array<i32>} : memref<128x256xf32, #tpu.memory_space<vmem>>, vector<1x16xf32>,
      %max3A_2177 = arith.constant 0.000000e+00 : f32
      %max3A_2178 = vector.broadcast %max3A_2177 : f32 to vector<16xf32>
      %max3A_2179 = arith.maximumf %broadcast_in_dim3A_2070, %max3A_2178 : vector<16xf32>
      %swap3A_2180 = arith.index_cast %add3A_2080 : i32 to index
      %swap3A_2181 = arith.constant 96 : index
      %swap3A_2182 = tpu.vector_load %arg7[%swap3A_2180, %swap3A_2181] {strides = array<i32>} : memref<128x256xf32, #tpu.memory_space<vmem>>, vector<1x16xf32>,
      %swap3A_2183 = vector.shape_cast %swap3A_2182 : vector<1x16xf32> to vector<16xf32>
      %swap3A_2184 = vector.shape_cast %max3A_2179 : vector<16xf32> to vector<1x16xf32>
      tpu.vector_store %arg7[%swap3A_2180, %swap3A_2181], %swap3A_2184 {strides = array<i32>} : memref<128x256xf32, #tpu.memory_space<vmem>>, vector<1x16xf32>,
      %max3A_2185 = arith.constant 0.000000e+00 : f32
      %max3A_2186 = vector.broadcast %max3A_2185 : f32 to vector<16xf32>
      %max3A_2187 = arith.maximumf %broadcast_in_dim3A_2072, %max3A_2186 : vector<16xf32>
      %swap3A_2188 = arith.index_cast %add3A_2080 : i32 to index
      %swap3A_2189 = arith.constant 224 : index
      %swap3A_2190 = tpu.vector_load %arg7[%swap3A_2188, %swap3A_2189] {strides = array<i32>} : memref<128x256xf32, #tpu.memory_space<vmem>>, vector<1x16xf32>,
      %swap3A_2191 = vector.shape_cast %swap3A_2190 : vector<1x16xf32> to vector<16xf32>
      %swap3A_2192 = vector.shape_cast %max3A_2187 : vector<16xf32> to vector<1x16xf32>
      tpu.vector_store %arg7[%swap3A_2188, %swap3A_2189], %swap3A_2192 {strides = array<i32>} : memref<128x256xf32, #tpu.memory_space<vmem>>, vector<1x16xf32>,
      %max3A_2193 = arith.constant 0.000000e+00 : f32
      %max3A_2194 = vector.broadcast %max3A_2193 : f32 to vector<16xf32>
      %max3A_2195 = arith.maximumf %broadcast_in_dim3A_2074, %max3A_2194 : vector<16xf32>
      %swap3A_2196 = arith.index_cast %add3A_2080 : i32 to index
      %swap3A_2197 = arith.constant 112 : index
      %swap3A_2198 = tpu.vector_load %arg7[%swap3A_2196, %swap3A_2197] {strides = array<i32>} : memref<128x256xf32, #tpu.memory_space<vmem>>, vector<1x16xf32>,
      %swap3A_2199 = vector.shape_cast %swap3A_2198 : vector<1x16xf32> to vector<16xf32>
      %swap3A_2200 = vector.shape_cast %max3A_2195 : vector<16xf32> to vector<1x16xf32>
      tpu.vector_store %arg7[%swap3A_2196, %swap3A_2197], %swap3A_2200 {strides = array<i32>} : memref<128x256xf32, #tpu.memory_space<vmem>>, vector<1x16xf32>,
      %max3A_2201 = arith.constant 0.000000e+00 : f32
      %max3A_2202 = vector.broadcast %max3A_2201 : f32 to vector<16xf32>
      %max3A_2203 = arith.maximumf %broadcast_in_dim3A_2076, %max3A_2202 : vector<16xf32>
      %swap3A_2204 = arith.index_cast %add3A_2080 : i32 to index
      %swap3A_2205 = arith.constant 240 : index
      %swap3A_2206 = tpu.vector_load %arg7[%swap3A_2204, %swap3A_2205] {strides = array<i32>} : memref<128x256xf32, #tpu.memory_space<vmem>>, vector<1x16xf32>,
      %swap3A_2207 = vector.shape_cast %swap3A_2206 : vector<1x16xf32> to vector<16xf32>
      %swap3A_2208 = vector.shape_cast %max3A_2203 : vector<16xf32> to vector<1x16xf32>
      tpu.vector_store %arg7[%swap3A_2204, %swap3A_2205], %swap3A_2208 {strides = array<i32>} : memref<128x256xf32, #tpu.memory_space<vmem>>, vector<1x16xf32>,
      %add3A_2209 = arith.constant 1 : i32
      %add3A_2210 = arith.addi %mul3A_1511, %add3A_2209 : i32
      %add3A_2211 = arith.constant 4 : i32
      %add3A_2212 = arith.addi %add3A_2210, %add3A_2211 : i32
      %dma_start3A_2213 = arith.constant 1 : i32
      %dma_start3A_2214 = arith.constant 0 : i32
      %dma_start3A_2215 = arith.constant 0 : i32
      %dma_start3A_2216 = tpu.memref_slice %arg6[%dma_start3A_2213, %dma_start3A_2214, %dma_start3A_2215] : memref<4x104x128xi32, #tpu.memory_space<vmem>> -> memref<1x104x128xi32, #tpu.memory_space<vmem>>
      %dma_start3A_2217 = tpu.memref_squeeze %dma_start3A_2216 : memref<1x104x128xi32, #tpu.memory_space<vmem>> -> memref<104x128xi32, #tpu.memory_space<vmem>>
      %dma_start3A_2218 = arith.constant 0 : i32
      %dma_start3A_2219 = tpu.memref_slice %arg5[%add3A_2212, %dma_start3A_2218] : memref<64x104xi32, #tpu.memory_space<vmem>> -> memref<1x104xi32, #tpu.memory_space<vmem>>
      %dma_start3A_2220 = tpu.memref_squeeze %dma_start3A_2219 : memref<1x104xi32, #tpu.memory_space<vmem>> -> memref<104xi32, #tpu.memory_space<vmem>>
      %dma_start3A_2221 = arith.constant 0 : i32
      %dma_start3A_2222 = arith.constant 0 : i32
      %dma_start3A_2223 = tpu.memref_slice %arg2[%dma_start3A_2221, %dma_start3A_2222] : memref<6656x128xi32, #tpu.memory_space<hbm>> -> memref<6656x128xi32, #tpu.memory_space<hbm>>
      tpu.enqueue_indirect_dma source(%dma_start3A_2223 : memref<6656x128xi32, #tpu.memory_space<hbm>>) target(%dma_start3A_2217 : memref<104x128xi32, #tpu.memory_space<vmem>>) offsets(%dma_start3A_2220 : memref<104xi32, #tpu.memory_space<vmem>>) semaphore(%arg9 : memref<!tpu.dma_semaphore, #tpu.memory_space<semaphore_mem>>)
      %add3A_2224 = arith.constant 2 : i32
      %add3A_2225 = arith.addi %mul3A_1511, %add3A_2224 : i32
      %dma_wait3A_2226 = arith.constant 2 : i32
      %dma_wait3A_2227 = arith.constant 0 : i32
      %dma_wait3A_2228 = arith.constant 0 : i32
      %dma_wait3A_2229 = tpu.memref_slice %arg6[%dma_wait3A_2226, %dma_wait3A_2227, %dma_wait3A_2228] : memref<4x104x128xi32, #tpu.memory_space<vmem>> -> memref<1x104x128xi32, #tpu.memory_space<vmem>>
      %dma_wait3A_2230 = tpu.memref_squeeze %dma_wait3A_2229 : memref<1x104x128xi32, #tpu.memory_space<vmem>> -> memref<104x128xi32, #tpu.memory_space<vmem>>
      %dma_wait3A_2231 = arith.constant 0 : i32
      %dma_wait3A_2232 = tpu.memref_slice %arg5[%add3A_2225, %dma_wait3A_2231] : memref<64x104xi32, #tpu.memory_space<vmem>> -> memref<1x104xi32, #tpu.memory_space<vmem>>
      %dma_wait3A_2233 = tpu.memref_squeeze %dma_wait3A_2232 : memref<1x104xi32, #tpu.memory_space<vmem>> -> memref<104xi32, #tpu.memory_space<vmem>>
      %dma_wait3A_2234 = arith.constant 0 : i32
      %dma_wait3A_2235 = arith.constant 0 : i32
      %dma_wait3A_2236 = tpu.memref_slice %arg2[%dma_wait3A_2234, %dma_wait3A_2235] : memref<6656x128xi32, #tpu.memory_space<hbm>> -> memref<6656x128xi32, #tpu.memory_space<hbm>>
      tpu.wait_indirect_dma semaphore(%arg10 : memref<!tpu.dma_semaphore, #tpu.memory_space<semaphore_mem>>) src(%dma_wait3A_2236 : memref<6656x128xi32, #tpu.memory_space<hbm>>) dst(%dma_wait3A_2230 : memref<104x128xi32, #tpu.memory_space<vmem>>)
      %broadcast_in_dim3A_2237 = arith.constant 0.000000e+00 : f32
      %broadcast_in_dim3A_2238 = vector.broadcast %broadcast_in_dim3A_2237 : f32 to vector<16xf32>
      %broadcast_in_dim3A_2239 = arith.constant 0.000000e+00 : f32
      %broadcast_in_dim3A_2240 = vector.broadcast %broadcast_in_dim3A_2239 : f32 to vector<16xf32>
      %broadcast_in_dim3A_2241 = arith.constant 0.000000e+00 : f32
      %broadcast_in_dim3A_2242 = vector.broadcast %broadcast_in_dim3A_2241 : f32 to vector<16xf32>
      %broadcast_in_dim3A_2243 = arith.constant 0.000000e+00 : f32
      %broadcast_in_dim3A_2244 = vector.broadcast %broadcast_in_dim3A_2243 : f32 to vector<16xf32>
      %broadcast_in_dim3A_2245 = arith.constant 0.000000e+00 : f32
      %broadcast_in_dim3A_2246 = vector.broadcast %broadcast_in_dim3A_2245 : f32 to vector<16xf32>
      %broadcast_in_dim3A_2247 = arith.constant 0.000000e+00 : f32
      %broadcast_in_dim3A_2248 = vector.broadcast %broadcast_in_dim3A_2247 : f32 to vector<16xf32>
      %broadcast_in_dim3A_2249 = arith.constant 0.000000e+00 : f32
      %broadcast_in_dim3A_2250 = vector.broadcast %broadcast_in_dim3A_2249 : f32 to vector<16xf32>
      %broadcast_in_dim3A_2251 = arith.constant 0.000000e+00 : f32
      %broadcast_in_dim3A_2252 = vector.broadcast %broadcast_in_dim3A_2251 : f32 to vector<16xf32>
      %broadcast_in_dim3A_2253 = arith.constant 0.000000e+00 : f32
      %broadcast_in_dim3A_2254 = vector.broadcast %broadcast_in_dim3A_2253 : f32 to vector<16xf32>
      %broadcast_in_dim3A_2255 = arith.constant 0.000000e+00 : f32
      %broadcast_in_dim3A_2256 = vector.broadcast %broadcast_in_dim3A_2255 : f32 to vector<16xf32>
      %broadcast_in_dim3A_2257 = arith.constant 0.000000e+00 : f32
      %broadcast_in_dim3A_2258 = vector.broadcast %broadcast_in_dim3A_2257 : f32 to vector<16xf32>
      %broadcast_in_dim3A_2259 = arith.constant 0.000000e+00 : f32
      %broadcast_in_dim3A_2260 = vector.broadcast %broadcast_in_dim3A_2259 : f32 to vector<16xf32>
      %broadcast_in_dim3A_2261 = arith.constant 0.000000e+00 : f32
      %broadcast_in_dim3A_2262 = vector.broadcast %broadcast_in_dim3A_2261 : f32 to vector<16xf32>
      %broadcast_in_dim3A_2263 = arith.constant 0.000000e+00 : f32
      %broadcast_in_dim3A_2264 = vector.broadcast %broadcast_in_dim3A_2263 : f32 to vector<16xf32>
      %broadcast_in_dim3A_2265 = arith.constant 0.000000e+00 : f32
      %broadcast_in_dim3A_2266 = vector.broadcast %broadcast_in_dim3A_2265 : f32 to vector<16xf32>
      %broadcast_in_dim3A_2267 = arith.constant 0.000000e+00 : f32
      %broadcast_in_dim3A_2268 = vector.broadcast %broadcast_in_dim3A_2267 : f32 to vector<16xf32>
      %mul3A_2269 = arith.constant 2 : i32
      %mul3A_2270 = arith.muli %add3A_2225, %mul3A_2269 : i32
      %add3A_2271 = arith.constant 0 : i32
      %add3A_2272 = arith.addi %mul3A_2270, %add3A_2271 : i32
      %max3A_2273 = arith.constant 0.000000e+00 : f32
      %max3A_2274 = vector.broadcast %max3A_2273 : f32 to vector<16xf32>
      %max3A_2275 = arith.maximumf %broadcast_in_dim3A_2238, %max3A_2274 : vector<16xf32>
      %swap3A_2276 = arith.index_cast %add3A_2272 : i32 to index
      %swap3A_2277 = arith.constant 0 : index
      %swap3A_2278 = tpu.vector_load %arg7[%swap3A_2276, %swap3A_2277] {strides = array<i32>} : memref<128x256xf32, #tpu.memory_space<vmem>>, vector<1x16xf32>,
      %swap3A_2279 = vector.shape_cast %swap3A_2278 : vector<1x16xf32> to vector<16xf32>
      %swap3A_2280 = vector.shape_cast %max3A_2275 : vector<16xf32> to vector<1x16xf32>
      tpu.vector_store %arg7[%swap3A_2276, %swap3A_2277], %swap3A_2280 {strides = array<i32>} : memref<128x256xf32, #tpu.memory_space<vmem>>, vector<1x16xf32>,
      %max3A_2281 = arith.constant 0.000000e+00 : f32
      %max3A_2282 = vector.broadcast %max3A_2281 : f32 to vector<16xf32>
      %max3A_2283 = arith.maximumf %broadcast_in_dim3A_2240, %max3A_2282 : vector<16xf32>
      %swap3A_2284 = arith.index_cast %add3A_2272 : i32 to index
      %swap3A_2285 = arith.constant 128 : index
      %swap3A_2286 = tpu.vector_load %arg7[%swap3A_2284, %swap3A_2285] {strides = array<i32>} : memref<128x256xf32, #tpu.memory_space<vmem>>, vector<1x16xf32>,
      %swap3A_2287 = vector.shape_cast %swap3A_2286 : vector<1x16xf32> to vector<16xf32>
      %swap3A_2288 = vector.shape_cast %max3A_2283 : vector<16xf32> to vector<1x16xf32>
      tpu.vector_store %arg7[%swap3A_2284, %swap3A_2285], %swap3A_2288 {strides = array<i32>} : memref<128x256xf32, #tpu.memory_space<vmem>>, vector<1x16xf32>,
      %max3A_2289 = arith.constant 0.000000e+00 : f32
      %max3A_2290 = vector.broadcast %max3A_2289 : f32 to vector<16xf32>
      %max3A_2291 = arith.maximumf %broadcast_in_dim3A_2242, %max3A_2290 : vector<16xf32>
      %swap3A_2292 = arith.index_cast %add3A_2272 : i32 to index
      %swap3A_2293 = arith.constant 16 : index
      %swap3A_2294 = tpu.vector_load %arg7[%swap3A_2292, %swap3A_2293] {strides = array<i32>} : memref<128x256xf32, #tpu.memory_space<vmem>>, vector<1x16xf32>,
      %swap3A_2295 = vector.shape_cast %swap3A_2294 : vector<1x16xf32> to vector<16xf32>
      %swap3A_2296 = vector.shape_cast %max3A_2291 : vector<16xf32> to vector<1x16xf32>
      tpu.vector_store %arg7[%swap3A_2292, %swap3A_2293], %swap3A_2296 {strides = array<i32>} : memref<128x256xf32, #tpu.memory_space<vmem>>, vector<1x16xf32>,
      %max3A_2297 = arith.constant 0.000000e+00 : f32
      %max3A_2298 = vector.broadcast %max3A_2297 : f32 to vector<16xf32>
      %max3A_2299 = arith.maximumf %broadcast_in_dim3A_2244, %max3A_2298 : vector<16xf32>
      %swap3A_2300 = arith.index_cast %add3A_2272 : i32 to index
      %swap3A_2301 = arith.constant 144 : index
      %swap3A_2302 = tpu.vector_load %arg7[%swap3A_2300, %swap3A_2301] {strides = array<i32>} : memref<128x256xf32, #tpu.memory_space<vmem>>, vector<1x16xf32>,
      %swap3A_2303 = vector.shape_cast %swap3A_2302 : vector<1x16xf32> to vector<16xf32>
      %swap3A_2304 = vector.shape_cast %max3A_2299 : vector<16xf32> to vector<1x16xf32>
      tpu.vector_store %arg7[%swap3A_2300, %swap3A_2301], %swap3A_2304 {strides = array<i32>} : memref<128x256xf32, #tpu.memory_space<vmem>>, vector<1x16xf32>,
      %max3A_2305 = arith.constant 0.000000e+00 : f32
      %max3A_2306 = vector.broadcast %max3A_2305 : f32 to vector<16xf32>
      %max3A_2307 = arith.maximumf %broadcast_in_dim3A_2246, %max3A_2306 : vector<16xf32>
      %swap3A_2308 = arith.index_cast %add3A_2272 : i32 to index
      %swap3A_2309 = arith.constant 32 : index
      %swap3A_2310 = tpu.vector_load %arg7[%swap3A_2308, %swap3A_2309] {strides = array<i32>} : memref<128x256xf32, #tpu.memory_space<vmem>>, vector<1x16xf32>,
      %swap3A_2311 = vector.shape_cast %swap3A_2310 : vector<1x16xf32> to vector<16xf32>
      %swap3A_2312 = vector.shape_cast %max3A_2307 : vector<16xf32> to vector<1x16xf32>
      tpu.vector_store %arg7[%swap3A_2308, %swap3A_2309], %swap3A_2312 {strides = array<i32>} : memref<128x256xf32, #tpu.memory_space<vmem>>, vector<1x16xf32>,
      %max3A_2313 = arith.constant 0.000000e+00 : f32
      %max3A_2314 = vector.broadcast %max3A_2313 : f32 to vector<16xf32>
      %max3A_2315 = arith.maximumf %broadcast_in_dim3A_2248, %max3A_2314 : vector<16xf32>
      %swap3A_2316 = arith.index_cast %add3A_2272 : i32 to index
      %swap3A_2317 = arith.constant 160 : index
      %swap3A_2318 = tpu.vector_load %arg7[%swap3A_2316, %swap3A_2317] {strides = array<i32>} : memref<128x256xf32, #tpu.memory_space<vmem>>, vector<1x16xf32>,
      %swap3A_2319 = vector.shape_cast %swap3A_2318 : vector<1x16xf32> to vector<16xf32>
      %swap3A_2320 = vector.shape_cast %max3A_2315 : vector<16xf32> to vector<1x16xf32>
      tpu.vector_store %arg7[%swap3A_2316, %swap3A_2317], %swap3A_2320 {strides = array<i32>} : memref<128x256xf32, #tpu.memory_space<vmem>>, vector<1x16xf32>,
      %max3A_2321 = arith.constant 0.000000e+00 : f32
      %max3A_2322 = vector.broadcast %max3A_2321 : f32 to vector<16xf32>
      %max3A_2323 = arith.maximumf %broadcast_in_dim3A_2250, %max3A_2322 : vector<16xf32>
      %swap3A_2324 = arith.index_cast %add3A_2272 : i32 to index
      %swap3A_2325 = arith.constant 48 : index
      %swap3A_2326 = tpu.vector_load %arg7[%swap3A_2324, %swap3A_2325] {strides = array<i32>} : memref<128x256xf32, #tpu.memory_space<vmem>>, vector<1x16xf32>,
      %swap3A_2327 = vector.shape_cast %swap3A_2326 : vector<1x16xf32> to vector<16xf32>
      %swap3A_2328 = vector.shape_cast %max3A_2323 : vector<16xf32> to vector<1x16xf32>
      tpu.vector_store %arg7[%swap3A_2324, %swap3A_2325], %swap3A_2328 {strides = array<i32>} : memref<128x256xf32, #tpu.memory_space<vmem>>, vector<1x16xf32>,
      %max3A_2329 = arith.constant 0.000000e+00 : f32
      %max3A_2330 = vector.broadcast %max3A_2329 : f32 to vector<16xf32>
      %max3A_2331 = arith.maximumf %broadcast_in_dim3A_2252, %max3A_2330 : vector<16xf32>
      %swap3A_2332 = arith.index_cast %add3A_2272 : i32 to index
      %swap3A_2333 = arith.constant 176 : index
      %swap3A_2334 = tpu.vector_load %arg7[%swap3A_2332, %swap3A_2333] {strides = array<i32>} : memref<128x256xf32, #tpu.memory_space<vmem>>, vector<1x16xf32>,
      %swap3A_2335 = vector.shape_cast %swap3A_2334 : vector<1x16xf32> to vector<16xf32>
      %swap3A_2336 = vector.shape_cast %max3A_2331 : vector<16xf32> to vector<1x16xf32>
      tpu.vector_store %arg7[%swap3A_2332, %swap3A_2333], %swap3A_2336 {strides = array<i32>} : memref<128x256xf32, #tpu.memory_space<vmem>>, vector<1x16xf32>,
      %max3A_2337 = arith.constant 0.000000e+00 : f32
      %max3A_2338 = vector.broadcast %max3A_2337 : f32 to vector<16xf32>
      %max3A_2339 = arith.maximumf %broadcast_in_dim3A_2254, %max3A_2338 : vector<16xf32>
      %swap3A_2340 = arith.index_cast %add3A_2272 : i32 to index
      %swap3A_2341 = arith.constant 64 : index
      %swap3A_2342 = tpu.vector_load %arg7[%swap3A_2340, %swap3A_2341] {strides = array<i32>} : memref<128x256xf32, #tpu.memory_space<vmem>>, vector<1x16xf32>,
      %swap3A_2343 = vector.shape_cast %swap3A_2342 : vector<1x16xf32> to vector<16xf32>
      %swap3A_2344 = vector.shape_cast %max3A_2339 : vector<16xf32> to vector<1x16xf32>
      tpu.vector_store %arg7[%swap3A_2340, %swap3A_2341], %swap3A_2344 {strides = array<i32>} : memref<128x256xf32, #tpu.memory_space<vmem>>, vector<1x16xf32>,
      %max3A_2345 = arith.constant 0.000000e+00 : f32
      %max3A_2346 = vector.broadcast %max3A_2345 : f32 to vector<16xf32>
      %max3A_2347 = arith.maximumf %broadcast_in_dim3A_2256, %max3A_2346 : vector<16xf32>
      %swap3A_2348 = arith.index_cast %add3A_2272 : i32 to index
      %swap3A_2349 = arith.constant 192 : index
      %swap3A_2350 = tpu.vector_load %arg7[%swap3A_2348, %swap3A_2349] {strides = array<i32>} : memref<128x256xf32, #tpu.memory_space<vmem>>, vector<1x16xf32>,
      %swap3A_2351 = vector.shape_cast %swap3A_2350 : vector<1x16xf32> to vector<16xf32>
      %swap3A_2352 = vector.shape_cast %max3A_2347 : vector<16xf32> to vector<1x16xf32>
      tpu.vector_store %arg7[%swap3A_2348, %swap3A_2349], %swap3A_2352 {strides = array<i32>} : memref<128x256xf32, #tpu.memory_space<vmem>>, vector<1x16xf32>,
      %max3A_2353 = arith.constant 0.000000e+00 : f32
      %max3A_2354 = vector.broadcast %max3A_2353 : f32 to vector<16xf32>
      %max3A_2355 = arith.maximumf %broadcast_in_dim3A_2258, %max3A_2354 : vector<16xf32>
      %swap3A_2356 = arith.index_cast %add3A_2272 : i32 to index
      %swap3A_2357 = arith.constant 80 : index
      %swap3A_2358 = tpu.vector_load %arg7[%swap3A_2356, %swap3A_2357] {strides = array<i32>} : memref<128x256xf32, #tpu.memory_space<vmem>>, vector<1x16xf32>,
      %swap3A_2359 = vector.shape_cast %swap3A_2358 : vector<1x16xf32> to vector<16xf32>
      %swap3A_2360 = vector.shape_cast %max3A_2355 : vector<16xf32> to vector<1x16xf32>
      tpu.vector_store %arg7[%swap3A_2356, %swap3A_2357], %swap3A_2360 {strides = array<i32>} : memref<128x256xf32, #tpu.memory_space<vmem>>, vector<1x16xf32>,
      %max3A_2361 = arith.constant 0.000000e+00 : f32
      %max3A_2362 = vector.broadcast %max3A_2361 : f32 to vector<16xf32>
      %max3A_2363 = arith.maximumf %broadcast_in_dim3A_2260, %max3A_2362 : vector<16xf32>
      %swap3A_2364 = arith.index_cast %add3A_2272 : i32 to index
      %swap3A_2365 = arith.constant 208 : index
      %swap3A_2366 = tpu.vector_load %arg7[%swap3A_2364, %swap3A_2365] {strides = array<i32>} : memref<128x256xf32, #tpu.memory_space<vmem>>, vector<1x16xf32>,
      %swap3A_2367 = vector.shape_cast %swap3A_2366 : vector<1x16xf32> to vector<16xf32>
      %swap3A_2368 = vector.shape_cast %max3A_2363 : vector<16xf32> to vector<1x16xf32>
      tpu.vector_store %arg7[%swap3A_2364, %swap3A_2365], %swap3A_2368 {strides = array<i32>} : memref<128x256xf32, #tpu.memory_space<vmem>>, vector<1x16xf32>,
      %max3A_2369 = arith.constant 0.000000e+00 : f32
      %max3A_2370 = vector.broadcast %max3A_2369 : f32 to vector<16xf32>
      %max3A_2371 = arith.maximumf %broadcast_in_dim3A_2262, %max3A_2370 : vector<16xf32>
      %swap3A_2372 = arith.index_cast %add3A_2272 : i32 to index
      %swap3A_2373 = arith.constant 96 : index
      %swap3A_2374 = tpu.vector_load %arg7[%swap3A_2372, %swap3A_2373] {strides = array<i32>} : memref<128x256xf32, #tpu.memory_space<vmem>>, vector<1x16xf32>,
      %swap3A_2375 = vector.shape_cast %swap3A_2374 : vector<1x16xf32> to vector<16xf32>
      %swap3A_2376 = vector.shape_cast %max3A_2371 : vector<16xf32> to vector<1x16xf32>
      tpu.vector_store %arg7[%swap3A_2372, %swap3A_2373], %swap3A_2376 {strides = array<i32>} : memref<128x256xf32, #tpu.memory_space<vmem>>, vector<1x16xf32>,
      %max3A_2377 = arith.constant 0.000000e+00 : f32
      %max3A_2378 = vector.broadcast %max3A_2377 : f32 to vector<16xf32>
      %max3A_2379 = arith.maximumf %broadcast_in_dim3A_2264, %max3A_2378 : vector<16xf32>
      %swap3A_2380 = arith.index_cast %add3A_2272 : i32 to index
      %swap3A_2381 = arith.constant 224 : index
      %swap3A_2382 = tpu.vector_load %arg7[%swap3A_2380, %swap3A_2381] {strides = array<i32>} : memref<128x256xf32, #tpu.memory_space<vmem>>, vector<1x16xf32>,
      %swap3A_2383 = vector.shape_cast %swap3A_2382 : vector<1x16xf32> to vector<16xf32>
      %swap3A_2384 = vector.shape_cast %max3A_2379 : vector<16xf32> to vector<1x16xf32>
      tpu.vector_store %arg7[%swap3A_2380, %swap3A_2381], %swap3A_2384 {strides = array<i32>} : memref<128x256xf32, #tpu.memory_space<vmem>>, vector<1x16xf32>,
      %max3A_2385 = arith.constant 0.000000e+00 : f32
      %max3A_2386 = vector.broadcast %max3A_2385 : f32 to vector<16xf32>
      %max3A_2387 = arith.maximumf %broadcast_in_dim3A_2266, %max3A_2386 : vector<16xf32>
      %swap3A_2388 = arith.index_cast %add3A_2272 : i32 to index
      %swap3A_2389 = arith.constant 112 : index
      %swap3A_2390 = tpu.vector_load %arg7[%swap3A_2388, %swap3A_2389] {strides = array<i32>} : memref<128x256xf32, #tpu.memory_space<vmem>>, vector<1x16xf32>,
      %swap3A_2391 = vector.shape_cast %swap3A_2390 : vector<1x16xf32> to vector<16xf32>
      %swap3A_2392 = vector.shape_cast %max3A_2387 : vector<16xf32> to vector<1x16xf32>
      tpu.vector_store %arg7[%swap3A_2388, %swap3A_2389], %swap3A_2392 {strides = array<i32>} : memref<128x256xf32, #tpu.memory_space<vmem>>, vector<1x16xf32>,
      %max3A_2393 = arith.constant 0.000000e+00 : f32
      %max3A_2394 = vector.broadcast %max3A_2393 : f32 to vector<16xf32>
      %max3A_2395 = arith.maximumf %broadcast_in_dim3A_2268, %max3A_2394 : vector<16xf32>
      %swap3A_2396 = arith.index_cast %add3A_2272 : i32 to index
      %swap3A_2397 = arith.constant 240 : index
      %swap3A_2398 = tpu.vector_load %arg7[%swap3A_2396, %swap3A_2397] {strides = array<i32>} : memref<128x256xf32, #tpu.memory_space<vmem>>, vector<1x16xf32>,
      %swap3A_2399 = vector.shape_cast %swap3A_2398 : vector<1x16xf32> to vector<16xf32>
      %swap3A_2400 = vector.shape_cast %max3A_2395 : vector<16xf32> to vector<1x16xf32>
      tpu.vector_store %arg7[%swap3A_2396, %swap3A_2397], %swap3A_2400 {strides = array<i32>} : memref<128x256xf32, #tpu.memory_space<vmem>>, vector<1x16xf32>,
      %broadcast_in_dim3A_2401 = arith.constant 0.000000e+00 : f32
      %broadcast_in_dim3A_2402 = vector.broadcast %broadcast_in_dim3A_2401 : f32 to vector<16xf32>
      %broadcast_in_dim3A_2403 = arith.constant 0.000000e+00 : f32
      %broadcast_in_dim3A_2404 = vector.broadcast %broadcast_in_dim3A_2403 : f32 to vector<16xf32>
      %broadcast_in_dim3A_2405 = arith.constant 0.000000e+00 : f32
      %broadcast_in_dim3A_2406 = vector.broadcast %broadcast_in_dim3A_2405 : f32 to vector<16xf32>
      %broadcast_in_dim3A_2407 = arith.constant 0.000000e+00 : f32
      %broadcast_in_dim3A_2408 = vector.broadcast %broadcast_in_dim3A_2407 : f32 to vector<16xf32>
      %broadcast_in_dim3A_2409 = arith.constant 0.000000e+00 : f32
      %broadcast_in_dim3A_2410 = vector.broadcast %broadcast_in_dim3A_2409 : f32 to vector<16xf32>
      %broadcast_in_dim3A_2411 = arith.constant 0.000000e+00 : f32
      %broadcast_in_dim3A_2412 = vector.broadcast %broadcast_in_dim3A_2411 : f32 to vector<16xf32>
      %broadcast_in_dim3A_2413 = arith.constant 0.000000e+00 : f32
      %broadcast_in_dim3A_2414 = vector.broadcast %broadcast_in_dim3A_2413 : f32 to vector<16xf32>
      %broadcast_in_dim3A_2415 = arith.constant 0.000000e+00 : f32
      %broadcast_in_dim3A_2416 = vector.broadcast %broadcast_in_dim3A_2415 : f32 to vector<16xf32>
      %broadcast_in_dim3A_2417 = arith.constant 0.000000e+00 : f32
      %broadcast_in_dim3A_2418 = vector.broadcast %broadcast_in_dim3A_2417 : f32 to vector<16xf32>
      %broadcast_in_dim3A_2419 = arith.constant 0.000000e+00 : f32
      %broadcast_in_dim3A_2420 = vector.broadcast %broadcast_in_dim3A_2419 : f32 to vector<16xf32>
      %broadcast_in_dim3A_2421 = arith.constant 0.000000e+00 : f32
      %broadcast_in_dim3A_2422 = vector.broadcast %broadcast_in_dim3A_2421 : f32 to vector<16xf32>
      %broadcast_in_dim3A_2423 = arith.constant 0.000000e+00 : f32
      %broadcast_in_dim3A_2424 = vector.broadcast %broadcast_in_dim3A_2423 : f32 to vector<16xf32>
      %broadcast_in_dim3A_2425 = arith.constant 0.000000e+00 : f32
      %broadcast_in_dim3A_2426 = vector.broadcast %broadcast_in_dim3A_2425 : f32 to vector<16xf32>
      %broadcast_in_dim3A_2427 = arith.constant 0.000000e+00 : f32
      %broadcast_in_dim3A_2428 = vector.broadcast %broadcast_in_dim3A_2427 : f32 to vector<16xf32>
      %broadcast_in_dim3A_2429 = arith.constant 0.000000e+00 : f32
      %broadcast_in_dim3A_2430 = vector.broadcast %broadcast_in_dim3A_2429 : f32 to vector<16xf32>
      %broadcast_in_dim3A_2431 = arith.constant 0.000000e+00 : f32
      %broadcast_in_dim3A_2432 = vector.broadcast %broadcast_in_dim3A_2431 : f32 to vector<16xf32>
      %mul3A_2433 = arith.constant 2 : i32
      %mul3A_2434 = arith.muli %add3A_2225, %mul3A_2433 : i32
      %add3A_2435 = arith.constant 1 : i32
      %add3A_2436 = arith.addi %mul3A_2434, %add3A_2435 : i32
      %max3A_2437 = arith.constant 0.000000e+00 : f32
      %max3A_2438 = vector.broadcast %max3A_2437 : f32 to vector<16xf32>
      %max3A_2439 = arith.maximumf %broadcast_in_dim3A_2402, %max3A_2438 : vector<16xf32>
      %swap3A_2440 = arith.index_cast %add3A_2436 : i32 to index
      %swap3A_2441 = arith.constant 0 : index
      %swap3A_2442 = tpu.vector_load %arg7[%swap3A_2440, %swap3A_2441] {strides = array<i32>} : memref<128x256xf32, #tpu.memory_space<vmem>>, vector<1x16xf32>,
      %swap3A_2443 = vector.shape_cast %swap3A_2442 : vector<1x16xf32> to vector<16xf32>
      %swap3A_2444 = vector.shape_cast %max3A_2439 : vector<16xf32> to vector<1x16xf32>
      tpu.vector_store %arg7[%swap3A_2440, %swap3A_2441], %swap3A_2444 {strides = array<i32>} : memref<128x256xf32, #tpu.memory_space<vmem>>, vector<1x16xf32>,
      %max3A_2445 = arith.constant 0.000000e+00 : f32
      %max3A_2446 = vector.broadcast %max3A_2445 : f32 to vector<16xf32>
      %max3A_2447 = arith.maximumf %broadcast_in_dim3A_2404, %max3A_2446 : vector<16xf32>
      %swap3A_2448 = arith.index_cast %add3A_2436 : i32 to index
      %swap3A_2449 = arith.constant 128 : index
      %swap3A_2450 = tpu.vector_load %arg7[%swap3A_2448, %swap3A_2449] {strides = array<i32>} : memref<128x256xf32, #tpu.memory_space<vmem>>, vector<1x16xf32>,
      %swap3A_2451 = vector.shape_cast %swap3A_2450 : vector<1x16xf32> to vector<16xf32>
      %swap3A_2452 = vector.shape_cast %max3A_2447 : vector<16xf32> to vector<1x16xf32>
      tpu.vector_store %arg7[%swap3A_2448, %swap3A_2449], %swap3A_2452 {strides = array<i32>} : memref<128x256xf32, #tpu.memory_space<vmem>>, vector<1x16xf32>,
      %max3A_2453 = arith.constant 0.000000e+00 : f32
      %max3A_2454 = vector.broadcast %max3A_2453 : f32 to vector<16xf32>
      %max3A_2455 = arith.maximumf %broadcast_in_dim3A_2406, %max3A_2454 : vector<16xf32>
      %swap3A_2456 = arith.index_cast %add3A_2436 : i32 to index
      %swap3A_2457 = arith.constant 16 : index
      %swap3A_2458 = tpu.vector_load %arg7[%swap3A_2456, %swap3A_2457] {strides = array<i32>} : memref<128x256xf32, #tpu.memory_space<vmem>>, vector<1x16xf32>,
      %swap3A_2459 = vector.shape_cast %swap3A_2458 : vector<1x16xf32> to vector<16xf32>
      %swap3A_2460 = vector.shape_cast %max3A_2455 : vector<16xf32> to vector<1x16xf32>
      tpu.vector_store %arg7[%swap3A_2456, %swap3A_2457], %swap3A_2460 {strides = array<i32>} : memref<128x256xf32, #tpu.memory_space<vmem>>, vector<1x16xf32>,
      %max3A_2461 = arith.constant 0.000000e+00 : f32
      %max3A_2462 = vector.broadcast %max3A_2461 : f32 to vector<16xf32>
      %max3A_2463 = arith.maximumf %broadcast_in_dim3A_2408, %max3A_2462 : vector<16xf32>
      %swap3A_2464 = arith.index_cast %add3A_2436 : i32 to index
      %swap3A_2465 = arith.constant 144 : index
      %swap3A_2466 = tpu.vector_load %arg7[%swap3A_2464, %swap3A_2465] {strides = array<i32>} : memref<128x256xf32, #tpu.memory_space<vmem>>, vector<1x16xf32>,
      %swap3A_2467 = vector.shape_cast %swap3A_2466 : vector<1x16xf32> to vector<16xf32>
      %swap3A_2468 = vector.shape_cast %max3A_2463 : vector<16xf32> to vector<1x16xf32>
      tpu.vector_store %arg7[%swap3A_2464, %swap3A_2465], %swap3A_2468 {strides = array<i32>} : memref<128x256xf32, #tpu.memory_space<vmem>>, vector<1x16xf32>,
      %max3A_2469 = arith.constant 0.000000e+00 : f32
      %max3A_2470 = vector.broadcast %max3A_2469 : f32 to vector<16xf32>
      %max3A_2471 = arith.maximumf %broadcast_in_dim3A_2410, %max3A_2470 : vector<16xf32>
      %swap3A_2472 = arith.index_cast %add3A_2436 : i32 to index
      %swap3A_2473 = arith.constant 32 : index
      %swap3A_2474 = tpu.vector_load %arg7[%swap3A_2472, %swap3A_2473] {strides = array<i32>} : memref<128x256xf32, #tpu.memory_space<vmem>>, vector<1x16xf32>,
      %swap3A_2475 = vector.shape_cast %swap3A_2474 : vector<1x16xf32> to vector<16xf32>
      %swap3A_2476 = vector.shape_cast %max3A_2471 : vector<16xf32> to vector<1x16xf32>
      tpu.vector_store %arg7[%swap3A_2472, %swap3A_2473], %swap3A_2476 {strides = array<i32>} : memref<128x256xf32, #tpu.memory_space<vmem>>, vector<1x16xf32>,
      %max3A_2477 = arith.constant 0.000000e+00 : f32
      %max3A_2478 = vector.broadcast %max3A_2477 : f32 to vector<16xf32>
      %max3A_2479 = arith.maximumf %broadcast_in_dim3A_2412, %max3A_2478 : vector<16xf32>
      %swap3A_2480 = arith.index_cast %add3A_2436 : i32 to index
      %swap3A_2481 = arith.constant 160 : index
      %swap3A_2482 = tpu.vector_load %arg7[%swap3A_2480, %swap3A_2481] {strides = array<i32>} : memref<128x256xf32, #tpu.memory_space<vmem>>, vector<1x16xf32>,
      %swap3A_2483 = vector.shape_cast %swap3A_2482 : vector<1x16xf32> to vector<16xf32>
      %swap3A_2484 = vector.shape_cast %max3A_2479 : vector<16xf32> to vector<1x16xf32>
      tpu.vector_store %arg7[%swap3A_2480, %swap3A_2481], %swap3A_2484 {strides = array<i32>} : memref<128x256xf32, #tpu.memory_space<vmem>>, vector<1x16xf32>,
      %max3A_2485 = arith.constant 0.000000e+00 : f32
      %max3A_2486 = vector.broadcast %max3A_2485 : f32 to vector<16xf32>
      %max3A_2487 = arith.maximumf %broadcast_in_dim3A_2414, %max3A_2486 : vector<16xf32>
      %swap3A_2488 = arith.index_cast %add3A_2436 : i32 to index
      %swap3A_2489 = arith.constant 48 : index
      %swap3A_2490 = tpu.vector_load %arg7[%swap3A_2488, %swap3A_2489] {strides = array<i32>} : memref<128x256xf32, #tpu.memory_space<vmem>>, vector<1x16xf32>,
      %swap3A_2491 = vector.shape_cast %swap3A_2490 : vector<1x16xf32> to vector<16xf32>
      %swap3A_2492 = vector.shape_cast %max3A_2487 : vector<16xf32> to vector<1x16xf32>
      tpu.vector_store %arg7[%swap3A_2488, %swap3A_2489], %swap3A_2492 {strides = array<i32>} : memref<128x256xf32, #tpu.memory_space<vmem>>, vector<1x16xf32>,
      %max3A_2493 = arith.constant 0.000000e+00 : f32
      %max3A_2494 = vector.broadcast %max3A_2493 : f32 to vector<16xf32>
      %max3A_2495 = arith.maximumf %broadcast_in_dim3A_2416, %max3A_2494 : vector<16xf32>
      %swap3A_2496 = arith.index_cast %add3A_2436 : i32 to index
      %swap3A_2497 = arith.constant 176 : index
      %swap3A_2498 = tpu.vector_load %arg7[%swap3A_2496, %swap3A_2497] {strides = array<i32>} : memref<128x256xf32, #tpu.memory_space<vmem>>, vector<1x16xf32>,
      %swap3A_2499 = vector.shape_cast %swap3A_2498 : vector<1x16xf32> to vector<16xf32>
      %swap3A_2500 = vector.shape_cast %max3A_2495 : vector<16xf32> to vector<1x16xf32>
      tpu.vector_store %arg7[%swap3A_2496, %swap3A_2497], %swap3A_2500 {strides = array<i32>} : memref<128x256xf32, #tpu.memory_space<vmem>>, vector<1x16xf32>,
      %max3A_2501 = arith.constant 0.000000e+00 : f32
      %max3A_2502 = vector.broadcast %max3A_2501 : f32 to vector<16xf32>
      %max3A_2503 = arith.maximumf %broadcast_in_dim3A_2418, %max3A_2502 : vector<16xf32>
      %swap3A_2504 = arith.index_cast %add3A_2436 : i32 to index
      %swap3A_2505 = arith.constant 64 : index
      %swap3A_2506 = tpu.vector_load %arg7[%swap3A_2504, %swap3A_2505] {strides = array<i32>} : memref<128x256xf32, #tpu.memory_space<vmem>>, vector<1x16xf32>,
      %swap3A_2507 = vector.shape_cast %swap3A_2506 : vector<1x16xf32> to vector<16xf32>
      %swap3A_2508 = vector.shape_cast %max3A_2503 : vector<16xf32> to vector<1x16xf32>
      tpu.vector_store %arg7[%swap3A_2504, %swap3A_2505], %swap3A_2508 {strides = array<i32>} : memref<128x256xf32, #tpu.memory_space<vmem>>, vector<1x16xf32>,
      %max3A_2509 = arith.constant 0.000000e+00 : f32
      %max3A_2510 = vector.broadcast %max3A_2509 : f32 to vector<16xf32>
      %max3A_2511 = arith.maximumf %broadcast_in_dim3A_2420, %max3A_2510 : vector<16xf32>
      %swap3A_2512 = arith.index_cast %add3A_2436 : i32 to index
      %swap3A_2513 = arith.constant 192 : index
      %swap3A_2514 = tpu.vector_load %arg7[%swap3A_2512, %swap3A_2513] {strides = array<i32>} : memref<128x256xf32, #tpu.memory_space<vmem>>, vector<1x16xf32>,
      %swap3A_2515 = vector.shape_cast %swap3A_2514 : vector<1x16xf32> to vector<16xf32>
      %swap3A_2516 = vector.shape_cast %max3A_2511 : vector<16xf32> to vector<1x16xf32>
      tpu.vector_store %arg7[%swap3A_2512, %swap3A_2513], %swap3A_2516 {strides = array<i32>} : memref<128x256xf32, #tpu.memory_space<vmem>>, vector<1x16xf32>,
      %max3A_2517 = arith.constant 0.000000e+00 : f32
      %max3A_2518 = vector.broadcast %max3A_2517 : f32 to vector<16xf32>
      %max3A_2519 = arith.maximumf %broadcast_in_dim3A_2422, %max3A_2518 : vector<16xf32>
      %swap3A_2520 = arith.index_cast %add3A_2436 : i32 to index
      %swap3A_2521 = arith.constant 80 : index
      %swap3A_2522 = tpu.vector_load %arg7[%swap3A_2520, %swap3A_2521] {strides = array<i32>} : memref<128x256xf32, #tpu.memory_space<vmem>>, vector<1x16xf32>,
      %swap3A_2523 = vector.shape_cast %swap3A_2522 : vector<1x16xf32> to vector<16xf32>
      %swap3A_2524 = vector.shape_cast %max3A_2519 : vector<16xf32> to vector<1x16xf32>
      tpu.vector_store %arg7[%swap3A_2520, %swap3A_2521], %swap3A_2524 {strides = array<i32>} : memref<128x256xf32, #tpu.memory_space<vmem>>, vector<1x16xf32>,
      %max3A_2525 = arith.constant 0.000000e+00 : f32
      %max3A_2526 = vector.broadcast %max3A_2525 : f32 to vector<16xf32>
      %max3A_2527 = arith.maximumf %broadcast_in_dim3A_2424, %max3A_2526 : vector<16xf32>
      %swap3A_2528 = arith.index_cast %add3A_2436 : i32 to index
      %swap3A_2529 = arith.constant 208 : index
      %swap3A_2530 = tpu.vector_load %arg7[%swap3A_2528, %swap3A_2529] {strides = array<i32>} : memref<128x256xf32, #tpu.memory_space<vmem>>, vector<1x16xf32>,
      %swap3A_2531 = vector.shape_cast %swap3A_2530 : vector<1x16xf32> to vector<16xf32>
      %swap3A_2532 = vector.shape_cast %max3A_2527 : vector<16xf32> to vector<1x16xf32>
      tpu.vector_store %arg7[%swap3A_2528, %swap3A_2529], %swap3A_2532 {strides = array<i32>} : memref<128x256xf32, #tpu.memory_space<vmem>>, vector<1x16xf32>,
      %max3A_2533 = arith.constant 0.000000e+00 : f32
      %max3A_2534 = vector.broadcast %max3A_2533 : f32 to vector<16xf32>
      %max3A_2535 = arith.maximumf %broadcast_in_dim3A_2426, %max3A_2534 : vector<16xf32>
      %swap3A_2536 = arith.index_cast %add3A_2436 : i32 to index
      %swap3A_2537 = arith.constant 96 : index
      %swap3A_2538 = tpu.vector_load %arg7[%swap3A_2536, %swap3A_2537] {strides = array<i32>} : memref<128x256xf32, #tpu.memory_space<vmem>>, vector<1x16xf32>,
      %swap3A_2539 = vector.shape_cast %swap3A_2538 : vector<1x16xf32> to vector<16xf32>
      %swap3A_2540 = vector.shape_cast %max3A_2535 : vector<16xf32> to vector<1x16xf32>
      tpu.vector_store %arg7[%swap3A_2536, %swap3A_2537], %swap3A_2540 {strides = array<i32>} : memref<128x256xf32, #tpu.memory_space<vmem>>, vector<1x16xf32>,
      %max3A_2541 = arith.constant 0.000000e+00 : f32
      %max3A_2542 = vector.broadcast %max3A_2541 : f32 to vector<16xf32>
      %max3A_2543 = arith.maximumf %broadcast_in_dim3A_2428, %max3A_2542 : vector<16xf32>
      %swap3A_2544 = arith.index_cast %add3A_2436 : i32 to index
      %swap3A_2545 = arith.constant 224 : index
      %swap3A_2546 = tpu.vector_load %arg7[%swap3A_2544, %swap3A_2545] {strides = array<i32>} : memref<128x256xf32, #tpu.memory_space<vmem>>, vector<1x16xf32>,
      %swap3A_2547 = vector.shape_cast %swap3A_2546 : vector<1x16xf32> to vector<16xf32>
      %swap3A_2548 = vector.shape_cast %max3A_2543 : vector<16xf32> to vector<1x16xf32>
      tpu.vector_store %arg7[%swap3A_2544, %swap3A_2545], %swap3A_2548 {strides = array<i32>} : memref<128x256xf32, #tpu.memory_space<vmem>>, vector<1x16xf32>,
      %max3A_2549 = arith.constant 0.000000e+00 : f32
      %max3A_2550 = vector.broadcast %max3A_2549 : f32 to vector<16xf32>
      %max3A_2551 = arith.maximumf %broadcast_in_dim3A_2430, %max3A_2550 : vector<16xf32>
      %swap3A_2552 = arith.index_cast %add3A_2436 : i32 to index
      %swap3A_2553 = arith.constant 112 : index
      %swap3A_2554 = tpu.vector_load %arg7[%swap3A_2552, %swap3A_2553] {strides = array<i32>} : memref<128x256xf32, #tpu.memory_space<vmem>>, vector<1x16xf32>,
      %swap3A_2555 = vector.shape_cast %swap3A_2554 : vector<1x16xf32> to vector<16xf32>
      %swap3A_2556 = vector.shape_cast %max3A_2551 : vector<16xf32> to vector<1x16xf32>
      tpu.vector_store %arg7[%swap3A_2552, %swap3A_2553], %swap3A_2556 {strides = array<i32>} : memref<128x256xf32, #tpu.memory_space<vmem>>, vector<1x16xf32>,
      %max3A_2557 = arith.constant 0.000000e+00 : f32
      %max3A_2558 = vector.broadcast %max3A_2557 : f32 to vector<16xf32>
      %max3A_2559 = arith.maximumf %broadcast_in_dim3A_2432, %max3A_2558 : vector<16xf32>
      %swap3A_2560 = arith.index_cast %add3A_2436 : i32 to index
      %swap3A_2561 = arith.constant 240 : index
      %swap3A_2562 = tpu.vector_load %arg7[%swap3A_2560, %swap3A_2561] {strides = array<i32>} : memref<128x256xf32, #tpu.memory_space<vmem>>, vector<1x16xf32>,
      %swap3A_2563 = vector.shape_cast %swap3A_2562 : vector<1x16xf32> to vector<16xf32>
      %swap3A_2564 = vector.shape_cast %max3A_2559 : vector<16xf32> to vector<1x16xf32>
      tpu.vector_store %arg7[%swap3A_2560, %swap3A_2561], %swap3A_2564 {strides = array<i32>} : memref<128x256xf32, #tpu.memory_space<vmem>>, vector<1x16xf32>,
      %add3A_2565 = arith.constant 2 : i32
      %add3A_2566 = arith.addi %mul3A_1511, %add3A_2565 : i32
      %add3A_2567 = arith.constant 4 : i32
      %add3A_2568 = arith.addi %add3A_2566, %add3A_2567 : i32
      %dma_start3A_2569 = arith.constant 2 : i32
      %dma_start3A_2570 = arith.constant 0 : i32
      %dma_start3A_2571 = arith.constant 0 : i32
      %dma_start3A_2572 = tpu.memref_slice %arg6[%dma_start3A_2569, %dma_start3A_2570, %dma_start3A_2571] : memref<4x104x128xi32, #tpu.memory_space<vmem>> -> memref<1x104x128xi32, #tpu.memory_space<vmem>>
      %dma_start3A_2573 = tpu.memref_squeeze %dma_start3A_2572 : memref<1x104x128xi32, #tpu.memory_space<vmem>> -> memref<104x128xi32, #tpu.memory_space<vmem>>
      %dma_start3A_2574 = arith.constant 0 : i32
      %dma_start3A_2575 = tpu.memref_slice %arg5[%add3A_2568, %dma_start3A_2574] : memref<64x104xi32, #tpu.memory_space<vmem>> -> memref<1x104xi32, #tpu.memory_space<vmem>>
      %dma_start3A_2576 = tpu.memref_squeeze %dma_start3A_2575 : memref<1x104xi32, #tpu.memory_space<vmem>> -> memref<104xi32, #tpu.memory_space<vmem>>
      %dma_start3A_2577 = arith.constant 0 : i32
      %dma_start3A_2578 = arith.constant 0 : i32
      %dma_start3A_2579 = tpu.memref_slice %arg2[%dma_start3A_2577, %dma_start3A_2578] : memref<6656x128xi32, #tpu.memory_space<hbm>> -> memref<6656x128xi32, #tpu.memory_space<hbm>>
      tpu.enqueue_indirect_dma source(%dma_start3A_2579 : memref<6656x128xi32, #tpu.memory_space<hbm>>) target(%dma_start3A_2573 : memref<104x128xi32, #tpu.memory_space<vmem>>) offsets(%dma_start3A_2576 : memref<104xi32, #tpu.memory_space<vmem>>) semaphore(%arg10 : memref<!tpu.dma_semaphore, #tpu.memory_space<semaphore_mem>>)
      %add3A_2580 = arith.constant 3 : i32
      %add3A_2581 = arith.addi %mul3A_1511, %add3A_2580 : i32
      %dma_wait3A_2582 = arith.constant 3 : i32
      %dma_wait3A_2583 = arith.constant 0 : i32
      %dma_wait3A_2584 = arith.constant 0 : i32
      %dma_wait3A_2585 = tpu.memref_slice %arg6[%dma_wait3A_2582, %dma_wait3A_2583, %dma_wait3A_2584] : memref<4x104x128xi32, #tpu.memory_space<vmem>> -> memref<1x104x128xi32, #tpu.memory_space<vmem>>
      %dma_wait3A_2586 = tpu.memref_squeeze %dma_wait3A_2585 : memref<1x104x128xi32, #tpu.memory_space<vmem>> -> memref<104x128xi32, #tpu.memory_space<vmem>>
      %dma_wait3A_2587 = arith.constant 0 : i32
      %dma_wait3A_2588 = tpu.memref_slice %arg5[%add3A_2581, %dma_wait3A_2587] : memref<64x104xi32, #tpu.memory_space<vmem>> -> memref<1x104xi32, #tpu.memory_space<vmem>>
      %dma_wait3A_2589 = tpu.memref_squeeze %dma_wait3A_2588 : memref<1x104xi32, #tpu.memory_space<vmem>> -> memref<104xi32, #tpu.memory_space<vmem>>
      %dma_wait3A_2590 = arith.constant 0 : i32
      %dma_wait3A_2591 = arith.constant 0 : i32
      %dma_wait3A_2592 = tpu.memref_slice %arg2[%dma_wait3A_2590, %dma_wait3A_2591] : memref<6656x128xi32, #tpu.memory_space<hbm>> -> memref<6656x128xi32, #tpu.memory_space<hbm>>
      tpu.wait_indirect_dma semaphore(%arg11 : memref<!tpu.dma_semaphore, #tpu.memory_space<semaphore_mem>>) src(%dma_wait3A_2592 : memref<6656x128xi32, #tpu.memory_space<hbm>>) dst(%dma_wait3A_2586 : memref<104x128xi32, #tpu.memory_space<vmem>>)
      %broadcast_in_dim3A_2593 = arith.constant 0.000000e+00 : f32
      %broadcast_in_dim3A_2594 = vector.broadcast %broadcast_in_dim3A_2593 : f32 to vector<16xf32>
      %broadcast_in_dim3A_2595 = arith.constant 0.000000e+00 : f32
      %broadcast_in_dim3A_2596 = vector.broadcast %broadcast_in_dim3A_2595 : f32 to vector<16xf32>
      %broadcast_in_dim3A_2597 = arith.constant 0.000000e+00 : f32
      %broadcast_in_dim3A_2598 = vector.broadcast %broadcast_in_dim3A_2597 : f32 to vector<16xf32>
      %broadcast_in_dim3A_2599 = arith.constant 0.000000e+00 : f32
      %broadcast_in_dim3A_2600 = vector.broadcast %broadcast_in_dim3A_2599 : f32 to vector<16xf32>
      %broadcast_in_dim3A_2601 = arith.constant 0.000000e+00 : f32
      %broadcast_in_dim3A_2602 = vector.broadcast %broadcast_in_dim3A_2601 : f32 to vector<16xf32>
      %broadcast_in_dim3A_2603 = arith.constant 0.000000e+00 : f32
      %broadcast_in_dim3A_2604 = vector.broadcast %broadcast_in_dim3A_2603 : f32 to vector<16xf32>
      %broadcast_in_dim3A_2605 = arith.constant 0.000000e+00 : f32
      %broadcast_in_dim3A_2606 = vector.broadcast %broadcast_in_dim3A_2605 : f32 to vector<16xf32>
      %broadcast_in_dim3A_2607 = arith.constant 0.000000e+00 : f32
      %broadcast_in_dim3A_2608 = vector.broadcast %broadcast_in_dim3A_2607 : f32 to vector<16xf32>
      %broadcast_in_dim3A_2609 = arith.constant 0.000000e+00 : f32
      %broadcast_in_dim3A_2610 = vector.broadcast %broadcast_in_dim3A_2609 : f32 to vector<16xf32>
      %broadcast_in_dim3A_2611 = arith.constant 0.000000e+00 : f32
      %broadcast_in_dim3A_2612 = vector.broadcast %broadcast_in_dim3A_2611 : f32 to vector<16xf32>
      %broadcast_in_dim3A_2613 = arith.constant 0.000000e+00 : f32
      %broadcast_in_dim3A_2614 = vector.broadcast %broadcast_in_dim3A_2613 : f32 to vector<16xf32>
      %broadcast_in_dim3A_2615 = arith.constant 0.000000e+00 : f32
      %broadcast_in_dim3A_2616 = vector.broadcast %broadcast_in_dim3A_2615 : f32 to vector<16xf32>
      %broadcast_in_dim3A_2617 = arith.constant 0.000000e+00 : f32
      %broadcast_in_dim3A_2618 = vector.broadcast %broadcast_in_dim3A_2617 : f32 to vector<16xf32>
      %broadcast_in_dim3A_2619 = arith.constant 0.000000e+00 : f32
      %broadcast_in_dim3A_2620 = vector.broadcast %broadcast_in_dim3A_2619 : f32 to vector<16xf32>
      %broadcast_in_dim3A_2621 = arith.constant 0.000000e+00 : f32
      %broadcast_in_dim3A_2622 = vector.broadcast %broadcast_in_dim3A_2621 : f32 to vector<16xf32>
      %broadcast_in_dim3A_2623 = arith.constant 0.000000e+00 : f32
      %broadcast_in_dim3A_2624 = vector.broadcast %broadcast_in_dim3A_2623 : f32 to vector<16xf32>
      %mul3A_2625 = arith.constant 2 : i32
      %mul3A_2626 = arith.muli %add3A_2581, %mul3A_2625 : i32
      %add3A_2627 = arith.constant 0 : i32
      %add3A_2628 = arith.addi %mul3A_2626, %add3A_2627 : i32
      %max3A_2629 = arith.constant 0.000000e+00 : f32
      %max3A_2630 = vector.broadcast %max3A_2629 : f32 to vector<16xf32>
      %max3A_2631 = arith.maximumf %broadcast_in_dim3A_2594, %max3A_2630 : vector<16xf32>
      %swap3A_2632 = arith.index_cast %add3A_2628 : i32 to index
      %swap3A_2633 = arith.constant 0 : index
      %swap3A_2634 = tpu.vector_load %arg7[%swap3A_2632, %swap3A_2633] {strides = array<i32>} : memref<128x256xf32, #tpu.memory_space<vmem>>, vector<1x16xf32>,
      %swap3A_2635 = vector.shape_cast %swap3A_2634 : vector<1x16xf32> to vector<16xf32>
      %swap3A_2636 = vector.shape_cast %max3A_2631 : vector<16xf32> to vector<1x16xf32>
      tpu.vector_store %arg7[%swap3A_2632, %swap3A_2633], %swap3A_2636 {strides = array<i32>} : memref<128x256xf32, #tpu.memory_space<vmem>>, vector<1x16xf32>,
      %max3A_2637 = arith.constant 0.000000e+00 : f32
      %max3A_2638 = vector.broadcast %max3A_2637 : f32 to vector<16xf32>
      %max3A_2639 = arith.maximumf %broadcast_in_dim3A_2596, %max3A_2638 : vector<16xf32>
      %swap3A_2640 = arith.index_cast %add3A_2628 : i32 to index
      %swap3A_2641 = arith.constant 128 : index
      %swap3A_2642 = tpu.vector_load %arg7[%swap3A_2640, %swap3A_2641] {strides = array<i32>} : memref<128x256xf32, #tpu.memory_space<vmem>>, vector<1x16xf32>,
      %swap3A_2643 = vector.shape_cast %swap3A_2642 : vector<1x16xf32> to vector<16xf32>
      %swap3A_2644 = vector.shape_cast %max3A_2639 : vector<16xf32> to vector<1x16xf32>
      tpu.vector_store %arg7[%swap3A_2640, %swap3A_2641], %swap3A_2644 {strides = array<i32>} : memref<128x256xf32, #tpu.memory_space<vmem>>, vector<1x16xf32>,
      %max3A_2645 = arith.constant 0.000000e+00 : f32
      %max3A_2646 = vector.broadcast %max3A_2645 : f32 to vector<16xf32>
      %max3A_2647 = arith.maximumf %broadcast_in_dim3A_2598, %max3A_2646 : vector<16xf32>
      %swap3A_2648 = arith.index_cast %add3A_2628 : i32 to index
      %swap3A_2649 = arith.constant 16 : index
      %swap3A_2650 = tpu.vector_load %arg7[%swap3A_2648, %swap3A_2649] {strides = array<i32>} : memref<128x256xf32, #tpu.memory_space<vmem>>, vector<1x16xf32>,
      %swap3A_2651 = vector.shape_cast %swap3A_2650 : vector<1x16xf32> to vector<16xf32>
      %swap3A_2652 = vector.shape_cast %max3A_2647 : vector<16xf32> to vector<1x16xf32>
      tpu.vector_store %arg7[%swap3A_2648, %swap3A_2649], %swap3A_2652 {strides = array<i32>} : memref<128x256xf32, #tpu.memory_space<vmem>>, vector<1x16xf32>,
      %max3A_2653 = arith.constant 0.000000e+00 : f32
      %max3A_2654 = vector.broadcast %max3A_2653 : f32 to vector<16xf32>
      %max3A_2655 = arith.maximumf %broadcast_in_dim3A_2600, %max3A_2654 : vector<16xf32>
      %swap3A_2656 = arith.index_cast %add3A_2628 : i32 to index
      %swap3A_2657 = arith.constant 144 : index
      %swap3A_2658 = tpu.vector_load %arg7[%swap3A_2656, %swap3A_2657] {strides = array<i32>} : memref<128x256xf32, #tpu.memory_space<vmem>>, vector<1x16xf32>,
      %swap3A_2659 = vector.shape_cast %swap3A_2658 : vector<1x16xf32> to vector<16xf32>
      %swap3A_2660 = vector.shape_cast %max3A_2655 : vector<16xf32> to vector<1x16xf32>
      tpu.vector_store %arg7[%swap3A_2656, %swap3A_2657], %swap3A_2660 {strides = array<i32>} : memref<128x256xf32, #tpu.memory_space<vmem>>, vector<1x16xf32>,
      %max3A_2661 = arith.constant 0.000000e+00 : f32
      %max3A_2662 = vector.broadcast %max3A_2661 : f32 to vector<16xf32>
      %max3A_2663 = arith.maximumf %broadcast_in_dim3A_2602, %max3A_2662 : vector<16xf32>
      %swap3A_2664 = arith.index_cast %add3A_2628 : i32 to index
      %swap3A_2665 = arith.constant 32 : index
      %swap3A_2666 = tpu.vector_load %arg7[%swap3A_2664, %swap3A_2665] {strides = array<i32>} : memref<128x256xf32, #tpu.memory_space<vmem>>, vector<1x16xf32>,
      %swap3A_2667 = vector.shape_cast %swap3A_2666 : vector<1x16xf32> to vector<16xf32>
      %swap3A_2668 = vector.shape_cast %max3A_2663 : vector<16xf32> to vector<1x16xf32>
      tpu.vector_store %arg7[%swap3A_2664, %swap3A_2665], %swap3A_2668 {strides = array<i32>} : memref<128x256xf32, #tpu.memory_space<vmem>>, vector<1x16xf32>,
      %max3A_2669 = arith.constant 0.000000e+00 : f32
      %max3A_2670 = vector.broadcast %max3A_2669 : f32 to vector<16xf32>
      %max3A_2671 = arith.maximumf %broadcast_in_dim3A_2604, %max3A_2670 : vector<16xf32>
      %swap3A_2672 = arith.index_cast %add3A_2628 : i32 to index
      %swap3A_2673 = arith.constant 160 : index
      %swap3A_2674 = tpu.vector_load %arg7[%swap3A_2672, %swap3A_2673] {strides = array<i32>} : memref<128x256xf32, #tpu.memory_space<vmem>>, vector<1x16xf32>,
      %swap3A_2675 = vector.shape_cast %swap3A_2674 : vector<1x16xf32> to vector<16xf32>
      %swap3A_2676 = vector.shape_cast %max3A_2671 : vector<16xf32> to vector<1x16xf32>
      tpu.vector_store %arg7[%swap3A_2672, %swap3A_2673], %swap3A_2676 {strides = array<i32>} : memref<128x256xf32, #tpu.memory_space<vmem>>, vector<1x16xf32>,
      %max3A_2677 = arith.constant 0.000000e+00 : f32
      %max3A_2678 = vector.broadcast %max3A_2677 : f32 to vector<16xf32>
      %max3A_2679 = arith.maximumf %broadcast_in_dim3A_2606, %max3A_2678 : vector<16xf32>
      %swap3A_2680 = arith.index_cast %add3A_2628 : i32 to index
      %swap3A_2681 = arith.constant 48 : index
      %swap3A_2682 = tpu.vector_load %arg7[%swap3A_2680, %swap3A_2681] {strides = array<i32>} : memref<128x256xf32, #tpu.memory_space<vmem>>, vector<1x16xf32>,
      %swap3A_2683 = vector.shape_cast %swap3A_2682 : vector<1x16xf32> to vector<16xf32>
      %swap3A_2684 = vector.shape_cast %max3A_2679 : vector<16xf32> to vector<1x16xf32>
      tpu.vector_store %arg7[%swap3A_2680, %swap3A_2681], %swap3A_2684 {strides = array<i32>} : memref<128x256xf32, #tpu.memory_space<vmem>>, vector<1x16xf32>,
      %max3A_2685 = arith.constant 0.000000e+00 : f32
      %max3A_2686 = vector.broadcast %max3A_2685 : f32 to vector<16xf32>
      %max3A_2687 = arith.maximumf %broadcast_in_dim3A_2608, %max3A_2686 : vector<16xf32>
      %swap3A_2688 = arith.index_cast %add3A_2628 : i32 to index
      %swap3A_2689 = arith.constant 176 : index
      %swap3A_2690 = tpu.vector_load %arg7[%swap3A_2688, %swap3A_2689] {strides = array<i32>} : memref<128x256xf32, #tpu.memory_space<vmem>>, vector<1x16xf32>,
      %swap3A_2691 = vector.shape_cast %swap3A_2690 : vector<1x16xf32> to vector<16xf32>
      %swap3A_2692 = vector.shape_cast %max3A_2687 : vector<16xf32> to vector<1x16xf32>
      tpu.vector_store %arg7[%swap3A_2688, %swap3A_2689], %swap3A_2692 {strides = array<i32>} : memref<128x256xf32, #tpu.memory_space<vmem>>, vector<1x16xf32>,
      %max3A_2693 = arith.constant 0.000000e+00 : f32
      %max3A_2694 = vector.broadcast %max3A_2693 : f32 to vector<16xf32>
      %max3A_2695 = arith.maximumf %broadcast_in_dim3A_2610, %max3A_2694 : vector<16xf32>
      %swap3A_2696 = arith.index_cast %add3A_2628 : i32 to index
      %swap3A_2697 = arith.constant 64 : index
      %swap3A_2698 = tpu.vector_load %arg7[%swap3A_2696, %swap3A_2697] {strides = array<i32>} : memref<128x256xf32, #tpu.memory_space<vmem>>, vector<1x16xf32>,
      %swap3A_2699 = vector.shape_cast %swap3A_2698 : vector<1x16xf32> to vector<16xf32>
      %swap3A_2700 = vector.shape_cast %max3A_2695 : vector<16xf32> to vector<1x16xf32>
      tpu.vector_store %arg7[%swap3A_2696, %swap3A_2697], %swap3A_2700 {strides = array<i32>} : memref<128x256xf32, #tpu.memory_space<vmem>>, vector<1x16xf32>,
      %max3A_2701 = arith.constant 0.000000e+00 : f32
      %max3A_2702 = vector.broadcast %max3A_2701 : f32 to vector<16xf32>
      %max3A_2703 = arith.maximumf %broadcast_in_dim3A_2612, %max3A_2702 : vector<16xf32>
      %swap3A_2704 = arith.index_cast %add3A_2628 : i32 to index
      %swap3A_2705 = arith.constant 192 : index
      %swap3A_2706 = tpu.vector_load %arg7[%swap3A_2704, %swap3A_2705] {strides = array<i32>} : memref<128x256xf32, #tpu.memory_space<vmem>>, vector<1x16xf32>,
      %swap3A_2707 = vector.shape_cast %swap3A_2706 : vector<1x16xf32> to vector<16xf32>
      %swap3A_2708 = vector.shape_cast %max3A_2703 : vector<16xf32> to vector<1x16xf32>
      tpu.vector_store %arg7[%swap3A_2704, %swap3A_2705], %swap3A_2708 {strides = array<i32>} : memref<128x256xf32, #tpu.memory_space<vmem>>, vector<1x16xf32>,
      %max3A_2709 = arith.constant 0.000000e+00 : f32
      %max3A_2710 = vector.broadcast %max3A_2709 : f32 to vector<16xf32>
      %max3A_2711 = arith.maximumf %broadcast_in_dim3A_2614, %max3A_2710 : vector<16xf32>
      %swap3A_2712 = arith.index_cast %add3A_2628 : i32 to index
      %swap3A_2713 = arith.constant 80 : index
      %swap3A_2714 = tpu.vector_load %arg7[%swap3A_2712, %swap3A_2713] {strides = array<i32>} : memref<128x256xf32, #tpu.memory_space<vmem>>, vector<1x16xf32>,
      %swap3A_2715 = vector.shape_cast %swap3A_2714 : vector<1x16xf32> to vector<16xf32>
      %swap3A_2716 = vector.shape_cast %max3A_2711 : vector<16xf32> to vector<1x16xf32>
      tpu.vector_store %arg7[%swap3A_2712, %swap3A_2713], %swap3A_2716 {strides = array<i32>} : memref<128x256xf32, #tpu.memory_space<vmem>>, vector<1x16xf32>,
      %max3A_2717 = arith.constant 0.000000e+00 : f32
      %max3A_2718 = vector.broadcast %max3A_2717 : f32 to vector<16xf32>
      %max3A_2719 = arith.maximumf %broadcast_in_dim3A_2616, %max3A_2718 : vector<16xf32>
      %swap3A_2720 = arith.index_cast %add3A_2628 : i32 to index
      %swap3A_2721 = arith.constant 208 : index
      %swap3A_2722 = tpu.vector_load %arg7[%swap3A_2720, %swap3A_2721] {strides = array<i32>} : memref<128x256xf32, #tpu.memory_space<vmem>>, vector<1x16xf32>,
      %swap3A_2723 = vector.shape_cast %swap3A_2722 : vector<1x16xf32> to vector<16xf32>
      %swap3A_2724 = vector.shape_cast %max3A_2719 : vector<16xf32> to vector<1x16xf32>
      tpu.vector_store %arg7[%swap3A_2720, %swap3A_2721], %swap3A_2724 {strides = array<i32>} : memref<128x256xf32, #tpu.memory_space<vmem>>, vector<1x16xf32>,
      %max3A_2725 = arith.constant 0.000000e+00 : f32
      %max3A_2726 = vector.broadcast %max3A_2725 : f32 to vector<16xf32>
      %max3A_2727 = arith.maximumf %broadcast_in_dim3A_2618, %max3A_2726 : vector<16xf32>
      %swap3A_2728 = arith.index_cast %add3A_2628 : i32 to index
      %swap3A_2729 = arith.constant 96 : index
      %swap3A_2730 = tpu.vector_load %arg7[%swap3A_2728, %swap3A_2729] {strides = array<i32>} : memref<128x256xf32, #tpu.memory_space<vmem>>, vector<1x16xf32>,
      %swap3A_2731 = vector.shape_cast %swap3A_2730 : vector<1x16xf32> to vector<16xf32>
      %swap3A_2732 = vector.shape_cast %max3A_2727 : vector<16xf32> to vector<1x16xf32>
      tpu.vector_store %arg7[%swap3A_2728, %swap3A_2729], %swap3A_2732 {strides = array<i32>} : memref<128x256xf32, #tpu.memory_space<vmem>>, vector<1x16xf32>,
      %max3A_2733 = arith.constant 0.000000e+00 : f32
      %max3A_2734 = vector.broadcast %max3A_2733 : f32 to vector<16xf32>
      %max3A_2735 = arith.maximumf %broadcast_in_dim3A_2620, %max3A_2734 : vector<16xf32>
      %swap3A_2736 = arith.index_cast %add3A_2628 : i32 to index
      %swap3A_2737 = arith.constant 224 : index
      %swap3A_2738 = tpu.vector_load %arg7[%swap3A_2736, %swap3A_2737] {strides = array<i32>} : memref<128x256xf32, #tpu.memory_space<vmem>>, vector<1x16xf32>,
      %swap3A_2739 = vector.shape_cast %swap3A_2738 : vector<1x16xf32> to vector<16xf32>
      %swap3A_2740 = vector.shape_cast %max3A_2735 : vector<16xf32> to vector<1x16xf32>
      tpu.vector_store %arg7[%swap3A_2736, %swap3A_2737], %swap3A_2740 {strides = array<i32>} : memref<128x256xf32, #tpu.memory_space<vmem>>, vector<1x16xf32>,
      %max3A_2741 = arith.constant 0.000000e+00 : f32
      %max3A_2742 = vector.broadcast %max3A_2741 : f32 to vector<16xf32>
      %max3A_2743 = arith.maximumf %broadcast_in_dim3A_2622, %max3A_2742 : vector<16xf32>
      %swap3A_2744 = arith.index_cast %add3A_2628 : i32 to index
      %swap3A_2745 = arith.constant 112 : index
      %swap3A_2746 = tpu.vector_load %arg7[%swap3A_2744, %swap3A_2745] {strides = array<i32>} : memref<128x256xf32, #tpu.memory_space<vmem>>, vector<1x16xf32>,
      %swap3A_2747 = vector.shape_cast %swap3A_2746 : vector<1x16xf32> to vector<16xf32>
      %swap3A_2748 = vector.shape_cast %max3A_2743 : vector<16xf32> to vector<1x16xf32>
      tpu.vector_store %arg7[%swap3A_2744, %swap3A_2745], %swap3A_2748 {strides = array<i32>} : memref<128x256xf32, #tpu.memory_space<vmem>>, vector<1x16xf32>,
      %max3A_2749 = arith.constant 0.000000e+00 : f32
      %max3A_2750 = vector.broadcast %max3A_2749 : f32 to vector<16xf32>
      %max3A_2751 = arith.maximumf %broadcast_in_dim3A_2624, %max3A_2750 : vector<16xf32>
      %swap3A_2752 = arith.index_cast %add3A_2628 : i32 to index
      %swap3A_2753 = arith.constant 240 : index
      %swap3A_2754 = tpu.vector_load %arg7[%swap3A_2752, %swap3A_2753] {strides = array<i32>} : memref<128x256xf32, #tpu.memory_space<vmem>>, vector<1x16xf32>,
      %swap3A_2755 = vector.shape_cast %swap3A_2754 : vector<1x16xf32> to vector<16xf32>
      %swap3A_2756 = vector.shape_cast %max3A_2751 : vector<16xf32> to vector<1x16xf32>
      tpu.vector_store %arg7[%swap3A_2752, %swap3A_2753], %swap3A_2756 {strides = array<i32>} : memref<128x256xf32, #tpu.memory_space<vmem>>, vector<1x16xf32>,
      %broadcast_in_dim3A_2757 = arith.constant 0.000000e+00 : f32
      %broadcast_in_dim3A_2758 = vector.broadcast %broadcast_in_dim3A_2757 : f32 to vector<16xf32>
      %broadcast_in_dim3A_2759 = arith.constant 0.000000e+00 : f32
      %broadcast_in_dim3A_2760 = vector.broadcast %broadcast_in_dim3A_2759 : f32 to vector<16xf32>
      %broadcast_in_dim3A_2761 = arith.constant 0.000000e+00 : f32
      %broadcast_in_dim3A_2762 = vector.broadcast %broadcast_in_dim3A_2761 : f32 to vector<16xf32>
      %broadcast_in_dim3A_2763 = arith.constant 0.000000e+00 : f32
      %broadcast_in_dim3A_2764 = vector.broadcast %broadcast_in_dim3A_2763 : f32 to vector<16xf32>
      %broadcast_in_dim3A_2765 = arith.constant 0.000000e+00 : f32
      %broadcast_in_dim3A_2766 = vector.broadcast %broadcast_in_dim3A_2765 : f32 to vector<16xf32>
      %broadcast_in_dim3A_2767 = arith.constant 0.000000e+00 : f32
      %broadcast_in_dim3A_2768 = vector.broadcast %broadcast_in_dim3A_2767 : f32 to vector<16xf32>
      %broadcast_in_dim3A_2769 = arith.constant 0.000000e+00 : f32
      %broadcast_in_dim3A_2770 = vector.broadcast %broadcast_in_dim3A_2769 : f32 to vector<16xf32>
      %broadcast_in_dim3A_2771 = arith.constant 0.000000e+00 : f32
      %broadcast_in_dim3A_2772 = vector.broadcast %broadcast_in_dim3A_2771 : f32 to vector<16xf32>
      %broadcast_in_dim3A_2773 = arith.constant 0.000000e+00 : f32
      %broadcast_in_dim3A_2774 = vector.broadcast %broadcast_in_dim3A_2773 : f32 to vector<16xf32>
      %broadcast_in_dim3A_2775 = arith.constant 0.000000e+00 : f32
      %broadcast_in_dim3A_2776 = vector.broadcast %broadcast_in_dim3A_2775 : f32 to vector<16xf32>
      %broadcast_in_dim3A_2777 = arith.constant 0.000000e+00 : f32
      %broadcast_in_dim3A_2778 = vector.broadcast %broadcast_in_dim3A_2777 : f32 to vector<16xf32>
      %broadcast_in_dim3A_2779 = arith.constant 0.000000e+00 : f32
      %broadcast_in_dim3A_2780 = vector.broadcast %broadcast_in_dim3A_2779 : f32 to vector<16xf32>
      %broadcast_in_dim3A_2781 = arith.constant 0.000000e+00 : f32
      %broadcast_in_dim3A_2782 = vector.broadcast %broadcast_in_dim3A_2781 : f32 to vector<16xf32>
      %broadcast_in_dim3A_2783 = arith.constant 0.000000e+00 : f32
      %broadcast_in_dim3A_2784 = vector.broadcast %broadcast_in_dim3A_2783 : f32 to vector<16xf32>
      %broadcast_in_dim3A_2785 = arith.constant 0.000000e+00 : f32
      %broadcast_in_dim3A_2786 = vector.broadcast %broadcast_in_dim3A_2785 : f32 to vector<16xf32>
      %broadcast_in_dim3A_2787 = arith.constant 0.000000e+00 : f32
      %broadcast_in_dim3A_2788 = vector.broadcast %broadcast_in_dim3A_2787 : f32 to vector<16xf32>
      %mul3A_2789 = arith.constant 2 : i32
      %mul3A_2790 = arith.muli %add3A_2581, %mul3A_2789 : i32
      %add3A_2791 = arith.constant 1 : i32
      %add3A_2792 = arith.addi %mul3A_2790, %add3A_2791 : i32
      %max3A_2793 = arith.constant 0.000000e+00 : f32
      %max3A_2794 = vector.broadcast %max3A_2793 : f32 to vector<16xf32>
      %max3A_2795 = arith.maximumf %broadcast_in_dim3A_2758, %max3A_2794 : vector<16xf32>
      %swap3A_2796 = arith.index_cast %add3A_2792 : i32 to index
      %swap3A_2797 = arith.constant 0 : index
      %swap3A_2798 = tpu.vector_load %arg7[%swap3A_2796, %swap3A_2797] {strides = array<i32>} : memref<128x256xf32, #tpu.memory_space<vmem>>, vector<1x16xf32>,
      %swap3A_2799 = vector.shape_cast %swap3A_2798 : vector<1x16xf32> to vector<16xf32>
      %swap3A_2800 = vector.shape_cast %max3A_2795 : vector<16xf32> to vector<1x16xf32>
      tpu.vector_store %arg7[%swap3A_2796, %swap3A_2797], %swap3A_2800 {strides = array<i32>} : memref<128x256xf32, #tpu.memory_space<vmem>>, vector<1x16xf32>,
      %max3A_2801 = arith.constant 0.000000e+00 : f32
      %max3A_2802 = vector.broadcast %max3A_2801 : f32 to vector<16xf32>
      %max3A_2803 = arith.maximumf %broadcast_in_dim3A_2760, %max3A_2802 : vector<16xf32>
      %swap3A_2804 = arith.index_cast %add3A_2792 : i32 to index
      %swap3A_2805 = arith.constant 128 : index
      %swap3A_2806 = tpu.vector_load %arg7[%swap3A_2804, %swap3A_2805] {strides = array<i32>} : memref<128x256xf32, #tpu.memory_space<vmem>>, vector<1x16xf32>,
      %swap3A_2807 = vector.shape_cast %swap3A_2806 : vector<1x16xf32> to vector<16xf32>
      %swap3A_2808 = vector.shape_cast %max3A_2803 : vector<16xf32> to vector<1x16xf32>
      tpu.vector_store %arg7[%swap3A_2804, %swap3A_2805], %swap3A_2808 {strides = array<i32>} : memref<128x256xf32, #tpu.memory_space<vmem>>, vector<1x16xf32>,
      %max3A_2809 = arith.constant 0.000000e+00 : f32
      %max3A_2810 = vector.broadcast %max3A_2809 : f32 to vector<16xf32>
      %max3A_2811 = arith.maximumf %broadcast_in_dim3A_2762, %max3A_2810 : vector<16xf32>
      %swap3A_2812 = arith.index_cast %add3A_2792 : i32 to index
      %swap3A_2813 = arith.constant 16 : index
      %swap3A_2814 = tpu.vector_load %arg7[%swap3A_2812, %swap3A_2813] {strides = array<i32>} : memref<128x256xf32, #tpu.memory_space<vmem>>, vector<1x16xf32>,
      %swap3A_2815 = vector.shape_cast %swap3A_2814 : vector<1x16xf32> to vector<16xf32>
      %swap3A_2816 = vector.shape_cast %max3A_2811 : vector<16xf32> to vector<1x16xf32>
      tpu.vector_store %arg7[%swap3A_2812, %swap3A_2813], %swap3A_2816 {strides = array<i32>} : memref<128x256xf32, #tpu.memory_space<vmem>>, vector<1x16xf32>,
      %max3A_2817 = arith.constant 0.000000e+00 : f32
      %max3A_2818 = vector.broadcast %max3A_2817 : f32 to vector<16xf32>
      %max3A_2819 = arith.maximumf %broadcast_in_dim3A_2764, %max3A_2818 : vector<16xf32>
      %swap3A_2820 = arith.index_cast %add3A_2792 : i32 to index
      %swap3A_2821 = arith.constant 144 : index
      %swap3A_2822 = tpu.vector_load %arg7[%swap3A_2820, %swap3A_2821] {strides = array<i32>} : memref<128x256xf32, #tpu.memory_space<vmem>>, vector<1x16xf32>,
      %swap3A_2823 = vector.shape_cast %swap3A_2822 : vector<1x16xf32> to vector<16xf32>
      %swap3A_2824 = vector.shape_cast %max3A_2819 : vector<16xf32> to vector<1x16xf32>
      tpu.vector_store %arg7[%swap3A_2820, %swap3A_2821], %swap3A_2824 {strides = array<i32>} : memref<128x256xf32, #tpu.memory_space<vmem>>, vector<1x16xf32>,
      %max3A_2825 = arith.constant 0.000000e+00 : f32
      %max3A_2826 = vector.broadcast %max3A_2825 : f32 to vector<16xf32>
      %max3A_2827 = arith.maximumf %broadcast_in_dim3A_2766, %max3A_2826 : vector<16xf32>
      %swap3A_2828 = arith.index_cast %add3A_2792 : i32 to index
      %swap3A_2829 = arith.constant 32 : index
      %swap3A_2830 = tpu.vector_load %arg7[%swap3A_2828, %swap3A_2829] {strides = array<i32>} : memref<128x256xf32, #tpu.memory_space<vmem>>, vector<1x16xf32>,
      %swap3A_2831 = vector.shape_cast %swap3A_2830 : vector<1x16xf32> to vector<16xf32>
      %swap3A_2832 = vector.shape_cast %max3A_2827 : vector<16xf32> to vector<1x16xf32>
      tpu.vector_store %arg7[%swap3A_2828, %swap3A_2829], %swap3A_2832 {strides = array<i32>} : memref<128x256xf32, #tpu.memory_space<vmem>>, vector<1x16xf32>,
      %max3A_2833 = arith.constant 0.000000e+00 : f32
      %max3A_2834 = vector.broadcast %max3A_2833 : f32 to vector<16xf32>
      %max3A_2835 = arith.maximumf %broadcast_in_dim3A_2768, %max3A_2834 : vector<16xf32>
      %swap3A_2836 = arith.index_cast %add3A_2792 : i32 to index
      %swap3A_2837 = arith.constant 160 : index
      %swap3A_2838 = tpu.vector_load %arg7[%swap3A_2836, %swap3A_2837] {strides = array<i32>} : memref<128x256xf32, #tpu.memory_space<vmem>>, vector<1x16xf32>,
      %swap3A_2839 = vector.shape_cast %swap3A_2838 : vector<1x16xf32> to vector<16xf32>
      %swap3A_2840 = vector.shape_cast %max3A_2835 : vector<16xf32> to vector<1x16xf32>
      tpu.vector_store %arg7[%swap3A_2836, %swap3A_2837], %swap3A_2840 {strides = array<i32>} : memref<128x256xf32, #tpu.memory_space<vmem>>, vector<1x16xf32>,
      %max3A_2841 = arith.constant 0.000000e+00 : f32
      %max3A_2842 = vector.broadcast %max3A_2841 : f32 to vector<16xf32>
      %max3A_2843 = arith.maximumf %broadcast_in_dim3A_2770, %max3A_2842 : vector<16xf32>
      %swap3A_2844 = arith.index_cast %add3A_2792 : i32 to index
      %swap3A_2845 = arith.constant 48 : index
      %swap3A_2846 = tpu.vector_load %arg7[%swap3A_2844, %swap3A_2845] {strides = array<i32>} : memref<128x256xf32, #tpu.memory_space<vmem>>, vector<1x16xf32>,
      %swap3A_2847 = vector.shape_cast %swap3A_2846 : vector<1x16xf32> to vector<16xf32>
      %swap3A_2848 = vector.shape_cast %max3A_2843 : vector<16xf32> to vector<1x16xf32>
      tpu.vector_store %arg7[%swap3A_2844, %swap3A_2845], %swap3A_2848 {strides = array<i32>} : memref<128x256xf32, #tpu.memory_space<vmem>>, vector<1x16xf32>,
      %max3A_2849 = arith.constant 0.000000e+00 : f32
      %max3A_2850 = vector.broadcast %max3A_2849 : f32 to vector<16xf32>
      %max3A_2851 = arith.maximumf %broadcast_in_dim3A_2772, %max3A_2850 : vector<16xf32>
      %swap3A_2852 = arith.index_cast %add3A_2792 : i32 to index
      %swap3A_2853 = arith.constant 176 : index
      %swap3A_2854 = tpu.vector_load %arg7[%swap3A_2852, %swap3A_2853] {strides = array<i32>} : memref<128x256xf32, #tpu.memory_space<vmem>>, vector<1x16xf32>,
      %swap3A_2855 = vector.shape_cast %swap3A_2854 : vector<1x16xf32> to vector<16xf32>
      %swap3A_2856 = vector.shape_cast %max3A_2851 : vector<16xf32> to vector<1x16xf32>
      tpu.vector_store %arg7[%swap3A_2852, %swap3A_2853], %swap3A_2856 {strides = array<i32>} : memref<128x256xf32, #tpu.memory_space<vmem>>, vector<1x16xf32>,
      %max3A_2857 = arith.constant 0.000000e+00 : f32
      %max3A_2858 = vector.broadcast %max3A_2857 : f32 to vector<16xf32>
      %max3A_2859 = arith.maximumf %broadcast_in_dim3A_2774, %max3A_2858 : vector<16xf32>
      %swap3A_2860 = arith.index_cast %add3A_2792 : i32 to index
      %swap3A_2861 = arith.constant 64 : index
      %swap3A_2862 = tpu.vector_load %arg7[%swap3A_2860, %swap3A_2861] {strides = array<i32>} : memref<128x256xf32, #tpu.memory_space<vmem>>, vector<1x16xf32>,
      %swap3A_2863 = vector.shape_cast %swap3A_2862 : vector<1x16xf32> to vector<16xf32>
      %swap3A_2864 = vector.shape_cast %max3A_2859 : vector<16xf32> to vector<1x16xf32>
      tpu.vector_store %arg7[%swap3A_2860, %swap3A_2861], %swap3A_2864 {strides = array<i32>} : memref<128x256xf32, #tpu.memory_space<vmem>>, vector<1x16xf32>,
      %max3A_2865 = arith.constant 0.000000e+00 : f32
      %max3A_2866 = vector.broadcast %max3A_2865 : f32 to vector<16xf32>
      %max3A_2867 = arith.maximumf %broadcast_in_dim3A_2776, %max3A_2866 : vector<16xf32>
      %swap3A_2868 = arith.index_cast %add3A_2792 : i32 to index
      %swap3A_2869 = arith.constant 192 : index
      %swap3A_2870 = tpu.vector_load %arg7[%swap3A_2868, %swap3A_2869] {strides = array<i32>} : memref<128x256xf32, #tpu.memory_space<vmem>>, vector<1x16xf32>,
      %swap3A_2871 = vector.shape_cast %swap3A_2870 : vector<1x16xf32> to vector<16xf32>
      %swap3A_2872 = vector.shape_cast %max3A_2867 : vector<16xf32> to vector<1x16xf32>
      tpu.vector_store %arg7[%swap3A_2868, %swap3A_2869], %swap3A_2872 {strides = array<i32>} : memref<128x256xf32, #tpu.memory_space<vmem>>, vector<1x16xf32>,
      %max3A_2873 = arith.constant 0.000000e+00 : f32
      %max3A_2874 = vector.broadcast %max3A_2873 : f32 to vector<16xf32>
      %max3A_2875 = arith.maximumf %broadcast_in_dim3A_2778, %max3A_2874 : vector<16xf32>
      %swap3A_2876 = arith.index_cast %add3A_2792 : i32 to index
      %swap3A_2877 = arith.constant 80 : index
      %swap3A_2878 = tpu.vector_load %arg7[%swap3A_2876, %swap3A_2877] {strides = array<i32>} : memref<128x256xf32, #tpu.memory_space<vmem>>, vector<1x16xf32>,
      %swap3A_2879 = vector.shape_cast %swap3A_2878 : vector<1x16xf32> to vector<16xf32>
      %swap3A_2880 = vector.shape_cast %max3A_2875 : vector<16xf32> to vector<1x16xf32>
      tpu.vector_store %arg7[%swap3A_2876, %swap3A_2877], %swap3A_2880 {strides = array<i32>} : memref<128x256xf32, #tpu.memory_space<vmem>>, vector<1x16xf32>,
      %max3A_2881 = arith.constant 0.000000e+00 : f32
      %max3A_2882 = vector.broadcast %max3A_2881 : f32 to vector<16xf32>
      %max3A_2883 = arith.maximumf %broadcast_in_dim3A_2780, %max3A_2882 : vector<16xf32>
      %swap3A_2884 = arith.index_cast %add3A_2792 : i32 to index
      %swap3A_2885 = arith.constant 208 : index
      %swap3A_2886 = tpu.vector_load %arg7[%swap3A_2884, %swap3A_2885] {strides = array<i32>} : memref<128x256xf32, #tpu.memory_space<vmem>>, vector<1x16xf32>,
      %swap3A_2887 = vector.shape_cast %swap3A_2886 : vector<1x16xf32> to vector<16xf32>
      %swap3A_2888 = vector.shape_cast %max3A_2883 : vector<16xf32> to vector<1x16xf32>
      tpu.vector_store %arg7[%swap3A_2884, %swap3A_2885], %swap3A_2888 {strides = array<i32>} : memref<128x256xf32, #tpu.memory_space<vmem>>, vector<1x16xf32>,
      %max3A_2889 = arith.constant 0.000000e+00 : f32
      %max3A_2890 = vector.broadcast %max3A_2889 : f32 to vector<16xf32>
      %max3A_2891 = arith.maximumf %broadcast_in_dim3A_2782, %max3A_2890 : vector<16xf32>
      %swap3A_2892 = arith.index_cast %add3A_2792 : i32 to index
      %swap3A_2893 = arith.constant 96 : index
      %swap3A_2894 = tpu.vector_load %arg7[%swap3A_2892, %swap3A_2893] {strides = array<i32>} : memref<128x256xf32, #tpu.memory_space<vmem>>, vector<1x16xf32>,
      %swap3A_2895 = vector.shape_cast %swap3A_2894 : vector<1x16xf32> to vector<16xf32>
      %swap3A_2896 = vector.shape_cast %max3A_2891 : vector<16xf32> to vector<1x16xf32>
      tpu.vector_store %arg7[%swap3A_2892, %swap3A_2893], %swap3A_2896 {strides = array<i32>} : memref<128x256xf32, #tpu.memory_space<vmem>>, vector<1x16xf32>,
      %max3A_2897 = arith.constant 0.000000e+00 : f32
      %max3A_2898 = vector.broadcast %max3A_2897 : f32 to vector<16xf32>
      %max3A_2899 = arith.maximumf %broadcast_in_dim3A_2784, %max3A_2898 : vector<16xf32>
      %swap3A_2900 = arith.index_cast %add3A_2792 : i32 to index
      %swap3A_2901 = arith.constant 224 : index
      %swap3A_2902 = tpu.vector_load %arg7[%swap3A_2900, %swap3A_2901] {strides = array<i32>} : memref<128x256xf32, #tpu.memory_space<vmem>>, vector<1x16xf32>,
      %swap3A_2903 = vector.shape_cast %swap3A_2902 : vector<1x16xf32> to vector<16xf32>
      %swap3A_2904 = vector.shape_cast %max3A_2899 : vector<16xf32> to vector<1x16xf32>
      tpu.vector_store %arg7[%swap3A_2900, %swap3A_2901], %swap3A_2904 {strides = array<i32>} : memref<128x256xf32, #tpu.memory_space<vmem>>, vector<1x16xf32>,
      %max3A_2905 = arith.constant 0.000000e+00 : f32
      %max3A_2906 = vector.broadcast %max3A_2905 : f32 to vector<16xf32>
      %max3A_2907 = arith.maximumf %broadcast_in_dim3A_2786, %max3A_2906 : vector<16xf32>
      %swap3A_2908 = arith.index_cast %add3A_2792 : i32 to index
      %swap3A_2909 = arith.constant 112 : index
      %swap3A_2910 = tpu.vector_load %arg7[%swap3A_2908, %swap3A_2909] {strides = array<i32>} : memref<128x256xf32, #tpu.memory_space<vmem>>, vector<1x16xf32>,
      %swap3A_2911 = vector.shape_cast %swap3A_2910 : vector<1x16xf32> to vector<16xf32>
      %swap3A_2912 = vector.shape_cast %max3A_2907 : vector<16xf32> to vector<1x16xf32>
      tpu.vector_store %arg7[%swap3A_2908, %swap3A_2909], %swap3A_2912 {strides = array<i32>} : memref<128x256xf32, #tpu.memory_space<vmem>>, vector<1x16xf32>,
      %max3A_2913 = arith.constant 0.000000e+00 : f32
      %max3A_2914 = vector.broadcast %max3A_2913 : f32 to vector<16xf32>
      %max3A_2915 = arith.maximumf %broadcast_in_dim3A_2788, %max3A_2914 : vector<16xf32>
      %swap3A_2916 = arith.index_cast %add3A_2792 : i32 to index
      %swap3A_2917 = arith.constant 240 : index
      %swap3A_2918 = tpu.vector_load %arg7[%swap3A_2916, %swap3A_2917] {strides = array<i32>} : memref<128x256xf32, #tpu.memory_space<vmem>>, vector<1x16xf32>,
      %swap3A_2919 = vector.shape_cast %swap3A_2918 : vector<1x16xf32> to vector<16xf32>
      %swap3A_2920 = vector.shape_cast %max3A_2915 : vector<16xf32> to vector<1x16xf32>
      tpu.vector_store %arg7[%swap3A_2916, %swap3A_2917], %swap3A_2920 {strides = array<i32>} : memref<128x256xf32, #tpu.memory_space<vmem>>, vector<1x16xf32>,
      %add3A_2921 = arith.constant 3 : i32
      %add3A_2922 = arith.addi %mul3A_1511, %add3A_2921 : i32
      %add3A_2923 = arith.constant 4 : i32
      %add3A_2924 = arith.addi %add3A_2922, %add3A_2923 : i32
      %dma_start3A_2925 = arith.constant 3 : i32
      %dma_start3A_2926 = arith.constant 0 : i32
      %dma_start3A_2927 = arith.constant 0 : i32
      %dma_start3A_2928 = tpu.memref_slice %arg6[%dma_start3A_2925, %dma_start3A_2926, %dma_start3A_2927] : memref<4x104x128xi32, #tpu.memory_space<vmem>> -> memref<1x104x128xi32, #tpu.memory_space<vmem>>
      %dma_start3A_2929 = tpu.memref_squeeze %dma_start3A_2928 : memref<1x104x128xi32, #tpu.memory_space<vmem>> -> memref<104x128xi32, #tpu.memory_space<vmem>>
      %dma_start3A_2930 = arith.constant 0 : i32
      %dma_start3A_2931 = tpu.memref_slice %arg5[%add3A_2924, %dma_start3A_2930] : memref<64x104xi32, #tpu.memory_space<vmem>> -> memref<1x104xi32, #tpu.memory_space<vmem>>
      %dma_start3A_2932 = tpu.memref_squeeze %dma_start3A_2931 : memref<1x104xi32, #tpu.memory_space<vmem>> -> memref<104xi32, #tpu.memory_space<vmem>>
      %dma_start3A_2933 = arith.constant 0 : i32
      %dma_start3A_2934 = arith.constant 0 : i32
      %dma_start3A_2935 = tpu.memref_slice %arg2[%dma_start3A_2933, %dma_start3A_2934] : memref<6656x128xi32, #tpu.memory_space<hbm>> -> memref<6656x128xi32, #tpu.memory_space<hbm>>
      tpu.enqueue_indirect_dma source(%dma_start3A_2935 : memref<6656x128xi32, #tpu.memory_space<hbm>>) target(%dma_start3A_2929 : memref<104x128xi32, #tpu.memory_space<vmem>>) offsets(%dma_start3A_2932 : memref<104xi32, #tpu.memory_space<vmem>>) semaphore(%arg11 : memref<!tpu.dma_semaphore, #tpu.memory_space<semaphore_mem>>)
      %scan3A_2936 = arith.constant 0 : i32
      scf.yield %scan3A_2936 : i32
    }
    %scan3A_53 = arith.constant 15 : i32
    %dma_wait3A = arith.constant 60 : i32
    %dma_wait3A_54 = arith.constant 0 : i32
    %dma_wait3A_55 = arith.constant 0 : i32
    %dma_wait3A_56 = arith.constant 0 : i32
    %dma_wait3A_57 = tpu.memref_slice %arg6[%dma_wait3A_54, %dma_wait3A_55, %dma_wait3A_56] : memref<4x104x128xi32, #tpu.memory_space<vmem>> -> memref<1x104x128xi32, #tpu.memory_space<vmem>>
    %dma_wait3A_58 = tpu.memref_squeeze %dma_wait3A_57 : memref<1x104x128xi32, #tpu.memory_space<vmem>> -> memref<104x128xi32, #tpu.memory_space<vmem>>
    %dma_wait3A_59 = arith.constant 0 : i32
    %dma_wait3A_60 = tpu.memref_slice %arg5[%dma_wait3A, %dma_wait3A_59] : memref<64x104xi32, #tpu.memory_space<vmem>> -> memref<1x104xi32, #tpu.memory_space<vmem>>
    %dma_wait3A_61 = tpu.memref_squeeze %dma_wait3A_60 : memref<1x104xi32, #tpu.memory_space<vmem>> -> memref<104xi32, #tpu.memory_space<vmem>>
    %dma_wait3A_62 = arith.constant 0 : i32
    %dma_wait3A_63 = arith.constant 0 : i32
    %dma_wait3A_64 = tpu.memref_slice %arg2[%dma_wait3A_62, %dma_wait3A_63] : memref<6656x128xi32, #tpu.memory_space<hbm>> -> memref<6656x128xi32, #tpu.memory_space<hbm>>
    tpu.wait_indirect_dma semaphore(%arg8 : memref<!tpu.dma_semaphore, #tpu.memory_space<semaphore_mem>>) src(%dma_wait3A_64 : memref<6656x128xi32, #tpu.memory_space<hbm>>) dst(%dma_wait3A_58 : memref<104x128xi32, #tpu.memory_space<vmem>>)
    %broadcast_in_dim3A = arith.constant 0.000000e+00 : f32
    %broadcast_in_dim3A_65 = vector.broadcast %broadcast_in_dim3A : f32 to vector<16xf32>
    %broadcast_in_dim3A_66 = arith.constant 0.000000e+00 : f32
    %broadcast_in_dim3A_67 = vector.broadcast %broadcast_in_dim3A_66 : f32 to vector<16xf32>
    %broadcast_in_dim3A_68 = arith.constant 0.000000e+00 : f32
    %broadcast_in_dim3A_69 = vector.broadcast %broadcast_in_dim3A_68 : f32 to vector<16xf32>
    %broadcast_in_dim3A_70 = arith.constant 0.000000e+00 : f32
    %broadcast_in_dim3A_71 = vector.broadcast %broadcast_in_dim3A_70 : f32 to vector<16xf32>
    %broadcast_in_dim3A_72 = arith.constant 0.000000e+00 : f32
    %broadcast_in_dim3A_73 = vector.broadcast %broadcast_in_dim3A_72 : f32 to vector<16xf32>
    %broadcast_in_dim3A_74 = arith.constant 0.000000e+00 : f32
    %broadcast_in_dim3A_75 = vector.broadcast %broadcast_in_dim3A_74 : f32 to vector<16xf32>
    %broadcast_in_dim3A_76 = arith.constant 0.000000e+00 : f32
    %broadcast_in_dim3A_77 = vector.broadcast %broadcast_in_dim3A_76 : f32 to vector<16xf32>
    %broadcast_in_dim3A_78 = arith.constant 0.000000e+00 : f32
    %broadcast_in_dim3A_79 = vector.broadcast %broadcast_in_dim3A_78 : f32 to vector<16xf32>
    %broadcast_in_dim3A_80 = arith.constant 0.000000e+00 : f32
    %broadcast_in_dim3A_81 = vector.broadcast %broadcast_in_dim3A_80 : f32 to vector<16xf32>
    %broadcast_in_dim3A_82 = arith.constant 0.000000e+00 : f32
    %broadcast_in_dim3A_83 = vector.broadcast %broadcast_in_dim3A_82 : f32 to vector<16xf32>
    %broadcast_in_dim3A_84 = arith.constant 0.000000e+00 : f32
    %broadcast_in_dim3A_85 = vector.broadcast %broadcast_in_dim3A_84 : f32 to vector<16xf32>
    %broadcast_in_dim3A_86 = arith.constant 0.000000e+00 : f32
    %broadcast_in_dim3A_87 = vector.broadcast %broadcast_in_dim3A_86 : f32 to vector<16xf32>
    %broadcast_in_dim3A_88 = arith.constant 0.000000e+00 : f32
    %broadcast_in_dim3A_89 = vector.broadcast %broadcast_in_dim3A_88 : f32 to vector<16xf32>
    %broadcast_in_dim3A_90 = arith.constant 0.000000e+00 : f32
    %broadcast_in_dim3A_91 = vector.broadcast %broadcast_in_dim3A_90 : f32 to vector<16xf32>
    %broadcast_in_dim3A_92 = arith.constant 0.000000e+00 : f32
    %broadcast_in_dim3A_93 = vector.broadcast %broadcast_in_dim3A_92 : f32 to vector<16xf32>
    %broadcast_in_dim3A_94 = arith.constant 0.000000e+00 : f32
    %broadcast_in_dim3A_95 = vector.broadcast %broadcast_in_dim3A_94 : f32 to vector<16xf32>
    %max3A = arith.constant 0.000000e+00 : f32
    %max3A_96 = vector.broadcast %max3A : f32 to vector<16xf32>
    %max3A_97 = arith.maximumf %broadcast_in_dim3A_65, %max3A_96 : vector<16xf32>
    %swap3A = arith.constant 120 : i32
    %swap3A_98 = arith.index_cast %swap3A : i32 to index
    %swap3A_99 = arith.constant 0 : index
    %swap3A_100 = tpu.vector_load %arg7[%swap3A_98, %swap3A_99] {strides = array<i32>} : memref<128x256xf32, #tpu.memory_space<vmem>>, vector<1x16xf32>,
    %swap3A_101 = vector.shape_cast %swap3A_100 : vector<1x16xf32> to vector<16xf32>
    %swap3A_102 = vector.shape_cast %max3A_97 : vector<16xf32> to vector<1x16xf32>
    tpu.vector_store %arg7[%swap3A_98, %swap3A_99], %swap3A_102 {strides = array<i32>} : memref<128x256xf32, #tpu.memory_space<vmem>>, vector<1x16xf32>,
    %max3A_103 = arith.constant 0.000000e+00 : f32
    %max3A_104 = vector.broadcast %max3A_103 : f32 to vector<16xf32>
    %max3A_105 = arith.maximumf %broadcast_in_dim3A_67, %max3A_104 : vector<16xf32>
    %swap3A_106 = arith.constant 120 : i32
    %swap3A_107 = arith.index_cast %swap3A_106 : i32 to index
    %swap3A_108 = arith.constant 128 : index
    %swap3A_109 = tpu.vector_load %arg7[%swap3A_107, %swap3A_108] {strides = array<i32>} : memref<128x256xf32, #tpu.memory_space<vmem>>, vector<1x16xf32>,
    %swap3A_110 = vector.shape_cast %swap3A_109 : vector<1x16xf32> to vector<16xf32>
    %swap3A_111 = vector.shape_cast %max3A_105 : vector<16xf32> to vector<1x16xf32>
    tpu.vector_store %arg7[%swap3A_107, %swap3A_108], %swap3A_111 {strides = array<i32>} : memref<128x256xf32, #tpu.memory_space<vmem>>, vector<1x16xf32>,
    %max3A_112 = arith.constant 0.000000e+00 : f32
    %max3A_113 = vector.broadcast %max3A_112 : f32 to vector<16xf32>
    %max3A_114 = arith.maximumf %broadcast_in_dim3A_69, %max3A_113 : vector<16xf32>
    %swap3A_115 = arith.constant 120 : i32
    %swap3A_116 = arith.index_cast %swap3A_115 : i32 to index
    %swap3A_117 = arith.constant 16 : index
    %swap3A_118 = tpu.vector_load %arg7[%swap3A_116, %swap3A_117] {strides = array<i32>} : memref<128x256xf32, #tpu.memory_space<vmem>>, vector<1x16xf32>,
    %swap3A_119 = vector.shape_cast %swap3A_118 : vector<1x16xf32> to vector<16xf32>
    %swap3A_120 = vector.shape_cast %max3A_114 : vector<16xf32> to vector<1x16xf32>
    tpu.vector_store %arg7[%swap3A_116, %swap3A_117], %swap3A_120 {strides = array<i32>} : memref<128x256xf32, #tpu.memory_space<vmem>>, vector<1x16xf32>,
    %max3A_121 = arith.constant 0.000000e+00 : f32
    %max3A_122 = vector.broadcast %max3A_121 : f32 to vector<16xf32>
    %max3A_123 = arith.maximumf %broadcast_in_dim3A_71, %max3A_122 : vector<16xf32>
    %swap3A_124 = arith.constant 120 : i32
    %swap3A_125 = arith.index_cast %swap3A_124 : i32 to index
    %swap3A_126 = arith.constant 144 : index
    %swap3A_127 = tpu.vector_load %arg7[%swap3A_125, %swap3A_126] {strides = array<i32>} : memref<128x256xf32, #tpu.memory_space<vmem>>, vector<1x16xf32>,
    %swap3A_128 = vector.shape_cast %swap3A_127 : vector<1x16xf32> to vector<16xf32>
    %swap3A_129 = vector.shape_cast %max3A_123 : vector<16xf32> to vector<1x16xf32>
    tpu.vector_store %arg7[%swap3A_125, %swap3A_126], %swap3A_129 {strides = array<i32>} : memref<128x256xf32, #tpu.memory_space<vmem>>, vector<1x16xf32>,
    %max3A_130 = arith.constant 0.000000e+00 : f32
    %max3A_131 = vector.broadcast %max3A_130 : f32 to vector<16xf32>
    %max3A_132 = arith.maximumf %broadcast_in_dim3A_73, %max3A_131 : vector<16xf32>
    %swap3A_133 = arith.constant 120 : i32
    %swap3A_134 = arith.index_cast %swap3A_133 : i32 to index
    %swap3A_135 = arith.constant 32 : index
    %swap3A_136 = tpu.vector_load %arg7[%swap3A_134, %swap3A_135] {strides = array<i32>} : memref<128x256xf32, #tpu.memory_space<vmem>>, vector<1x16xf32>,
    %swap3A_137 = vector.shape_cast %swap3A_136 : vector<1x16xf32> to vector<16xf32>
    %swap3A_138 = vector.shape_cast %max3A_132 : vector<16xf32> to vector<1x16xf32>
    tpu.vector_store %arg7[%swap3A_134, %swap3A_135], %swap3A_138 {strides = array<i32>} : memref<128x256xf32, #tpu.memory_space<vmem>>, vector<1x16xf32>,
    %max3A_139 = arith.constant 0.000000e+00 : f32
    %max3A_140 = vector.broadcast %max3A_139 : f32 to vector<16xf32>
    %max3A_141 = arith.maximumf %broadcast_in_dim3A_75, %max3A_140 : vector<16xf32>
    %swap3A_142 = arith.constant 120 : i32
    %swap3A_143 = arith.index_cast %swap3A_142 : i32 to index
    %swap3A_144 = arith.constant 160 : index
    %swap3A_145 = tpu.vector_load %arg7[%swap3A_143, %swap3A_144] {strides = array<i32>} : memref<128x256xf32, #tpu.memory_space<vmem>>, vector<1x16xf32>,
    %swap3A_146 = vector.shape_cast %swap3A_145 : vector<1x16xf32> to vector<16xf32>
    %swap3A_147 = vector.shape_cast %max3A_141 : vector<16xf32> to vector<1x16xf32>
    tpu.vector_store %arg7[%swap3A_143, %swap3A_144], %swap3A_147 {strides = array<i32>} : memref<128x256xf32, #tpu.memory_space<vmem>>, vector<1x16xf32>,
    %max3A_148 = arith.constant 0.000000e+00 : f32
    %max3A_149 = vector.broadcast %max3A_148 : f32 to vector<16xf32>
    %max3A_150 = arith.maximumf %broadcast_in_dim3A_77, %max3A_149 : vector<16xf32>
    %swap3A_151 = arith.constant 120 : i32
    %swap3A_152 = arith.index_cast %swap3A_151 : i32 to index
    %swap3A_153 = arith.constant 48 : index
    %swap3A_154 = tpu.vector_load %arg7[%swap3A_152, %swap3A_153] {strides = array<i32>} : memref<128x256xf32, #tpu.memory_space<vmem>>, vector<1x16xf32>,
    %swap3A_155 = vector.shape_cast %swap3A_154 : vector<1x16xf32> to vector<16xf32>
    %swap3A_156 = vector.shape_cast %max3A_150 : vector<16xf32> to vector<1x16xf32>
    tpu.vector_store %arg7[%swap3A_152, %swap3A_153], %swap3A_156 {strides = array<i32>} : memref<128x256xf32, #tpu.memory_space<vmem>>, vector<1x16xf32>,
    %max3A_157 = arith.constant 0.000000e+00 : f32
    %max3A_158 = vector.broadcast %max3A_157 : f32 to vector<16xf32>
    %max3A_159 = arith.maximumf %broadcast_in_dim3A_79, %max3A_158 : vector<16xf32>
    %swap3A_160 = arith.constant 120 : i32
    %swap3A_161 = arith.index_cast %swap3A_160 : i32 to index
    %swap3A_162 = arith.constant 176 : index
    %swap3A_163 = tpu.vector_load %arg7[%swap3A_161, %swap3A_162] {strides = array<i32>} : memref<128x256xf32, #tpu.memory_space<vmem>>, vector<1x16xf32>,
    %swap3A_164 = vector.shape_cast %swap3A_163 : vector<1x16xf32> to vector<16xf32>
    %swap3A_165 = vector.shape_cast %max3A_159 : vector<16xf32> to vector<1x16xf32>
    tpu.vector_store %arg7[%swap3A_161, %swap3A_162], %swap3A_165 {strides = array<i32>} : memref<128x256xf32, #tpu.memory_space<vmem>>, vector<1x16xf32>,
    %max3A_166 = arith.constant 0.000000e+00 : f32
    %max3A_167 = vector.broadcast %max3A_166 : f32 to vector<16xf32>
    %max3A_168 = arith.maximumf %broadcast_in_dim3A_81, %max3A_167 : vector<16xf32>
    %swap3A_169 = arith.constant 120 : i32
    %swap3A_170 = arith.index_cast %swap3A_169 : i32 to index
    %swap3A_171 = arith.constant 64 : index
    %swap3A_172 = tpu.vector_load %arg7[%swap3A_170, %swap3A_171] {strides = array<i32>} : memref<128x256xf32, #tpu.memory_space<vmem>>, vector<1x16xf32>,
    %swap3A_173 = vector.shape_cast %swap3A_172 : vector<1x16xf32> to vector<16xf32>
    %swap3A_174 = vector.shape_cast %max3A_168 : vector<16xf32> to vector<1x16xf32>
    tpu.vector_store %arg7[%swap3A_170, %swap3A_171], %swap3A_174 {strides = array<i32>} : memref<128x256xf32, #tpu.memory_space<vmem>>, vector<1x16xf32>,
    %max3A_175 = arith.constant 0.000000e+00 : f32
    %max3A_176 = vector.broadcast %max3A_175 : f32 to vector<16xf32>
    %max3A_177 = arith.maximumf %broadcast_in_dim3A_83, %max3A_176 : vector<16xf32>
    %swap3A_178 = arith.constant 120 : i32
    %swap3A_179 = arith.index_cast %swap3A_178 : i32 to index
    %swap3A_180 = arith.constant 192 : index
    %swap3A_181 = tpu.vector_load %arg7[%swap3A_179, %swap3A_180] {strides = array<i32>} : memref<128x256xf32, #tpu.memory_space<vmem>>, vector<1x16xf32>,
    %swap3A_182 = vector.shape_cast %swap3A_181 : vector<1x16xf32> to vector<16xf32>
    %swap3A_183 = vector.shape_cast %max3A_177 : vector<16xf32> to vector<1x16xf32>
    tpu.vector_store %arg7[%swap3A_179, %swap3A_180], %swap3A_183 {strides = array<i32>} : memref<128x256xf32, #tpu.memory_space<vmem>>, vector<1x16xf32>,
    %max3A_184 = arith.constant 0.000000e+00 : f32
    %max3A_185 = vector.broadcast %max3A_184 : f32 to vector<16xf32>
    %max3A_186 = arith.maximumf %broadcast_in_dim3A_85, %max3A_185 : vector<16xf32>
    %swap3A_187 = arith.constant 120 : i32
    %swap3A_188 = arith.index_cast %swap3A_187 : i32 to index
    %swap3A_189 = arith.constant 80 : index
    %swap3A_190 = tpu.vector_load %arg7[%swap3A_188, %swap3A_189] {strides = array<i32>} : memref<128x256xf32, #tpu.memory_space<vmem>>, vector<1x16xf32>,
    %swap3A_191 = vector.shape_cast %swap3A_190 : vector<1x16xf32> to vector<16xf32>
    %swap3A_192 = vector.shape_cast %max3A_186 : vector<16xf32> to vector<1x16xf32>
    tpu.vector_store %arg7[%swap3A_188, %swap3A_189], %swap3A_192 {strides = array<i32>} : memref<128x256xf32, #tpu.memory_space<vmem>>, vector<1x16xf32>,
    %max3A_193 = arith.constant 0.000000e+00 : f32
    %max3A_194 = vector.broadcast %max3A_193 : f32 to vector<16xf32>
    %max3A_195 = arith.maximumf %broadcast_in_dim3A_87, %max3A_194 : vector<16xf32>
    %swap3A_196 = arith.constant 120 : i32
    %swap3A_197 = arith.index_cast %swap3A_196 : i32 to index
    %swap3A_198 = arith.constant 208 : index
    %swap3A_199 = tpu.vector_load %arg7[%swap3A_197, %swap3A_198] {strides = array<i32>} : memref<128x256xf32, #tpu.memory_space<vmem>>, vector<1x16xf32>,
    %swap3A_200 = vector.shape_cast %swap3A_199 : vector<1x16xf32> to vector<16xf32>
    %swap3A_201 = vector.shape_cast %max3A_195 : vector<16xf32> to vector<1x16xf32>
    tpu.vector_store %arg7[%swap3A_197, %swap3A_198], %swap3A_201 {strides = array<i32>} : memref<128x256xf32, #tpu.memory_space<vmem>>, vector<1x16xf32>,
    %max3A_202 = arith.constant 0.000000e+00 : f32
    %max3A_203 = vector.broadcast %max3A_202 : f32 to vector<16xf32>
    %max3A_204 = arith.maximumf %broadcast_in_dim3A_89, %max3A_203 : vector<16xf32>
    %swap3A_205 = arith.constant 120 : i32
    %swap3A_206 = arith.index_cast %swap3A_205 : i32 to index
    %swap3A_207 = arith.constant 96 : index
    %swap3A_208 = tpu.vector_load %arg7[%swap3A_206, %swap3A_207] {strides = array<i32>} : memref<128x256xf32, #tpu.memory_space<vmem>>, vector<1x16xf32>,
    %swap3A_209 = vector.shape_cast %swap3A_208 : vector<1x16xf32> to vector<16xf32>
    %swap3A_210 = vector.shape_cast %max3A_204 : vector<16xf32> to vector<1x16xf32>
    tpu.vector_store %arg7[%swap3A_206, %swap3A_207], %swap3A_210 {strides = array<i32>} : memref<128x256xf32, #tpu.memory_space<vmem>>, vector<1x16xf32>,
    %max3A_211 = arith.constant 0.000000e+00 : f32
    %max3A_212 = vector.broadcast %max3A_211 : f32 to vector<16xf32>
    %max3A_213 = arith.maximumf %broadcast_in_dim3A_91, %max3A_212 : vector<16xf32>
    %swap3A_214 = arith.constant 120 : i32
    %swap3A_215 = arith.index_cast %swap3A_214 : i32 to index
    %swap3A_216 = arith.constant 224 : index
    %swap3A_217 = tpu.vector_load %arg7[%swap3A_215, %swap3A_216] {strides = array<i32>} : memref<128x256xf32, #tpu.memory_space<vmem>>, vector<1x16xf32>,
    %swap3A_218 = vector.shape_cast %swap3A_217 : vector<1x16xf32> to vector<16xf32>
    %swap3A_219 = vector.shape_cast %max3A_213 : vector<16xf32> to vector<1x16xf32>
    tpu.vector_store %arg7[%swap3A_215, %swap3A_216], %swap3A_219 {strides = array<i32>} : memref<128x256xf32, #tpu.memory_space<vmem>>, vector<1x16xf32>,
    %max3A_220 = arith.constant 0.000000e+00 : f32
    %max3A_221 = vector.broadcast %max3A_220 : f32 to vector<16xf32>
    %max3A_222 = arith.maximumf %broadcast_in_dim3A_93, %max3A_221 : vector<16xf32>
    %swap3A_223 = arith.constant 120 : i32
    %swap3A_224 = arith.index_cast %swap3A_223 : i32 to index
    %swap3A_225 = arith.constant 112 : index
    %swap3A_226 = tpu.vector_load %arg7[%swap3A_224, %swap3A_225] {strides = array<i32>} : memref<128x256xf32, #tpu.memory_space<vmem>>, vector<1x16xf32>,
    %swap3A_227 = vector.shape_cast %swap3A_226 : vector<1x16xf32> to vector<16xf32>
    %swap3A_228 = vector.shape_cast %max3A_222 : vector<16xf32> to vector<1x16xf32>
    tpu.vector_store %arg7[%swap3A_224, %swap3A_225], %swap3A_228 {strides = array<i32>} : memref<128x256xf32, #tpu.memory_space<vmem>>, vector<1x16xf32>,
    %max3A_229 = arith.constant 0.000000e+00 : f32
    %max3A_230 = vector.broadcast %max3A_229 : f32 to vector<16xf32>
    %max3A_231 = arith.maximumf %broadcast_in_dim3A_95, %max3A_230 : vector<16xf32>
    %swap3A_232 = arith.constant 120 : i32
    %swap3A_233 = arith.index_cast %swap3A_232 : i32 to index
    %swap3A_234 = arith.constant 240 : index
    %swap3A_235 = tpu.vector_load %arg7[%swap3A_233, %swap3A_234] {strides = array<i32>} : memref<128x256xf32, #tpu.memory_space<vmem>>, vector<1x16xf32>,
    %swap3A_236 = vector.shape_cast %swap3A_235 : vector<1x16xf32> to vector<16xf32>
    %swap3A_237 = vector.shape_cast %max3A_231 : vector<16xf32> to vector<1x16xf32>
    tpu.vector_store %arg7[%swap3A_233, %swap3A_234], %swap3A_237 {strides = array<i32>} : memref<128x256xf32, #tpu.memory_space<vmem>>, vector<1x16xf32>,
    %broadcast_in_dim3A_238 = arith.constant 0.000000e+00 : f32
    %broadcast_in_dim3A_239 = vector.broadcast %broadcast_in_dim3A_238 : f32 to vector<16xf32>
    %broadcast_in_dim3A_240 = arith.constant 0.000000e+00 : f32
    %broadcast_in_dim3A_241 = vector.broadcast %broadcast_in_dim3A_240 : f32 to vector<16xf32>
    %broadcast_in_dim3A_242 = arith.constant 0.000000e+00 : f32
    %broadcast_in_dim3A_243 = vector.broadcast %broadcast_in_dim3A_242 : f32 to vector<16xf32>
    %broadcast_in_dim3A_244 = arith.constant 0.000000e+00 : f32
    %broadcast_in_dim3A_245 = vector.broadcast %broadcast_in_dim3A_244 : f32 to vector<16xf32>
    %broadcast_in_dim3A_246 = arith.constant 0.000000e+00 : f32
    %broadcast_in_dim3A_247 = vector.broadcast %broadcast_in_dim3A_246 : f32 to vector<16xf32>
    %broadcast_in_dim3A_248 = arith.constant 0.000000e+00 : f32
    %broadcast_in_dim3A_249 = vector.broadcast %broadcast_in_dim3A_248 : f32 to vector<16xf32>
    %broadcast_in_dim3A_250 = arith.constant 0.000000e+00 : f32
    %broadcast_in_dim3A_251 = vector.broadcast %broadcast_in_dim3A_250 : f32 to vector<16xf32>
    %broadcast_in_dim3A_252 = arith.constant 0.000000e+00 : f32
    %broadcast_in_dim3A_253 = vector.broadcast %broadcast_in_dim3A_252 : f32 to vector<16xf32>
    %broadcast_in_dim3A_254 = arith.constant 0.000000e+00 : f32
    %broadcast_in_dim3A_255 = vector.broadcast %broadcast_in_dim3A_254 : f32 to vector<16xf32>
    %broadcast_in_dim3A_256 = arith.constant 0.000000e+00 : f32
    %broadcast_in_dim3A_257 = vector.broadcast %broadcast_in_dim3A_256 : f32 to vector<16xf32>
    %broadcast_in_dim3A_258 = arith.constant 0.000000e+00 : f32
    %broadcast_in_dim3A_259 = vector.broadcast %broadcast_in_dim3A_258 : f32 to vector<16xf32>
    %broadcast_in_dim3A_260 = arith.constant 0.000000e+00 : f32
    %broadcast_in_dim3A_261 = vector.broadcast %broadcast_in_dim3A_260 : f32 to vector<16xf32>
    %broadcast_in_dim3A_262 = arith.constant 0.000000e+00 : f32
    %broadcast_in_dim3A_263 = vector.broadcast %broadcast_in_dim3A_262 : f32 to vector<16xf32>
    %broadcast_in_dim3A_264 = arith.constant 0.000000e+00 : f32
    %broadcast_in_dim3A_265 = vector.broadcast %broadcast_in_dim3A_264 : f32 to vector<16xf32>
    %broadcast_in_dim3A_266 = arith.constant 0.000000e+00 : f32
    %broadcast_in_dim3A_267 = vector.broadcast %broadcast_in_dim3A_266 : f32 to vector<16xf32>
    %broadcast_in_dim3A_268 = arith.constant 0.000000e+00 : f32
    %broadcast_in_dim3A_269 = vector.broadcast %broadcast_in_dim3A_268 : f32 to vector<16xf32>
    %max3A_270 = arith.constant 0.000000e+00 : f32
    %max3A_271 = vector.broadcast %max3A_270 : f32 to vector<16xf32>
    %max3A_272 = arith.maximumf %broadcast_in_dim3A_239, %max3A_271 : vector<16xf32>
    %swap3A_273 = arith.constant 121 : i32
    %swap3A_274 = arith.index_cast %swap3A_273 : i32 to index
    %swap3A_275 = arith.constant 0 : index
    %swap3A_276 = tpu.vector_load %arg7[%swap3A_274, %swap3A_275] {strides = array<i32>} : memref<128x256xf32, #tpu.memory_space<vmem>>, vector<1x16xf32>,
    %swap3A_277 = vector.shape_cast %swap3A_276 : vector<1x16xf32> to vector<16xf32>
    %swap3A_278 = vector.shape_cast %max3A_272 : vector<16xf32> to vector<1x16xf32>
    tpu.vector_store %arg7[%swap3A_274, %swap3A_275], %swap3A_278 {strides = array<i32>} : memref<128x256xf32, #tpu.memory_space<vmem>>, vector<1x16xf32>,
    %max3A_279 = arith.constant 0.000000e+00 : f32
    %max3A_280 = vector.broadcast %max3A_279 : f32 to vector<16xf32>
    %max3A_281 = arith.maximumf %broadcast_in_dim3A_241, %max3A_280 : vector<16xf32>
    %swap3A_282 = arith.constant 121 : i32
    %swap3A_283 = arith.index_cast %swap3A_282 : i32 to index
    %swap3A_284 = arith.constant 128 : index
    %swap3A_285 = tpu.vector_load %arg7[%swap3A_283, %swap3A_284] {strides = array<i32>} : memref<128x256xf32, #tpu.memory_space<vmem>>, vector<1x16xf32>,
    %swap3A_286 = vector.shape_cast %swap3A_285 : vector<1x16xf32> to vector<16xf32>
    %swap3A_287 = vector.shape_cast %max3A_281 : vector<16xf32> to vector<1x16xf32>
    tpu.vector_store %arg7[%swap3A_283, %swap3A_284], %swap3A_287 {strides = array<i32>} : memref<128x256xf32, #tpu.memory_space<vmem>>, vector<1x16xf32>,
    %max3A_288 = arith.constant 0.000000e+00 : f32
    %max3A_289 = vector.broadcast %max3A_288 : f32 to vector<16xf32>
    %max3A_290 = arith.maximumf %broadcast_in_dim3A_243, %max3A_289 : vector<16xf32>
    %swap3A_291 = arith.constant 121 : i32
    %swap3A_292 = arith.index_cast %swap3A_291 : i32 to index
    %swap3A_293 = arith.constant 16 : index
    %swap3A_294 = tpu.vector_load %arg7[%swap3A_292, %swap3A_293] {strides = array<i32>} : memref<128x256xf32, #tpu.memory_space<vmem>>, vector<1x16xf32>,
    %swap3A_295 = vector.shape_cast %swap3A_294 : vector<1x16xf32> to vector<16xf32>
    %swap3A_296 = vector.shape_cast %max3A_290 : vector<16xf32> to vector<1x16xf32>
    tpu.vector_store %arg7[%swap3A_292, %swap3A_293], %swap3A_296 {strides = array<i32>} : memref<128x256xf32, #tpu.memory_space<vmem>>, vector<1x16xf32>,
    %max3A_297 = arith.constant 0.000000e+00 : f32
    %max3A_298 = vector.broadcast %max3A_297 : f32 to vector<16xf32>
    %max3A_299 = arith.maximumf %broadcast_in_dim3A_245, %max3A_298 : vector<16xf32>
    %swap3A_300 = arith.constant 121 : i32
    %swap3A_301 = arith.index_cast %swap3A_300 : i32 to index
    %swap3A_302 = arith.constant 144 : index
    %swap3A_303 = tpu.vector_load %arg7[%swap3A_301, %swap3A_302] {strides = array<i32>} : memref<128x256xf32, #tpu.memory_space<vmem>>, vector<1x16xf32>,
    %swap3A_304 = vector.shape_cast %swap3A_303 : vector<1x16xf32> to vector<16xf32>
    %swap3A_305 = vector.shape_cast %max3A_299 : vector<16xf32> to vector<1x16xf32>
    tpu.vector_store %arg7[%swap3A_301, %swap3A_302], %swap3A_305 {strides = array<i32>} : memref<128x256xf32, #tpu.memory_space<vmem>>, vector<1x16xf32>,
    %max3A_306 = arith.constant 0.000000e+00 : f32
    %max3A_307 = vector.broadcast %max3A_306 : f32 to vector<16xf32>
    %max3A_308 = arith.maximumf %broadcast_in_dim3A_247, %max3A_307 : vector<16xf32>
    %swap3A_309 = arith.constant 121 : i32
    %swap3A_310 = arith.index_cast %swap3A_309 : i32 to index
    %swap3A_311 = arith.constant 32 : index
    %swap3A_312 = tpu.vector_load %arg7[%swap3A_310, %swap3A_311] {strides = array<i32>} : memref<128x256xf32, #tpu.memory_space<vmem>>, vector<1x16xf32>,
    %swap3A_313 = vector.shape_cast %swap3A_312 : vector<1x16xf32> to vector<16xf32>
    %swap3A_314 = vector.shape_cast %max3A_308 : vector<16xf32> to vector<1x16xf32>
    tpu.vector_store %arg7[%swap3A_310, %swap3A_311], %swap3A_314 {strides = array<i32>} : memref<128x256xf32, #tpu.memory_space<vmem>>, vector<1x16xf32>,
    %max3A_315 = arith.constant 0.000000e+00 : f32
    %max3A_316 = vector.broadcast %max3A_315 : f32 to vector<16xf32>
    %max3A_317 = arith.maximumf %broadcast_in_dim3A_249, %max3A_316 : vector<16xf32>
    %swap3A_318 = arith.constant 121 : i32
    %swap3A_319 = arith.index_cast %swap3A_318 : i32 to index
    %swap3A_320 = arith.constant 160 : index
    %swap3A_321 = tpu.vector_load %arg7[%swap3A_319, %swap3A_320] {strides = array<i32>} : memref<128x256xf32, #tpu.memory_space<vmem>>, vector<1x16xf32>,
    %swap3A_322 = vector.shape_cast %swap3A_321 : vector<1x16xf32> to vector<16xf32>
    %swap3A_323 = vector.shape_cast %max3A_317 : vector<16xf32> to vector<1x16xf32>
    tpu.vector_store %arg7[%swap3A_319, %swap3A_320], %swap3A_323 {strides = array<i32>} : memref<128x256xf32, #tpu.memory_space<vmem>>, vector<1x16xf32>,
    %max3A_324 = arith.constant 0.000000e+00 : f32
    %max3A_325 = vector.broadcast %max3A_324 : f32 to vector<16xf32>
    %max3A_326 = arith.maximumf %broadcast_in_dim3A_251, %max3A_325 : vector<16xf32>
    %swap3A_327 = arith.constant 121 : i32
    %swap3A_328 = arith.index_cast %swap3A_327 : i32 to index
    %swap3A_329 = arith.constant 48 : index
    %swap3A_330 = tpu.vector_load %arg7[%swap3A_328, %swap3A_329] {strides = array<i32>} : memref<128x256xf32, #tpu.memory_space<vmem>>, vector<1x16xf32>,
    %swap3A_331 = vector.shape_cast %swap3A_330 : vector<1x16xf32> to vector<16xf32>
    %swap3A_332 = vector.shape_cast %max3A_326 : vector<16xf32> to vector<1x16xf32>
    tpu.vector_store %arg7[%swap3A_328, %swap3A_329], %swap3A_332 {strides = array<i32>} : memref<128x256xf32, #tpu.memory_space<vmem>>, vector<1x16xf32>,
    %max3A_333 = arith.constant 0.000000e+00 : f32
    %max3A_334 = vector.broadcast %max3A_333 : f32 to vector<16xf32>
    %max3A_335 = arith.maximumf %broadcast_in_dim3A_253, %max3A_334 : vector<16xf32>
    %swap3A_336 = arith.constant 121 : i32
    %swap3A_337 = arith.index_cast %swap3A_336 : i32 to index
    %swap3A_338 = arith.constant 176 : index
    %swap3A_339 = tpu.vector_load %arg7[%swap3A_337, %swap3A_338] {strides = array<i32>} : memref<128x256xf32, #tpu.memory_space<vmem>>, vector<1x16xf32>,
    %swap3A_340 = vector.shape_cast %swap3A_339 : vector<1x16xf32> to vector<16xf32>
    %swap3A_341 = vector.shape_cast %max3A_335 : vector<16xf32> to vector<1x16xf32>
    tpu.vector_store %arg7[%swap3A_337, %swap3A_338], %swap3A_341 {strides = array<i32>} : memref<128x256xf32, #tpu.memory_space<vmem>>, vector<1x16xf32>,
    %max3A_342 = arith.constant 0.000000e+00 : f32
    %max3A_343 = vector.broadcast %max3A_342 : f32 to vector<16xf32>
    %max3A_344 = arith.maximumf %broadcast_in_dim3A_255, %max3A_343 : vector<16xf32>
    %swap3A_345 = arith.constant 121 : i32
    %swap3A_346 = arith.index_cast %swap3A_345 : i32 to index
    %swap3A_347 = arith.constant 64 : index
    %swap3A_348 = tpu.vector_load %arg7[%swap3A_346, %swap3A_347] {strides = array<i32>} : memref<128x256xf32, #tpu.memory_space<vmem>>, vector<1x16xf32>,
    %swap3A_349 = vector.shape_cast %swap3A_348 : vector<1x16xf32> to vector<16xf32>
    %swap3A_350 = vector.shape_cast %max3A_344 : vector<16xf32> to vector<1x16xf32>
    tpu.vector_store %arg7[%swap3A_346, %swap3A_347], %swap3A_350 {strides = array<i32>} : memref<128x256xf32, #tpu.memory_space<vmem>>, vector<1x16xf32>,
    %max3A_351 = arith.constant 0.000000e+00 : f32
    %max3A_352 = vector.broadcast %max3A_351 : f32 to vector<16xf32>
    %max3A_353 = arith.maximumf %broadcast_in_dim3A_257, %max3A_352 : vector<16xf32>
    %swap3A_354 = arith.constant 121 : i32
    %swap3A_355 = arith.index_cast %swap3A_354 : i32 to index
    %swap3A_356 = arith.constant 192 : index
    %swap3A_357 = tpu.vector_load %arg7[%swap3A_355, %swap3A_356] {strides = array<i32>} : memref<128x256xf32, #tpu.memory_space<vmem>>, vector<1x16xf32>,
    %swap3A_358 = vector.shape_cast %swap3A_357 : vector<1x16xf32> to vector<16xf32>
    %swap3A_359 = vector.shape_cast %max3A_353 : vector<16xf32> to vector<1x16xf32>
    tpu.vector_store %arg7[%swap3A_355, %swap3A_356], %swap3A_359 {strides = array<i32>} : memref<128x256xf32, #tpu.memory_space<vmem>>, vector<1x16xf32>,
    %max3A_360 = arith.constant 0.000000e+00 : f32
    %max3A_361 = vector.broadcast %max3A_360 : f32 to vector<16xf32>
    %max3A_362 = arith.maximumf %broadcast_in_dim3A_259, %max3A_361 : vector<16xf32>
    %swap3A_363 = arith.constant 121 : i32
    %swap3A_364 = arith.index_cast %swap3A_363 : i32 to index
    %swap3A_365 = arith.constant 80 : index
    %swap3A_366 = tpu.vector_load %arg7[%swap3A_364, %swap3A_365] {strides = array<i32>} : memref<128x256xf32, #tpu.memory_space<vmem>>, vector<1x16xf32>,
    %swap3A_367 = vector.shape_cast %swap3A_366 : vector<1x16xf32> to vector<16xf32>
    %swap3A_368 = vector.shape_cast %max3A_362 : vector<16xf32> to vector<1x16xf32>
    tpu.vector_store %arg7[%swap3A_364, %swap3A_365], %swap3A_368 {strides = array<i32>} : memref<128x256xf32, #tpu.memory_space<vmem>>, vector<1x16xf32>,
    %max3A_369 = arith.constant 0.000000e+00 : f32
    %max3A_370 = vector.broadcast %max3A_369 : f32 to vector<16xf32>
    %max3A_371 = arith.maximumf %broadcast_in_dim3A_261, %max3A_370 : vector<16xf32>
    %swap3A_372 = arith.constant 121 : i32
    %swap3A_373 = arith.index_cast %swap3A_372 : i32 to index
    %swap3A_374 = arith.constant 208 : index
    %swap3A_375 = tpu.vector_load %arg7[%swap3A_373, %swap3A_374] {strides = array<i32>} : memref<128x256xf32, #tpu.memory_space<vmem>>, vector<1x16xf32>,
    %swap3A_376 = vector.shape_cast %swap3A_375 : vector<1x16xf32> to vector<16xf32>
    %swap3A_377 = vector.shape_cast %max3A_371 : vector<16xf32> to vector<1x16xf32>
    tpu.vector_store %arg7[%swap3A_373, %swap3A_374], %swap3A_377 {strides = array<i32>} : memref<128x256xf32, #tpu.memory_space<vmem>>, vector<1x16xf32>,
    %max3A_378 = arith.constant 0.000000e+00 : f32
    %max3A_379 = vector.broadcast %max3A_378 : f32 to vector<16xf32>
    %max3A_380 = arith.maximumf %broadcast_in_dim3A_263, %max3A_379 : vector<16xf32>
    %swap3A_381 = arith.constant 121 : i32
    %swap3A_382 = arith.index_cast %swap3A_381 : i32 to index
    %swap3A_383 = arith.constant 96 : index
    %swap3A_384 = tpu.vector_load %arg7[%swap3A_382, %swap3A_383] {strides = array<i32>} : memref<128x256xf32, #tpu.memory_space<vmem>>, vector<1x16xf32>,
    %swap3A_385 = vector.shape_cast %swap3A_384 : vector<1x16xf32> to vector<16xf32>
    %swap3A_386 = vector.shape_cast %max3A_380 : vector<16xf32> to vector<1x16xf32>
    tpu.vector_store %arg7[%swap3A_382, %swap3A_383], %swap3A_386 {strides = array<i32>} : memref<128x256xf32, #tpu.memory_space<vmem>>, vector<1x16xf32>,
    %max3A_387 = arith.constant 0.000000e+00 : f32
    %max3A_388 = vector.broadcast %max3A_387 : f32 to vector<16xf32>
    %max3A_389 = arith.maximumf %broadcast_in_dim3A_265, %max3A_388 : vector<16xf32>
    %swap3A_390 = arith.constant 121 : i32
    %swap3A_391 = arith.index_cast %swap3A_390 : i32 to index
    %swap3A_392 = arith.constant 224 : index
    %swap3A_393 = tpu.vector_load %arg7[%swap3A_391, %swap3A_392] {strides = array<i32>} : memref<128x256xf32, #tpu.memory_space<vmem>>, vector<1x16xf32>,
    %swap3A_394 = vector.shape_cast %swap3A_393 : vector<1x16xf32> to vector<16xf32>
    %swap3A_395 = vector.shape_cast %max3A_389 : vector<16xf32> to vector<1x16xf32>
    tpu.vector_store %arg7[%swap3A_391, %swap3A_392], %swap3A_395 {strides = array<i32>} : memref<128x256xf32, #tpu.memory_space<vmem>>, vector<1x16xf32>,
    %max3A_396 = arith.constant 0.000000e+00 : f32
    %max3A_397 = vector.broadcast %max3A_396 : f32 to vector<16xf32>
    %max3A_398 = arith.maximumf %broadcast_in_dim3A_267, %max3A_397 : vector<16xf32>
    %swap3A_399 = arith.constant 121 : i32
    %swap3A_400 = arith.index_cast %swap3A_399 : i32 to index
    %swap3A_401 = arith.constant 112 : index
    %swap3A_402 = tpu.vector_load %arg7[%swap3A_400, %swap3A_401] {strides = array<i32>} : memref<128x256xf32, #tpu.memory_space<vmem>>, vector<1x16xf32>,
    %swap3A_403 = vector.shape_cast %swap3A_402 : vector<1x16xf32> to vector<16xf32>
    %swap3A_404 = vector.shape_cast %max3A_398 : vector<16xf32> to vector<1x16xf32>
    tpu.vector_store %arg7[%swap3A_400, %swap3A_401], %swap3A_404 {strides = array<i32>} : memref<128x256xf32, #tpu.memory_space<vmem>>, vector<1x16xf32>,
    %max3A_405 = arith.constant 0.000000e+00 : f32
    %max3A_406 = vector.broadcast %max3A_405 : f32 to vector<16xf32>
    %max3A_407 = arith.maximumf %broadcast_in_dim3A_269, %max3A_406 : vector<16xf32>
    %swap3A_408 = arith.constant 121 : i32
    %swap3A_409 = arith.index_cast %swap3A_408 : i32 to index
    %swap3A_410 = arith.constant 240 : index
    %swap3A_411 = tpu.vector_load %arg7[%swap3A_409, %swap3A_410] {strides = array<i32>} : memref<128x256xf32, #tpu.memory_space<vmem>>, vector<1x16xf32>,
    %swap3A_412 = vector.shape_cast %swap3A_411 : vector<1x16xf32> to vector<16xf32>
    %swap3A_413 = vector.shape_cast %max3A_407 : vector<16xf32> to vector<1x16xf32>
    tpu.vector_store %arg7[%swap3A_409, %swap3A_410], %swap3A_413 {strides = array<i32>} : memref<128x256xf32, #tpu.memory_space<vmem>>, vector<1x16xf32>,
    %dma_wait3A_414 = arith.constant 61 : i32
    %dma_wait3A_415 = arith.constant 1 : i32
    %dma_wait3A_416 = arith.constant 0 : i32
    %dma_wait3A_417 = arith.constant 0 : i32
    %dma_wait3A_418 = tpu.memref_slice %arg6[%dma_wait3A_415, %dma_wait3A_416, %dma_wait3A_417] : memref<4x104x128xi32, #tpu.memory_space<vmem>> -> memref<1x104x128xi32, #tpu.memory_space<vmem>>
    %dma_wait3A_419 = tpu.memref_squeeze %dma_wait3A_418 : memref<1x104x128xi32, #tpu.memory_space<vmem>> -> memref<104x128xi32, #tpu.memory_space<vmem>>
    %dma_wait3A_420 = arith.constant 0 : i32
    %dma_wait3A_421 = tpu.memref_slice %arg5[%dma_wait3A_414, %dma_wait3A_420] : memref<64x104xi32, #tpu.memory_space<vmem>> -> memref<1x104xi32, #tpu.memory_space<vmem>>
    %dma_wait3A_422 = tpu.memref_squeeze %dma_wait3A_421 : memref<1x104xi32, #tpu.memory_space<vmem>> -> memref<104xi32, #tpu.memory_space<vmem>>
    %dma_wait3A_423 = arith.constant 0 : i32
    %dma_wait3A_424 = arith.constant 0 : i32
    %dma_wait3A_425 = tpu.memref_slice %arg2[%dma_wait3A_423, %dma_wait3A_424] : memref<6656x128xi32, #tpu.memory_space<hbm>> -> memref<6656x128xi32, #tpu.memory_space<hbm>>
    tpu.wait_indirect_dma semaphore(%arg9 : memref<!tpu.dma_semaphore, #tpu.memory_space<semaphore_mem>>) src(%dma_wait3A_425 : memref<6656x128xi32, #tpu.memory_space<hbm>>) dst(%dma_wait3A_419 : memref<104x128xi32, #tpu.memory_space<vmem>>)
    %broadcast_in_dim3A_426 = arith.constant 0.000000e+00 : f32
    %broadcast_in_dim3A_427 = vector.broadcast %broadcast_in_dim3A_426 : f32 to vector<16xf32>
    %broadcast_in_dim3A_428 = arith.constant 0.000000e+00 : f32
    %broadcast_in_dim3A_429 = vector.broadcast %broadcast_in_dim3A_428 : f32 to vector<16xf32>
    %broadcast_in_dim3A_430 = arith.constant 0.000000e+00 : f32
    %broadcast_in_dim3A_431 = vector.broadcast %broadcast_in_dim3A_430 : f32 to vector<16xf32>
    %broadcast_in_dim3A_432 = arith.constant 0.000000e+00 : f32
    %broadcast_in_dim3A_433 = vector.broadcast %broadcast_in_dim3A_432 : f32 to vector<16xf32>
    %broadcast_in_dim3A_434 = arith.constant 0.000000e+00 : f32
    %broadcast_in_dim3A_435 = vector.broadcast %broadcast_in_dim3A_434 : f32 to vector<16xf32>
    %broadcast_in_dim3A_436 = arith.constant 0.000000e+00 : f32
    %broadcast_in_dim3A_437 = vector.broadcast %broadcast_in_dim3A_436 : f32 to vector<16xf32>
    %broadcast_in_dim3A_438 = arith.constant 0.000000e+00 : f32
    %broadcast_in_dim3A_439 = vector.broadcast %broadcast_in_dim3A_438 : f32 to vector<16xf32>
    %broadcast_in_dim3A_440 = arith.constant 0.000000e+00 : f32
    %broadcast_in_dim3A_441 = vector.broadcast %broadcast_in_dim3A_440 : f32 to vector<16xf32>
    %broadcast_in_dim3A_442 = arith.constant 0.000000e+00 : f32
    %broadcast_in_dim3A_443 = vector.broadcast %broadcast_in_dim3A_442 : f32 to vector<16xf32>
    %broadcast_in_dim3A_444 = arith.constant 0.000000e+00 : f32
    %broadcast_in_dim3A_445 = vector.broadcast %broadcast_in_dim3A_444 : f32 to vector<16xf32>
    %broadcast_in_dim3A_446 = arith.constant 0.000000e+00 : f32
    %broadcast_in_dim3A_447 = vector.broadcast %broadcast_in_dim3A_446 : f32 to vector<16xf32>
    %broadcast_in_dim3A_448 = arith.constant 0.000000e+00 : f32
    %broadcast_in_dim3A_449 = vector.broadcast %broadcast_in_dim3A_448 : f32 to vector<16xf32>
    %broadcast_in_dim3A_450 = arith.constant 0.000000e+00 : f32
    %broadcast_in_dim3A_451 = vector.broadcast %broadcast_in_dim3A_450 : f32 to vector<16xf32>
    %broadcast_in_dim3A_452 = arith.constant 0.000000e+00 : f32
    %broadcast_in_dim3A_453 = vector.broadcast %broadcast_in_dim3A_452 : f32 to vector<16xf32>
    %broadcast_in_dim3A_454 = arith.constant 0.000000e+00 : f32
    %broadcast_in_dim3A_455 = vector.broadcast %broadcast_in_dim3A_454 : f32 to vector<16xf32>
    %broadcast_in_dim3A_456 = arith.constant 0.000000e+00 : f32
    %broadcast_in_dim3A_457 = vector.broadcast %broadcast_in_dim3A_456 : f32 to vector<16xf32>
    %max3A_458 = arith.constant 0.000000e+00 : f32
    %max3A_459 = vector.broadcast %max3A_458 : f32 to vector<16xf32>
    %max3A_460 = arith.maximumf %broadcast_in_dim3A_427, %max3A_459 : vector<16xf32>
    %swap3A_461 = arith.constant 122 : i32
    %swap3A_462 = arith.index_cast %swap3A_461 : i32 to index
    %swap3A_463 = arith.constant 0 : index
    %swap3A_464 = tpu.vector_load %arg7[%swap3A_462, %swap3A_463] {strides = array<i32>} : memref<128x256xf32, #tpu.memory_space<vmem>>, vector<1x16xf32>,
    %swap3A_465 = vector.shape_cast %swap3A_464 : vector<1x16xf32> to vector<16xf32>
    %swap3A_466 = vector.shape_cast %max3A_460 : vector<16xf32> to vector<1x16xf32>
    tpu.vector_store %arg7[%swap3A_462, %swap3A_463], %swap3A_466 {strides = array<i32>} : memref<128x256xf32, #tpu.memory_space<vmem>>, vector<1x16xf32>,
    %max3A_467 = arith.constant 0.000000e+00 : f32
    %max3A_468 = vector.broadcast %max3A_467 : f32 to vector<16xf32>
    %max3A_469 = arith.maximumf %broadcast_in_dim3A_429, %max3A_468 : vector<16xf32>
    %swap3A_470 = arith.constant 122 : i32
    %swap3A_471 = arith.index_cast %swap3A_470 : i32 to index
    %swap3A_472 = arith.constant 128 : index
    %swap3A_473 = tpu.vector_load %arg7[%swap3A_471, %swap3A_472] {strides = array<i32>} : memref<128x256xf32, #tpu.memory_space<vmem>>, vector<1x16xf32>,
    %swap3A_474 = vector.shape_cast %swap3A_473 : vector<1x16xf32> to vector<16xf32>
    %swap3A_475 = vector.shape_cast %max3A_469 : vector<16xf32> to vector<1x16xf32>
    tpu.vector_store %arg7[%swap3A_471, %swap3A_472], %swap3A_475 {strides = array<i32>} : memref<128x256xf32, #tpu.memory_space<vmem>>, vector<1x16xf32>,
    %max3A_476 = arith.constant 0.000000e+00 : f32
    %max3A_477 = vector.broadcast %max3A_476 : f32 to vector<16xf32>
    %max3A_478 = arith.maximumf %broadcast_in_dim3A_431, %max3A_477 : vector<16xf32>
    %swap3A_479 = arith.constant 122 : i32
    %swap3A_480 = arith.index_cast %swap3A_479 : i32 to index
    %swap3A_481 = arith.constant 16 : index
    %swap3A_482 = tpu.vector_load %arg7[%swap3A_480, %swap3A_481] {strides = array<i32>} : memref<128x256xf32, #tpu.memory_space<vmem>>, vector<1x16xf32>,
    %swap3A_483 = vector.shape_cast %swap3A_482 : vector<1x16xf32> to vector<16xf32>
    %swap3A_484 = vector.shape_cast %max3A_478 : vector<16xf32> to vector<1x16xf32>
    tpu.vector_store %arg7[%swap3A_480, %swap3A_481], %swap3A_484 {strides = array<i32>} : memref<128x256xf32, #tpu.memory_space<vmem>>, vector<1x16xf32>,
    %max3A_485 = arith.constant 0.000000e+00 : f32
    %max3A_486 = vector.broadcast %max3A_485 : f32 to vector<16xf32>
    %max3A_487 = arith.maximumf %broadcast_in_dim3A_433, %max3A_486 : vector<16xf32>
    %swap3A_488 = arith.constant 122 : i32
    %swap3A_489 = arith.index_cast %swap3A_488 : i32 to index
    %swap3A_490 = arith.constant 144 : index
    %swap3A_491 = tpu.vector_load %arg7[%swap3A_489, %swap3A_490] {strides = array<i32>} : memref<128x256xf32, #tpu.memory_space<vmem>>, vector<1x16xf32>,
    %swap3A_492 = vector.shape_cast %swap3A_491 : vector<1x16xf32> to vector<16xf32>
    %swap3A_493 = vector.shape_cast %max3A_487 : vector<16xf32> to vector<1x16xf32>
    tpu.vector_store %arg7[%swap3A_489, %swap3A_490], %swap3A_493 {strides = array<i32>} : memref<128x256xf32, #tpu.memory_space<vmem>>, vector<1x16xf32>,
    %max3A_494 = arith.constant 0.000000e+00 : f32
    %max3A_495 = vector.broadcast %max3A_494 : f32 to vector<16xf32>
    %max3A_496 = arith.maximumf %broadcast_in_dim3A_435, %max3A_495 : vector<16xf32>
    %swap3A_497 = arith.constant 122 : i32
    %swap3A_498 = arith.index_cast %swap3A_497 : i32 to index
    %swap3A_499 = arith.constant 32 : index
    %swap3A_500 = tpu.vector_load %arg7[%swap3A_498, %swap3A_499] {strides = array<i32>} : memref<128x256xf32, #tpu.memory_space<vmem>>, vector<1x16xf32>,
    %swap3A_501 = vector.shape_cast %swap3A_500 : vector<1x16xf32> to vector<16xf32>
    %swap3A_502 = vector.shape_cast %max3A_496 : vector<16xf32> to vector<1x16xf32>
    tpu.vector_store %arg7[%swap3A_498, %swap3A_499], %swap3A_502 {strides = array<i32>} : memref<128x256xf32, #tpu.memory_space<vmem>>, vector<1x16xf32>,
    %max3A_503 = arith.constant 0.000000e+00 : f32
    %max3A_504 = vector.broadcast %max3A_503 : f32 to vector<16xf32>
    %max3A_505 = arith.maximumf %broadcast_in_dim3A_437, %max3A_504 : vector<16xf32>
    %swap3A_506 = arith.constant 122 : i32
    %swap3A_507 = arith.index_cast %swap3A_506 : i32 to index
    %swap3A_508 = arith.constant 160 : index
    %swap3A_509 = tpu.vector_load %arg7[%swap3A_507, %swap3A_508] {strides = array<i32>} : memref<128x256xf32, #tpu.memory_space<vmem>>, vector<1x16xf32>,
    %swap3A_510 = vector.shape_cast %swap3A_509 : vector<1x16xf32> to vector<16xf32>
    %swap3A_511 = vector.shape_cast %max3A_505 : vector<16xf32> to vector<1x16xf32>
    tpu.vector_store %arg7[%swap3A_507, %swap3A_508], %swap3A_511 {strides = array<i32>} : memref<128x256xf32, #tpu.memory_space<vmem>>, vector<1x16xf32>,
    %max3A_512 = arith.constant 0.000000e+00 : f32
    %max3A_513 = vector.broadcast %max3A_512 : f32 to vector<16xf32>
    %max3A_514 = arith.maximumf %broadcast_in_dim3A_439, %max3A_513 : vector<16xf32>
    %swap3A_515 = arith.constant 122 : i32
    %swap3A_516 = arith.index_cast %swap3A_515 : i32 to index
    %swap3A_517 = arith.constant 48 : index
    %swap3A_518 = tpu.vector_load %arg7[%swap3A_516, %swap3A_517] {strides = array<i32>} : memref<128x256xf32, #tpu.memory_space<vmem>>, vector<1x16xf32>,
    %swap3A_519 = vector.shape_cast %swap3A_518 : vector<1x16xf32> to vector<16xf32>
    %swap3A_520 = vector.shape_cast %max3A_514 : vector<16xf32> to vector<1x16xf32>
    tpu.vector_store %arg7[%swap3A_516, %swap3A_517], %swap3A_520 {strides = array<i32>} : memref<128x256xf32, #tpu.memory_space<vmem>>, vector<1x16xf32>,
    %max3A_521 = arith.constant 0.000000e+00 : f32
    %max3A_522 = vector.broadcast %max3A_521 : f32 to vector<16xf32>
    %max3A_523 = arith.maximumf %broadcast_in_dim3A_441, %max3A_522 : vector<16xf32>
    %swap3A_524 = arith.constant 122 : i32
    %swap3A_525 = arith.index_cast %swap3A_524 : i32 to index
    %swap3A_526 = arith.constant 176 : index
    %swap3A_527 = tpu.vector_load %arg7[%swap3A_525, %swap3A_526] {strides = array<i32>} : memref<128x256xf32, #tpu.memory_space<vmem>>, vector<1x16xf32>,
    %swap3A_528 = vector.shape_cast %swap3A_527 : vector<1x16xf32> to vector<16xf32>
    %swap3A_529 = vector.shape_cast %max3A_523 : vector<16xf32> to vector<1x16xf32>
    tpu.vector_store %arg7[%swap3A_525, %swap3A_526], %swap3A_529 {strides = array<i32>} : memref<128x256xf32, #tpu.memory_space<vmem>>, vector<1x16xf32>,
    %max3A_530 = arith.constant 0.000000e+00 : f32
    %max3A_531 = vector.broadcast %max3A_530 : f32 to vector<16xf32>
    %max3A_532 = arith.maximumf %broadcast_in_dim3A_443, %max3A_531 : vector<16xf32>
    %swap3A_533 = arith.constant 122 : i32
    %swap3A_534 = arith.index_cast %swap3A_533 : i32 to index
    %swap3A_535 = arith.constant 64 : index
    %swap3A_536 = tpu.vector_load %arg7[%swap3A_534, %swap3A_535] {strides = array<i32>} : memref<128x256xf32, #tpu.memory_space<vmem>>, vector<1x16xf32>,
    %swap3A_537 = vector.shape_cast %swap3A_536 : vector<1x16xf32> to vector<16xf32>
    %swap3A_538 = vector.shape_cast %max3A_532 : vector<16xf32> to vector<1x16xf32>
    tpu.vector_store %arg7[%swap3A_534, %swap3A_535], %swap3A_538 {strides = array<i32>} : memref<128x256xf32, #tpu.memory_space<vmem>>, vector<1x16xf32>,
    %max3A_539 = arith.constant 0.000000e+00 : f32
    %max3A_540 = vector.broadcast %max3A_539 : f32 to vector<16xf32>
    %max3A_541 = arith.maximumf %broadcast_in_dim3A_445, %max3A_540 : vector<16xf32>
    %swap3A_542 = arith.constant 122 : i32
    %swap3A_543 = arith.index_cast %swap3A_542 : i32 to index
    %swap3A_544 = arith.constant 192 : index
    %swap3A_545 = tpu.vector_load %arg7[%swap3A_543, %swap3A_544] {strides = array<i32>} : memref<128x256xf32, #tpu.memory_space<vmem>>, vector<1x16xf32>,
    %swap3A_546 = vector.shape_cast %swap3A_545 : vector<1x16xf32> to vector<16xf32>
    %swap3A_547 = vector.shape_cast %max3A_541 : vector<16xf32> to vector<1x16xf32>
    tpu.vector_store %arg7[%swap3A_543, %swap3A_544], %swap3A_547 {strides = array<i32>} : memref<128x256xf32, #tpu.memory_space<vmem>>, vector<1x16xf32>,
    %max3A_548 = arith.constant 0.000000e+00 : f32
    %max3A_549 = vector.broadcast %max3A_548 : f32 to vector<16xf32>
    %max3A_550 = arith.maximumf %broadcast_in_dim3A_447, %max3A_549 : vector<16xf32>
    %swap3A_551 = arith.constant 122 : i32
    %swap3A_552 = arith.index_cast %swap3A_551 : i32 to index
    %swap3A_553 = arith.constant 80 : index
    %swap3A_554 = tpu.vector_load %arg7[%swap3A_552, %swap3A_553] {strides = array<i32>} : memref<128x256xf32, #tpu.memory_space<vmem>>, vector<1x16xf32>,
    %swap3A_555 = vector.shape_cast %swap3A_554 : vector<1x16xf32> to vector<16xf32>
    %swap3A_556 = vector.shape_cast %max3A_550 : vector<16xf32> to vector<1x16xf32>
    tpu.vector_store %arg7[%swap3A_552, %swap3A_553], %swap3A_556 {strides = array<i32>} : memref<128x256xf32, #tpu.memory_space<vmem>>, vector<1x16xf32>,
    %max3A_557 = arith.constant 0.000000e+00 : f32
    %max3A_558 = vector.broadcast %max3A_557 : f32 to vector<16xf32>
    %max3A_559 = arith.maximumf %broadcast_in_dim3A_449, %max3A_558 : vector<16xf32>
    %swap3A_560 = arith.constant 122 : i32
    %swap3A_561 = arith.index_cast %swap3A_560 : i32 to index
    %swap3A_562 = arith.constant 208 : index
    %swap3A_563 = tpu.vector_load %arg7[%swap3A_561, %swap3A_562] {strides = array<i32>} : memref<128x256xf32, #tpu.memory_space<vmem>>, vector<1x16xf32>,
    %swap3A_564 = vector.shape_cast %swap3A_563 : vector<1x16xf32> to vector<16xf32>
    %swap3A_565 = vector.shape_cast %max3A_559 : vector<16xf32> to vector<1x16xf32>
    tpu.vector_store %arg7[%swap3A_561, %swap3A_562], %swap3A_565 {strides = array<i32>} : memref<128x256xf32, #tpu.memory_space<vmem>>, vector<1x16xf32>,
    %max3A_566 = arith.constant 0.000000e+00 : f32
    %max3A_567 = vector.broadcast %max3A_566 : f32 to vector<16xf32>
    %max3A_568 = arith.maximumf %broadcast_in_dim3A_451, %max3A_567 : vector<16xf32>
    %swap3A_569 = arith.constant 122 : i32
    %swap3A_570 = arith.index_cast %swap3A_569 : i32 to index
    %swap3A_571 = arith.constant 96 : index
    %swap3A_572 = tpu.vector_load %arg7[%swap3A_570, %swap3A_571] {strides = array<i32>} : memref<128x256xf32, #tpu.memory_space<vmem>>, vector<1x16xf32>,
    %swap3A_573 = vector.shape_cast %swap3A_572 : vector<1x16xf32> to vector<16xf32>
    %swap3A_574 = vector.shape_cast %max3A_568 : vector<16xf32> to vector<1x16xf32>
    tpu.vector_store %arg7[%swap3A_570, %swap3A_571], %swap3A_574 {strides = array<i32>} : memref<128x256xf32, #tpu.memory_space<vmem>>, vector<1x16xf32>,
    %max3A_575 = arith.constant 0.000000e+00 : f32
    %max3A_576 = vector.broadcast %max3A_575 : f32 to vector<16xf32>
    %max3A_577 = arith.maximumf %broadcast_in_dim3A_453, %max3A_576 : vector<16xf32>
    %swap3A_578 = arith.constant 122 : i32
    %swap3A_579 = arith.index_cast %swap3A_578 : i32 to index
    %swap3A_580 = arith.constant 224 : index
    %swap3A_581 = tpu.vector_load %arg7[%swap3A_579, %swap3A_580] {strides = array<i32>} : memref<128x256xf32, #tpu.memory_space<vmem>>, vector<1x16xf32>,
    %swap3A_582 = vector.shape_cast %swap3A_581 : vector<1x16xf32> to vector<16xf32>
    %swap3A_583 = vector.shape_cast %max3A_577 : vector<16xf32> to vector<1x16xf32>
    tpu.vector_store %arg7[%swap3A_579, %swap3A_580], %swap3A_583 {strides = array<i32>} : memref<128x256xf32, #tpu.memory_space<vmem>>, vector<1x16xf32>,
    %max3A_584 = arith.constant 0.000000e+00 : f32
    %max3A_585 = vector.broadcast %max3A_584 : f32 to vector<16xf32>
    %max3A_586 = arith.maximumf %broadcast_in_dim3A_455, %max3A_585 : vector<16xf32>
    %swap3A_587 = arith.constant 122 : i32
    %swap3A_588 = arith.index_cast %swap3A_587 : i32 to index
    %swap3A_589 = arith.constant 112 : index
    %swap3A_590 = tpu.vector_load %arg7[%swap3A_588, %swap3A_589] {strides = array<i32>} : memref<128x256xf32, #tpu.memory_space<vmem>>, vector<1x16xf32>,
    %swap3A_591 = vector.shape_cast %swap3A_590 : vector<1x16xf32> to vector<16xf32>
    %swap3A_592 = vector.shape_cast %max3A_586 : vector<16xf32> to vector<1x16xf32>
    tpu.vector_store %arg7[%swap3A_588, %swap3A_589], %swap3A_592 {strides = array<i32>} : memref<128x256xf32, #tpu.memory_space<vmem>>, vector<1x16xf32>,
    %max3A_593 = arith.constant 0.000000e+00 : f32
    %max3A_594 = vector.broadcast %max3A_593 : f32 to vector<16xf32>
    %max3A_595 = arith.maximumf %broadcast_in_dim3A_457, %max3A_594 : vector<16xf32>
    %swap3A_596 = arith.constant 122 : i32
    %swap3A_597 = arith.index_cast %swap3A_596 : i32 to index
    %swap3A_598 = arith.constant 240 : index
    %swap3A_599 = tpu.vector_load %arg7[%swap3A_597, %swap3A_598] {strides = array<i32>} : memref<128x256xf32, #tpu.memory_space<vmem>>, vector<1x16xf32>,
    %swap3A_600 = vector.shape_cast %swap3A_599 : vector<1x16xf32> to vector<16xf32>
    %swap3A_601 = vector.shape_cast %max3A_595 : vector<16xf32> to vector<1x16xf32>
    tpu.vector_store %arg7[%swap3A_597, %swap3A_598], %swap3A_601 {strides = array<i32>} : memref<128x256xf32, #tpu.memory_space<vmem>>, vector<1x16xf32>,
    %broadcast_in_dim3A_602 = arith.constant 0.000000e+00 : f32
    %broadcast_in_dim3A_603 = vector.broadcast %broadcast_in_dim3A_602 : f32 to vector<16xf32>
    %broadcast_in_dim3A_604 = arith.constant 0.000000e+00 : f32
    %broadcast_in_dim3A_605 = vector.broadcast %broadcast_in_dim3A_604 : f32 to vector<16xf32>
    %broadcast_in_dim3A_606 = arith.constant 0.000000e+00 : f32
    %broadcast_in_dim3A_607 = vector.broadcast %broadcast_in_dim3A_606 : f32 to vector<16xf32>
    %broadcast_in_dim3A_608 = arith.constant 0.000000e+00 : f32
    %broadcast_in_dim3A_609 = vector.broadcast %broadcast_in_dim3A_608 : f32 to vector<16xf32>
    %broadcast_in_dim3A_610 = arith.constant 0.000000e+00 : f32
    %broadcast_in_dim3A_611 = vector.broadcast %broadcast_in_dim3A_610 : f32 to vector<16xf32>
    %broadcast_in_dim3A_612 = arith.constant 0.000000e+00 : f32
    %broadcast_in_dim3A_613 = vector.broadcast %broadcast_in_dim3A_612 : f32 to vector<16xf32>
    %broadcast_in_dim3A_614 = arith.constant 0.000000e+00 : f32
    %broadcast_in_dim3A_615 = vector.broadcast %broadcast_in_dim3A_614 : f32 to vector<16xf32>
    %broadcast_in_dim3A_616 = arith.constant 0.000000e+00 : f32
    %broadcast_in_dim3A_617 = vector.broadcast %broadcast_in_dim3A_616 : f32 to vector<16xf32>
    %broadcast_in_dim3A_618 = arith.constant 0.000000e+00 : f32
    %broadcast_in_dim3A_619 = vector.broadcast %broadcast_in_dim3A_618 : f32 to vector<16xf32>
    %broadcast_in_dim3A_620 = arith.constant 0.000000e+00 : f32
    %broadcast_in_dim3A_621 = vector.broadcast %broadcast_in_dim3A_620 : f32 to vector<16xf32>
    %broadcast_in_dim3A_622 = arith.constant 0.000000e+00 : f32
    %broadcast_in_dim3A_623 = vector.broadcast %broadcast_in_dim3A_622 : f32 to vector<16xf32>
    %broadcast_in_dim3A_624 = arith.constant 0.000000e+00 : f32
    %broadcast_in_dim3A_625 = vector.broadcast %broadcast_in_dim3A_624 : f32 to vector<16xf32>
    %broadcast_in_dim3A_626 = arith.constant 0.000000e+00 : f32
    %broadcast_in_dim3A_627 = vector.broadcast %broadcast_in_dim3A_626 : f32 to vector<16xf32>
    %broadcast_in_dim3A_628 = arith.constant 0.000000e+00 : f32
    %broadcast_in_dim3A_629 = vector.broadcast %broadcast_in_dim3A_628 : f32 to vector<16xf32>
    %broadcast_in_dim3A_630 = arith.constant 0.000000e+00 : f32
    %broadcast_in_dim3A_631 = vector.broadcast %broadcast_in_dim3A_630 : f32 to vector<16xf32>
    %broadcast_in_dim3A_632 = arith.constant 0.000000e+00 : f32
    %broadcast_in_dim3A_633 = vector.broadcast %broadcast_in_dim3A_632 : f32 to vector<16xf32>
    %max3A_634 = arith.constant 0.000000e+00 : f32
    %max3A_635 = vector.broadcast %max3A_634 : f32 to vector<16xf32>
    %max3A_636 = arith.maximumf %broadcast_in_dim3A_603, %max3A_635 : vector<16xf32>
    %swap3A_637 = arith.constant 123 : i32
    %swap3A_638 = arith.index_cast %swap3A_637 : i32 to index
    %swap3A_639 = arith.constant 0 : index
    %swap3A_640 = tpu.vector_load %arg7[%swap3A_638, %swap3A_639] {strides = array<i32>} : memref<128x256xf32, #tpu.memory_space<vmem>>, vector<1x16xf32>,
    %swap3A_641 = vector.shape_cast %swap3A_640 : vector<1x16xf32> to vector<16xf32>
    %swap3A_642 = vector.shape_cast %max3A_636 : vector<16xf32> to vector<1x16xf32>
    tpu.vector_store %arg7[%swap3A_638, %swap3A_639], %swap3A_642 {strides = array<i32>} : memref<128x256xf32, #tpu.memory_space<vmem>>, vector<1x16xf32>,
    %max3A_643 = arith.constant 0.000000e+00 : f32
    %max3A_644 = vector.broadcast %max3A_643 : f32 to vector<16xf32>
    %max3A_645 = arith.maximumf %broadcast_in_dim3A_605, %max3A_644 : vector<16xf32>
    %swap3A_646 = arith.constant 123 : i32
    %swap3A_647 = arith.index_cast %swap3A_646 : i32 to index
    %swap3A_648 = arith.constant 128 : index
    %swap3A_649 = tpu.vector_load %arg7[%swap3A_647, %swap3A_648] {strides = array<i32>} : memref<128x256xf32, #tpu.memory_space<vmem>>, vector<1x16xf32>,
    %swap3A_650 = vector.shape_cast %swap3A_649 : vector<1x16xf32> to vector<16xf32>
    %swap3A_651 = vector.shape_cast %max3A_645 : vector<16xf32> to vector<1x16xf32>
    tpu.vector_store %arg7[%swap3A_647, %swap3A_648], %swap3A_651 {strides = array<i32>} : memref<128x256xf32, #tpu.memory_space<vmem>>, vector<1x16xf32>,
    %max3A_652 = arith.constant 0.000000e+00 : f32
    %max3A_653 = vector.broadcast %max3A_652 : f32 to vector<16xf32>
    %max3A_654 = arith.maximumf %broadcast_in_dim3A_607, %max3A_653 : vector<16xf32>
    %swap3A_655 = arith.constant 123 : i32
    %swap3A_656 = arith.index_cast %swap3A_655 : i32 to index
    %swap3A_657 = arith.constant 16 : index
    %swap3A_658 = tpu.vector_load %arg7[%swap3A_656, %swap3A_657] {strides = array<i32>} : memref<128x256xf32, #tpu.memory_space<vmem>>, vector<1x16xf32>,
    %swap3A_659 = vector.shape_cast %swap3A_658 : vector<1x16xf32> to vector<16xf32>
    %swap3A_660 = vector.shape_cast %max3A_654 : vector<16xf32> to vector<1x16xf32>
    tpu.vector_store %arg7[%swap3A_656, %swap3A_657], %swap3A_660 {strides = array<i32>} : memref<128x256xf32, #tpu.memory_space<vmem>>, vector<1x16xf32>,
    %max3A_661 = arith.constant 0.000000e+00 : f32
    %max3A_662 = vector.broadcast %max3A_661 : f32 to vector<16xf32>
    %max3A_663 = arith.maximumf %broadcast_in_dim3A_609, %max3A_662 : vector<16xf32>
    %swap3A_664 = arith.constant 123 : i32
    %swap3A_665 = arith.index_cast %swap3A_664 : i32 to index
    %swap3A_666 = arith.constant 144 : index
    %swap3A_667 = tpu.vector_load %arg7[%swap3A_665, %swap3A_666] {strides = array<i32>} : memref<128x256xf32, #tpu.memory_space<vmem>>, vector<1x16xf32>,
    %swap3A_668 = vector.shape_cast %swap3A_667 : vector<1x16xf32> to vector<16xf32>
    %swap3A_669 = vector.shape_cast %max3A_663 : vector<16xf32> to vector<1x16xf32>
    tpu.vector_store %arg7[%swap3A_665, %swap3A_666], %swap3A_669 {strides = array<i32>} : memref<128x256xf32, #tpu.memory_space<vmem>>, vector<1x16xf32>,
    %max3A_670 = arith.constant 0.000000e+00 : f32
    %max3A_671 = vector.broadcast %max3A_670 : f32 to vector<16xf32>
    %max3A_672 = arith.maximumf %broadcast_in_dim3A_611, %max3A_671 : vector<16xf32>
    %swap3A_673 = arith.constant 123 : i32
    %swap3A_674 = arith.index_cast %swap3A_673 : i32 to index
    %swap3A_675 = arith.constant 32 : index
    %swap3A_676 = tpu.vector_load %arg7[%swap3A_674, %swap3A_675] {strides = array<i32>} : memref<128x256xf32, #tpu.memory_space<vmem>>, vector<1x16xf32>,
    %swap3A_677 = vector.shape_cast %swap3A_676 : vector<1x16xf32> to vector<16xf32>
    %swap3A_678 = vector.shape_cast %max3A_672 : vector<16xf32> to vector<1x16xf32>
    tpu.vector_store %arg7[%swap3A_674, %swap3A_675], %swap3A_678 {strides = array<i32>} : memref<128x256xf32, #tpu.memory_space<vmem>>, vector<1x16xf32>,
    %max3A_679 = arith.constant 0.000000e+00 : f32
    %max3A_680 = vector.broadcast %max3A_679 : f32 to vector<16xf32>
    %max3A_681 = arith.maximumf %broadcast_in_dim3A_613, %max3A_680 : vector<16xf32>
    %swap3A_682 = arith.constant 123 : i32
    %swap3A_683 = arith.index_cast %swap3A_682 : i32 to index
    %swap3A_684 = arith.constant 160 : index
    %swap3A_685 = tpu.vector_load %arg7[%swap3A_683, %swap3A_684] {strides = array<i32>} : memref<128x256xf32, #tpu.memory_space<vmem>>, vector<1x16xf32>,
    %swap3A_686 = vector.shape_cast %swap3A_685 : vector<1x16xf32> to vector<16xf32>
    %swap3A_687 = vector.shape_cast %max3A_681 : vector<16xf32> to vector<1x16xf32>
    tpu.vector_store %arg7[%swap3A_683, %swap3A_684], %swap3A_687 {strides = array<i32>} : memref<128x256xf32, #tpu.memory_space<vmem>>, vector<1x16xf32>,
    %max3A_688 = arith.constant 0.000000e+00 : f32
    %max3A_689 = vector.broadcast %max3A_688 : f32 to vector<16xf32>
    %max3A_690 = arith.maximumf %broadcast_in_dim3A_615, %max3A_689 : vector<16xf32>
    %swap3A_691 = arith.constant 123 : i32
    %swap3A_692 = arith.index_cast %swap3A_691 : i32 to index
    %swap3A_693 = arith.constant 48 : index
    %swap3A_694 = tpu.vector_load %arg7[%swap3A_692, %swap3A_693] {strides = array<i32>} : memref<128x256xf32, #tpu.memory_space<vmem>>, vector<1x16xf32>,
    %swap3A_695 = vector.shape_cast %swap3A_694 : vector<1x16xf32> to vector<16xf32>
    %swap3A_696 = vector.shape_cast %max3A_690 : vector<16xf32> to vector<1x16xf32>
    tpu.vector_store %arg7[%swap3A_692, %swap3A_693], %swap3A_696 {strides = array<i32>} : memref<128x256xf32, #tpu.memory_space<vmem>>, vector<1x16xf32>,
    %max3A_697 = arith.constant 0.000000e+00 : f32
    %max3A_698 = vector.broadcast %max3A_697 : f32 to vector<16xf32>
    %max3A_699 = arith.maximumf %broadcast_in_dim3A_617, %max3A_698 : vector<16xf32>
    %swap3A_700 = arith.constant 123 : i32
    %swap3A_701 = arith.index_cast %swap3A_700 : i32 to index
    %swap3A_702 = arith.constant 176 : index
    %swap3A_703 = tpu.vector_load %arg7[%swap3A_701, %swap3A_702] {strides = array<i32>} : memref<128x256xf32, #tpu.memory_space<vmem>>, vector<1x16xf32>,
    %swap3A_704 = vector.shape_cast %swap3A_703 : vector<1x16xf32> to vector<16xf32>
    %swap3A_705 = vector.shape_cast %max3A_699 : vector<16xf32> to vector<1x16xf32>
    tpu.vector_store %arg7[%swap3A_701, %swap3A_702], %swap3A_705 {strides = array<i32>} : memref<128x256xf32, #tpu.memory_space<vmem>>, vector<1x16xf32>,
    %max3A_706 = arith.constant 0.000000e+00 : f32
    %max3A_707 = vector.broadcast %max3A_706 : f32 to vector<16xf32>
    %max3A_708 = arith.maximumf %broadcast_in_dim3A_619, %max3A_707 : vector<16xf32>
    %swap3A_709 = arith.constant 123 : i32
    %swap3A_710 = arith.index_cast %swap3A_709 : i32 to index
    %swap3A_711 = arith.constant 64 : index
    %swap3A_712 = tpu.vector_load %arg7[%swap3A_710, %swap3A_711] {strides = array<i32>} : memref<128x256xf32, #tpu.memory_space<vmem>>, vector<1x16xf32>,
    %swap3A_713 = vector.shape_cast %swap3A_712 : vector<1x16xf32> to vector<16xf32>
    %swap3A_714 = vector.shape_cast %max3A_708 : vector<16xf32> to vector<1x16xf32>
    tpu.vector_store %arg7[%swap3A_710, %swap3A_711], %swap3A_714 {strides = array<i32>} : memref<128x256xf32, #tpu.memory_space<vmem>>, vector<1x16xf32>,
    %max3A_715 = arith.constant 0.000000e+00 : f32
    %max3A_716 = vector.broadcast %max3A_715 : f32 to vector<16xf32>
    %max3A_717 = arith.maximumf %broadcast_in_dim3A_621, %max3A_716 : vector<16xf32>
    %swap3A_718 = arith.constant 123 : i32
    %swap3A_719 = arith.index_cast %swap3A_718 : i32 to index
    %swap3A_720 = arith.constant 192 : index
    %swap3A_721 = tpu.vector_load %arg7[%swap3A_719, %swap3A_720] {strides = array<i32>} : memref<128x256xf32, #tpu.memory_space<vmem>>, vector<1x16xf32>,
    %swap3A_722 = vector.shape_cast %swap3A_721 : vector<1x16xf32> to vector<16xf32>
    %swap3A_723 = vector.shape_cast %max3A_717 : vector<16xf32> to vector<1x16xf32>
    tpu.vector_store %arg7[%swap3A_719, %swap3A_720], %swap3A_723 {strides = array<i32>} : memref<128x256xf32, #tpu.memory_space<vmem>>, vector<1x16xf32>,
    %max3A_724 = arith.constant 0.000000e+00 : f32
    %max3A_725 = vector.broadcast %max3A_724 : f32 to vector<16xf32>
    %max3A_726 = arith.maximumf %broadcast_in_dim3A_623, %max3A_725 : vector<16xf32>
    %swap3A_727 = arith.constant 123 : i32
    %swap3A_728 = arith.index_cast %swap3A_727 : i32 to index
    %swap3A_729 = arith.constant 80 : index
    %swap3A_730 = tpu.vector_load %arg7[%swap3A_728, %swap3A_729] {strides = array<i32>} : memref<128x256xf32, #tpu.memory_space<vmem>>, vector<1x16xf32>,
    %swap3A_731 = vector.shape_cast %swap3A_730 : vector<1x16xf32> to vector<16xf32>
    %swap3A_732 = vector.shape_cast %max3A_726 : vector<16xf32> to vector<1x16xf32>
    tpu.vector_store %arg7[%swap3A_728, %swap3A_729], %swap3A_732 {strides = array<i32>} : memref<128x256xf32, #tpu.memory_space<vmem>>, vector<1x16xf32>,
    %max3A_733 = arith.constant 0.000000e+00 : f32
    %max3A_734 = vector.broadcast %max3A_733 : f32 to vector<16xf32>
    %max3A_735 = arith.maximumf %broadcast_in_dim3A_625, %max3A_734 : vector<16xf32>
    %swap3A_736 = arith.constant 123 : i32
    %swap3A_737 = arith.index_cast %swap3A_736 : i32 to index
    %swap3A_738 = arith.constant 208 : index
    %swap3A_739 = tpu.vector_load %arg7[%swap3A_737, %swap3A_738] {strides = array<i32>} : memref<128x256xf32, #tpu.memory_space<vmem>>, vector<1x16xf32>,
    %swap3A_740 = vector.shape_cast %swap3A_739 : vector<1x16xf32> to vector<16xf32>
    %swap3A_741 = vector.shape_cast %max3A_735 : vector<16xf32> to vector<1x16xf32>
    tpu.vector_store %arg7[%swap3A_737, %swap3A_738], %swap3A_741 {strides = array<i32>} : memref<128x256xf32, #tpu.memory_space<vmem>>, vector<1x16xf32>,
    %max3A_742 = arith.constant 0.000000e+00 : f32
    %max3A_743 = vector.broadcast %max3A_742 : f32 to vector<16xf32>
    %max3A_744 = arith.maximumf %broadcast_in_dim3A_627, %max3A_743 : vector<16xf32>
    %swap3A_745 = arith.constant 123 : i32
    %swap3A_746 = arith.index_cast %swap3A_745 : i32 to index
    %swap3A_747 = arith.constant 96 : index
    %swap3A_748 = tpu.vector_load %arg7[%swap3A_746, %swap3A_747] {strides = array<i32>} : memref<128x256xf32, #tpu.memory_space<vmem>>, vector<1x16xf32>,
    %swap3A_749 = vector.shape_cast %swap3A_748 : vector<1x16xf32> to vector<16xf32>
    %swap3A_750 = vector.shape_cast %max3A_744 : vector<16xf32> to vector<1x16xf32>
    tpu.vector_store %arg7[%swap3A_746, %swap3A_747], %swap3A_750 {strides = array<i32>} : memref<128x256xf32, #tpu.memory_space<vmem>>, vector<1x16xf32>,
    %max3A_751 = arith.constant 0.000000e+00 : f32
    %max3A_752 = vector.broadcast %max3A_751 : f32 to vector<16xf32>
    %max3A_753 = arith.maximumf %broadcast_in_dim3A_629, %max3A_752 : vector<16xf32>
    %swap3A_754 = arith.constant 123 : i32
    %swap3A_755 = arith.index_cast %swap3A_754 : i32 to index
    %swap3A_756 = arith.constant 224 : index
    %swap3A_757 = tpu.vector_load %arg7[%swap3A_755, %swap3A_756] {strides = array<i32>} : memref<128x256xf32, #tpu.memory_space<vmem>>, vector<1x16xf32>,
    %swap3A_758 = vector.shape_cast %swap3A_757 : vector<1x16xf32> to vector<16xf32>
    %swap3A_759 = vector.shape_cast %max3A_753 : vector<16xf32> to vector<1x16xf32>
    tpu.vector_store %arg7[%swap3A_755, %swap3A_756], %swap3A_759 {strides = array<i32>} : memref<128x256xf32, #tpu.memory_space<vmem>>, vector<1x16xf32>,
    %max3A_760 = arith.constant 0.000000e+00 : f32
    %max3A_761 = vector.broadcast %max3A_760 : f32 to vector<16xf32>
    %max3A_762 = arith.maximumf %broadcast_in_dim3A_631, %max3A_761 : vector<16xf32>
    %swap3A_763 = arith.constant 123 : i32
    %swap3A_764 = arith.index_cast %swap3A_763 : i32 to index
    %swap3A_765 = arith.constant 112 : index
    %swap3A_766 = tpu.vector_load %arg7[%swap3A_764, %swap3A_765] {strides = array<i32>} : memref<128x256xf32, #tpu.memory_space<vmem>>, vector<1x16xf32>,
    %swap3A_767 = vector.shape_cast %swap3A_766 : vector<1x16xf32> to vector<16xf32>
    %swap3A_768 = vector.shape_cast %max3A_762 : vector<16xf32> to vector<1x16xf32>
    tpu.vector_store %arg7[%swap3A_764, %swap3A_765], %swap3A_768 {strides = array<i32>} : memref<128x256xf32, #tpu.memory_space<vmem>>, vector<1x16xf32>,
    %max3A_769 = arith.constant 0.000000e+00 : f32
    %max3A_770 = vector.broadcast %max3A_769 : f32 to vector<16xf32>
    %max3A_771 = arith.maximumf %broadcast_in_dim3A_633, %max3A_770 : vector<16xf32>
    %swap3A_772 = arith.constant 123 : i32
    %swap3A_773 = arith.index_cast %swap3A_772 : i32 to index
    %swap3A_774 = arith.constant 240 : index
    %swap3A_775 = tpu.vector_load %arg7[%swap3A_773, %swap3A_774] {strides = array<i32>} : memref<128x256xf32, #tpu.memory_space<vmem>>, vector<1x16xf32>,
    %swap3A_776 = vector.shape_cast %swap3A_775 : vector<1x16xf32> to vector<16xf32>
    %swap3A_777 = vector.shape_cast %max3A_771 : vector<16xf32> to vector<1x16xf32>
    tpu.vector_store %arg7[%swap3A_773, %swap3A_774], %swap3A_777 {strides = array<i32>} : memref<128x256xf32, #tpu.memory_space<vmem>>, vector<1x16xf32>,
    %dma_wait3A_778 = arith.constant 62 : i32
    %dma_wait3A_779 = arith.constant 2 : i32
    %dma_wait3A_780 = arith.constant 0 : i32
    %dma_wait3A_781 = arith.constant 0 : i32
    %dma_wait3A_782 = tpu.memref_slice %arg6[%dma_wait3A_779, %dma_wait3A_780, %dma_wait3A_781] : memref<4x104x128xi32, #tpu.memory_space<vmem>> -> memref<1x104x128xi32, #tpu.memory_space<vmem>>
    %dma_wait3A_783 = tpu.memref_squeeze %dma_wait3A_782 : memref<1x104x128xi32, #tpu.memory_space<vmem>> -> memref<104x128xi32, #tpu.memory_space<vmem>>
    %dma_wait3A_784 = arith.constant 0 : i32
    %dma_wait3A_785 = tpu.memref_slice %arg5[%dma_wait3A_778, %dma_wait3A_784] : memref<64x104xi32, #tpu.memory_space<vmem>> -> memref<1x104xi32, #tpu.memory_space<vmem>>
    %dma_wait3A_786 = tpu.memref_squeeze %dma_wait3A_785 : memref<1x104xi32, #tpu.memory_space<vmem>> -> memref<104xi32, #tpu.memory_space<vmem>>
    %dma_wait3A_787 = arith.constant 0 : i32
    %dma_wait3A_788 = arith.constant 0 : i32
    %dma_wait3A_789 = tpu.memref_slice %arg2[%dma_wait3A_787, %dma_wait3A_788] : memref<6656x128xi32, #tpu.memory_space<hbm>> -> memref<6656x128xi32, #tpu.memory_space<hbm>>
    tpu.wait_indirect_dma semaphore(%arg10 : memref<!tpu.dma_semaphore, #tpu.memory_space<semaphore_mem>>) src(%dma_wait3A_789 : memref<6656x128xi32, #tpu.memory_space<hbm>>) dst(%dma_wait3A_783 : memref<104x128xi32, #tpu.memory_space<vmem>>)
    %broadcast_in_dim3A_790 = arith.constant 0.000000e+00 : f32
    %broadcast_in_dim3A_791 = vector.broadcast %broadcast_in_dim3A_790 : f32 to vector<16xf32>
    %broadcast_in_dim3A_792 = arith.constant 0.000000e+00 : f32
    %broadcast_in_dim3A_793 = vector.broadcast %broadcast_in_dim3A_792 : f32 to vector<16xf32>
    %broadcast_in_dim3A_794 = arith.constant 0.000000e+00 : f32
    %broadcast_in_dim3A_795 = vector.broadcast %broadcast_in_dim3A_794 : f32 to vector<16xf32>
    %broadcast_in_dim3A_796 = arith.constant 0.000000e+00 : f32
    %broadcast_in_dim3A_797 = vector.broadcast %broadcast_in_dim3A_796 : f32 to vector<16xf32>
    %broadcast_in_dim3A_798 = arith.constant 0.000000e+00 : f32
    %broadcast_in_dim3A_799 = vector.broadcast %broadcast_in_dim3A_798 : f32 to vector<16xf32>
    %broadcast_in_dim3A_800 = arith.constant 0.000000e+00 : f32
    %broadcast_in_dim3A_801 = vector.broadcast %broadcast_in_dim3A_800 : f32 to vector<16xf32>
    %broadcast_in_dim3A_802 = arith.constant 0.000000e+00 : f32
    %broadcast_in_dim3A_803 = vector.broadcast %broadcast_in_dim3A_802 : f32 to vector<16xf32>
    %broadcast_in_dim3A_804 = arith.constant 0.000000e+00 : f32
    %broadcast_in_dim3A_805 = vector.broadcast %broadcast_in_dim3A_804 : f32 to vector<16xf32>
    %broadcast_in_dim3A_806 = arith.constant 0.000000e+00 : f32
    %broadcast_in_dim3A_807 = vector.broadcast %broadcast_in_dim3A_806 : f32 to vector<16xf32>
    %broadcast_in_dim3A_808 = arith.constant 0.000000e+00 : f32
    %broadcast_in_dim3A_809 = vector.broadcast %broadcast_in_dim3A_808 : f32 to vector<16xf32>
    %broadcast_in_dim3A_810 = arith.constant 0.000000e+00 : f32
    %broadcast_in_dim3A_811 = vector.broadcast %broadcast_in_dim3A_810 : f32 to vector<16xf32>
    %broadcast_in_dim3A_812 = arith.constant 0.000000e+00 : f32
    %broadcast_in_dim3A_813 = vector.broadcast %broadcast_in_dim3A_812 : f32 to vector<16xf32>
    %broadcast_in_dim3A_814 = arith.constant 0.000000e+00 : f32
    %broadcast_in_dim3A_815 = vector.broadcast %broadcast_in_dim3A_814 : f32 to vector<16xf32>
    %broadcast_in_dim3A_816 = arith.constant 0.000000e+00 : f32
    %broadcast_in_dim3A_817 = vector.broadcast %broadcast_in_dim3A_816 : f32 to vector<16xf32>
    %broadcast_in_dim3A_818 = arith.constant 0.000000e+00 : f32
    %broadcast_in_dim3A_819 = vector.broadcast %broadcast_in_dim3A_818 : f32 to vector<16xf32>
    %broadcast_in_dim3A_820 = arith.constant 0.000000e+00 : f32
    %broadcast_in_dim3A_821 = vector.broadcast %broadcast_in_dim3A_820 : f32 to vector<16xf32>
    %max3A_822 = arith.constant 0.000000e+00 : f32
    %max3A_823 = vector.broadcast %max3A_822 : f32 to vector<16xf32>
    %max3A_824 = arith.maximumf %broadcast_in_dim3A_791, %max3A_823 : vector<16xf32>
    %swap3A_825 = arith.constant 124 : i32
    %swap3A_826 = arith.index_cast %swap3A_825 : i32 to index
    %swap3A_827 = arith.constant 0 : index
    %swap3A_828 = tpu.vector_load %arg7[%swap3A_826, %swap3A_827] {strides = array<i32>} : memref<128x256xf32, #tpu.memory_space<vmem>>, vector<1x16xf32>,
    %swap3A_829 = vector.shape_cast %swap3A_828 : vector<1x16xf32> to vector<16xf32>
    %swap3A_830 = vector.shape_cast %max3A_824 : vector<16xf32> to vector<1x16xf32>
    tpu.vector_store %arg7[%swap3A_826, %swap3A_827], %swap3A_830 {strides = array<i32>} : memref<128x256xf32, #tpu.memory_space<vmem>>, vector<1x16xf32>,
    %max3A_831 = arith.constant 0.000000e+00 : f32
    %max3A_832 = vector.broadcast %max3A_831 : f32 to vector<16xf32>
    %max3A_833 = arith.maximumf %broadcast_in_dim3A_793, %max3A_832 : vector<16xf32>
    %swap3A_834 = arith.constant 124 : i32
    %swap3A_835 = arith.index_cast %swap3A_834 : i32 to index
    %swap3A_836 = arith.constant 128 : index
    %swap3A_837 = tpu.vector_load %arg7[%swap3A_835, %swap3A_836] {strides = array<i32>} : memref<128x256xf32, #tpu.memory_space<vmem>>, vector<1x16xf32>,
    %swap3A_838 = vector.shape_cast %swap3A_837 : vector<1x16xf32> to vector<16xf32>
    %swap3A_839 = vector.shape_cast %max3A_833 : vector<16xf32> to vector<1x16xf32>
    tpu.vector_store %arg7[%swap3A_835, %swap3A_836], %swap3A_839 {strides = array<i32>} : memref<128x256xf32, #tpu.memory_space<vmem>>, vector<1x16xf32>,
    %max3A_840 = arith.constant 0.000000e+00 : f32
    %max3A_841 = vector.broadcast %max3A_840 : f32 to vector<16xf32>
    %max3A_842 = arith.maximumf %broadcast_in_dim3A_795, %max3A_841 : vector<16xf32>
    %swap3A_843 = arith.constant 124 : i32
    %swap3A_844 = arith.index_cast %swap3A_843 : i32 to index
    %swap3A_845 = arith.constant 16 : index
    %swap3A_846 = tpu.vector_load %arg7[%swap3A_844, %swap3A_845] {strides = array<i32>} : memref<128x256xf32, #tpu.memory_space<vmem>>, vector<1x16xf32>,
    %swap3A_847 = vector.shape_cast %swap3A_846 : vector<1x16xf32> to vector<16xf32>
    %swap3A_848 = vector.shape_cast %max3A_842 : vector<16xf32> to vector<1x16xf32>
    tpu.vector_store %arg7[%swap3A_844, %swap3A_845], %swap3A_848 {strides = array<i32>} : memref<128x256xf32, #tpu.memory_space<vmem>>, vector<1x16xf32>,
    %max3A_849 = arith.constant 0.000000e+00 : f32
    %max3A_850 = vector.broadcast %max3A_849 : f32 to vector<16xf32>
    %max3A_851 = arith.maximumf %broadcast_in_dim3A_797, %max3A_850 : vector<16xf32>
    %swap3A_852 = arith.constant 124 : i32
    %swap3A_853 = arith.index_cast %swap3A_852 : i32 to index
    %swap3A_854 = arith.constant 144 : index
    %swap3A_855 = tpu.vector_load %arg7[%swap3A_853, %swap3A_854] {strides = array<i32>} : memref<128x256xf32, #tpu.memory_space<vmem>>, vector<1x16xf32>,
    %swap3A_856 = vector.shape_cast %swap3A_855 : vector<1x16xf32> to vector<16xf32>
    %swap3A_857 = vector.shape_cast %max3A_851 : vector<16xf32> to vector<1x16xf32>
    tpu.vector_store %arg7[%swap3A_853, %swap3A_854], %swap3A_857 {strides = array<i32>} : memref<128x256xf32, #tpu.memory_space<vmem>>, vector<1x16xf32>,
    %max3A_858 = arith.constant 0.000000e+00 : f32
    %max3A_859 = vector.broadcast %max3A_858 : f32 to vector<16xf32>
    %max3A_860 = arith.maximumf %broadcast_in_dim3A_799, %max3A_859 : vector<16xf32>
    %swap3A_861 = arith.constant 124 : i32
    %swap3A_862 = arith.index_cast %swap3A_861 : i32 to index
    %swap3A_863 = arith.constant 32 : index
    %swap3A_864 = tpu.vector_load %arg7[%swap3A_862, %swap3A_863] {strides = array<i32>} : memref<128x256xf32, #tpu.memory_space<vmem>>, vector<1x16xf32>,
    %swap3A_865 = vector.shape_cast %swap3A_864 : vector<1x16xf32> to vector<16xf32>
    %swap3A_866 = vector.shape_cast %max3A_860 : vector<16xf32> to vector<1x16xf32>
    tpu.vector_store %arg7[%swap3A_862, %swap3A_863], %swap3A_866 {strides = array<i32>} : memref<128x256xf32, #tpu.memory_space<vmem>>, vector<1x16xf32>,
    %max3A_867 = arith.constant 0.000000e+00 : f32
    %max3A_868 = vector.broadcast %max3A_867 : f32 to vector<16xf32>
    %max3A_869 = arith.maximumf %broadcast_in_dim3A_801, %max3A_868 : vector<16xf32>
    %swap3A_870 = arith.constant 124 : i32
    %swap3A_871 = arith.index_cast %swap3A_870 : i32 to index
    %swap3A_872 = arith.constant 160 : index
    %swap3A_873 = tpu.vector_load %arg7[%swap3A_871, %swap3A_872] {strides = array<i32>} : memref<128x256xf32, #tpu.memory_space<vmem>>, vector<1x16xf32>,
    %swap3A_874 = vector.shape_cast %swap3A_873 : vector<1x16xf32> to vector<16xf32>
    %swap3A_875 = vector.shape_cast %max3A_869 : vector<16xf32> to vector<1x16xf32>
    tpu.vector_store %arg7[%swap3A_871, %swap3A_872], %swap3A_875 {strides = array<i32>} : memref<128x256xf32, #tpu.memory_space<vmem>>, vector<1x16xf32>,
    %max3A_876 = arith.constant 0.000000e+00 : f32
    %max3A_877 = vector.broadcast %max3A_876 : f32 to vector<16xf32>
    %max3A_878 = arith.maximumf %broadcast_in_dim3A_803, %max3A_877 : vector<16xf32>
    %swap3A_879 = arith.constant 124 : i32
    %swap3A_880 = arith.index_cast %swap3A_879 : i32 to index
    %swap3A_881 = arith.constant 48 : index
    %swap3A_882 = tpu.vector_load %arg7[%swap3A_880, %swap3A_881] {strides = array<i32>} : memref<128x256xf32, #tpu.memory_space<vmem>>, vector<1x16xf32>,
    %swap3A_883 = vector.shape_cast %swap3A_882 : vector<1x16xf32> to vector<16xf32>
    %swap3A_884 = vector.shape_cast %max3A_878 : vector<16xf32> to vector<1x16xf32>
    tpu.vector_store %arg7[%swap3A_880, %swap3A_881], %swap3A_884 {strides = array<i32>} : memref<128x256xf32, #tpu.memory_space<vmem>>, vector<1x16xf32>,
    %max3A_885 = arith.constant 0.000000e+00 : f32
    %max3A_886 = vector.broadcast %max3A_885 : f32 to vector<16xf32>
    %max3A_887 = arith.maximumf %broadcast_in_dim3A_805, %max3A_886 : vector<16xf32>
    %swap3A_888 = arith.constant 124 : i32
    %swap3A_889 = arith.index_cast %swap3A_888 : i32 to index
    %swap3A_890 = arith.constant 176 : index
    %swap3A_891 = tpu.vector_load %arg7[%swap3A_889, %swap3A_890] {strides = array<i32>} : memref<128x256xf32, #tpu.memory_space<vmem>>, vector<1x16xf32>,
    %swap3A_892 = vector.shape_cast %swap3A_891 : vector<1x16xf32> to vector<16xf32>
    %swap3A_893 = vector.shape_cast %max3A_887 : vector<16xf32> to vector<1x16xf32>
    tpu.vector_store %arg7[%swap3A_889, %swap3A_890], %swap3A_893 {strides = array<i32>} : memref<128x256xf32, #tpu.memory_space<vmem>>, vector<1x16xf32>,
    %max3A_894 = arith.constant 0.000000e+00 : f32
    %max3A_895 = vector.broadcast %max3A_894 : f32 to vector<16xf32>
    %max3A_896 = arith.maximumf %broadcast_in_dim3A_807, %max3A_895 : vector<16xf32>
    %swap3A_897 = arith.constant 124 : i32
    %swap3A_898 = arith.index_cast %swap3A_897 : i32 to index
    %swap3A_899 = arith.constant 64 : index
    %swap3A_900 = tpu.vector_load %arg7[%swap3A_898, %swap3A_899] {strides = array<i32>} : memref<128x256xf32, #tpu.memory_space<vmem>>, vector<1x16xf32>,
    %swap3A_901 = vector.shape_cast %swap3A_900 : vector<1x16xf32> to vector<16xf32>
    %swap3A_902 = vector.shape_cast %max3A_896 : vector<16xf32> to vector<1x16xf32>
    tpu.vector_store %arg7[%swap3A_898, %swap3A_899], %swap3A_902 {strides = array<i32>} : memref<128x256xf32, #tpu.memory_space<vmem>>, vector<1x16xf32>,
    %max3A_903 = arith.constant 0.000000e+00 : f32
    %max3A_904 = vector.broadcast %max3A_903 : f32 to vector<16xf32>
    %max3A_905 = arith.maximumf %broadcast_in_dim3A_809, %max3A_904 : vector<16xf32>
    %swap3A_906 = arith.constant 124 : i32
    %swap3A_907 = arith.index_cast %swap3A_906 : i32 to index
    %swap3A_908 = arith.constant 192 : index
    %swap3A_909 = tpu.vector_load %arg7[%swap3A_907, %swap3A_908] {strides = array<i32>} : memref<128x256xf32, #tpu.memory_space<vmem>>, vector<1x16xf32>,
    %swap3A_910 = vector.shape_cast %swap3A_909 : vector<1x16xf32> to vector<16xf32>
    %swap3A_911 = vector.shape_cast %max3A_905 : vector<16xf32> to vector<1x16xf32>
    tpu.vector_store %arg7[%swap3A_907, %swap3A_908], %swap3A_911 {strides = array<i32>} : memref<128x256xf32, #tpu.memory_space<vmem>>, vector<1x16xf32>,
    %max3A_912 = arith.constant 0.000000e+00 : f32
    %max3A_913 = vector.broadcast %max3A_912 : f32 to vector<16xf32>
    %max3A_914 = arith.maximumf %broadcast_in_dim3A_811, %max3A_913 : vector<16xf32>
    %swap3A_915 = arith.constant 124 : i32
    %swap3A_916 = arith.index_cast %swap3A_915 : i32 to index
    %swap3A_917 = arith.constant 80 : index
    %swap3A_918 = tpu.vector_load %arg7[%swap3A_916, %swap3A_917] {strides = array<i32>} : memref<128x256xf32, #tpu.memory_space<vmem>>, vector<1x16xf32>,
    %swap3A_919 = vector.shape_cast %swap3A_918 : vector<1x16xf32> to vector<16xf32>
    %swap3A_920 = vector.shape_cast %max3A_914 : vector<16xf32> to vector<1x16xf32>
    tpu.vector_store %arg7[%swap3A_916, %swap3A_917], %swap3A_920 {strides = array<i32>} : memref<128x256xf32, #tpu.memory_space<vmem>>, vector<1x16xf32>,
    %max3A_921 = arith.constant 0.000000e+00 : f32
    %max3A_922 = vector.broadcast %max3A_921 : f32 to vector<16xf32>
    %max3A_923 = arith.maximumf %broadcast_in_dim3A_813, %max3A_922 : vector<16xf32>
    %swap3A_924 = arith.constant 124 : i32
    %swap3A_925 = arith.index_cast %swap3A_924 : i32 to index
    %swap3A_926 = arith.constant 208 : index
    %swap3A_927 = tpu.vector_load %arg7[%swap3A_925, %swap3A_926] {strides = array<i32>} : memref<128x256xf32, #tpu.memory_space<vmem>>, vector<1x16xf32>,
    %swap3A_928 = vector.shape_cast %swap3A_927 : vector<1x16xf32> to vector<16xf32>
    %swap3A_929 = vector.shape_cast %max3A_923 : vector<16xf32> to vector<1x16xf32>
    tpu.vector_store %arg7[%swap3A_925, %swap3A_926], %swap3A_929 {strides = array<i32>} : memref<128x256xf32, #tpu.memory_space<vmem>>, vector<1x16xf32>,
    %max3A_930 = arith.constant 0.000000e+00 : f32
    %max3A_931 = vector.broadcast %max3A_930 : f32 to vector<16xf32>
    %max3A_932 = arith.maximumf %broadcast_in_dim3A_815, %max3A_931 : vector<16xf32>
    %swap3A_933 = arith.constant 124 : i32
    %swap3A_934 = arith.index_cast %swap3A_933 : i32 to index
    %swap3A_935 = arith.constant 96 : index
    %swap3A_936 = tpu.vector_load %arg7[%swap3A_934, %swap3A_935] {strides = array<i32>} : memref<128x256xf32, #tpu.memory_space<vmem>>, vector<1x16xf32>,
    %swap3A_937 = vector.shape_cast %swap3A_936 : vector<1x16xf32> to vector<16xf32>
    %swap3A_938 = vector.shape_cast %max3A_932 : vector<16xf32> to vector<1x16xf32>
    tpu.vector_store %arg7[%swap3A_934, %swap3A_935], %swap3A_938 {strides = array<i32>} : memref<128x256xf32, #tpu.memory_space<vmem>>, vector<1x16xf32>,
    %max3A_939 = arith.constant 0.000000e+00 : f32
    %max3A_940 = vector.broadcast %max3A_939 : f32 to vector<16xf32>
    %max3A_941 = arith.maximumf %broadcast_in_dim3A_817, %max3A_940 : vector<16xf32>
    %swap3A_942 = arith.constant 124 : i32
    %swap3A_943 = arith.index_cast %swap3A_942 : i32 to index
    %swap3A_944 = arith.constant 224 : index
    %swap3A_945 = tpu.vector_load %arg7[%swap3A_943, %swap3A_944] {strides = array<i32>} : memref<128x256xf32, #tpu.memory_space<vmem>>, vector<1x16xf32>,
    %swap3A_946 = vector.shape_cast %swap3A_945 : vector<1x16xf32> to vector<16xf32>
    %swap3A_947 = vector.shape_cast %max3A_941 : vector<16xf32> to vector<1x16xf32>
    tpu.vector_store %arg7[%swap3A_943, %swap3A_944], %swap3A_947 {strides = array<i32>} : memref<128x256xf32, #tpu.memory_space<vmem>>, vector<1x16xf32>,
    %max3A_948 = arith.constant 0.000000e+00 : f32
    %max3A_949 = vector.broadcast %max3A_948 : f32 to vector<16xf32>
    %max3A_950 = arith.maximumf %broadcast_in_dim3A_819, %max3A_949 : vector<16xf32>
    %swap3A_951 = arith.constant 124 : i32
    %swap3A_952 = arith.index_cast %swap3A_951 : i32 to index
    %swap3A_953 = arith.constant 112 : index
    %swap3A_954 = tpu.vector_load %arg7[%swap3A_952, %swap3A_953] {strides = array<i32>} : memref<128x256xf32, #tpu.memory_space<vmem>>, vector<1x16xf32>,
    %swap3A_955 = vector.shape_cast %swap3A_954 : vector<1x16xf32> to vector<16xf32>
    %swap3A_956 = vector.shape_cast %max3A_950 : vector<16xf32> to vector<1x16xf32>
    tpu.vector_store %arg7[%swap3A_952, %swap3A_953], %swap3A_956 {strides = array<i32>} : memref<128x256xf32, #tpu.memory_space<vmem>>, vector<1x16xf32>,
    %max3A_957 = arith.constant 0.000000e+00 : f32
    %max3A_958 = vector.broadcast %max3A_957 : f32 to vector<16xf32>
    %max3A_959 = arith.maximumf %broadcast_in_dim3A_821, %max3A_958 : vector<16xf32>
    %swap3A_960 = arith.constant 124 : i32
    %swap3A_961 = arith.index_cast %swap3A_960 : i32 to index
    %swap3A_962 = arith.constant 240 : index
    %swap3A_963 = tpu.vector_load %arg7[%swap3A_961, %swap3A_962] {strides = array<i32>} : memref<128x256xf32, #tpu.memory_space<vmem>>, vector<1x16xf32>,
    %swap3A_964 = vector.shape_cast %swap3A_963 : vector<1x16xf32> to vector<16xf32>
    %swap3A_965 = vector.shape_cast %max3A_959 : vector<16xf32> to vector<1x16xf32>
    tpu.vector_store %arg7[%swap3A_961, %swap3A_962], %swap3A_965 {strides = array<i32>} : memref<128x256xf32, #tpu.memory_space<vmem>>, vector<1x16xf32>,
    %broadcast_in_dim3A_966 = arith.constant 0.000000e+00 : f32
    %broadcast_in_dim3A_967 = vector.broadcast %broadcast_in_dim3A_966 : f32 to vector<16xf32>
    %broadcast_in_dim3A_968 = arith.constant 0.000000e+00 : f32
    %broadcast_in_dim3A_969 = vector.broadcast %broadcast_in_dim3A_968 : f32 to vector<16xf32>
    %broadcast_in_dim3A_970 = arith.constant 0.000000e+00 : f32
    %broadcast_in_dim3A_971 = vector.broadcast %broadcast_in_dim3A_970 : f32 to vector<16xf32>
    %broadcast_in_dim3A_972 = arith.constant 0.000000e+00 : f32
    %broadcast_in_dim3A_973 = vector.broadcast %broadcast_in_dim3A_972 : f32 to vector<16xf32>
    %broadcast_in_dim3A_974 = arith.constant 0.000000e+00 : f32
    %broadcast_in_dim3A_975 = vector.broadcast %broadcast_in_dim3A_974 : f32 to vector<16xf32>
    %broadcast_in_dim3A_976 = arith.constant 0.000000e+00 : f32
    %broadcast_in_dim3A_977 = vector.broadcast %broadcast_in_dim3A_976 : f32 to vector<16xf32>
    %broadcast_in_dim3A_978 = arith.constant 0.000000e+00 : f32
    %broadcast_in_dim3A_979 = vector.broadcast %broadcast_in_dim3A_978 : f32 to vector<16xf32>
    %broadcast_in_dim3A_980 = arith.constant 0.000000e+00 : f32
    %broadcast_in_dim3A_981 = vector.broadcast %broadcast_in_dim3A_980 : f32 to vector<16xf32>
    %broadcast_in_dim3A_982 = arith.constant 0.000000e+00 : f32
    %broadcast_in_dim3A_983 = vector.broadcast %broadcast_in_dim3A_982 : f32 to vector<16xf32>
    %broadcast_in_dim3A_984 = arith.constant 0.000000e+00 : f32
    %broadcast_in_dim3A_985 = vector.broadcast %broadcast_in_dim3A_984 : f32 to vector<16xf32>
    %broadcast_in_dim3A_986 = arith.constant 0.000000e+00 : f32
    %broadcast_in_dim3A_987 = vector.broadcast %broadcast_in_dim3A_986 : f32 to vector<16xf32>
    %broadcast_in_dim3A_988 = arith.constant 0.000000e+00 : f32
    %broadcast_in_dim3A_989 = vector.broadcast %broadcast_in_dim3A_988 : f32 to vector<16xf32>
    %broadcast_in_dim3A_990 = arith.constant 0.000000e+00 : f32
    %broadcast_in_dim3A_991 = vector.broadcast %broadcast_in_dim3A_990 : f32 to vector<16xf32>
    %broadcast_in_dim3A_992 = arith.constant 0.000000e+00 : f32
    %broadcast_in_dim3A_993 = vector.broadcast %broadcast_in_dim3A_992 : f32 to vector<16xf32>
    %broadcast_in_dim3A_994 = arith.constant 0.000000e+00 : f32
    %broadcast_in_dim3A_995 = vector.broadcast %broadcast_in_dim3A_994 : f32 to vector<16xf32>
    %broadcast_in_dim3A_996 = arith.constant 0.000000e+00 : f32
    %broadcast_in_dim3A_997 = vector.broadcast %broadcast_in_dim3A_996 : f32 to vector<16xf32>
    %max3A_998 = arith.constant 0.000000e+00 : f32
    %max3A_999 = vector.broadcast %max3A_998 : f32 to vector<16xf32>
    %max3A_1000 = arith.maximumf %broadcast_in_dim3A_967, %max3A_999 : vector<16xf32>
    %swap3A_1001 = arith.constant 125 : i32
    %swap3A_1002 = arith.index_cast %swap3A_1001 : i32 to index
    %swap3A_1003 = arith.constant 0 : index
    %swap3A_1004 = tpu.vector_load %arg7[%swap3A_1002, %swap3A_1003] {strides = array<i32>} : memref<128x256xf32, #tpu.memory_space<vmem>>, vector<1x16xf32>,
    %swap3A_1005 = vector.shape_cast %swap3A_1004 : vector<1x16xf32> to vector<16xf32>
    %swap3A_1006 = vector.shape_cast %max3A_1000 : vector<16xf32> to vector<1x16xf32>
    tpu.vector_store %arg7[%swap3A_1002, %swap3A_1003], %swap3A_1006 {strides = array<i32>} : memref<128x256xf32, #tpu.memory_space<vmem>>, vector<1x16xf32>,
    %max3A_1007 = arith.constant 0.000000e+00 : f32
    %max3A_1008 = vector.broadcast %max3A_1007 : f32 to vector<16xf32>
    %max3A_1009 = arith.maximumf %broadcast_in_dim3A_969, %max3A_1008 : vector<16xf32>
    %swap3A_1010 = arith.constant 125 : i32
    %swap3A_1011 = arith.index_cast %swap3A_1010 : i32 to index
    %swap3A_1012 = arith.constant 128 : index
    %swap3A_1013 = tpu.vector_load %arg7[%swap3A_1011, %swap3A_1012] {strides = array<i32>} : memref<128x256xf32, #tpu.memory_space<vmem>>, vector<1x16xf32>,
    %swap3A_1014 = vector.shape_cast %swap3A_1013 : vector<1x16xf32> to vector<16xf32>
    %swap3A_1015 = vector.shape_cast %max3A_1009 : vector<16xf32> to vector<1x16xf32>
    tpu.vector_store %arg7[%swap3A_1011, %swap3A_1012], %swap3A_1015 {strides = array<i32>} : memref<128x256xf32, #tpu.memory_space<vmem>>, vector<1x16xf32>,
    %max3A_1016 = arith.constant 0.000000e+00 : f32
    %max3A_1017 = vector.broadcast %max3A_1016 : f32 to vector<16xf32>
    %max3A_1018 = arith.maximumf %broadcast_in_dim3A_971, %max3A_1017 : vector<16xf32>
    %swap3A_1019 = arith.constant 125 : i32
    %swap3A_1020 = arith.index_cast %swap3A_1019 : i32 to index
    %swap3A_1021 = arith.constant 16 : index
    %swap3A_1022 = tpu.vector_load %arg7[%swap3A_1020, %swap3A_1021] {strides = array<i32>} : memref<128x256xf32, #tpu.memory_space<vmem>>, vector<1x16xf32>,
    %swap3A_1023 = vector.shape_cast %swap3A_1022 : vector<1x16xf32> to vector<16xf32>
    %swap3A_1024 = vector.shape_cast %max3A_1018 : vector<16xf32> to vector<1x16xf32>
    tpu.vector_store %arg7[%swap3A_1020, %swap3A_1021], %swap3A_1024 {strides = array<i32>} : memref<128x256xf32, #tpu.memory_space<vmem>>, vector<1x16xf32>,
    %max3A_1025 = arith.constant 0.000000e+00 : f32
    %max3A_1026 = vector.broadcast %max3A_1025 : f32 to vector<16xf32>
    %max3A_1027 = arith.maximumf %broadcast_in_dim3A_973, %max3A_1026 : vector<16xf32>
    %swap3A_1028 = arith.constant 125 : i32
    %swap3A_1029 = arith.index_cast %swap3A_1028 : i32 to index
    %swap3A_1030 = arith.constant 144 : index
    %swap3A_1031 = tpu.vector_load %arg7[%swap3A_1029, %swap3A_1030] {strides = array<i32>} : memref<128x256xf32, #tpu.memory_space<vmem>>, vector<1x16xf32>,
    %swap3A_1032 = vector.shape_cast %swap3A_1031 : vector<1x16xf32> to vector<16xf32>
    %swap3A_1033 = vector.shape_cast %max3A_1027 : vector<16xf32> to vector<1x16xf32>
    tpu.vector_store %arg7[%swap3A_1029, %swap3A_1030], %swap3A_1033 {strides = array<i32>} : memref<128x256xf32, #tpu.memory_space<vmem>>, vector<1x16xf32>,
    %max3A_1034 = arith.constant 0.000000e+00 : f32
    %max3A_1035 = vector.broadcast %max3A_1034 : f32 to vector<16xf32>
    %max3A_1036 = arith.maximumf %broadcast_in_dim3A_975, %max3A_1035 : vector<16xf32>
    %swap3A_1037 = arith.constant 125 : i32
    %swap3A_1038 = arith.index_cast %swap3A_1037 : i32 to index
    %swap3A_1039 = arith.constant 32 : index
    %swap3A_1040 = tpu.vector_load %arg7[%swap3A_1038, %swap3A_1039] {strides = array<i32>} : memref<128x256xf32, #tpu.memory_space<vmem>>, vector<1x16xf32>,
    %swap3A_1041 = vector.shape_cast %swap3A_1040 : vector<1x16xf32> to vector<16xf32>
    %swap3A_1042 = vector.shape_cast %max3A_1036 : vector<16xf32> to vector<1x16xf32>
    tpu.vector_store %arg7[%swap3A_1038, %swap3A_1039], %swap3A_1042 {strides = array<i32>} : memref<128x256xf32, #tpu.memory_space<vmem>>, vector<1x16xf32>,
    %max3A_1043 = arith.constant 0.000000e+00 : f32
    %max3A_1044 = vector.broadcast %max3A_1043 : f32 to vector<16xf32>
    %max3A_1045 = arith.maximumf %broadcast_in_dim3A_977, %max3A_1044 : vector<16xf32>
    %swap3A_1046 = arith.constant 125 : i32
    %swap3A_1047 = arith.index_cast %swap3A_1046 : i32 to index
    %swap3A_1048 = arith.constant 160 : index
    %swap3A_1049 = tpu.vector_load %arg7[%swap3A_1047, %swap3A_1048] {strides = array<i32>} : memref<128x256xf32, #tpu.memory_space<vmem>>, vector<1x16xf32>,
    %swap3A_1050 = vector.shape_cast %swap3A_1049 : vector<1x16xf32> to vector<16xf32>
    %swap3A_1051 = vector.shape_cast %max3A_1045 : vector<16xf32> to vector<1x16xf32>
    tpu.vector_store %arg7[%swap3A_1047, %swap3A_1048], %swap3A_1051 {strides = array<i32>} : memref<128x256xf32, #tpu.memory_space<vmem>>, vector<1x16xf32>,
    %max3A_1052 = arith.constant 0.000000e+00 : f32
    %max3A_1053 = vector.broadcast %max3A_1052 : f32 to vector<16xf32>
    %max3A_1054 = arith.maximumf %broadcast_in_dim3A_979, %max3A_1053 : vector<16xf32>
    %swap3A_1055 = arith.constant 125 : i32
    %swap3A_1056 = arith.index_cast %swap3A_1055 : i32 to index
    %swap3A_1057 = arith.constant 48 : index
    %swap3A_1058 = tpu.vector_load %arg7[%swap3A_1056, %swap3A_1057] {strides = array<i32>} : memref<128x256xf32, #tpu.memory_space<vmem>>, vector<1x16xf32>,
    %swap3A_1059 = vector.shape_cast %swap3A_1058 : vector<1x16xf32> to vector<16xf32>
    %swap3A_1060 = vector.shape_cast %max3A_1054 : vector<16xf32> to vector<1x16xf32>
    tpu.vector_store %arg7[%swap3A_1056, %swap3A_1057], %swap3A_1060 {strides = array<i32>} : memref<128x256xf32, #tpu.memory_space<vmem>>, vector<1x16xf32>,
    %max3A_1061 = arith.constant 0.000000e+00 : f32
    %max3A_1062 = vector.broadcast %max3A_1061 : f32 to vector<16xf32>
    %max3A_1063 = arith.maximumf %broadcast_in_dim3A_981, %max3A_1062 : vector<16xf32>
    %swap3A_1064 = arith.constant 125 : i32
    %swap3A_1065 = arith.index_cast %swap3A_1064 : i32 to index
    %swap3A_1066 = arith.constant 176 : index
    %swap3A_1067 = tpu.vector_load %arg7[%swap3A_1065, %swap3A_1066] {strides = array<i32>} : memref<128x256xf32, #tpu.memory_space<vmem>>, vector<1x16xf32>,
    %swap3A_1068 = vector.shape_cast %swap3A_1067 : vector<1x16xf32> to vector<16xf32>
    %swap3A_1069 = vector.shape_cast %max3A_1063 : vector<16xf32> to vector<1x16xf32>
    tpu.vector_store %arg7[%swap3A_1065, %swap3A_1066], %swap3A_1069 {strides = array<i32>} : memref<128x256xf32, #tpu.memory_space<vmem>>, vector<1x16xf32>,
    %max3A_1070 = arith.constant 0.000000e+00 : f32
    %max3A_1071 = vector.broadcast %max3A_1070 : f32 to vector<16xf32>
    %max3A_1072 = arith.maximumf %broadcast_in_dim3A_983, %max3A_1071 : vector<16xf32>
    %swap3A_1073 = arith.constant 125 : i32
    %swap3A_1074 = arith.index_cast %swap3A_1073 : i32 to index
    %swap3A_1075 = arith.constant 64 : index
    %swap3A_1076 = tpu.vector_load %arg7[%swap3A_1074, %swap3A_1075] {strides = array<i32>} : memref<128x256xf32, #tpu.memory_space<vmem>>, vector<1x16xf32>,
    %swap3A_1077 = vector.shape_cast %swap3A_1076 : vector<1x16xf32> to vector<16xf32>
    %swap3A_1078 = vector.shape_cast %max3A_1072 : vector<16xf32> to vector<1x16xf32>
    tpu.vector_store %arg7[%swap3A_1074, %swap3A_1075], %swap3A_1078 {strides = array<i32>} : memref<128x256xf32, #tpu.memory_space<vmem>>, vector<1x16xf32>,
    %max3A_1079 = arith.constant 0.000000e+00 : f32
    %max3A_1080 = vector.broadcast %max3A_1079 : f32 to vector<16xf32>
    %max3A_1081 = arith.maximumf %broadcast_in_dim3A_985, %max3A_1080 : vector<16xf32>
    %swap3A_1082 = arith.constant 125 : i32
    %swap3A_1083 = arith.index_cast %swap3A_1082 : i32 to index
    %swap3A_1084 = arith.constant 192 : index
    %swap3A_1085 = tpu.vector_load %arg7[%swap3A_1083, %swap3A_1084] {strides = array<i32>} : memref<128x256xf32, #tpu.memory_space<vmem>>, vector<1x16xf32>,
    %swap3A_1086 = vector.shape_cast %swap3A_1085 : vector<1x16xf32> to vector<16xf32>
    %swap3A_1087 = vector.shape_cast %max3A_1081 : vector<16xf32> to vector<1x16xf32>
    tpu.vector_store %arg7[%swap3A_1083, %swap3A_1084], %swap3A_1087 {strides = array<i32>} : memref<128x256xf32, #tpu.memory_space<vmem>>, vector<1x16xf32>,
    %max3A_1088 = arith.constant 0.000000e+00 : f32
    %max3A_1089 = vector.broadcast %max3A_1088 : f32 to vector<16xf32>
    %max3A_1090 = arith.maximumf %broadcast_in_dim3A_987, %max3A_1089 : vector<16xf32>
    %swap3A_1091 = arith.constant 125 : i32
    %swap3A_1092 = arith.index_cast %swap3A_1091 : i32 to index
    %swap3A_1093 = arith.constant 80 : index
    %swap3A_1094 = tpu.vector_load %arg7[%swap3A_1092, %swap3A_1093] {strides = array<i32>} : memref<128x256xf32, #tpu.memory_space<vmem>>, vector<1x16xf32>,
    %swap3A_1095 = vector.shape_cast %swap3A_1094 : vector<1x16xf32> to vector<16xf32>
    %swap3A_1096 = vector.shape_cast %max3A_1090 : vector<16xf32> to vector<1x16xf32>
    tpu.vector_store %arg7[%swap3A_1092, %swap3A_1093], %swap3A_1096 {strides = array<i32>} : memref<128x256xf32, #tpu.memory_space<vmem>>, vector<1x16xf32>,
    %max3A_1097 = arith.constant 0.000000e+00 : f32
    %max3A_1098 = vector.broadcast %max3A_1097 : f32 to vector<16xf32>
    %max3A_1099 = arith.maximumf %broadcast_in_dim3A_989, %max3A_1098 : vector<16xf32>
    %swap3A_1100 = arith.constant 125 : i32
    %swap3A_1101 = arith.index_cast %swap3A_1100 : i32 to index
    %swap3A_1102 = arith.constant 208 : index
    %swap3A_1103 = tpu.vector_load %arg7[%swap3A_1101, %swap3A_1102] {strides = array<i32>} : memref<128x256xf32, #tpu.memory_space<vmem>>, vector<1x16xf32>,
    %swap3A_1104 = vector.shape_cast %swap3A_1103 : vector<1x16xf32> to vector<16xf32>
    %swap3A_1105 = vector.shape_cast %max3A_1099 : vector<16xf32> to vector<1x16xf32>
    tpu.vector_store %arg7[%swap3A_1101, %swap3A_1102], %swap3A_1105 {strides = array<i32>} : memref<128x256xf32, #tpu.memory_space<vmem>>, vector<1x16xf32>,
    %max3A_1106 = arith.constant 0.000000e+00 : f32
    %max3A_1107 = vector.broadcast %max3A_1106 : f32 to vector<16xf32>
    %max3A_1108 = arith.maximumf %broadcast_in_dim3A_991, %max3A_1107 : vector<16xf32>
    %swap3A_1109 = arith.constant 125 : i32
    %swap3A_1110 = arith.index_cast %swap3A_1109 : i32 to index
    %swap3A_1111 = arith.constant 96 : index
    %swap3A_1112 = tpu.vector_load %arg7[%swap3A_1110, %swap3A_1111] {strides = array<i32>} : memref<128x256xf32, #tpu.memory_space<vmem>>, vector<1x16xf32>,
    %swap3A_1113 = vector.shape_cast %swap3A_1112 : vector<1x16xf32> to vector<16xf32>
    %swap3A_1114 = vector.shape_cast %max3A_1108 : vector<16xf32> to vector<1x16xf32>
    tpu.vector_store %arg7[%swap3A_1110, %swap3A_1111], %swap3A_1114 {strides = array<i32>} : memref<128x256xf32, #tpu.memory_space<vmem>>, vector<1x16xf32>,
    %max3A_1115 = arith.constant 0.000000e+00 : f32
    %max3A_1116 = vector.broadcast %max3A_1115 : f32 to vector<16xf32>
    %max3A_1117 = arith.maximumf %broadcast_in_dim3A_993, %max3A_1116 : vector<16xf32>
    %swap3A_1118 = arith.constant 125 : i32
    %swap3A_1119 = arith.index_cast %swap3A_1118 : i32 to index
    %swap3A_1120 = arith.constant 224 : index
    %swap3A_1121 = tpu.vector_load %arg7[%swap3A_1119, %swap3A_1120] {strides = array<i32>} : memref<128x256xf32, #tpu.memory_space<vmem>>, vector<1x16xf32>,
    %swap3A_1122 = vector.shape_cast %swap3A_1121 : vector<1x16xf32> to vector<16xf32>
    %swap3A_1123 = vector.shape_cast %max3A_1117 : vector<16xf32> to vector<1x16xf32>
    tpu.vector_store %arg7[%swap3A_1119, %swap3A_1120], %swap3A_1123 {strides = array<i32>} : memref<128x256xf32, #tpu.memory_space<vmem>>, vector<1x16xf32>,
    %max3A_1124 = arith.constant 0.000000e+00 : f32
    %max3A_1125 = vector.broadcast %max3A_1124 : f32 to vector<16xf32>
    %max3A_1126 = arith.maximumf %broadcast_in_dim3A_995, %max3A_1125 : vector<16xf32>
    %swap3A_1127 = arith.constant 125 : i32
    %swap3A_1128 = arith.index_cast %swap3A_1127 : i32 to index
    %swap3A_1129 = arith.constant 112 : index
    %swap3A_1130 = tpu.vector_load %arg7[%swap3A_1128, %swap3A_1129] {strides = array<i32>} : memref<128x256xf32, #tpu.memory_space<vmem>>, vector<1x16xf32>,
    %swap3A_1131 = vector.shape_cast %swap3A_1130 : vector<1x16xf32> to vector<16xf32>
    %swap3A_1132 = vector.shape_cast %max3A_1126 : vector<16xf32> to vector<1x16xf32>
    tpu.vector_store %arg7[%swap3A_1128, %swap3A_1129], %swap3A_1132 {strides = array<i32>} : memref<128x256xf32, #tpu.memory_space<vmem>>, vector<1x16xf32>,
    %max3A_1133 = arith.constant 0.000000e+00 : f32
    %max3A_1134 = vector.broadcast %max3A_1133 : f32 to vector<16xf32>
    %max3A_1135 = arith.maximumf %broadcast_in_dim3A_997, %max3A_1134 : vector<16xf32>
    %swap3A_1136 = arith.constant 125 : i32
    %swap3A_1137 = arith.index_cast %swap3A_1136 : i32 to index
    %swap3A_1138 = arith.constant 240 : index
    %swap3A_1139 = tpu.vector_load %arg7[%swap3A_1137, %swap3A_1138] {strides = array<i32>} : memref<128x256xf32, #tpu.memory_space<vmem>>, vector<1x16xf32>,
    %swap3A_1140 = vector.shape_cast %swap3A_1139 : vector<1x16xf32> to vector<16xf32>
    %swap3A_1141 = vector.shape_cast %max3A_1135 : vector<16xf32> to vector<1x16xf32>
    tpu.vector_store %arg7[%swap3A_1137, %swap3A_1138], %swap3A_1141 {strides = array<i32>} : memref<128x256xf32, #tpu.memory_space<vmem>>, vector<1x16xf32>,
    %dma_wait3A_1142 = arith.constant 63 : i32
    %dma_wait3A_1143 = arith.constant 3 : i32
    %dma_wait3A_1144 = arith.constant 0 : i32
    %dma_wait3A_1145 = arith.constant 0 : i32
    %dma_wait3A_1146 = tpu.memref_slice %arg6[%dma_wait3A_1143, %dma_wait3A_1144, %dma_wait3A_1145] : memref<4x104x128xi32, #tpu.memory_space<vmem>> -> memref<1x104x128xi32, #tpu.memory_space<vmem>>
    %dma_wait3A_1147 = tpu.memref_squeeze %dma_wait3A_1146 : memref<1x104x128xi32, #tpu.memory_space<vmem>> -> memref<104x128xi32, #tpu.memory_space<vmem>>
    %dma_wait3A_1148 = arith.constant 0 : i32
    %dma_wait3A_1149 = tpu.memref_slice %arg5[%dma_wait3A_1142, %dma_wait3A_1148] : memref<64x104xi32, #tpu.memory_space<vmem>> -> memref<1x104xi32, #tpu.memory_space<vmem>>
    %dma_wait3A_1150 = tpu.memref_squeeze %dma_wait3A_1149 : memref<1x104xi32, #tpu.memory_space<vmem>> -> memref<104xi32, #tpu.memory_space<vmem>>
    %dma_wait3A_1151 = arith.constant 0 : i32
    %dma_wait3A_1152 = arith.constant 0 : i32
    %dma_wait3A_1153 = tpu.memref_slice %arg2[%dma_wait3A_1151, %dma_wait3A_1152] : memref<6656x128xi32, #tpu.memory_space<hbm>> -> memref<6656x128xi32, #tpu.memory_space<hbm>>
    tpu.wait_indirect_dma semaphore(%arg11 : memref<!tpu.dma_semaphore, #tpu.memory_space<semaphore_mem>>) src(%dma_wait3A_1153 : memref<6656x128xi32, #tpu.memory_space<hbm>>) dst(%dma_wait3A_1147 : memref<104x128xi32, #tpu.memory_space<vmem>>)
    %broadcast_in_dim3A_1154 = arith.constant 0.000000e+00 : f32
    %broadcast_in_dim3A_1155 = vector.broadcast %broadcast_in_dim3A_1154 : f32 to vector<16xf32>
    %broadcast_in_dim3A_1156 = arith.constant 0.000000e+00 : f32
    %broadcast_in_dim3A_1157 = vector.broadcast %broadcast_in_dim3A_1156 : f32 to vector<16xf32>
    %broadcast_in_dim3A_1158 = arith.constant 0.000000e+00 : f32
    %broadcast_in_dim3A_1159 = vector.broadcast %broadcast_in_dim3A_1158 : f32 to vector<16xf32>
    %broadcast_in_dim3A_1160 = arith.constant 0.000000e+00 : f32
    %broadcast_in_dim3A_1161 = vector.broadcast %broadcast_in_dim3A_1160 : f32 to vector<16xf32>
    %broadcast_in_dim3A_1162 = arith.constant 0.000000e+00 : f32
    %broadcast_in_dim3A_1163 = vector.broadcast %broadcast_in_dim3A_1162 : f32 to vector<16xf32>
    %broadcast_in_dim3A_1164 = arith.constant 0.000000e+00 : f32
    %broadcast_in_dim3A_1165 = vector.broadcast %broadcast_in_dim3A_1164 : f32 to vector<16xf32>
    %broadcast_in_dim3A_1166 = arith.constant 0.000000e+00 : f32
    %broadcast_in_dim3A_1167 = vector.broadcast %broadcast_in_dim3A_1166 : f32 to vector<16xf32>
    %broadcast_in_dim3A_1168 = arith.constant 0.000000e+00 : f32
    %broadcast_in_dim3A_1169 = vector.broadcast %broadcast_in_dim3A_1168 : f32 to vector<16xf32>
    %broadcast_in_dim3A_1170 = arith.constant 0.000000e+00 : f32
    %broadcast_in_dim3A_1171 = vector.broadcast %broadcast_in_dim3A_1170 : f32 to vector<16xf32>
    %broadcast_in_dim3A_1172 = arith.constant 0.000000e+00 : f32
    %broadcast_in_dim3A_1173 = vector.broadcast %broadcast_in_dim3A_1172 : f32 to vector<16xf32>
    %broadcast_in_dim3A_1174 = arith.constant 0.000000e+00 : f32
    %broadcast_in_dim3A_1175 = vector.broadcast %broadcast_in_dim3A_1174 : f32 to vector<16xf32>
    %broadcast_in_dim3A_1176 = arith.constant 0.000000e+00 : f32
    %broadcast_in_dim3A_1177 = vector.broadcast %broadcast_in_dim3A_1176 : f32 to vector<16xf32>
    %broadcast_in_dim3A_1178 = arith.constant 0.000000e+00 : f32
    %broadcast_in_dim3A_1179 = vector.broadcast %broadcast_in_dim3A_1178 : f32 to vector<16xf32>
    %broadcast_in_dim3A_1180 = arith.constant 0.000000e+00 : f32
    %broadcast_in_dim3A_1181 = vector.broadcast %broadcast_in_dim3A_1180 : f32 to vector<16xf32>
    %broadcast_in_dim3A_1182 = arith.constant 0.000000e+00 : f32
    %broadcast_in_dim3A_1183 = vector.broadcast %broadcast_in_dim3A_1182 : f32 to vector<16xf32>
    %broadcast_in_dim3A_1184 = arith.constant 0.000000e+00 : f32
    %broadcast_in_dim3A_1185 = vector.broadcast %broadcast_in_dim3A_1184 : f32 to vector<16xf32>
    %max3A_1186 = arith.constant 0.000000e+00 : f32
    %max3A_1187 = vector.broadcast %max3A_1186 : f32 to vector<16xf32>
    %max3A_1188 = arith.maximumf %broadcast_in_dim3A_1155, %max3A_1187 : vector<16xf32>
    %swap3A_1189 = arith.constant 126 : i32
    %swap3A_1190 = arith.index_cast %swap3A_1189 : i32 to index
    %swap3A_1191 = arith.constant 0 : index
    %swap3A_1192 = tpu.vector_load %arg7[%swap3A_1190, %swap3A_1191] {strides = array<i32>} : memref<128x256xf32, #tpu.memory_space<vmem>>, vector<1x16xf32>,
    %swap3A_1193 = vector.shape_cast %swap3A_1192 : vector<1x16xf32> to vector<16xf32>
    %swap3A_1194 = vector.shape_cast %max3A_1188 : vector<16xf32> to vector<1x16xf32>
    tpu.vector_store %arg7[%swap3A_1190, %swap3A_1191], %swap3A_1194 {strides = array<i32>} : memref<128x256xf32, #tpu.memory_space<vmem>>, vector<1x16xf32>,
    %max3A_1195 = arith.constant 0.000000e+00 : f32
    %max3A_1196 = vector.broadcast %max3A_1195 : f32 to vector<16xf32>
    %max3A_1197 = arith.maximumf %broadcast_in_dim3A_1157, %max3A_1196 : vector<16xf32>
    %swap3A_1198 = arith.constant 126 : i32
    %swap3A_1199 = arith.index_cast %swap3A_1198 : i32 to index
    %swap3A_1200 = arith.constant 128 : index
    %swap3A_1201 = tpu.vector_load %arg7[%swap3A_1199, %swap3A_1200] {strides = array<i32>} : memref<128x256xf32, #tpu.memory_space<vmem>>, vector<1x16xf32>,
    %swap3A_1202 = vector.shape_cast %swap3A_1201 : vector<1x16xf32> to vector<16xf32>
    %swap3A_1203 = vector.shape_cast %max3A_1197 : vector<16xf32> to vector<1x16xf32>
    tpu.vector_store %arg7[%swap3A_1199, %swap3A_1200], %swap3A_1203 {strides = array<i32>} : memref<128x256xf32, #tpu.memory_space<vmem>>, vector<1x16xf32>,
    %max3A_1204 = arith.constant 0.000000e+00 : f32
    %max3A_1205 = vector.broadcast %max3A_1204 : f32 to vector<16xf32>
    %max3A_1206 = arith.maximumf %broadcast_in_dim3A_1159, %max3A_1205 : vector<16xf32>
    %swap3A_1207 = arith.constant 126 : i32
    %swap3A_1208 = arith.index_cast %swap3A_1207 : i32 to index
    %swap3A_1209 = arith.constant 16 : index
    %swap3A_1210 = tpu.vector_load %arg7[%swap3A_1208, %swap3A_1209] {strides = array<i32>} : memref<128x256xf32, #tpu.memory_space<vmem>>, vector<1x16xf32>,
    %swap3A_1211 = vector.shape_cast %swap3A_1210 : vector<1x16xf32> to vector<16xf32>
    %swap3A_1212 = vector.shape_cast %max3A_1206 : vector<16xf32> to vector<1x16xf32>
    tpu.vector_store %arg7[%swap3A_1208, %swap3A_1209], %swap3A_1212 {strides = array<i32>} : memref<128x256xf32, #tpu.memory_space<vmem>>, vector<1x16xf32>,
    %max3A_1213 = arith.constant 0.000000e+00 : f32
    %max3A_1214 = vector.broadcast %max3A_1213 : f32 to vector<16xf32>
    %max3A_1215 = arith.maximumf %broadcast_in_dim3A_1161, %max3A_1214 : vector<16xf32>
    %swap3A_1216 = arith.constant 126 : i32
    %swap3A_1217 = arith.index_cast %swap3A_1216 : i32 to index
    %swap3A_1218 = arith.constant 144 : index
    %swap3A_1219 = tpu.vector_load %arg7[%swap3A_1217, %swap3A_1218] {strides = array<i32>} : memref<128x256xf32, #tpu.memory_space<vmem>>, vector<1x16xf32>,
    %swap3A_1220 = vector.shape_cast %swap3A_1219 : vector<1x16xf32> to vector<16xf32>
    %swap3A_1221 = vector.shape_cast %max3A_1215 : vector<16xf32> to vector<1x16xf32>
    tpu.vector_store %arg7[%swap3A_1217, %swap3A_1218], %swap3A_1221 {strides = array<i32>} : memref<128x256xf32, #tpu.memory_space<vmem>>, vector<1x16xf32>,
    %max3A_1222 = arith.constant 0.000000e+00 : f32
    %max3A_1223 = vector.broadcast %max3A_1222 : f32 to vector<16xf32>
    %max3A_1224 = arith.maximumf %broadcast_in_dim3A_1163, %max3A_1223 : vector<16xf32>
    %swap3A_1225 = arith.constant 126 : i32
    %swap3A_1226 = arith.index_cast %swap3A_1225 : i32 to index
    %swap3A_1227 = arith.constant 32 : index
    %swap3A_1228 = tpu.vector_load %arg7[%swap3A_1226, %swap3A_1227] {strides = array<i32>} : memref<128x256xf32, #tpu.memory_space<vmem>>, vector<1x16xf32>,
    %swap3A_1229 = vector.shape_cast %swap3A_1228 : vector<1x16xf32> to vector<16xf32>
    %swap3A_1230 = vector.shape_cast %max3A_1224 : vector<16xf32> to vector<1x16xf32>
    tpu.vector_store %arg7[%swap3A_1226, %swap3A_1227], %swap3A_1230 {strides = array<i32>} : memref<128x256xf32, #tpu.memory_space<vmem>>, vector<1x16xf32>,
    %max3A_1231 = arith.constant 0.000000e+00 : f32
    %max3A_1232 = vector.broadcast %max3A_1231 : f32 to vector<16xf32>
    %max3A_1233 = arith.maximumf %broadcast_in_dim3A_1165, %max3A_1232 : vector<16xf32>
    %swap3A_1234 = arith.constant 126 : i32
    %swap3A_1235 = arith.index_cast %swap3A_1234 : i32 to index
    %swap3A_1236 = arith.constant 160 : index
    %swap3A_1237 = tpu.vector_load %arg7[%swap3A_1235, %swap3A_1236] {strides = array<i32>} : memref<128x256xf32, #tpu.memory_space<vmem>>, vector<1x16xf32>,
    %swap3A_1238 = vector.shape_cast %swap3A_1237 : vector<1x16xf32> to vector<16xf32>
    %swap3A_1239 = vector.shape_cast %max3A_1233 : vector<16xf32> to vector<1x16xf32>
    tpu.vector_store %arg7[%swap3A_1235, %swap3A_1236], %swap3A_1239 {strides = array<i32>} : memref<128x256xf32, #tpu.memory_space<vmem>>, vector<1x16xf32>,
    %max3A_1240 = arith.constant 0.000000e+00 : f32
    %max3A_1241 = vector.broadcast %max3A_1240 : f32 to vector<16xf32>
    %max3A_1242 = arith.maximumf %broadcast_in_dim3A_1167, %max3A_1241 : vector<16xf32>
    %swap3A_1243 = arith.constant 126 : i32
    %swap3A_1244 = arith.index_cast %swap3A_1243 : i32 to index
    %swap3A_1245 = arith.constant 48 : index
    %swap3A_1246 = tpu.vector_load %arg7[%swap3A_1244, %swap3A_1245] {strides = array<i32>} : memref<128x256xf32, #tpu.memory_space<vmem>>, vector<1x16xf32>,
    %swap3A_1247 = vector.shape_cast %swap3A_1246 : vector<1x16xf32> to vector<16xf32>
    %swap3A_1248 = vector.shape_cast %max3A_1242 : vector<16xf32> to vector<1x16xf32>
    tpu.vector_store %arg7[%swap3A_1244, %swap3A_1245], %swap3A_1248 {strides = array<i32>} : memref<128x256xf32, #tpu.memory_space<vmem>>, vector<1x16xf32>,
    %max3A_1249 = arith.constant 0.000000e+00 : f32
    %max3A_1250 = vector.broadcast %max3A_1249 : f32 to vector<16xf32>
    %max3A_1251 = arith.maximumf %broadcast_in_dim3A_1169, %max3A_1250 : vector<16xf32>
    %swap3A_1252 = arith.constant 126 : i32
    %swap3A_1253 = arith.index_cast %swap3A_1252 : i32 to index
    %swap3A_1254 = arith.constant 176 : index
    %swap3A_1255 = tpu.vector_load %arg7[%swap3A_1253, %swap3A_1254] {strides = array<i32>} : memref<128x256xf32, #tpu.memory_space<vmem>>, vector<1x16xf32>,
    %swap3A_1256 = vector.shape_cast %swap3A_1255 : vector<1x16xf32> to vector<16xf32>
    %swap3A_1257 = vector.shape_cast %max3A_1251 : vector<16xf32> to vector<1x16xf32>
    tpu.vector_store %arg7[%swap3A_1253, %swap3A_1254], %swap3A_1257 {strides = array<i32>} : memref<128x256xf32, #tpu.memory_space<vmem>>, vector<1x16xf32>,
    %max3A_1258 = arith.constant 0.000000e+00 : f32
    %max3A_1259 = vector.broadcast %max3A_1258 : f32 to vector<16xf32>
    %max3A_1260 = arith.maximumf %broadcast_in_dim3A_1171, %max3A_1259 : vector<16xf32>
    %swap3A_1261 = arith.constant 126 : i32
    %swap3A_1262 = arith.index_cast %swap3A_1261 : i32 to index
    %swap3A_1263 = arith.constant 64 : index
    %swap3A_1264 = tpu.vector_load %arg7[%swap3A_1262, %swap3A_1263] {strides = array<i32>} : memref<128x256xf32, #tpu.memory_space<vmem>>, vector<1x16xf32>,
    %swap3A_1265 = vector.shape_cast %swap3A_1264 : vector<1x16xf32> to vector<16xf32>
    %swap3A_1266 = vector.shape_cast %max3A_1260 : vector<16xf32> to vector<1x16xf32>
    tpu.vector_store %arg7[%swap3A_1262, %swap3A_1263], %swap3A_1266 {strides = array<i32>} : memref<128x256xf32, #tpu.memory_space<vmem>>, vector<1x16xf32>,
    %max3A_1267 = arith.constant 0.000000e+00 : f32
    %max3A_1268 = vector.broadcast %max3A_1267 : f32 to vector<16xf32>
    %max3A_1269 = arith.maximumf %broadcast_in_dim3A_1173, %max3A_1268 : vector<16xf32>
    %swap3A_1270 = arith.constant 126 : i32
    %swap3A_1271 = arith.index_cast %swap3A_1270 : i32 to index
    %swap3A_1272 = arith.constant 192 : index
    %swap3A_1273 = tpu.vector_load %arg7[%swap3A_1271, %swap3A_1272] {strides = array<i32>} : memref<128x256xf32, #tpu.memory_space<vmem>>, vector<1x16xf32>,
    %swap3A_1274 = vector.shape_cast %swap3A_1273 : vector<1x16xf32> to vector<16xf32>
    %swap3A_1275 = vector.shape_cast %max3A_1269 : vector<16xf32> to vector<1x16xf32>
    tpu.vector_store %arg7[%swap3A_1271, %swap3A_1272], %swap3A_1275 {strides = array<i32>} : memref<128x256xf32, #tpu.memory_space<vmem>>, vector<1x16xf32>,
    %max3A_1276 = arith.constant 0.000000e+00 : f32
    %max3A_1277 = vector.broadcast %max3A_1276 : f32 to vector<16xf32>
    %max3A_1278 = arith.maximumf %broadcast_in_dim3A_1175, %max3A_1277 : vector<16xf32>
    %swap3A_1279 = arith.constant 126 : i32
    %swap3A_1280 = arith.index_cast %swap3A_1279 : i32 to index
    %swap3A_1281 = arith.constant 80 : index
    %swap3A_1282 = tpu.vector_load %arg7[%swap3A_1280, %swap3A_1281] {strides = array<i32>} : memref<128x256xf32, #tpu.memory_space<vmem>>, vector<1x16xf32>,
    %swap3A_1283 = vector.shape_cast %swap3A_1282 : vector<1x16xf32> to vector<16xf32>
    %swap3A_1284 = vector.shape_cast %max3A_1278 : vector<16xf32> to vector<1x16xf32>
    tpu.vector_store %arg7[%swap3A_1280, %swap3A_1281], %swap3A_1284 {strides = array<i32>} : memref<128x256xf32, #tpu.memory_space<vmem>>, vector<1x16xf32>,
    %max3A_1285 = arith.constant 0.000000e+00 : f32
    %max3A_1286 = vector.broadcast %max3A_1285 : f32 to vector<16xf32>
    %max3A_1287 = arith.maximumf %broadcast_in_dim3A_1177, %max3A_1286 : vector<16xf32>
    %swap3A_1288 = arith.constant 126 : i32
    %swap3A_1289 = arith.index_cast %swap3A_1288 : i32 to index
    %swap3A_1290 = arith.constant 208 : index
    %swap3A_1291 = tpu.vector_load %arg7[%swap3A_1289, %swap3A_1290] {strides = array<i32>} : memref<128x256xf32, #tpu.memory_space<vmem>>, vector<1x16xf32>,
    %swap3A_1292 = vector.shape_cast %swap3A_1291 : vector<1x16xf32> to vector<16xf32>
    %swap3A_1293 = vector.shape_cast %max3A_1287 : vector<16xf32> to vector<1x16xf32>
    tpu.vector_store %arg7[%swap3A_1289, %swap3A_1290], %swap3A_1293 {strides = array<i32>} : memref<128x256xf32, #tpu.memory_space<vmem>>, vector<1x16xf32>,
    %max3A_1294 = arith.constant 0.000000e+00 : f32
    %max3A_1295 = vector.broadcast %max3A_1294 : f32 to vector<16xf32>
    %max3A_1296 = arith.maximumf %broadcast_in_dim3A_1179, %max3A_1295 : vector<16xf32>
    %swap3A_1297 = arith.constant 126 : i32
    %swap3A_1298 = arith.index_cast %swap3A_1297 : i32 to index
    %swap3A_1299 = arith.constant 96 : index
    %swap3A_1300 = tpu.vector_load %arg7[%swap3A_1298, %swap3A_1299] {strides = array<i32>} : memref<128x256xf32, #tpu.memory_space<vmem>>, vector<1x16xf32>,
    %swap3A_1301 = vector.shape_cast %swap3A_1300 : vector<1x16xf32> to vector<16xf32>
    %swap3A_1302 = vector.shape_cast %max3A_1296 : vector<16xf32> to vector<1x16xf32>
    tpu.vector_store %arg7[%swap3A_1298, %swap3A_1299], %swap3A_1302 {strides = array<i32>} : memref<128x256xf32, #tpu.memory_space<vmem>>, vector<1x16xf32>,
    %max3A_1303 = arith.constant 0.000000e+00 : f32
    %max3A_1304 = vector.broadcast %max3A_1303 : f32 to vector<16xf32>
    %max3A_1305 = arith.maximumf %broadcast_in_dim3A_1181, %max3A_1304 : vector<16xf32>
    %swap3A_1306 = arith.constant 126 : i32
    %swap3A_1307 = arith.index_cast %swap3A_1306 : i32 to index
    %swap3A_1308 = arith.constant 224 : index
    %swap3A_1309 = tpu.vector_load %arg7[%swap3A_1307, %swap3A_1308] {strides = array<i32>} : memref<128x256xf32, #tpu.memory_space<vmem>>, vector<1x16xf32>,
    %swap3A_1310 = vector.shape_cast %swap3A_1309 : vector<1x16xf32> to vector<16xf32>
    %swap3A_1311 = vector.shape_cast %max3A_1305 : vector<16xf32> to vector<1x16xf32>
    tpu.vector_store %arg7[%swap3A_1307, %swap3A_1308], %swap3A_1311 {strides = array<i32>} : memref<128x256xf32, #tpu.memory_space<vmem>>, vector<1x16xf32>,
    %max3A_1312 = arith.constant 0.000000e+00 : f32
    %max3A_1313 = vector.broadcast %max3A_1312 : f32 to vector<16xf32>
    %max3A_1314 = arith.maximumf %broadcast_in_dim3A_1183, %max3A_1313 : vector<16xf32>
    %swap3A_1315 = arith.constant 126 : i32
    %swap3A_1316 = arith.index_cast %swap3A_1315 : i32 to index
    %swap3A_1317 = arith.constant 112 : index
    %swap3A_1318 = tpu.vector_load %arg7[%swap3A_1316, %swap3A_1317] {strides = array<i32>} : memref<128x256xf32, #tpu.memory_space<vmem>>, vector<1x16xf32>,
    %swap3A_1319 = vector.shape_cast %swap3A_1318 : vector<1x16xf32> to vector<16xf32>
    %swap3A_1320 = vector.shape_cast %max3A_1314 : vector<16xf32> to vector<1x16xf32>
    tpu.vector_store %arg7[%swap3A_1316, %swap3A_1317], %swap3A_1320 {strides = array<i32>} : memref<128x256xf32, #tpu.memory_space<vmem>>, vector<1x16xf32>,
    %max3A_1321 = arith.constant 0.000000e+00 : f32
    %max3A_1322 = vector.broadcast %max3A_1321 : f32 to vector<16xf32>
    %max3A_1323 = arith.maximumf %broadcast_in_dim3A_1185, %max3A_1322 : vector<16xf32>
    %swap3A_1324 = arith.constant 126 : i32
    %swap3A_1325 = arith.index_cast %swap3A_1324 : i32 to index
    %swap3A_1326 = arith.constant 240 : index
    %swap3A_1327 = tpu.vector_load %arg7[%swap3A_1325, %swap3A_1326] {strides = array<i32>} : memref<128x256xf32, #tpu.memory_space<vmem>>, vector<1x16xf32>,
    %swap3A_1328 = vector.shape_cast %swap3A_1327 : vector<1x16xf32> to vector<16xf32>
    %swap3A_1329 = vector.shape_cast %max3A_1323 : vector<16xf32> to vector<1x16xf32>
    tpu.vector_store %arg7[%swap3A_1325, %swap3A_1326], %swap3A_1329 {strides = array<i32>} : memref<128x256xf32, #tpu.memory_space<vmem>>, vector<1x16xf32>,
    %broadcast_in_dim3A_1330 = arith.constant 0.000000e+00 : f32
    %broadcast_in_dim3A_1331 = vector.broadcast %broadcast_in_dim3A_1330 : f32 to vector<16xf32>
    %broadcast_in_dim3A_1332 = arith.constant 0.000000e+00 : f32
    %broadcast_in_dim3A_1333 = vector.broadcast %broadcast_in_dim3A_1332 : f32 to vector<16xf32>
    %broadcast_in_dim3A_1334 = arith.constant 0.000000e+00 : f32
    %broadcast_in_dim3A_1335 = vector.broadcast %broadcast_in_dim3A_1334 : f32 to vector<16xf32>
    %broadcast_in_dim3A_1336 = arith.constant 0.000000e+00 : f32
    %broadcast_in_dim3A_1337 = vector.broadcast %broadcast_in_dim3A_1336 : f32 to vector<16xf32>
    %broadcast_in_dim3A_1338 = arith.constant 0.000000e+00 : f32
    %broadcast_in_dim3A_1339 = vector.broadcast %broadcast_in_dim3A_1338 : f32 to vector<16xf32>
    %broadcast_in_dim3A_1340 = arith.constant 0.000000e+00 : f32
    %broadcast_in_dim3A_1341 = vector.broadcast %broadcast_in_dim3A_1340 : f32 to vector<16xf32>
    %broadcast_in_dim3A_1342 = arith.constant 0.000000e+00 : f32
    %broadcast_in_dim3A_1343 = vector.broadcast %broadcast_in_dim3A_1342 : f32 to vector<16xf32>
    %broadcast_in_dim3A_1344 = arith.constant 0.000000e+00 : f32
    %broadcast_in_dim3A_1345 = vector.broadcast %broadcast_in_dim3A_1344 : f32 to vector<16xf32>
    %broadcast_in_dim3A_1346 = arith.constant 0.000000e+00 : f32
    %broadcast_in_dim3A_1347 = vector.broadcast %broadcast_in_dim3A_1346 : f32 to vector<16xf32>
    %broadcast_in_dim3A_1348 = arith.constant 0.000000e+00 : f32
    %broadcast_in_dim3A_1349 = vector.broadcast %broadcast_in_dim3A_1348 : f32 to vector<16xf32>
    %broadcast_in_dim3A_1350 = arith.constant 0.000000e+00 : f32
    %broadcast_in_dim3A_1351 = vector.broadcast %broadcast_in_dim3A_1350 : f32 to vector<16xf32>
    %broadcast_in_dim3A_1352 = arith.constant 0.000000e+00 : f32
    %broadcast_in_dim3A_1353 = vector.broadcast %broadcast_in_dim3A_1352 : f32 to vector<16xf32>
    %broadcast_in_dim3A_1354 = arith.constant 0.000000e+00 : f32
    %broadcast_in_dim3A_1355 = vector.broadcast %broadcast_in_dim3A_1354 : f32 to vector<16xf32>
    %broadcast_in_dim3A_1356 = arith.constant 0.000000e+00 : f32
    %broadcast_in_dim3A_1357 = vector.broadcast %broadcast_in_dim3A_1356 : f32 to vector<16xf32>
    %broadcast_in_dim3A_1358 = arith.constant 0.000000e+00 : f32
    %broadcast_in_dim3A_1359 = vector.broadcast %broadcast_in_dim3A_1358 : f32 to vector<16xf32>
    %broadcast_in_dim3A_1360 = arith.constant 0.000000e+00 : f32
    %broadcast_in_dim3A_1361 = vector.broadcast %broadcast_in_dim3A_1360 : f32 to vector<16xf32>
    %max3A_1362 = arith.constant 0.000000e+00 : f32
    %max3A_1363 = vector.broadcast %max3A_1362 : f32 to vector<16xf32>
    %max3A_1364 = arith.maximumf %broadcast_in_dim3A_1331, %max3A_1363 : vector<16xf32>
    %swap3A_1365 = arith.constant 127 : i32
    %swap3A_1366 = arith.index_cast %swap3A_1365 : i32 to index
    %swap3A_1367 = arith.constant 0 : index
    %swap3A_1368 = tpu.vector_load %arg7[%swap3A_1366, %swap3A_1367] {strides = array<i32>} : memref<128x256xf32, #tpu.memory_space<vmem>>, vector<1x16xf32>,
    %swap3A_1369 = vector.shape_cast %swap3A_1368 : vector<1x16xf32> to vector<16xf32>
    %swap3A_1370 = vector.shape_cast %max3A_1364 : vector<16xf32> to vector<1x16xf32>
    tpu.vector_store %arg7[%swap3A_1366, %swap3A_1367], %swap3A_1370 {strides = array<i32>} : memref<128x256xf32, #tpu.memory_space<vmem>>, vector<1x16xf32>,
    %max3A_1371 = arith.constant 0.000000e+00 : f32
    %max3A_1372 = vector.broadcast %max3A_1371 : f32 to vector<16xf32>
    %max3A_1373 = arith.maximumf %broadcast_in_dim3A_1333, %max3A_1372 : vector<16xf32>
    %swap3A_1374 = arith.constant 127 : i32
    %swap3A_1375 = arith.index_cast %swap3A_1374 : i32 to index
    %swap3A_1376 = arith.constant 128 : index
    %swap3A_1377 = tpu.vector_load %arg7[%swap3A_1375, %swap3A_1376] {strides = array<i32>} : memref<128x256xf32, #tpu.memory_space<vmem>>, vector<1x16xf32>,
    %swap3A_1378 = vector.shape_cast %swap3A_1377 : vector<1x16xf32> to vector<16xf32>
    %swap3A_1379 = vector.shape_cast %max3A_1373 : vector<16xf32> to vector<1x16xf32>
    tpu.vector_store %arg7[%swap3A_1375, %swap3A_1376], %swap3A_1379 {strides = array<i32>} : memref<128x256xf32, #tpu.memory_space<vmem>>, vector<1x16xf32>,
    %max3A_1380 = arith.constant 0.000000e+00 : f32
    %max3A_1381 = vector.broadcast %max3A_1380 : f32 to vector<16xf32>
    %max3A_1382 = arith.maximumf %broadcast_in_dim3A_1335, %max3A_1381 : vector<16xf32>
    %swap3A_1383 = arith.constant 127 : i32
    %swap3A_1384 = arith.index_cast %swap3A_1383 : i32 to index
    %swap3A_1385 = arith.constant 16 : index
    %swap3A_1386 = tpu.vector_load %arg7[%swap3A_1384, %swap3A_1385] {strides = array<i32>} : memref<128x256xf32, #tpu.memory_space<vmem>>, vector<1x16xf32>,
    %swap3A_1387 = vector.shape_cast %swap3A_1386 : vector<1x16xf32> to vector<16xf32>
    %swap3A_1388 = vector.shape_cast %max3A_1382 : vector<16xf32> to vector<1x16xf32>
    tpu.vector_store %arg7[%swap3A_1384, %swap3A_1385], %swap3A_1388 {strides = array<i32>} : memref<128x256xf32, #tpu.memory_space<vmem>>, vector<1x16xf32>,
    %max3A_1389 = arith.constant 0.000000e+00 : f32
    %max3A_1390 = vector.broadcast %max3A_1389 : f32 to vector<16xf32>
    %max3A_1391 = arith.maximumf %broadcast_in_dim3A_1337, %max3A_1390 : vector<16xf32>
    %swap3A_1392 = arith.constant 127 : i32
    %swap3A_1393 = arith.index_cast %swap3A_1392 : i32 to index
    %swap3A_1394 = arith.constant 144 : index
    %swap3A_1395 = tpu.vector_load %arg7[%swap3A_1393, %swap3A_1394] {strides = array<i32>} : memref<128x256xf32, #tpu.memory_space<vmem>>, vector<1x16xf32>,
    %swap3A_1396 = vector.shape_cast %swap3A_1395 : vector<1x16xf32> to vector<16xf32>
    %swap3A_1397 = vector.shape_cast %max3A_1391 : vector<16xf32> to vector<1x16xf32>
    tpu.vector_store %arg7[%swap3A_1393, %swap3A_1394], %swap3A_1397 {strides = array<i32>} : memref<128x256xf32, #tpu.memory_space<vmem>>, vector<1x16xf32>,
    %max3A_1398 = arith.constant 0.000000e+00 : f32
    %max3A_1399 = vector.broadcast %max3A_1398 : f32 to vector<16xf32>
    %max3A_1400 = arith.maximumf %broadcast_in_dim3A_1339, %max3A_1399 : vector<16xf32>
    %swap3A_1401 = arith.constant 127 : i32
    %swap3A_1402 = arith.index_cast %swap3A_1401 : i32 to index
    %swap3A_1403 = arith.constant 32 : index
    %swap3A_1404 = tpu.vector_load %arg7[%swap3A_1402, %swap3A_1403] {strides = array<i32>} : memref<128x256xf32, #tpu.memory_space<vmem>>, vector<1x16xf32>,
    %swap3A_1405 = vector.shape_cast %swap3A_1404 : vector<1x16xf32> to vector<16xf32>
    %swap3A_1406 = vector.shape_cast %max3A_1400 : vector<16xf32> to vector<1x16xf32>
    tpu.vector_store %arg7[%swap3A_1402, %swap3A_1403], %swap3A_1406 {strides = array<i32>} : memref<128x256xf32, #tpu.memory_space<vmem>>, vector<1x16xf32>,
    %max3A_1407 = arith.constant 0.000000e+00 : f32
    %max3A_1408 = vector.broadcast %max3A_1407 : f32 to vector<16xf32>
    %max3A_1409 = arith.maximumf %broadcast_in_dim3A_1341, %max3A_1408 : vector<16xf32>
    %swap3A_1410 = arith.constant 127 : i32
    %swap3A_1411 = arith.index_cast %swap3A_1410 : i32 to index
    %swap3A_1412 = arith.constant 160 : index
    %swap3A_1413 = tpu.vector_load %arg7[%swap3A_1411, %swap3A_1412] {strides = array<i32>} : memref<128x256xf32, #tpu.memory_space<vmem>>, vector<1x16xf32>,
    %swap3A_1414 = vector.shape_cast %swap3A_1413 : vector<1x16xf32> to vector<16xf32>
    %swap3A_1415 = vector.shape_cast %max3A_1409 : vector<16xf32> to vector<1x16xf32>
    tpu.vector_store %arg7[%swap3A_1411, %swap3A_1412], %swap3A_1415 {strides = array<i32>} : memref<128x256xf32, #tpu.memory_space<vmem>>, vector<1x16xf32>,
    %max3A_1416 = arith.constant 0.000000e+00 : f32
    %max3A_1417 = vector.broadcast %max3A_1416 : f32 to vector<16xf32>
    %max3A_1418 = arith.maximumf %broadcast_in_dim3A_1343, %max3A_1417 : vector<16xf32>
    %swap3A_1419 = arith.constant 127 : i32
    %swap3A_1420 = arith.index_cast %swap3A_1419 : i32 to index
    %swap3A_1421 = arith.constant 48 : index
    %swap3A_1422 = tpu.vector_load %arg7[%swap3A_1420, %swap3A_1421] {strides = array<i32>} : memref<128x256xf32, #tpu.memory_space<vmem>>, vector<1x16xf32>,
    %swap3A_1423 = vector.shape_cast %swap3A_1422 : vector<1x16xf32> to vector<16xf32>
    %swap3A_1424 = vector.shape_cast %max3A_1418 : vector<16xf32> to vector<1x16xf32>
    tpu.vector_store %arg7[%swap3A_1420, %swap3A_1421], %swap3A_1424 {strides = array<i32>} : memref<128x256xf32, #tpu.memory_space<vmem>>, vector<1x16xf32>,
    %max3A_1425 = arith.constant 0.000000e+00 : f32
    %max3A_1426 = vector.broadcast %max3A_1425 : f32 to vector<16xf32>
    %max3A_1427 = arith.maximumf %broadcast_in_dim3A_1345, %max3A_1426 : vector<16xf32>
    %swap3A_1428 = arith.constant 127 : i32
    %swap3A_1429 = arith.index_cast %swap3A_1428 : i32 to index
    %swap3A_1430 = arith.constant 176 : index
    %swap3A_1431 = tpu.vector_load %arg7[%swap3A_1429, %swap3A_1430] {strides = array<i32>} : memref<128x256xf32, #tpu.memory_space<vmem>>, vector<1x16xf32>,
    %swap3A_1432 = vector.shape_cast %swap3A_1431 : vector<1x16xf32> to vector<16xf32>
    %swap3A_1433 = vector.shape_cast %max3A_1427 : vector<16xf32> to vector<1x16xf32>
    tpu.vector_store %arg7[%swap3A_1429, %swap3A_1430], %swap3A_1433 {strides = array<i32>} : memref<128x256xf32, #tpu.memory_space<vmem>>, vector<1x16xf32>,
    %max3A_1434 = arith.constant 0.000000e+00 : f32
    %max3A_1435 = vector.broadcast %max3A_1434 : f32 to vector<16xf32>
    %max3A_1436 = arith.maximumf %broadcast_in_dim3A_1347, %max3A_1435 : vector<16xf32>
    %swap3A_1437 = arith.constant 127 : i32
    %swap3A_1438 = arith.index_cast %swap3A_1437 : i32 to index
    %swap3A_1439 = arith.constant 64 : index
    %swap3A_1440 = tpu.vector_load %arg7[%swap3A_1438, %swap3A_1439] {strides = array<i32>} : memref<128x256xf32, #tpu.memory_space<vmem>>, vector<1x16xf32>,
    %swap3A_1441 = vector.shape_cast %swap3A_1440 : vector<1x16xf32> to vector<16xf32>
    %swap3A_1442 = vector.shape_cast %max3A_1436 : vector<16xf32> to vector<1x16xf32>
    tpu.vector_store %arg7[%swap3A_1438, %swap3A_1439], %swap3A_1442 {strides = array<i32>} : memref<128x256xf32, #tpu.memory_space<vmem>>, vector<1x16xf32>,
    %max3A_1443 = arith.constant 0.000000e+00 : f32
    %max3A_1444 = vector.broadcast %max3A_1443 : f32 to vector<16xf32>
    %max3A_1445 = arith.maximumf %broadcast_in_dim3A_1349, %max3A_1444 : vector<16xf32>
    %swap3A_1446 = arith.constant 127 : i32
    %swap3A_1447 = arith.index_cast %swap3A_1446 : i32 to index
    %swap3A_1448 = arith.constant 192 : index
    %swap3A_1449 = tpu.vector_load %arg7[%swap3A_1447, %swap3A_1448] {strides = array<i32>} : memref<128x256xf32, #tpu.memory_space<vmem>>, vector<1x16xf32>,
    %swap3A_1450 = vector.shape_cast %swap3A_1449 : vector<1x16xf32> to vector<16xf32>
    %swap3A_1451 = vector.shape_cast %max3A_1445 : vector<16xf32> to vector<1x16xf32>
    tpu.vector_store %arg7[%swap3A_1447, %swap3A_1448], %swap3A_1451 {strides = array<i32>} : memref<128x256xf32, #tpu.memory_space<vmem>>, vector<1x16xf32>,
    %max3A_1452 = arith.constant 0.000000e+00 : f32
    %max3A_1453 = vector.broadcast %max3A_1452 : f32 to vector<16xf32>
    %max3A_1454 = arith.maximumf %broadcast_in_dim3A_1351, %max3A_1453 : vector<16xf32>
    %swap3A_1455 = arith.constant 127 : i32
    %swap3A_1456 = arith.index_cast %swap3A_1455 : i32 to index
    %swap3A_1457 = arith.constant 80 : index
    %swap3A_1458 = tpu.vector_load %arg7[%swap3A_1456, %swap3A_1457] {strides = array<i32>} : memref<128x256xf32, #tpu.memory_space<vmem>>, vector<1x16xf32>,
    %swap3A_1459 = vector.shape_cast %swap3A_1458 : vector<1x16xf32> to vector<16xf32>
    %swap3A_1460 = vector.shape_cast %max3A_1454 : vector<16xf32> to vector<1x16xf32>
    tpu.vector_store %arg7[%swap3A_1456, %swap3A_1457], %swap3A_1460 {strides = array<i32>} : memref<128x256xf32, #tpu.memory_space<vmem>>, vector<1x16xf32>,
    %max3A_1461 = arith.constant 0.000000e+00 : f32
    %max3A_1462 = vector.broadcast %max3A_1461 : f32 to vector<16xf32>
    %max3A_1463 = arith.maximumf %broadcast_in_dim3A_1353, %max3A_1462 : vector<16xf32>
    %swap3A_1464 = arith.constant 127 : i32
    %swap3A_1465 = arith.index_cast %swap3A_1464 : i32 to index
    %swap3A_1466 = arith.constant 208 : index
    %swap3A_1467 = tpu.vector_load %arg7[%swap3A_1465, %swap3A_1466] {strides = array<i32>} : memref<128x256xf32, #tpu.memory_space<vmem>>, vector<1x16xf32>,
    %swap3A_1468 = vector.shape_cast %swap3A_1467 : vector<1x16xf32> to vector<16xf32>
    %swap3A_1469 = vector.shape_cast %max3A_1463 : vector<16xf32> to vector<1x16xf32>
    tpu.vector_store %arg7[%swap3A_1465, %swap3A_1466], %swap3A_1469 {strides = array<i32>} : memref<128x256xf32, #tpu.memory_space<vmem>>, vector<1x16xf32>,
    %max3A_1470 = arith.constant 0.000000e+00 : f32
    %max3A_1471 = vector.broadcast %max3A_1470 : f32 to vector<16xf32>
    %max3A_1472 = arith.maximumf %broadcast_in_dim3A_1355, %max3A_1471 : vector<16xf32>
    %swap3A_1473 = arith.constant 127 : i32
    %swap3A_1474 = arith.index_cast %swap3A_1473 : i32 to index
    %swap3A_1475 = arith.constant 96 : index
    %swap3A_1476 = tpu.vector_load %arg7[%swap3A_1474, %swap3A_1475] {strides = array<i32>} : memref<128x256xf32, #tpu.memory_space<vmem>>, vector<1x16xf32>,
    %swap3A_1477 = vector.shape_cast %swap3A_1476 : vector<1x16xf32> to vector<16xf32>
    %swap3A_1478 = vector.shape_cast %max3A_1472 : vector<16xf32> to vector<1x16xf32>
    tpu.vector_store %arg7[%swap3A_1474, %swap3A_1475], %swap3A_1478 {strides = array<i32>} : memref<128x256xf32, #tpu.memory_space<vmem>>, vector<1x16xf32>,
    %max3A_1479 = arith.constant 0.000000e+00 : f32
    %max3A_1480 = vector.broadcast %max3A_1479 : f32 to vector<16xf32>
    %max3A_1481 = arith.maximumf %broadcast_in_dim3A_1357, %max3A_1480 : vector<16xf32>
    %swap3A_1482 = arith.constant 127 : i32
    %swap3A_1483 = arith.index_cast %swap3A_1482 : i32 to index
    %swap3A_1484 = arith.constant 224 : index
    %swap3A_1485 = tpu.vector_load %arg7[%swap3A_1483, %swap3A_1484] {strides = array<i32>} : memref<128x256xf32, #tpu.memory_space<vmem>>, vector<1x16xf32>,
    %swap3A_1486 = vector.shape_cast %swap3A_1485 : vector<1x16xf32> to vector<16xf32>
    %swap3A_1487 = vector.shape_cast %max3A_1481 : vector<16xf32> to vector<1x16xf32>
    tpu.vector_store %arg7[%swap3A_1483, %swap3A_1484], %swap3A_1487 {strides = array<i32>} : memref<128x256xf32, #tpu.memory_space<vmem>>, vector<1x16xf32>,
    %max3A_1488 = arith.constant 0.000000e+00 : f32
    %max3A_1489 = vector.broadcast %max3A_1488 : f32 to vector<16xf32>
    %max3A_1490 = arith.maximumf %broadcast_in_dim3A_1359, %max3A_1489 : vector<16xf32>
    %swap3A_1491 = arith.constant 127 : i32
    %swap3A_1492 = arith.index_cast %swap3A_1491 : i32 to index
    %swap3A_1493 = arith.constant 112 : index
    %swap3A_1494 = tpu.vector_load %arg7[%swap3A_1492, %swap3A_1493] {strides = array<i32>} : memref<128x256xf32, #tpu.memory_space<vmem>>, vector<1x16xf32>,
    %swap3A_1495 = vector.shape_cast %swap3A_1494 : vector<1x16xf32> to vector<16xf32>
    %swap3A_1496 = vector.shape_cast %max3A_1490 : vector<16xf32> to vector<1x16xf32>
    tpu.vector_store %arg7[%swap3A_1492, %swap3A_1493], %swap3A_1496 {strides = array<i32>} : memref<128x256xf32, #tpu.memory_space<vmem>>, vector<1x16xf32>,
    %max3A_1497 = arith.constant 0.000000e+00 : f32
    %max3A_1498 = vector.broadcast %max3A_1497 : f32 to vector<16xf32>
    %max3A_1499 = arith.maximumf %broadcast_in_dim3A_1361, %max3A_1498 : vector<16xf32>
    %swap3A_1500 = arith.constant 127 : i32
    %swap3A_1501 = arith.index_cast %swap3A_1500 : i32 to index
    %swap3A_1502 = arith.constant 240 : index
    %swap3A_1503 = tpu.vector_load %arg7[%swap3A_1501, %swap3A_1502] {strides = array<i32>} : memref<128x256xf32, #tpu.memory_space<vmem>>, vector<1x16xf32>,
    %swap3A_1504 = vector.shape_cast %swap3A_1503 : vector<1x16xf32> to vector<16xf32>
    %swap3A_1505 = vector.shape_cast %max3A_1499 : vector<16xf32> to vector<1x16xf32>
    tpu.vector_store %arg7[%swap3A_1501, %swap3A_1502], %swap3A_1505 {strides = array<i32>} : memref<128x256xf32, #tpu.memory_space<vmem>>, vector<1x16xf32>,
    %mul3A_1506 = arith.constant 128 : i32
    %mul3A_1507 = arith.muli %add3A, %mul3A_1506 : i32
    "tpu.region"() ({
      %run_scoped3A = tpu.sem_alloc : memref<!tpu.dma_semaphore, #tpu.memory_space<semaphore_mem>>
      %dma_start3A_1508 = arith.constant 0 : i32
      %dma_start3A_1509 = tpu.memref_slice %arg4[%mul3A_1507, %dma_start3A_1508] : memref<4096x256xf32, #tpu.memory_space<hbm>> -> memref<128x256xf32, #tpu.memory_space<hbm>>
      %dma_start3A_1510 = arith.constant 0 : i32
      %dma_start3A_1511 = tpu.memref_slice %arg4[%mul3A_1507, %dma_start3A_1510] : memref<4096x256xf32, #tpu.memory_space<hbm>> -> memref<128x256xf32, #tpu.memory_space<hbm>>
      tpu.enqueue_dma source(%arg7 : memref<128x256xf32, #tpu.memory_space<vmem>>) target(%dma_start3A_1511 : memref<128x256xf32, #tpu.memory_space<hbm>>) target_semaphore(%run_scoped3A : memref<!tpu.dma_semaphore, #tpu.memory_space<semaphore_mem>>)
      %dma_wait3A_1512 = arith.constant 0 : i32
      %dma_wait3A_1513 = tpu.memref_slice %arg4[%mul3A_1507, %dma_wait3A_1512] : memref<4096x256xf32, #tpu.memory_space<hbm>> -> memref<128x256xf32, #tpu.memory_space<hbm>>
      %dma_wait3A_1514 = arith.constant 0 : i32
      %dma_wait3A_1515 = tpu.memref_slice %arg4[%mul3A_1507, %dma_wait3A_1514] : memref<4096x256xf32, #tpu.memory_space<hbm>> -> memref<128x256xf32, #tpu.memory_space<hbm>>
      tpu.wait_dma2 semaphore(%run_scoped3A : memref<!tpu.dma_semaphore, #tpu.memory_space<semaphore_mem>>) src(%arg7 : memref<128x256xf32, #tpu.memory_space<vmem>>) dst(%dma_wait3A_1515 : memref<128x256xf32, #tpu.memory_space<hbm>>)
      tpu.yield
    }) : () -> ()
    return
  }
}

module attributes {stable_mosaic.version = 14 : i64} {
  func.func @_prep_body(%arg0: i32, %arg1: memref<8xi32, #tpu.memory_space<smem>>, %arg2: memref<8xi32, #tpu.memory_space<smem>>, %arg3: memref<1x512x52xi32, #tpu.memory_space<vmem>>, %arg4: memref<1x512x52xi32, #tpu.memory_space<vmem>>) attributes {dimension_semantics = [#tpu.dimension_semantics<arbitrary>], iteration_bounds = array<i64: 8>, scalar_prefetch = 2 : i64, scratch_operands = 0 : i64, tpu.core_type = #tpu.core_type<tc>, window_params = [{transform_indices = @transform_0, window_bounds = array<i64: 1, 512, 52>}, {transform_indices = @transform_1, window_bounds = array<i64: 1, 512, 52>}]} {
    %get3A = arith.index_cast %arg0 : i32 to index
    %get3A_0 = memref.load %arg2[%get3A] : memref<8xi32, #tpu.memory_space<smem>>
    %get3A_1 = arith.constant 0 : index
    %get3A_2 = arith.constant 0 : index
    %get3A_3 = arith.constant 0 : index
    %get3A_4 = vector.load %arg3[%get3A_1, %get3A_2, %get3A_3] : memref<1x512x52xi32, #tpu.memory_space<vmem>>, vector<1x512x52xi32>
    %get3A_5 = vector.shape_cast %get3A_4 : vector<1x512x52xi32> to vector<512x52xi32>
    %iota3A = tpu.iota {dimensions = array<i32: 0>} : vector<512x52xi32>
    %iota3A_6 = tpu.iota {dimensions = array<i32: 1>} : vector<512x52xi32>
    %mul3A = arith.constant 128 : i32
    %mul3A_7 = vector.broadcast %mul3A : i32 to vector<512x52xi32>
    %mul3A_8 = arith.muli %iota3A_6, %mul3A_7 : vector<512x52xi32>
    %lt3A = vector.broadcast %get3A_0 : i32 to vector<512x52xi32>
    %lt3A_9 = arith.cmpi slt, %iota3A, %lt3A : vector<512x52xi32>
    %jit3A = arith.constant 0 : i32
    %broadcast_in_dim3A = vector.broadcast %jit3A : i32 to vector<512x52xi32>
    %select_n3A = arith.select %lt3A_9, %get3A_5, %broadcast_in_dim3A : vector<512x52xi1>, vector<512x52xi32>
    %add3A = arith.addi %select_n3A, %mul3A_8 : vector<512x52xi32>
    %swap3A = arith.constant 0 : index
    %swap3A_10 = arith.constant 0 : index
    %swap3A_11 = arith.constant 0 : index
    %swap3A_12 = vector.load %arg4[%swap3A, %swap3A_10, %swap3A_11] : memref<1x512x52xi32, #tpu.memory_space<vmem>>, vector<1x512x52xi32>
    %swap3A_13 = vector.shape_cast %swap3A_12 : vector<1x512x52xi32> to vector<512x52xi32>
    %swap3A_14 = vector.shape_cast %add3A : vector<512x52xi32> to vector<1x512x52xi32>
    tpu.vector_store %arg4[%swap3A, %swap3A_10, %swap3A_11], %swap3A_14 {strides = array<i32>} : memref<1x512x52xi32, #tpu.memory_space<vmem>>, vector<1x512x52xi32>,
    return
  }
  func.func @transform_0(%arg0: i32, %arg1: memref<8xi32, #tpu.memory_space<smem>>, %arg2: memref<8xi32, #tpu.memory_space<smem>>) -> (i32, i32, i32) {
    %get3A = arith.index_cast %arg0 : i32 to index
    %get3A_0 = memref.load %arg1[%get3A] : memref<8xi32, #tpu.memory_space<smem>>
    %c0_i32 = arith.constant 0 : i32
    %c0_i32_1 = arith.constant 0 : i32
    %c0_i32_2 = arith.constant 0 : i32
    return %get3A_0, %c0_i32, %c0_i32_1 : i32, i32, i32
  }
  func.func @transform_1(%arg0: i32, %arg1: memref<8xi32, #tpu.memory_space<smem>>, %arg2: memref<8xi32, #tpu.memory_space<smem>>) -> (i32, i32, i32) {
    %c0_i32 = arith.constant 0 : i32
    %c0_i32_0 = arith.constant 0 : i32
    %c0_i32_1 = arith.constant 0 : i32
    return %arg0, %c0_i32, %c0_i32_0 : i32, i32, i32
  }
}

module attributes {stable_mosaic.version = 14 : i64} {
  func.func @_table_body(%arg0: i32, %arg1: memref<128x64xf32, #tpu.memory_space<vmem>>, %arg2: memref<1x64x256xf32, #tpu.memory_space<vmem>>, %arg3: memref<1x256xf32, #tpu.memory_space<vmem>>, %arg4: memref<1x128x128xi32, #tpu.memory_space<vmem>>) attributes {dimension_semantics = [#tpu.dimension_semantics<arbitrary>], iteration_bounds = array<i64: 52>, scalar_prefetch = 0 : i64, scratch_operands = 0 : i64, tpu.core_type = #tpu.core_type<tc>, window_params = [{pipeline_mode = #tpu.pipeline_mode<synchronous>, transform_indices = @transform_0, window_bounds = array<i64: 128, 64>}, {transform_indices = @transform_1, window_bounds = array<i64: 1, 64, 256>}, {pipeline_mode = #tpu.pipeline_mode<synchronous>, transform_indices = @transform_2, window_bounds = array<i64: 1, 256>}, {transform_indices = @transform_3, window_bounds = array<i64: 1, 128, 128>}]} {
    %get3A = arith.constant 0 : index
    %get3A_0 = arith.constant 0 : index
    %get3A_1 = vector.load %arg1[%get3A, %get3A_0] : memref<128x64xf32, #tpu.memory_space<vmem>>, vector<128x64xf32>
    %get3A_2 = arith.constant 0 : index
    %get3A_3 = arith.constant 0 : index
    %get3A_4 = arith.constant 0 : index
    %get3A_5 = vector.load %arg2[%get3A_2, %get3A_3, %get3A_4] : memref<1x64x256xf32, #tpu.memory_space<vmem>>, vector<1x64x256xf32>
    %get3A_6 = vector.shape_cast %get3A_5 : vector<1x64x256xf32> to vector<64x256xf32>
    %dot_general3A = arith.constant dense<0.000000e+00> : vector<128x256xf32>
    %dot_general3A_7 = tpu.matmul %get3A_1, %get3A_6, %dot_general3A {dimension_numbers = #tpu.dot_dimension_numbers<[1], [0], [0], [1], [0, 0, 1, 1], [], []>, transpose_lhs_hint = false} : vector<128x64xf32>, vector<64x256xf32>, vector<128x256xf32> -> vector<128x256xf32>
    %eq3A = arith.constant 0 : i32
    %eq3A_8 = arith.cmpi eq, %arg0, %eq3A : i32
    %get3A_9 = arith.constant 0 : index
    %get3A_10 = arith.constant 0 : index
    %get3A_11 = vector.load %arg3[%get3A_9, %get3A_10] : memref<1x256xf32, #tpu.memory_space<vmem>>, vector<1x256xf32>
    %jit3A = arith.constant 0.000000e+00 : f32
    %broadcast_in_dim3A = vector.broadcast %jit3A : f32 to vector<1x256xf32>
    %select_n3A = arith.select %eq3A_8, %get3A_11, %broadcast_in_dim3A : vector<1x256xf32>
    %add3A = vector.broadcast %select_n3A : vector<1x256xf32> to vector<128x256xf32>
    %add3A_12 = arith.addf %dot_general3A_7, %add3A : vector<128x256xf32>
    %slice3A = vector.extract_strided_slice %add3A_12 {offsets = [0, 0], sizes = [128, 128], strides = [1, 1]} : vector<128x256xf32> to vector<128x128xf32>
    %convert_element_type3A = arith.truncf %slice3A : vector<128x128xf32> to vector<128x128xbf16>
    %convert_element_type3A_13 = arith.extf %convert_element_type3A : vector<128x128xbf16> to vector<128x128xf32>
    %slice3A_14 = vector.extract_strided_slice %add3A_12 {offsets = [0, 128], sizes = [128, 128], strides = [1, 1]} : vector<128x256xf32> to vector<128x128xf32>
    %convert_element_type3A_15 = arith.truncf %slice3A_14 : vector<128x128xf32> to vector<128x128xbf16>
    %convert_element_type3A_16 = arith.extf %convert_element_type3A_15 : vector<128x128xbf16> to vector<128x128xf32>
    %bitcast_convert_type3A = tpu.bitcast %convert_element_type3A_13 : vector<128x128xf32> -> vector<128x128xi32>
    %shift_right_logical3A = arith.constant 16 : i32
    %shift_right_logical3A_17 = vector.broadcast %shift_right_logical3A : i32 to vector<128x128xi32>
    %shift_right_logical3A_18 = arith.shrui %bitcast_convert_type3A, %shift_right_logical3A_17 : vector<128x128xi32>
    %bitcast_convert_type3A_19 = tpu.bitcast %convert_element_type3A_16 : vector<128x128xf32> -> vector<128x128xi32>
    %and3A = arith.constant -65536 : i32
    %and3A_20 = vector.broadcast %and3A : i32 to vector<128x128xi32>
    %and3A_21 = arith.andi %bitcast_convert_type3A_19, %and3A_20 : vector<128x128xi32>
    %or3A = arith.ori %shift_right_logical3A_18, %and3A_21 : vector<128x128xi32>
    %swap3A = arith.constant 0 : index
    %swap3A_22 = arith.constant 0 : index
    %swap3A_23 = arith.constant 0 : index
    %swap3A_24 = vector.load %arg4[%swap3A, %swap3A_22, %swap3A_23] : memref<1x128x128xi32, #tpu.memory_space<vmem>>, vector<1x128x128xi32>
    %swap3A_25 = vector.shape_cast %swap3A_24 : vector<1x128x128xi32> to vector<128x128xi32>
    %swap3A_26 = vector.shape_cast %or3A : vector<128x128xi32> to vector<1x128x128xi32>
    tpu.vector_store %arg4[%swap3A, %swap3A_22, %swap3A_23], %swap3A_26 {strides = array<i32>} : memref<1x128x128xi32, #tpu.memory_space<vmem>>, vector<1x128x128xi32>,
    return
  }
  func.func @transform_0(%arg0: i32) -> (i32, i32) {
    %c0_i32 = arith.constant 0 : i32
    %c0_i32_0 = arith.constant 0 : i32
    %c0_i32_1 = arith.constant 0 : i32
    return %c0_i32, %c0_i32_0 : i32, i32
  }
  func.func @transform_1(%arg0: i32) -> (i32, i32, i32) {
    %c0_i32 = arith.constant 0 : i32
    %c0_i32_0 = arith.constant 0 : i32
    %c0_i32_1 = arith.constant 0 : i32
    return %arg0, %c0_i32, %c0_i32_0 : i32, i32, i32
  }
  func.func @transform_2(%arg0: i32) -> (i32, i32) {
    %c0_i32 = arith.constant 0 : i32
    %c0_i32_0 = arith.constant 0 : i32
    %c0_i32_1 = arith.constant 0 : i32
    return %c0_i32, %c0_i32_0 : i32, i32
  }
  func.func @transform_3(%arg0: i32) -> (i32, i32, i32) {
    %c0_i32 = arith.constant 0 : i32
    %c0_i32_0 = arith.constant 0 : i32
    %c0_i32_1 = arith.constant 0 : i32
    return %arg0, %c0_i32, %c0_i32_0 : i32, i32, i32
  }
}

</mosaic_0001>

<sc_bundles>
// kernel: kernel.5.cloned.1.call-start
scs
__scs_entry_jumppad:
0x0: {  	(pc) =	sbr.rel $0x88, $3  }
0x1: {  	(tag) =	ssettag $0x0;
	lr =	simm.s32 $0x1  }
0x2: {  	[smem:$0x3F9C] =	sst lr;
	_ =	strace $0xD0000000  }
0x3: {  	_ = 	snop  }
0x4: {  	_ = 	snop  }
0x5: {  	_ = 	snop  }
0x6: {  	_ = 	snop  }
0x7: {  	_ = 	snop  }
__scs_overlays_trampoline_lowered:
0x8: {  	[smem:$0x3FAB] =	sst s0  }
0x9: {  	[smem:$0x3FAC] =	sst s1  }
0xa: {  	[smem:$0x3FAD] =	sst s2  }
0xb: {  	[smem:$0x3FAE] =	sst s3  }
0xc: {  	[smem:$0x3FAF] =	sst s4  }
0xd: {  	[smem:$0x3FB0] =	sst s5  }
0xe: {  	[smem:$0x3FB1] =	sst s6  }
0xf: {  	[smem:$0x3FB2] =	sst s7  }
0x10: {  	[smem:$0x3FB3] =	sst s8  }
0x11: {  	[smem:$0x3FB4] =	sst s9;
	s0 =	simm.s32 @!p0 $0x0  }
0x12: {  	s1 =	sld [smem:$0x3F9A];
	s0 =	simm.s32 @p0 $0x1  }
0x13: {  	[smem:$0x3FB5] =	sst s0;
	s0 =	simm.s32 @!p1 $0x0  }
0x14: {  	s2 =	sld [smem:$0x3F99];
	s0 =	simm.s32 @p1 $0x1  }
0x15: {  	[smem:$0x3FB6] =	sst s0;
	s0 =	simm.s32 @!p2 $0x0  }
0x16: {  	s3 =	sld [smem:$0x3FDB];
	s0 =	simm.s32 @p2 $0x1  }
0x17: {  	s4 =	simm.s32 $0x1BF5;
	[smem:$0x3FB8] =	sst s0  }
0x18: {  	s0 =	sld [smem:$0x3F9B];
	_ =	swait.ge [sflag:s4], $0x0  }
0x19: {  	s7 =	sld [smem:$0x3F9C]  }
0x1a: {  	s8 =	sadd.s32 $0xFFFFE003, lr  }
0x1b: {  	s9 =	sadd.s32 $0xFFFFFEF7, lr;
	s5 =	simm.s32 $0xFFFFFFFF;
	p2 =	slt.u32 s8, $0xFFFFF086  }
0x1c: {  	p1 =	slt.u32 s9, $0xF7A;
	s5 =	simm.s32 @!p2 $0x0  }
0x1d: {  	s5 =	simm.s32 @p1 $0x1;
	p0 =	seq.s32 s7, s2  }
0x1e: {  	s7 =	smul.u32 @!p0 $0xF7A, s2;
	p2 =	seq.s32 @!p0 s5, $0x0  }
0x1f: {  	s9 =	smul.u32 $0xF7A, s1;
	s8 =	simm.s32 @!p0 $0x1BF5;
	p2 =	por !p2, p0  }
0x20: {  	[sflag:s8] =	ssyncset.s32 @!p0 $0xFFFFF086;
	s6 =	sadd.s32 @!p0 s3, s7;
	s7 =	simm.s32 @!p0 $0x108  }
0x21: {  	s3 =	sadd.s32 s3, s9;
	s6 =	sadd.s32 @!p0 $0x88, s6;
	s7 =	simm.s32 @p2 $0x1082  }
0x22: {  	[simem:s7], [sflag:s8] =	dma.local @!p0 [hbm:s6], $0xF7A  }
0x23: {  	s9 =	sor.u32 $0xD0000000, s2;
	s6 =	simm.s32 $0x108;
	_ =	swait.ge @!p0 [sflag:s8], $0x0  }
0x24: {  	s3 =	sadd.s32 $0x88, s3;
	s6 =	simm.s32 @!p1 $0x1082;
	[sflag:s4] =	ssyncset.s32 $0xFFFFF086  }
0x25: {  	[simem:s6], [sflag:s4] =	dma.local [hbm:s3], $0xF7A  }
0x26: {  	[smem:$0x3F9C] =	sst s1;
	(tag) =	ssettag s2;
	_ =	strace s9  }
0x27: {  	s1 =	sld [smem:$0x3FAC]  }
0x28: {  	s2 =	sld [smem:$0x3FAD]  }
0x29: {  	s4 =	sld [smem:$0x3FAF]  }
0x2a: {  	p0 =	seq.s32 s5, $0x0;
	s5 =	sld [smem:$0x3FB0]  }
0x2b: {  	s6 =	sld [smem:$0x3FB1]  }
0x2c: {  	s7 =	sld [smem:$0x3FB2]  }
0x2d: {  	s3 =	simm.s32 $0x108;
	s8 =	sld [smem:$0x3FB3]  }
0x2e: {  	s3 =	simm.s32 @!p0 $0x1082;
	s9 =	sld [smem:$0x3FB4]  }
0x2f: {  	lr =	sadd.s32 s0, s3;
	s0 =	sld [smem:$0x3FAB]  }
0x30: {  	s3 =	sld [smem:$0x3FAE]  }
0x31: {  	[smem:$0x3FB7] =	sst s10  }
0x32: {  	s10 =	sld [smem:$0x3FB5];
	_ =	sdelay $0x3  }
0x33: {  	p0 =	seq.s32 s10, $0x1;
	s10 =	sld [smem:$0x3FB7];
	_ =	sdelay $0x3  }
0x34: {  	[smem:$0x3FB7] =	sst s10  }
0x35: {  	s10 =	sld [smem:$0x3FB6];
	_ =	sdelay $0x3  }
0x36: {  	p1 =	seq.s32 s10, $0x1;
	s10 =	sld [smem:$0x3FB7];
	_ =	sdelay $0x3  }
0x37: {  	[smem:$0x3FB7] =	sst s10  }
0x38: {  	s10 =	sld [smem:$0x3FB8]  }
0x39: {  	_ = 	snop;
	(pc) =	sbr.ind lr, $3  }
0x3a: {  	_ = 	snop  }
0x3b: {  	_ = 	snop  }
0x3c: {  	p2 =	seq.s32 s10, $0x1;
	s10 =	sld [smem:$0x3FB7]  }
0x3d: {  	_ =	shalt  }
0x3e: {  	_ =	shalt  }
0x3f: {  	_ =	shalt  }
0x40: {  	_ =	shalt  }
0x41: {  	_ =	shalt  }
0x42: {  	_ =	shalt  }
0x43: {  	_ =	shalt  }
0x44: {  	_ =	shalt  }
0x45: {  	_ =	shalt  }
0x46: {  	_ =	shalt  }
0x47: {  	_ =	shalt  }
0x48: {  	_ =	shalt  }
0x49: {  	_ =	shalt  }
0x4a: {  	_ =	shalt  }
0x4b: {  	_ =	shalt  }
0x4c: {  	_ =	shalt  }
0x4d: {  	_ =	shalt  }
0x4e: {  	_ =	shalt  }
0x4f: {  	_ =	shalt  }
0x50: {  	_ =	shalt  }
0x51: {  	_ =	shalt  }
0x52: {  	_ =	shalt  }
0x53: {  	_ =	shalt  }
0x54: {  	_ =	shalt  }
0x55: {  	_ =	shalt  }
0x56: {  	_ =	shalt  }
0x57: {  	_ =	shalt  }
0x58: {  	_ =	shalt  }
0x59: {  	_ =	shalt  }
0x5a: {  	_ =	shalt  }
0x5b: {  	_ =	shalt  }
0x5c: {  	_ =	shalt  }
0x5d: {  	_ =	shalt  }
0x5e: {  	_ =	shalt  }
0x5f: {  	_ =	shalt  }
0x60: {  	_ =	shalt  }
0x61: {  	_ =	shalt  }
0x62: {  	_ =	shalt  }
0x63: {  	_ =	shalt  }
0x64: {  	_ =	shalt  }
0x65: {  	_ =	shalt  }
0x66: {  	_ =	shalt  }
0x67: {  	_ =	shalt  }
0x68: {  	_ =	shalt  }
0x69: {  	_ =	shalt  }
0x6a: {  	_ =	shalt  }
0x6b: {  	_ =	shalt  }
0x6c: {  	_ =	shalt  }
0x6d: {  	_ =	shalt  }
0x6e: {  	_ =	shalt  }
0x6f: {  	_ =	shalt  }
0x70: {  	_ =	shalt  }
0x71: {  	_ =	shalt  }
0x72: {  	_ =	shalt  }
0x73: {  	_ =	shalt  }
0x74: {  	_ =	shalt  }
0x75: {  	_ =	shalt  }
0x76: {  	_ =	shalt  }
0x77: {  	_ =	shalt  }
0x78: {  	_ =	shalt  }
0x79: {  	_ =	shalt  }
0x7a: {  	_ =	shalt  }
0x7b: {  	_ =	shalt  }
0x7c: {  	_ =	shalt  }
0x7d: {  	_ =	shalt  }
0x7e: {  	_ =	shalt  }
0x7f: {  	_ =	shalt  }
0x80: {  	_ =	shalt  }
0x81: {  	_ =	shalt  }
0x82: {  	_ =	shalt  }
0x83: {  	_ =	shalt  }
0x84: {  	_ =	shalt  }
0x85: {  	_ =	shalt  }
0x86: {  	_ =	shalt  }
0x87: {  	_ =	shalt  }
.Lfunc_end0:
.L_simem_size_0:
called_computation_lowered:
.L_overlay_start_0:
0x88: {  	s2 =	sld [smem:$0x3FD9]  }
0x89: {  	s3 =	sld [smem:$0x3FFE];
	_ =	sdelay $0x1  }
0x8a: {  	s1 =	srdreg.scid  }
0x8b: {  	s0 =	sand.u32 $0x1, s1  }
0x8c: {  	s14 =	sshll.u32 s0, $0xA;
	s2 =	sadd.s32 s3, s2  }
0x8d: {  	s2 =	sadd.s32 s2, s14  }
0x8e: {  	[smem:$0x3FC3] =	sst s2  }
0x8f: {  	_ = 	snop  }
0x90: {  	s2 =	sld [smem:$0x3FD0];
	_ =	sdelay $0x2  }
0x91: {  	s15 =	simm.s32 $0xA;
	s4 =	simm.s32 $0x10  }
0x92: {  	[smem:s4], [sflag:s15] =	dma.local [hbm:s2], $0x1  }
0x93: {  	_ =	swait.eq [sflag:s15], $0x1  }
0x94: {  	[sflag:s15] =	ssyncset.done $0x0  }
0x95: {  	[sflag:s15] =	ssyncadd.s32 $0xFFFFFFFF  }
0x96: {  	s16 =	sld [smem:$0x10];
	(tm) =	ssettm $0x1  }
0x97: {  	s17 =	sld [smem:$0x3FFB];
	_ =	sdelay $0x3  }
0x98: {  	_ =	strace s17  }
0x99: {  	s3 =	sld [smem:$0x3FFC];
	_ =	sdelay $0x3  }
0x9a: {  	_ =	strace s3  }
0x9b: {  	s3 =	sld [smem:$0x3FFD];
	_ =	sdelay $0x3  }
0x9c: {  	_ =	strace s3  }
0x9d: {  	_ =	strace $0x8FFFFFFF  }
0x9e: {  	s18 =	sld [smem:$0x3FDB];
	_ =	sdelay $0x1  }
0x9f: {  	s19 =	simm.s32 $_scs_section_size  }
0xa0: {  	s5 =	simm.s32 $_size__tile_overlayer_lowered;
	s6 =	simm.s32 $_tile_overlayer_lowered  }
0xa1: {  	s22 =	simm.s32 $0x1BFF;
	s21 =	sshll.u32 s6, $0x1;
	s3 =	sadd.s32 s19, s18  }
0xa2: {  	s7 =	simm.s32 $0x0;
	s20 =	sshll.u32 s5, $0x1;
	s5 =	sadd.s32 s21, s3  }
0xa3: {  	[timem:s7], [sflag:s22] =	dma.local [hbm:s5], s20  }
0xa4: {  	_ =	swait.ge [sflag:s22], s20  }
0xa5: {  	s4 =	ssub.s32 $0x0, s20;
	[sflag:s22] =	ssyncset.done $0x0  }
0xa6: {  	[sflag:s22] =	ssyncadd.s32 s4;
	_ =	sdelay $0x1  }
0xa7: {  	s23 =	simm.s32 $0x1B8B  }
0xa8: {  	_ =	swait.ge [sflag:s23], $0x1  }
0xa9: {  	[sflag:s23] =	ssyncset.done $0x0  }
0xaa: {  	s25 =	simm.s32 $0x1B8E;
	s24 =	sld [smem:$0x3FFE];
	[sflag:s23] =	ssyncadd.s32 $0xFFFFFFFF  }
0xab: {  	s26 =	simm.s32 $execute0_lowered;
	[smem:$0x3FD2] =	sst s25  }
0xac: {  	s5 =	sshll.u32 s26, $0x1;
	_ =	strace $0x80000046;
	[dreg:$0x1] =	wrdreg $0xFFFFFFFF  }
0xad: {  	s28 =	simm.s32 $_size_execute0_lowered;
	s3 =	sadd.s32 s3, s5;
	[dreg:$0x0] =	wrdreg $0x0  }
0xae: {  	s5 =	sshll.u32 s28, $0x1;
	[dreg:$0x2] =	wrdreg s3  }
0xaf: {  	[dreg:$0x3] =	wrdreg s5  }
0xb0: {  	[dreg:$0x4] =	wrdreg $0xC0  }
0xb1: {  	_ =	task [dreg:s7], $0x5FFFF  }
0xb2: {  	[dreg:$0x1] =	wrdreg $0xFFFFFFFF  }
0xb3: {  	[dreg:$0x0] =	wrdreg $0x60  }
0xb4: {  	[dreg:$0x2] =	wrdreg s24  }
0xb5: {  	[dreg:$0x3] =	wrdreg s16  }
0xb6: {  	[dreg:$0x4] =	wrdreg $0x9  }
0xb7: {  	_ =	task.clear_ibuf [dreg:s7], $0x5FFFF;
	_ =	strace $0x90000046  }
0xb8: {  	s29 =	simm.s32 $0x9;
	_ =	strace $0x80000048  }
0xb9: {  	_ =	swait.ge [sflag:s29], $0x1  }
0xba: {  	[sflag:s29] =	ssyncadd.s32 $0xFFFFFFFF  }
0xbb: {  	_ =	strace $0x90000048  }
0xbc: {  	_ =	sfence  }
0xbd: {  	s30 =	sld [smem:$0x0];
	_ =	sdelay $0x2  }
0xbe: {  	s31 =	sshll.u32 s1, $0xD;
	s1 =	sshrl.u32 s1, $0x2  }
0xbf: {  	s3 =	sand.u32 $0x4000, s31;
	s1 =	sadd.s32 s1, s30  }
0xc0: {  	s0 =	sor.u32 s3, s0;
	s1 =	sshll.u32 s1, $0x11  }
0xc1: {  	s0 =	sor.u32 s1, s0  }
0xc2: {  	s0 =	sadd.s32 $0x8F2B, s0  }
0xc3: {  	[sflag:s0] =	ssyncadd.remote.s32 $0x1  }
0xc4: {  	_ =	sfence.sel $0xFFFF  }
0xc5: {  	[dreg:$0x0] =	wrdreg $0xFFFFFFFF;
	(pc) =	sbr.abs _section_cstart, $3  }
0xc6: {  	[dreg:$0x1] =	wrdreg $0xFFFFFFFF  }
0xc7: {  	_ =	task.clear_ibuf [dreg:s7], $0x2FFFF;
	_ =	strace $0x9FFFFFFF  }
0xc8: {  	(tm) =	ssettm $0x7FFFFFFF  }
0xc9: {  	_ =	shalt  }
tec
execute0_lowered:
.L_overlay_start_1:
0x0: {  	(tag) =	ssettag $0x1  }
0x1: {  	s4 =	rddreg [dreg:$0x0]  }
0x2: {  	s5 =	rddreg [dreg:$0x1]  }
0x3: {  	s0 =	rddreg [dreg:$0x2];
	s2 =	simm.s32 $0x0;
	s3 =	srdreg.scid  }
0x4: {  	s1 =	stileid.u32;
	s10 =	simm.s32 $0x80;
	s11 =	simm.s32 $0x5400  }
0x5: {  	s12 =	simm.s32 $0x100;
	s13 =	simm.s32 $0x8800;
	s14 =	simm.s32 $0x180  }
0x6: {  	s15 =	simm.s32 $0xBC00;
	s16 =	simm.s32 $0x1;
	s17 =	simm.s32 $0x2  }
0x7: {  	s18 =	simm.s32 $0x3;
	s19 =	simm.s32 $0x4;
	s20 =	simm.s32 $0xF000  }
0x8: {  	s21 =	simm.s32 $0x0;
	[smem:$0x7FF] =	sst s2;
	s6 =	sand.u32 $0x1, s3  }
0x9: {  	s8 =	sshll.u32 s1, $0x1;
	s3 =	sadd.s32 $0x8000, s4;
	s7 =	ssub.s32 $0x2, s6  }
0xa: {  	_ =	strace $0x80000047;
	s6 =	sor.u32 s6, s8;
	s9 =	sshrl.u32 s7, $0x1  }
0xb: {  	s8 =	sshll.u32 s6, $0xA;
	s6 =	sshll.u32 s6, $0xC;
	s7 =	ssub.s32 s7, s9  }
0xc: {  	s4 =	sadd.s32 s4, s8;
	s5 =	sadd.s32 s5, s6;
	s8 =	simm.s32 $0x68  }
0xd: {  	v0 =	vimm.f32 $0.0e+00;
	s9 =	simm.s32 $0x2000;
	s6 =	smax.u32 s7, $0x1;
	s7 =	simm.s32 $0x5  }
.LBB2_1:
0xe: {  	[tilespmem:s2], [sflag:$0x5] =	stream.linear.gather [hbm4b:s4+s2], $0x2000, $0x38;
	[tilespmem:$0x17000] =	vst v63  }
0xf: {  	_ =	swait.ge [sflag:s7], $0x2000  }
0x10: {  	[sflag:s7] =	ssyncset.done $0x0  }
0x11: {  	[sflag:s7] =	ssyncadd.s32 $0xFFFFE000  }
0x12: {  	[tilespmem:s9], [sflag:$0x1] =	stream.indirect.gather [hbm4b:s3+s8], $0x80, s2, s8, $0xb8;
	[tilespmem:$0x17000] =	vst v63  }
0x13: {  	_ = 	snop  }
0x14: {  	[tilespmem:s11], [sflag:$0x2] =	stream.indirect.gather [hbm4b:s3+s8], $0x80, s10, s8, $0xb8;
	[tilespmem:$0x17000] =	vst v63  }
0x15: {  	_ = 	snop  }
0x16: {  	[tilespmem:s13], [sflag:$0x3] =	stream.indirect.gather [hbm4b:s3+s8], $0x80, s12, s8, $0xb8;
	[tilespmem:$0x17000] =	vst v63  }
0x17: {  	s22 =	simm.s32 $0xFFFF8800;
	s23 =	simm.s32 $0xF400  }
0x18: {  	[tilespmem:s15], [sflag:$0x4] =	stream.indirect.gather [hbm4b:s3+s8], $0x80, s14, s8, $0xb8;
	[tilespmem:$0x17000] =	vst v63  }
.LBB2_2:
0x19: {  	_ =	swait.ge [sflag:s16], $0x3400  }
0x1a: {  	[sflag:s16] =	ssyncset.done $0x0  }
0x1b: {  	[sflag:s16] =	ssyncadd.s32 $0xFFFFCC00  }
0x1c: {  	[tilespmem:s23+$0xFFFFFC00] =	vst v0  }
0x1d: {  	[tilespmem:s23+$0x0] =	vst v0  }
0x1e: {  	[tilespmem:s23+$0xFFFFFC10] =	vst v0  }
0x1f: {  	[tilespmem:s23+$0x10] =	vst v0  }
0x20: {  	[tilespmem:s23+$0xFFFFFC20] =	vst v0  }
0x21: {  	[tilespmem:s23+$0x20] =	vst v0  }
0x22: {  	[tilespmem:s23+$0xFFFFFC30] =	vst v0  }
0x23: {  	[tilespmem:s23+$0x30] =	vst v0  }
0x24: {  	[tilespmem:s23+$0xFFFFFC40] =	vst v0  }
0x25: {  	[tilespmem:s23+$0x40] =	vst v0  }
0x26: {  	[tilespmem:s23+$0xFFFFFC50] =	vst v0  }
0x27: {  	[tilespmem:s23+$0x50] =	vst v0  }
0x28: {  	[tilespmem:s23+$0xFFFFFC60] =	vst v0  }
0x29: {  	[tilespmem:s23+$0x60] =	vst v0  }
0x2a: {  	[tilespmem:s23+$0xFFFFFC70] =	vst v0  }
0x2b: {  	[tilespmem:s23+$0x70] =	vst v0  }
0x2c: {  	[tilespmem:s23+$0xFFFFFC80] =	vst v0  }
0x2d: {  	[tilespmem:s23+$0x80] =	vst v0  }
0x2e: {  	[tilespmem:s23+$0xFFFFFC90] =	vst v0  }
0x2f: {  	[tilespmem:s23+$0x90] =	vst v0  }
0x30: {  	[tilespmem:s23+$0xFFFFFCA0] =	vst v0  }
0x31: {  	[tilespmem:s23+$0xA0] =	vst v0  }
0x32: {  	[tilespmem:s23+$0xFFFFFCB0] =	vst v0  }
0x33: {  	[tilespmem:s23+$0xB0] =	vst v0  }
0x34: {  	[tilespmem:s23+$0xFFFFFCC0] =	vst v0  }
0x35: {  	[tilespmem:s23+$0xC0] =	vst v0  }
0x36: {  	[tilespmem:s23+$0xFFFFFCD0] =	vst v0  }
0x37: {  	[tilespmem:s23+$0xD0] =	vst v0  }
0x38: {  	[tilespmem:s23+$0xFFFFFCE0] =	vst v0  }
0x39: {  	[tilespmem:s23+$0xE0] =	vst v0  }
0x3a: {  	s24 =	sshra.s32 s22, $0x2;
	[tilespmem:s23+$0xFFFFFCF0] =	vst v0  }
0x3b: {  	s25 =	sadd.s32 $0x2000, s24;
	[tilespmem:s23+$0xF0] =	vst v0  }
0x3c: {  	[tilespmem:s9], [sflag:$0x1] =	stream.indirect.gather [hbm4b:s3+s8], $0x80, s25, s8, $0xb8;
	[tilespmem:$0x17000] =	vst v63  }
0x3d: {  	_ =	swait.ge [sflag:s17], $0x3400  }
0x3e: {  	[sflag:s17] =	ssyncset.done $0x0  }
0x3f: {  	[sflag:s17] =	ssyncadd.s32 $0xFFFFCC00  }
0x40: {  	[tilespmem:s23+$0xFFFFFD00] =	vst v0  }
0x41: {  	[tilespmem:s23+$0x100] =	vst v0  }
0x42: {  	[tilespmem:s23+$0xFFFFFD10] =	vst v0  }
0x43: {  	[tilespmem:s23+$0x110] =	vst v0  }
0x44: {  	[tilespmem:s23+$0xFFFFFD20] =	vst v0  }
0x45: {  	[tilespmem:s23+$0x120] =	vst v0  }
0x46: {  	[tilespmem:s23+$0xFFFFFD30] =	vst v0  }
0x47: {  	[tilespmem:s23+$0x130] =	vst v0  }
0x48: {  	[tilespmem:s23+$0xFFFFFD40] =	vst v0  }
0x49: {  	[tilespmem:s23+$0x140] =	vst v0  }
0x4a: {  	[tilespmem:s23+$0xFFFFFD50] =	vst v0  }
0x4b: {  	[tilespmem:s23+$0x150] =	vst v0  }
0x4c: {  	[tilespmem:s23+$0xFFFFFD60] =	vst v0  }
0x4d: {  	[tilespmem:s23+$0x160] =	vst v0  }
0x4e: {  	[tilespmem:s23+$0xFFFFFD70] =	vst v0  }
0x4f: {  	[tilespmem:s23+$0x170] =	vst v0  }
0x50: {  	[tilespmem:s23+$0xFFFFFD80] =	vst v0  }
0x51: {  	[tilespmem:s23+$0x180] =	vst v0  }
0x52: {  	[tilespmem:s23+$0xFFFFFD90] =	vst v0  }
0x53: {  	[tilespmem:s23+$0x190] =	vst v0  }
0x54: {  	[tilespmem:s23+$0xFFFFFDA0] =	vst v0  }
0x55: {  	[tilespmem:s23+$0x1A0] =	vst v0  }
0x56: {  	[tilespmem:s23+$0xFFFFFDB0] =	vst v0  }
0x57: {  	[tilespmem:s23+$0x1B0] =	vst v0  }
0x58: {  	[tilespmem:s23+$0xFFFFFDC0] =	vst v0  }
0x59: {  	[tilespmem:s23+$0x1C0] =	vst v0  }
0x5a: {  	[tilespmem:s23+$0xFFFFFDD0] =	vst v0  }
0x5b: {  	[tilespmem:s23+$0x1D0] =	vst v0  }
0x5c: {  	[tilespmem:s23+$0xFFFFFDE0] =	vst v0  }
0x5d: {  	[tilespmem:s23+$0x1E0] =	vst v0  }
0x5e: {  	[tilespmem:s23+$0xFFFFFDF0] =	vst v0  }
0x5f: {  	s30 =	sadd.s32 $0x2080, s24;
	[tilespmem:s23+$0x1F0] =	vst v0  }
0x60: {  	[tilespmem:s11], [sflag:$0x2] =	stream.indirect.gather [hbm4b:s3+s8], $0x80, s30, s8, $0xb8;
	[tilespmem:$0x17000] =	vst v63  }
0x61: {  	_ =	swait.ge [sflag:s18], $0x3400  }
0x62: {  	[sflag:s18] =	ssyncset.done $0x0  }
0x63: {  	[sflag:s18] =	ssyncadd.s32 $0xFFFFCC00  }
0x64: {  	[tilespmem:s23+$0xFFFFFE00] =	vst v0  }
0x65: {  	[tilespmem:s23+$0x200] =	vst v0  }
0x66: {  	[tilespmem:s23+$0xFFFFFE10] =	vst v0  }
0x67: {  	[tilespmem:s23+$0x210] =	vst v0  }
0x68: {  	[tilespmem:s23+$0xFFFFFE20] =	vst v0  }
0x69: {  	[tilespmem:s23+$0x220] =	vst v0  }
0x6a: {  	[tilespmem:s23+$0xFFFFFE30] =	vst v0  }
0x6b: {  	[tilespmem:s23+$0x230] =	vst v0  }
0x6c: {  	[tilespmem:s23+$0xFFFFFE40] =	vst v0  }
0x6d: {  	[tilespmem:s23+$0x240] =	vst v0  }
0x6e: {  	[tilespmem:s23+$0xFFFFFE50] =	vst v0  }
0x6f: {  	[tilespmem:s23+$0x250] =	vst v0  }
0x70: {  	[tilespmem:s23+$0xFFFFFE60] =	vst v0  }
0x71: {  	[tilespmem:s23+$0x260] =	vst v0  }
0x72: {  	[tilespmem:s23+$0xFFFFFE70] =	vst v0  }
0x73: {  	[tilespmem:s23+$0x270] =	vst v0  }
0x74: {  	[tilespmem:s23+$0xFFFFFE80] =	vst v0  }
0x75: {  	[tilespmem:s23+$0x280] =	vst v0  }
0x76: {  	[tilespmem:s23+$0xFFFFFE90] =	vst v0  }
0x77: {  	[tilespmem:s23+$0x290] =	vst v0  }
0x78: {  	[tilespmem:s23+$0xFFFFFEA0] =	vst v0  }
0x79: {  	[tilespmem:s23+$0x2A0] =	vst v0  }
0x7a: {  	[tilespmem:s23+$0xFFFFFEB0] =	vst v0  }
0x7b: {  	[tilespmem:s23+$0x2B0] =	vst v0  }
0x7c: {  	[tilespmem:s23+$0xFFFFFEC0] =	vst v0  }
0x7d: {  	[tilespmem:s23+$0x2C0] =	vst v0  }
0x7e: {  	[tilespmem:s23+$0xFFFFFED0] =	vst v0  }
0x7f: {  	[tilespmem:s23+$0x2D0] =	vst v0  }
0x80: {  	[tilespmem:s23+$0xFFFFFEE0] =	vst v0  }
0x81: {  	[tilespmem:s23+$0x2E0] =	vst v0  }
0x82: {  	[tilespmem:s23+$0xFFFFFEF0] =	vst v0  }
0x83: {  	s31 =	sadd.s32 $0x2100, s24;
	[tilespmem:s23+$0x2F0] =	vst v0  }
0x84: {  	[tilespmem:s13], [sflag:$0x3] =	stream.indirect.gather [hbm4b:s3+s8], $0x80, s31, s8, $0xb8;
	[tilespmem:$0x17000] =	vst v63  }
0x85: {  	_ =	swait.ge [sflag:s19], $0x3400  }
0x86: {  	[sflag:s19] =	ssyncset.done $0x0  }
0x87: {  	[sflag:s19] =	ssyncadd.s32 $0xFFFFCC00  }
0x88: {  	[tilespmem:s23+$0xFFFFFF00] =	vst v0  }
0x89: {  	[tilespmem:s23+$0x300] =	vst v0  }
0x8a: {  	[tilespmem:s23+$0xFFFFFF10] =	vst v0  }
0x8b: {  	[tilespmem:s23+$0x310] =	vst v0  }
0x8c: {  	[tilespmem:s23+$0xFFFFFF20] =	vst v0  }
0x8d: {  	[tilespmem:s23+$0x320] =	vst v0  }
0x8e: {  	[tilespmem:s23+$0xFFFFFF30] =	vst v0  }
0x8f: {  	[tilespmem:s23+$0x330] =	vst v0  }
0x90: {  	[tilespmem:s23+$0xFFFFFF40] =	vst v0  }
0x91: {  	[tilespmem:s23+$0x340] =	vst v0  }
0x92: {  	[tilespmem:s23+$0xFFFFFF50] =	vst v0  }
0x93: {  	[tilespmem:s23+$0x350] =	vst v0  }
0x94: {  	[tilespmem:s23+$0xFFFFFF60] =	vst v0  }
0x95: {  	[tilespmem:s23+$0x360] =	vst v0  }
0x96: {  	[tilespmem:s23+$0xFFFFFF70] =	vst v0  }
0x97: {  	[tilespmem:s23+$0x370] =	vst v0  }
0x98: {  	[tilespmem:s23+$0xFFFFFF80] =	vst v0  }
0x99: {  	[tilespmem:s23+$0x380] =	vst v0  }
0x9a: {  	[tilespmem:s23+$0xFFFFFF90] =	vst v0  }
0x9b: {  	[tilespmem:s23+$0x390] =	vst v0  }
0x9c: {  	[tilespmem:s23+$0xFFFFFFA0] =	vst v0  }
0x9d: {  	[tilespmem:s23+$0x3A0] =	vst v0  }
0x9e: {  	[tilespmem:s23+$0xFFFFFFB0] =	vst v0  }
0x9f: {  	[tilespmem:s23+$0x3B0] =	vst v0  }
0xa0: {  	[tilespmem:s23+$0xFFFFFFC0] =	vst v0  }
0xa1: {  	[tilespmem:s23+$0x3C0] =	vst v0  }
0xa2: {  	[tilespmem:s23+$0xFFFFFFD0] =	vst v0  }
0xa3: {  	p0 =	sne.s32 s22, $0xFFFFF800;
	[tilespmem:s23+$0x3D0] =	vst v0  }
.Ltmp0:
0xa4: {  	[tilespmem:s23+$0xFFFFFFE0] =	vst v0;
	(pc) =	sbr.rel @p0 .LBB2_2-.Ltmp0, $4  }
0xa5: {  	[tilespmem:s23+$0x3E0] =	vst v0  }
0xa6: {  	[tilespmem:s23+$0xFFFFFFF0] =	vst v0  }
0xa7: {  	s22 =	sadd.s32 $0x800, s22;
	s24 =	sadd.s32 $0x2180, s24;
	[tilespmem:s23+$0x3F0] =	vst v0;
	s23 =	sadd.s32 $0x800, s23  }
0xa8: {  	[tilespmem:s15], [sflag:$0x4] =	stream.indirect.gather [hbm4b:s3+s8], $0x80, s24, s8, $0xb8;
	[tilespmem:$0x17000] =	vst v63  }
0xa9: {  	_ =	swait.ge [sflag:s16], $0x3400  }
0xaa: {  	[sflag:s16] =	ssyncset.done $0x0  }
0xab: {  	[sflag:s16] =	ssyncadd.s32 $0xFFFFCC00  }
0xac: {  	[tilespmem:$0x16800] =	vst v0  }
0xad: {  	[tilespmem:$0x16C00] =	vst v0  }
0xae: {  	[tilespmem:$0x16810] =	vst v0  }
0xaf: {  	[tilespmem:$0x16C10] =	vst v0  }
0xb0: {  	[tilespmem:$0x16820] =	vst v0  }
0xb1: {  	[tilespmem:$0x16C20] =	vst v0  }
0xb2: {  	[tilespmem:$0x16830] =	vst v0  }
0xb3: {  	[tilespmem:$0x16C30] =	vst v0  }
0xb4: {  	[tilespmem:$0x16840] =	vst v0  }
0xb5: {  	[tilespmem:$0x16C40] =	vst v0  }
0xb6: {  	[tilespmem:$0x16850] =	vst v0  }
0xb7: {  	[tilespmem:$0x16C50] =	vst v0  }
0xb8: {  	[tilespmem:$0x16860] =	vst v0  }
0xb9: {  	[tilespmem:$0x16C60] =	vst v0  }
0xba: {  	[tilespmem:$0x16870] =	vst v0  }
0xbb: {  	[tilespmem:$0x16C70] =	vst v0  }
0xbc: {  	[tilespmem:$0x16880] =	vst v0  }
0xbd: {  	[tilespmem:$0x16C80] =	vst v0  }
0xbe: {  	[tilespmem:$0x16890] =	vst v0  }
0xbf: {  	[tilespmem:$0x16C90] =	vst v0  }
0xc0: {  	[tilespmem:$0x168A0] =	vst v0  }
0xc1: {  	[tilespmem:$0x16CA0] =	vst v0  }
0xc2: {  	[tilespmem:$0x168B0] =	vst v0  }
0xc3: {  	[tilespmem:$0x16CB0] =	vst v0  }
0xc4: {  	[tilespmem:$0x168C0] =	vst v0  }
0xc5: {  	[tilespmem:$0x16CC0] =	vst v0  }
0xc6: {  	[tilespmem:$0x168D0] =	vst v0  }
0xc7: {  	[tilespmem:$0x16CD0] =	vst v0  }
0xc8: {  	[tilespmem:$0x168E0] =	vst v0  }
0xc9: {  	[tilespmem:$0x16CE0] =	vst v0  }
0xca: {  	[tilespmem:$0x168F0] =	vst v0  }
0xcb: {  	[tilespmem:$0x16CF0] =	vst v0  }
0xcc: {  	_ =	swait.ge [sflag:s17], $0x3400  }
0xcd: {  	[sflag:s17] =	ssyncset.done $0x0  }
0xce: {  	[sflag:s17] =	ssyncadd.s32 $0xFFFFCC00  }
0xcf: {  	[tilespmem:$0x16900] =	vst v0  }
0xd0: {  	[tilespmem:$0x16D00] =	vst v0  }
0xd1: {  	[tilespmem:$0x16910] =	vst v0  }
0xd2: {  	[tilespmem:$0x16D10] =	vst v0  }
0xd3: {  	[tilespmem:$0x16920] =	vst v0  }
0xd4: {  	[tilespmem:$0x16D20] =	vst v0  }
0xd5: {  	[tilespmem:$0x16930] =	vst v0  }
0xd6: {  	[tilespmem:$0x16D30] =	vst v0  }
0xd7: {  	[tilespmem:$0x16940] =	vst v0  }
0xd8: {  	[tilespmem:$0x16D40] =	vst v0  }
0xd9: {  	[tilespmem:$0x16950] =	vst v0  }
0xda: {  	[tilespmem:$0x16D50] =	vst v0  }
0xdb: {  	[tilespmem:$0x16960] =	vst v0  }
0xdc: {  	[tilespmem:$0x16D60] =	vst v0  }
0xdd: {  	[tilespmem:$0x16970] =	vst v0  }
0xde: {  	[tilespmem:$0x16D70] =	vst v0  }
0xdf: {  	[tilespmem:$0x16980] =	vst v0  }
0xe0: {  	[tilespmem:$0x16D80] =	vst v0  }
0xe1: {  	[tilespmem:$0x16990] =	vst v0  }
0xe2: {  	[tilespmem:$0x16D90] =	vst v0  }
0xe3: {  	[tilespmem:$0x169A0] =	vst v0  }
0xe4: {  	[tilespmem:$0x16DA0] =	vst v0  }
0xe5: {  	[tilespmem:$0x169B0] =	vst v0  }
0xe6: {  	[tilespmem:$0x16DB0] =	vst v0  }
0xe7: {  	[tilespmem:$0x169C0] =	vst v0  }
0xe8: {  	[tilespmem:$0x16DC0] =	vst v0  }
0xe9: {  	[tilespmem:$0x169D0] =	vst v0  }
0xea: {  	[tilespmem:$0x16DD0] =	vst v0  }
0xeb: {  	[tilespmem:$0x169E0] =	vst v0  }
0xec: {  	[tilespmem:$0x16DE0] =	vst v0  }
0xed: {  	[tilespmem:$0x169F0] =	vst v0  }
0xee: {  	[tilespmem:$0x16DF0] =	vst v0  }
0xef: {  	_ =	swait.ge [sflag:s18], $0x3400  }
0xf0: {  	[sflag:s18] =	ssyncset.done $0x0  }
0xf1: {  	[sflag:s18] =	ssyncadd.s32 $0xFFFFCC00  }
0xf2: {  	[tilespmem:$0x16A00] =	vst v0  }
0xf3: {  	[tilespmem:$0x16E00] =	vst v0  }
0xf4: {  	[tilespmem:$0x16A10] =	vst v0  }
0xf5: {  	[tilespmem:$0x16E10] =	vst v0  }
0xf6: {  	[tilespmem:$0x16A20] =	vst v0  }
0xf7: {  	[tilespmem:$0x16E20] =	vst v0  }
0xf8: {  	[tilespmem:$0x16A30] =	vst v0  }
0xf9: {  	[tilespmem:$0x16E30] =	vst v0  }
0xfa: {  	[tilespmem:$0x16A40] =	vst v0  }
0xfb: {  	[tilespmem:$0x16E40] =	vst v0  }
0xfc: {  	[tilespmem:$0x16A50] =	vst v0  }
0xfd: {  	[tilespmem:$0x16E50] =	vst v0  }
0xfe: {  	[tilespmem:$0x16A60] =	vst v0  }
0xff: {  	[tilespmem:$0x16E60] =	vst v0  }
0x100: {  	[tilespmem:$0x16A70] =	vst v0  }
0x101: {  	[tilespmem:$0x16E70] =	vst v0  }
0x102: {  	[tilespmem:$0x16A80] =	vst v0  }
0x103: {  	[tilespmem:$0x16E80] =	vst v0  }
0x104: {  	[tilespmem:$0x16A90] =	vst v0  }
0x105: {  	[tilespmem:$0x16E90] =	vst v0  }
0x106: {  	[tilespmem:$0x16AA0] =	vst v0  }
0x107: {  	[tilespmem:$0x16EA0] =	vst v0  }
0x108: {  	[tilespmem:$0x16AB0] =	vst v0  }
0x109: {  	[tilespmem:$0x16EB0] =	vst v0  }
0x10a: {  	[tilespmem:$0x16AC0] =	vst v0  }
0x10b: {  	[tilespmem:$0x16EC0] =	vst v0  }
0x10c: {  	[tilespmem:$0x16AD0] =	vst v0  }
0x10d: {  	[tilespmem:$0x16ED0] =	vst v0  }
0x10e: {  	[tilespmem:$0x16AE0] =	vst v0  }
0x10f: {  	[tilespmem:$0x16EE0] =	vst v0  }
0x110: {  	[tilespmem:$0x16AF0] =	vst v0  }
0x111: {  	[tilespmem:$0x16EF0] =	vst v0  }
0x112: {  	_ =	swait.ge [sflag:s19], $0x3400  }
0x113: {  	[sflag:s19] =	ssyncset.done $0x0  }
0x114: {  	[sflag:s19] =	ssyncadd.s32 $0xFFFFCC00  }
0x115: {  	[tilespmem:$0x16B00] =	vst v0  }
0x116: {  	[tilespmem:$0x16F00] =	vst v0  }
0x117: {  	[tilespmem:$0x16B10] =	vst v0  }
0x118: {  	[tilespmem:$0x16F10] =	vst v0  }
0x119: {  	[tilespmem:$0x16B20] =	vst v0  }
0x11a: {  	[tilespmem:$0x16F20] =	vst v0  }
0x11b: {  	[tilespmem:$0x16B30] =	vst v0  }
0x11c: {  	[tilespmem:$0x16F30] =	vst v0  }
0x11d: {  	[tilespmem:$0x16B40] =	vst v0  }
0x11e: {  	[tilespmem:$0x16F40] =	vst v0  }
0x11f: {  	[tilespmem:$0x16B50] =	vst v0  }
0x120: {  	[tilespmem:$0x16F50] =	vst v0  }
0x121: {  	[tilespmem:$0x16B60] =	vst v0  }
0x122: {  	[tilespmem:$0x16F60] =	vst v0  }
0x123: {  	[tilespmem:$0x16B70] =	vst v0  }
0x124: {  	[tilespmem:$0x16F70] =	vst v0  }
0x125: {  	[tilespmem:$0x16B80] =	vst v0  }
0x126: {  	[tilespmem:$0x16F80] =	vst v0  }
0x127: {  	[tilespmem:$0x16B90] =	vst v0  }
0x128: {  	[tilespmem:$0x16F90] =	vst v0  }
0x129: {  	[tilespmem:$0x16BA0] =	vst v0  }
0x12a: {  	[tilespmem:$0x16FA0] =	vst v0  }
0x12b: {  	[tilespmem:$0x16BB0] =	vst v0  }
0x12c: {  	[tilespmem:$0x16FB0] =	vst v0  }
0x12d: {  	[tilespmem:$0x16BC0] =	vst v0  }
0x12e: {  	[tilespmem:$0x16FC0] =	vst v0  }
0x12f: {  	[tilespmem:$0x16BD0] =	vst v0  }
0x130: {  	[tilespmem:$0x16FD0] =	vst v0  }
0x131: {  	[tilespmem:$0x16BE0] =	vst v0  }
0x132: {  	s21 =	sadd.s32 $0x1, s21;
	[tilespmem:$0x16FE0] =	vst v0  }
0x133: {  	p0 =	sne.s32 s21, s6;
	[tilespmem:$0x16BF0] =	vst v0  }
.Ltmp1:
0x134: {  	[tilespmem:$0x16FF0] =	vst v0;
	(pc) =	sbr.rel @p0 .LBB2_1-.Ltmp1, $4  }
0x135: {  	[hbm4b:s5+s2] =	stream.linear.scatter [tilespmem:s20], [sflag:$0x5], $0x8000, $0x38;
	[tilespmem:$0x17000] =	vst v63  }
0x136: {  	_ =	swait.ge [sflag:s7], $0x8000  }
0x137: {  	[sflag:s7] =	ssyncset.done $0x0  }
0x138: {  	[sflag:s7] =	ssyncadd.s32 $0xFFFF8000  }
0x139: {  	_ =	sfence.sel $0x180000  }
0x13a: {  	[bflag:$0x0] =	sbarrier.arrive $0xFFFF  }
0x13b: {  	p0 =	sne.s32 s1, $0x0;
	_ =	strace $0x90000047  }
0x13c: {  	s0 =	sadd.s32 @!p0 $0x100000, s0;
	[bflag:$0x2] =	sbarrier.arrive $0xFFFF  }
0x13d: {  	[sflag:s0] =	ssyncadd.tile.s32 @!p0 $0x1;
	_ =	shalt  }
.Lfunc_end2:
_tile_overlayer_lowered:
.L_overlay_start_2:
0x13e: {  	(tag) =	ssettag $0x2  }
0x13f: {  	s0 =	rddreg [dreg:$0x0];
	s2 =	stileid.u32  }
0x140: {  	s1 =	rddreg [dreg:$0x1];
	p0 =	sne.s32 s2, $0x0  }
0x141: {  	s3 =	rddreg [dreg:$0x2];
	[bflag:$0x3] =	sbarrier.arrive $0xFFFF;
	s2 =	simm.s32 @!p0 $0x1C05  }
0x142: {  	[timem:s3], [sflag:s2] =	dma.local @!p0 [hbm:s0], s1  }
0x143: {  	s0 =	simm.s32 @!p0 $0x5  }
0x144: {  	_ =	swait.ge @!p0 [sflag:s0], s1  }
0x145: {  	s1 =	ssub.s32 @!p0 $0x0, s1;
	[sflag:s0] =	ssyncset.done @!p0 $0x0  }
0x146: {  	[sflag:s0] =	ssyncadd.s32 @!p0 s1  }
0x147: {  	[bflag:$0x3] =	sbarrier.arrive $0xFFFF  }
0x148: {  	_ =	shalt  }

</sc_bundles>
